<compile_context>
chip_gen: v7x
topology: tpu7x:2x2x1
jax: 0.10.2.dev20260603
libtpu: 0.0.44.dev20260713+nightly
codegen_flags: <defaults>
</compile_context>

<pallas_src>
import jax
import jax.numpy as jnp
from jax import lax
from jax.experimental import pallas as pl
from jax.experimental.pallas import tpu as pltpu
from jax.experimental.pallas import tpu_sc as plsc

B, C, H, W = 16, 384, 56, 56
P = B * H * W
NW = 32
PPW = P // NW
GP = 16
NG = PPW // GP
NSLOT = 2
CH16 = C // 16
UNROLL = 8


def _exchange_body(x0_hbm, x1_hbm, w0_hbm, w1_hbm, o1_hbm, o2_hbm,
                   bufs, vecs, sems):
    bx0 = bufs[0:NSLOT]
    bx1 = bufs[NSLOT:2 * NSLOT]
    bo1 = bufs[2 * NSLOT:3 * NSLOT]
    bo2 = bufs[3 * NSLOT:4 * NSLOT]
    sx0 = sems[0:NSLOT]
    sx1 = sems[NSLOT:2 * NSLOT]
    so1 = sems[2 * NSLOT:3 * NSLOT]
    so2 = sems[3 * NSLOT:4 * NSLOT]
    w0v, w1v, m1v, m2v = vecs

    wid = lax.axis_index("c") * 16 + lax.axis_index("s")
    base_w = wid * PPW

    def in_copies(g, s):
        base = base_w + g * GP
        return (
            pltpu.make_async_copy(x0_hbm.at[pl.ds(base, GP)], bx0[s], sx0[s]),
            pltpu.make_async_copy(x1_hbm.at[pl.ds(base, GP)], bx1[s], sx1[s]),
        )

    def out_copies(g, s):
        base = base_w + g * GP
        return (
            pltpu.make_async_copy(bo1[s], o1_hbm.at[pl.ds(base, GP)], so1[s]),
            pltpu.make_async_copy(bo2[s], o2_hbm.at[pl.ds(base, GP)], so2[s]),
        )

    for s in range(NSLOT):
        for c in in_copies(s, s):
            c.start()

    pltpu.sync_copy(w0_hbm, w0v)
    pltpu.sync_copy(w1_hbm, w1v)

    mn = jnp.abs(w0v[pl.ds(0, 16)])
    mx = mn
    for j in range(1, CH16):
        a = jnp.abs(w0v[pl.ds(j * 16, 16)])
        mn = jnp.minimum(mn, a)
        mx = jnp.maximum(mx, a)
    dnums = lax.GatherDimensionNumbers(
        offset_dims=(), collapsed_slice_dims=(0,), start_index_map=(0,))

    def shuffle(v, perm):
        return lax.gather(v, perm[:, None], dnums, slice_sizes=(1,),
                          mode=lax.GatherScatterMode.PROMISE_IN_BOUNDS)

    idx = lax.iota(jnp.int32, 16)
    for k in (8, 4, 2, 1):
        perm = jnp.bitwise_xor(idx, k)
        mn = jnp.minimum(mn, shuffle(mn, perm))
        mx = jnp.maximum(mx, shuffle(mx, perm))
    thrv = mn + 0.05 * (mx - mn)

    one = jnp.full((16,), 1.0, jnp.float32)
    zero = jnp.full((16,), 0.0, jnp.float32)
    for j in range(CH16):
        sl = pl.ds(j * 16, 16)
        m1v[sl] = jnp.where(jnp.abs(w0v[sl]) >= thrv, one, zero)
        m2v[sl] = jnp.where(jnp.abs(w1v[sl]) >= thrv, one, zero)

    def compute(s):
        bi0, bi1, bu1, bu2 = bx0[s], bx1[s], bo1[s], bo2[s]
        for j in range(CH16):
            sl = pl.ds(j * 16, 16)
            m1 = m1v[sl] > zero
            m2 = m2v[sl] > zero

            @plsc.parallel_loop(0, GP, 1, unroll=UNROLL)
            def _(p):
                a = bi0[p, sl]
                b = bi1[p, sl]
                prod = a * b
                bu1[p, sl] = jnp.where(m1, a, prod)
                bu2[p, sl] = jnp.where(m2, b, prod)

    def step(g, s, first_round):
        for c in in_copies(g, s):
            c.wait()
        if first_round is None:
            for c in out_copies(g - NSLOT, s):
                c.wait()
        else:
            @pl.when(jnp.logical_not(first_round))
            def _():
                for c in out_copies(g - NSLOT, s):
                    c.wait()

        compute(s)
        for c in out_copies(g, s):
            c.start()

        @pl.when(g + NSLOT < NG)
        def _():
            for c in in_copies(g + NSLOT, s):
                c.start()

    def group(t, _):
        for s in range(NSLOT):
            step(t * NSLOT + s, s, t == 0)
        return 0

    lax.fori_loop(0, NG // NSLOT, group, 0)

    for e in range(NG - NG % NSLOT, NG):
        step(e, e % NSLOT, None)

    for g in range(NG - NSLOT, NG):
        for c in out_copies(g, g % NSLOT):
            c.wait()


def kernel(x0, x1, insnorm_weight0, insnorm_weight1, threshold):
    del threshold
    x0t = jnp.transpose(x0, (0, 2, 3, 1)).reshape(P, C)
    x1t = jnp.transpose(x1, (0, 2, 3, 1)).reshape(P, C)

    f32 = jnp.float32
    buf = pltpu.VMEM((GP, C), f32)
    vec = pltpu.VMEM((C,), f32)
    sem = pltpu.SemaphoreType.DMA

    def body(x0r, x1r, w0r, w1r, o1r, o2r, *scratch):
        nb = 4 * NSLOT
        _exchange_body(x0r, x1r, w0r, w1r, o1r, o2r,
                       scratch[:nb], scratch[nb:nb + 4], scratch[nb + 4:])

    run = pl.kernel(
        body,
        out_type=(
            jax.ShapeDtypeStruct((P, C), f32),
            jax.ShapeDtypeStruct((P, C), f32),
        ),
        mesh=plsc.VectorSubcoreMesh(core_axis_name="c", subcore_axis_name="s"),
        scratch_types=(buf,) * (4 * NSLOT) + (vec,) * 4 + (sem,) * (4 * NSLOT),
    )
    o1, o2 = run(x0t, x1t, insnorm_weight0, insnorm_weight1)
    o1 = jnp.transpose(o1.reshape(B, H, W, C), (0, 3, 1, 2))
    o2 = jnp.transpose(o2.reshape(B, H, W, C), (0, 3, 1, 2))
    return (o1, o2)

# --- scband reference (transcript-rebuilt; emitter-appended) ---
"""Pipeline reference for scband-exchange-49563922596703 (READ-ONLY COPY).

The authoritative reference and input builder live on the scoring server;
editing this copy changes nothing except your own understanding.
"""

import jax, jax.numpy as jnp
import numpy as np


def setup_inputs(seed: int = 0) -> dict:
    key = jax.random.key(seed)
    k0, k1, k2, k3 = jax.random.split(key, 4)
    x0 = jax.random.normal(k0, (16, 384, 56, 56), dtype=jnp.float32)
    x1 = jax.random.normal(k1, (16, 384, 56, 56), dtype=jnp.float32)
    insnorm_weight0 = jax.random.uniform(k2, (384,), dtype=jnp.float32)
    insnorm_weight1 = jax.random.uniform(k3, (384,), dtype=jnp.float32)
    threshold = 0
    return {"x0": x0, "x1": x1, "insnorm_weight0": insnorm_weight0, "insnorm_weight1": insnorm_weight1, "threshold": threshold}


def reference(x0, x1, insnorm_weight0, insnorm_weight1, threshold):
    # Faithful translation of Exchange.forward.
    insnorm1 = jnp.abs(insnorm_weight0)
    insnorm2 = jnp.abs(insnorm_weight1)
    insnorm_threshold = insnorm1.min() + 0.05 * (insnorm1.max() - insnorm1.min())
    # Note: the original computes insnorm_threshold2 but never uses it; both
    # branches compare against insnorm_threshold. We replicate that exactly.
    insnorm_threshold2 = insnorm2.min() + 0.05 * (insnorm2.max() - insnorm2.min())
    mask1 = insnorm1 >= insnorm_threshold  # [C]
    mask2 = insnorm2 >= insnorm_threshold  # [C] (uses threshold from insnorm1, as in original)
    m1 = mask1[None, :, None, None]
    m2 = mask2[None, :, None, None]
    # x1_out[:, mask1] = x0[:, mask1]; x1_out[:, ~mask1] = x1[:, ~mask1] * x0[:, ~mask1]
    x1_out = jnp.where(m1, x0, x1 * x0)
    # x2_out[:, mask2] = x1[:, mask2]; x2_out[:, ~mask2] = x0[:, ~mask2] * x1[:, ~mask2]
    x2_out = jnp.where(m2, x1, x0 * x1)
    return (x1_out, x2_out)

if __name__ == "__main__":
    import jax
    _d = setup_inputs()
    print(jax.jit(kernel)(*tuple(_d.values())))

</pallas_src>

<mosaic_0001>
#map = affine_map<(d0, d1) -> (0, 0)>
#map1 = affine_map<(d0, d1) -> (0)>
module attributes {stable_mosaic.version = 14 : i64} {
  func.func @body(%arg0: i32, %arg1: i32, %arg2: memref<50176x384xf32, #tpu.memory_space<hbm>>, %arg3: memref<50176x384xf32, #tpu.memory_space<hbm>>, %arg4: memref<384xf32, #tpu.memory_space<hbm>>, %arg5: memref<384xf32, #tpu.memory_space<hbm>>, %arg6: memref<50176x384xf32, #tpu.memory_space<hbm>>, %arg7: memref<50176x384xf32, #tpu.memory_space<hbm>>, %arg8: memref<16x384xf32, #tpu.memory_space<vmem>>, %arg9: memref<16x384xf32, #tpu.memory_space<vmem>>, %arg10: memref<16x384xf32, #tpu.memory_space<vmem>>, %arg11: memref<16x384xf32, #tpu.memory_space<vmem>>, %arg12: memref<16x384xf32, #tpu.memory_space<vmem>>, %arg13: memref<16x384xf32, #tpu.memory_space<vmem>>, %arg14: memref<16x384xf32, #tpu.memory_space<vmem>>, %arg15: memref<16x384xf32, #tpu.memory_space<vmem>>, %arg16: memref<384xf32, #tpu.memory_space<vmem>>, %arg17: memref<384xf32, #tpu.memory_space<vmem>>, %arg18: memref<384xf32, #tpu.memory_space<vmem>>, %arg19: memref<384xf32, #tpu.memory_space<vmem>>, %arg20: memref<!tpu.dma_semaphore, #tpu.memory_space<semaphore_mem>>, %arg21: memref<!tpu.dma_semaphore, #tpu.memory_space<semaphore_mem>>, %arg22: memref<!tpu.dma_semaphore, #tpu.memory_space<semaphore_mem>>, %arg23: memref<!tpu.dma_semaphore, #tpu.memory_space<semaphore_mem>>, %arg24: memref<!tpu.dma_semaphore, #tpu.memory_space<semaphore_mem>>, %arg25: memref<!tpu.dma_semaphore, #tpu.memory_space<semaphore_mem>>, %arg26: memref<!tpu.dma_semaphore, #tpu.memory_space<semaphore_mem>>, %arg27: memref<!tpu.dma_semaphore, #tpu.memory_space<semaphore_mem>>) attributes {dimension_semantics = [#tpu.dimension_semantics<core_parallel>, #tpu.dimension_semantics<subcore_parallel>], iteration_bounds = array<i64: 2, 16>, scalar_prefetch = 0 : i64, scratch_operands = 20 : i64, tpu.core_type = #tpu.core_type<sc_vector_subcore>, window_params = [{transform_indices = #map}, {transform_indices = #map}, {transform_indices = #map1}, {transform_indices = #map1}, {transform_indices = #map}, {transform_indices = #map}]} {
    %mul3A = arith.constant 16 : i32
    %mul3A_0 = arith.muli %arg0, %mul3A : i32
    %add3A = arith.addi %mul3A_0, %arg1 : i32
    %mul3A_1 = arith.constant 1568 : i32
    %mul3A_2 = arith.muli %add3A, %mul3A_1 : i32
    %add3A_3 = arith.constant 0 : i32
    %add3A_4 = arith.addi %mul3A_2, %add3A_3 : i32
    %dma_start3A = arith.constant 0 : i32
    %dma_start3A_5 = tpu.memref_slice %arg2[%add3A_4, %dma_start3A] : memref<50176x384xf32, #tpu.memory_space<hbm>> -> memref<16x384xf32, #tpu.memory_space<hbm>>
    %dma_start3A_6 = arith.constant 0 : i32
    %dma_start3A_7 = tpu.memref_slice %arg2[%add3A_4, %dma_start3A_6] : memref<50176x384xf32, #tpu.memory_space<hbm>> -> memref<16x384xf32, #tpu.memory_space<hbm>>
    tpu.enqueue_dma source(%dma_start3A_7 : memref<16x384xf32, #tpu.memory_space<hbm>>) target(%arg8 : memref<16x384xf32, #tpu.memory_space<vmem>>) target_semaphore(%arg20 : memref<!tpu.dma_semaphore, #tpu.memory_space<semaphore_mem>>)
    %dma_start3A_8 = arith.constant 0 : i32
    %dma_start3A_9 = tpu.memref_slice %arg3[%add3A_4, %dma_start3A_8] : memref<50176x384xf32, #tpu.memory_space<hbm>> -> memref<16x384xf32, #tpu.memory_space<hbm>>
    %dma_start3A_10 = arith.constant 0 : i32
    %dma_start3A_11 = tpu.memref_slice %arg3[%add3A_4, %dma_start3A_10] : memref<50176x384xf32, #tpu.memory_space<hbm>> -> memref<16x384xf32, #tpu.memory_space<hbm>>
    tpu.enqueue_dma source(%dma_start3A_11 : memref<16x384xf32, #tpu.memory_space<hbm>>) target(%arg10 : memref<16x384xf32, #tpu.memory_space<vmem>>) target_semaphore(%arg22 : memref<!tpu.dma_semaphore, #tpu.memory_space<semaphore_mem>>)
    %add3A_12 = arith.constant 16 : i32
    %add3A_13 = arith.addi %mul3A_2, %add3A_12 : i32
    %dma_start3A_14 = arith.constant 0 : i32
    %dma_start3A_15 = tpu.memref_slice %arg2[%add3A_13, %dma_start3A_14] : memref<50176x384xf32, #tpu.memory_space<hbm>> -> memref<16x384xf32, #tpu.memory_space<hbm>>
    %dma_start3A_16 = arith.constant 0 : i32
    %dma_start3A_17 = tpu.memref_slice %arg2[%add3A_13, %dma_start3A_16] : memref<50176x384xf32, #tpu.memory_space<hbm>> -> memref<16x384xf32, #tpu.memory_space<hbm>>
    tpu.enqueue_dma source(%dma_start3A_17 : memref<16x384xf32, #tpu.memory_space<hbm>>) target(%arg9 : memref<16x384xf32, #tpu.memory_space<vmem>>) target_semaphore(%arg21 : memref<!tpu.dma_semaphore, #tpu.memory_space<semaphore_mem>>)
    %dma_start3A_18 = arith.constant 0 : i32
    %dma_start3A_19 = tpu.memref_slice %arg3[%add3A_13, %dma_start3A_18] : memref<50176x384xf32, #tpu.memory_space<hbm>> -> memref<16x384xf32, #tpu.memory_space<hbm>>
    %dma_start3A_20 = arith.constant 0 : i32
    %dma_start3A_21 = tpu.memref_slice %arg3[%add3A_13, %dma_start3A_20] : memref<50176x384xf32, #tpu.memory_space<hbm>> -> memref<16x384xf32, #tpu.memory_space<hbm>>
    tpu.enqueue_dma source(%dma_start3A_21 : memref<16x384xf32, #tpu.memory_space<hbm>>) target(%arg11 : memref<16x384xf32, #tpu.memory_space<vmem>>) target_semaphore(%arg23 : memref<!tpu.dma_semaphore, #tpu.memory_space<semaphore_mem>>)
    "tpu.region"() ({
      %run_scoped3A = tpu.sem_alloc : memref<!tpu.dma_semaphore, #tpu.memory_space<semaphore_mem>>
      tpu.enqueue_dma source(%arg4 : memref<384xf32, #tpu.memory_space<hbm>>) target(%arg16 : memref<384xf32, #tpu.memory_space<vmem>>) target_semaphore(%run_scoped3A : memref<!tpu.dma_semaphore, #tpu.memory_space<semaphore_mem>>)
      tpu.wait_dma2 semaphore(%run_scoped3A : memref<!tpu.dma_semaphore, #tpu.memory_space<semaphore_mem>>) src(%arg4 : memref<384xf32, #tpu.memory_space<hbm>>) dst(%arg16 : memref<384xf32, #tpu.memory_space<vmem>>)
      tpu.yield
    }) : () -> ()
    "tpu.region"() ({
      %run_scoped3A = tpu.sem_alloc : memref<!tpu.dma_semaphore, #tpu.memory_space<semaphore_mem>>
      tpu.enqueue_dma source(%arg5 : memref<384xf32, #tpu.memory_space<hbm>>) target(%arg17 : memref<384xf32, #tpu.memory_space<vmem>>) target_semaphore(%run_scoped3A : memref<!tpu.dma_semaphore, #tpu.memory_space<semaphore_mem>>)
      tpu.wait_dma2 semaphore(%run_scoped3A : memref<!tpu.dma_semaphore, #tpu.memory_space<semaphore_mem>>) src(%arg5 : memref<384xf32, #tpu.memory_space<hbm>>) dst(%arg17 : memref<384xf32, #tpu.memory_space<vmem>>)
      tpu.yield
    }) : () -> ()
    %get3A = arith.constant 0 : index
    %get3A_22 = tpu.vector_load %arg16[%get3A] {strides = array<i32>} : memref<384xf32, #tpu.memory_space<vmem>>, vector<16xf32>,
    %get3A_23 = vector.shape_cast %get3A_22 : vector<16xf32> to vector<16xf32>
    %abs3A = math.absf %get3A_23 : vector<16xf32>
    %get3A_24 = arith.constant 16 : index
    %get3A_25 = tpu.vector_load %arg16[%get3A_24] {strides = array<i32>} : memref<384xf32, #tpu.memory_space<vmem>>, vector<16xf32>,
    %get3A_26 = vector.shape_cast %get3A_25 : vector<16xf32> to vector<16xf32>
    %abs3A_27 = math.absf %get3A_26 : vector<16xf32>
    %min3A = arith.minimumf %abs3A, %abs3A_27 : vector<16xf32>
    %max3A = arith.maximumf %abs3A, %abs3A_27 : vector<16xf32>
    %get3A_28 = arith.constant 32 : index
    %get3A_29 = tpu.vector_load %arg16[%get3A_28] {strides = array<i32>} : memref<384xf32, #tpu.memory_space<vmem>>, vector<16xf32>,
    %get3A_30 = vector.shape_cast %get3A_29 : vector<16xf32> to vector<16xf32>
    %abs3A_31 = math.absf %get3A_30 : vector<16xf32>
    %min3A_32 = arith.minimumf %min3A, %abs3A_31 : vector<16xf32>
    %max3A_33 = arith.maximumf %max3A, %abs3A_31 : vector<16xf32>
    %get3A_34 = arith.constant 48 : index
    %get3A_35 = tpu.vector_load %arg16[%get3A_34] {strides = array<i32>} : memref<384xf32, #tpu.memory_space<vmem>>, vector<16xf32>,
    %get3A_36 = vector.shape_cast %get3A_35 : vector<16xf32> to vector<16xf32>
    %abs3A_37 = math.absf %get3A_36 : vector<16xf32>
    %min3A_38 = arith.minimumf %min3A_32, %abs3A_37 : vector<16xf32>
    %max3A_39 = arith.maximumf %max3A_33, %abs3A_37 : vector<16xf32>
    %get3A_40 = arith.constant 64 : index
    %get3A_41 = tpu.vector_load %arg16[%get3A_40] {strides = array<i32>} : memref<384xf32, #tpu.memory_space<vmem>>, vector<16xf32>,
    %get3A_42 = vector.shape_cast %get3A_41 : vector<16xf32> to vector<16xf32>
    %abs3A_43 = math.absf %get3A_42 : vector<16xf32>
    %min3A_44 = arith.minimumf %min3A_38, %abs3A_43 : vector<16xf32>
    %max3A_45 = arith.maximumf %max3A_39, %abs3A_43 : vector<16xf32>
    %get3A_46 = arith.constant 80 : index
    %get3A_47 = tpu.vector_load %arg16[%get3A_46] {strides = array<i32>} : memref<384xf32, #tpu.memory_space<vmem>>, vector<16xf32>,
    %get3A_48 = vector.shape_cast %get3A_47 : vector<16xf32> to vector<16xf32>
    %abs3A_49 = math.absf %get3A_48 : vector<16xf32>
    %min3A_50 = arith.minimumf %min3A_44, %abs3A_49 : vector<16xf32>
    %max3A_51 = arith.maximumf %max3A_45, %abs3A_49 : vector<16xf32>
    %get3A_52 = arith.constant 96 : index
    %get3A_53 = tpu.vector_load %arg16[%get3A_52] {strides = array<i32>} : memref<384xf32, #tpu.memory_space<vmem>>, vector<16xf32>,
    %get3A_54 = vector.shape_cast %get3A_53 : vector<16xf32> to vector<16xf32>
    %abs3A_55 = math.absf %get3A_54 : vector<16xf32>
    %min3A_56 = arith.minimumf %min3A_50, %abs3A_55 : vector<16xf32>
    %max3A_57 = arith.maximumf %max3A_51, %abs3A_55 : vector<16xf32>
    %get3A_58 = arith.constant 112 : index
    %get3A_59 = tpu.vector_load %arg16[%get3A_58] {strides = array<i32>} : memref<384xf32, #tpu.memory_space<vmem>>, vector<16xf32>,
    %get3A_60 = vector.shape_cast %get3A_59 : vector<16xf32> to vector<16xf32>
    %abs3A_61 = math.absf %get3A_60 : vector<16xf32>
    %min3A_62 = arith.minimumf %min3A_56, %abs3A_61 : vector<16xf32>
    %max3A_63 = arith.maximumf %max3A_57, %abs3A_61 : vector<16xf32>
    %get3A_64 = arith.constant 128 : index
    %get3A_65 = tpu.vector_load %arg16[%get3A_64] {strides = array<i32>} : memref<384xf32, #tpu.memory_space<vmem>>, vector<16xf32>,
    %get3A_66 = vector.shape_cast %get3A_65 : vector<16xf32> to vector<16xf32>
    %abs3A_67 = math.absf %get3A_66 : vector<16xf32>
    %min3A_68 = arith.minimumf %min3A_62, %abs3A_67 : vector<16xf32>
    %max3A_69 = arith.maximumf %max3A_63, %abs3A_67 : vector<16xf32>
    %get3A_70 = arith.constant 144 : index
    %get3A_71 = tpu.vector_load %arg16[%get3A_70] {strides = array<i32>} : memref<384xf32, #tpu.memory_space<vmem>>, vector<16xf32>,
    %get3A_72 = vector.shape_cast %get3A_71 : vector<16xf32> to vector<16xf32>
    %abs3A_73 = math.absf %get3A_72 : vector<16xf32>
    %min3A_74 = arith.minimumf %min3A_68, %abs3A_73 : vector<16xf32>
    %max3A_75 = arith.maximumf %max3A_69, %abs3A_73 : vector<16xf32>
    %get3A_76 = arith.constant 160 : index
    %get3A_77 = tpu.vector_load %arg16[%get3A_76] {strides = array<i32>} : memref<384xf32, #tpu.memory_space<vmem>>, vector<16xf32>,
    %get3A_78 = vector.shape_cast %get3A_77 : vector<16xf32> to vector<16xf32>
    %abs3A_79 = math.absf %get3A_78 : vector<16xf32>
    %min3A_80 = arith.minimumf %min3A_74, %abs3A_79 : vector<16xf32>
    %max3A_81 = arith.maximumf %max3A_75, %abs3A_79 : vector<16xf32>
    %get3A_82 = arith.constant 176 : index
    %get3A_83 = tpu.vector_load %arg16[%get3A_82] {strides = array<i32>} : memref<384xf32, #tpu.memory_space<vmem>>, vector<16xf32>,
    %get3A_84 = vector.shape_cast %get3A_83 : vector<16xf32> to vector<16xf32>
    %abs3A_85 = math.absf %get3A_84 : vector<16xf32>
    %min3A_86 = arith.minimumf %min3A_80, %abs3A_85 : vector<16xf32>
    %max3A_87 = arith.maximumf %max3A_81, %abs3A_85 : vector<16xf32>
    %get3A_88 = arith.constant 192 : index
    %get3A_89 = tpu.vector_load %arg16[%get3A_88] {strides = array<i32>} : memref<384xf32, #tpu.memory_space<vmem>>, vector<16xf32>,
    %get3A_90 = vector.shape_cast %get3A_89 : vector<16xf32> to vector<16xf32>
    %abs3A_91 = math.absf %get3A_90 : vector<16xf32>
    %min3A_92 = arith.minimumf %min3A_86, %abs3A_91 : vector<16xf32>
    %max3A_93 = arith.maximumf %max3A_87, %abs3A_91 : vector<16xf32>
    %get3A_94 = arith.constant 208 : index
    %get3A_95 = tpu.vector_load %arg16[%get3A_94] {strides = array<i32>} : memref<384xf32, #tpu.memory_space<vmem>>, vector<16xf32>,
    %get3A_96 = vector.shape_cast %get3A_95 : vector<16xf32> to vector<16xf32>
    %abs3A_97 = math.absf %get3A_96 : vector<16xf32>
    %min3A_98 = arith.minimumf %min3A_92, %abs3A_97 : vector<16xf32>
    %max3A_99 = arith.maximumf %max3A_93, %abs3A_97 : vector<16xf32>
    %get3A_100 = arith.constant 224 : index
    %get3A_101 = tpu.vector_load %arg16[%get3A_100] {strides = array<i32>} : memref<384xf32, #tpu.memory_space<vmem>>, vector<16xf32>,
    %get3A_102 = vector.shape_cast %get3A_101 : vector<16xf32> to vector<16xf32>
    %abs3A_103 = math.absf %get3A_102 : vector<16xf32>
    %min3A_104 = arith.minimumf %min3A_98, %abs3A_103 : vector<16xf32>
    %max3A_105 = arith.maximumf %max3A_99, %abs3A_103 : vector<16xf32>
    %get3A_106 = arith.constant 240 : index
    %get3A_107 = tpu.vector_load %arg16[%get3A_106] {strides = array<i32>} : memref<384xf32, #tpu.memory_space<vmem>>, vector<16xf32>,
    %get3A_108 = vector.shape_cast %get3A_107 : vector<16xf32> to vector<16xf32>
    %abs3A_109 = math.absf %get3A_108 : vector<16xf32>
    %min3A_110 = arith.minimumf %min3A_104, %abs3A_109 : vector<16xf32>
    %max3A_111 = arith.maximumf %max3A_105, %abs3A_109 : vector<16xf32>
    %get3A_112 = arith.constant 256 : index
    %get3A_113 = tpu.vector_load %arg16[%get3A_112] {strides = array<i32>} : memref<384xf32, #tpu.memory_space<vmem>>, vector<16xf32>,
    %get3A_114 = vector.shape_cast %get3A_113 : vector<16xf32> to vector<16xf32>
    %abs3A_115 = math.absf %get3A_114 : vector<16xf32>
    %min3A_116 = arith.minimumf %min3A_110, %abs3A_115 : vector<16xf32>
    %max3A_117 = arith.maximumf %max3A_111, %abs3A_115 : vector<16xf32>
    %get3A_118 = arith.constant 272 : index
    %get3A_119 = tpu.vector_load %arg16[%get3A_118] {strides = array<i32>} : memref<384xf32, #tpu.memory_space<vmem>>, vector<16xf32>,
    %get3A_120 = vector.shape_cast %get3A_119 : vector<16xf32> to vector<16xf32>
    %abs3A_121 = math.absf %get3A_120 : vector<16xf32>
    %min3A_122 = arith.minimumf %min3A_116, %abs3A_121 : vector<16xf32>
    %max3A_123 = arith.maximumf %max3A_117, %abs3A_121 : vector<16xf32>
    %get3A_124 = arith.constant 288 : index
    %get3A_125 = tpu.vector_load %arg16[%get3A_124] {strides = array<i32>} : memref<384xf32, #tpu.memory_space<vmem>>, vector<16xf32>,
    %get3A_126 = vector.shape_cast %get3A_125 : vector<16xf32> to vector<16xf32>
    %abs3A_127 = math.absf %get3A_126 : vector<16xf32>
    %min3A_128 = arith.minimumf %min3A_122, %abs3A_127 : vector<16xf32>
    %max3A_129 = arith.maximumf %max3A_123, %abs3A_127 : vector<16xf32>
    %get3A_130 = arith.constant 304 : index
    %get3A_131 = tpu.vector_load %arg16[%get3A_130] {strides = array<i32>} : memref<384xf32, #tpu.memory_space<vmem>>, vector<16xf32>,
    %get3A_132 = vector.shape_cast %get3A_131 : vector<16xf32> to vector<16xf32>
    %abs3A_133 = math.absf %get3A_132 : vector<16xf32>
    %min3A_134 = arith.minimumf %min3A_128, %abs3A_133 : vector<16xf32>
    %max3A_135 = arith.maximumf %max3A_129, %abs3A_133 : vector<16xf32>
    %get3A_136 = arith.constant 320 : index
    %get3A_137 = tpu.vector_load %arg16[%get3A_136] {strides = array<i32>} : memref<384xf32, #tpu.memory_space<vmem>>, vector<16xf32>,
    %get3A_138 = vector.shape_cast %get3A_137 : vector<16xf32> to vector<16xf32>
    %abs3A_139 = math.absf %get3A_138 : vector<16xf32>
    %min3A_140 = arith.minimumf %min3A_134, %abs3A_139 : vector<16xf32>
    %max3A_141 = arith.maximumf %max3A_135, %abs3A_139 : vector<16xf32>
    %get3A_142 = arith.constant 336 : index
    %get3A_143 = tpu.vector_load %arg16[%get3A_142] {strides = array<i32>} : memref<384xf32, #tpu.memory_space<vmem>>, vector<16xf32>,
    %get3A_144 = vector.shape_cast %get3A_143 : vector<16xf32> to vector<16xf32>
    %abs3A_145 = math.absf %get3A_144 : vector<16xf32>
    %min3A_146 = arith.minimumf %min3A_140, %abs3A_145 : vector<16xf32>
    %max3A_147 = arith.maximumf %max3A_141, %abs3A_145 : vector<16xf32>
    %get3A_148 = arith.constant 352 : index
    %get3A_149 = tpu.vector_load %arg16[%get3A_148] {strides = array<i32>} : memref<384xf32, #tpu.memory_space<vmem>>, vector<16xf32>,
    %get3A_150 = vector.shape_cast %get3A_149 : vector<16xf32> to vector<16xf32>
    %abs3A_151 = math.absf %get3A_150 : vector<16xf32>
    %min3A_152 = arith.minimumf %min3A_146, %abs3A_151 : vector<16xf32>
    %max3A_153 = arith.maximumf %max3A_147, %abs3A_151 : vector<16xf32>
    %get3A_154 = arith.constant 368 : index
    %get3A_155 = tpu.vector_load %arg16[%get3A_154] {strides = array<i32>} : memref<384xf32, #tpu.memory_space<vmem>>, vector<16xf32>,
    %get3A_156 = vector.shape_cast %get3A_155 : vector<16xf32> to vector<16xf32>
    %abs3A_157 = math.absf %get3A_156 : vector<16xf32>
    %min3A_158 = arith.minimumf %min3A_152, %abs3A_157 : vector<16xf32>
    %max3A_159 = arith.maximumf %max3A_153, %abs3A_157 : vector<16xf32>
    %iota3A = tpu.iota {dimensions = array<i32: 0>} : vector<16xi32>
    %xor3A = arith.constant 8 : i32
    %xor3A_160 = vector.broadcast %xor3A : i32 to vector<16xi32>
    %xor3A_161 = arith.xori %iota3A, %xor3A_160 : vector<16xi32>
    %broadcast_in_dim3A = vector.shape_cast %xor3A_161 : vector<16xi32> to vector<16x1xi32>
    %gather3A = vector.shape_cast %broadcast_in_dim3A : vector<16x1xi32> to vector<16xi32>
    %gather3A_162 = tpu.dynamic_gather %min3A_158[%gather3A] in [0] : vector<16xf32>, vector<16xi32> -> vector<16xf32>
    %min3A_163 = arith.minimumf %min3A_158, %gather3A_162 : vector<16xf32>
    %broadcast_in_dim3A_164 = vector.shape_cast %xor3A_161 : vector<16xi32> to vector<16x1xi32>
    %gather3A_165 = vector.shape_cast %broadcast_in_dim3A_164 : vector<16x1xi32> to vector<16xi32>
    %gather3A_166 = tpu.dynamic_gather %max3A_159[%gather3A_165] in [0] : vector<16xf32>, vector<16xi32> -> vector<16xf32>
    %max3A_167 = arith.maximumf %max3A_159, %gather3A_166 : vector<16xf32>
    %xor3A_168 = arith.constant 4 : i32
    %xor3A_169 = vector.broadcast %xor3A_168 : i32 to vector<16xi32>
    %xor3A_170 = arith.xori %iota3A, %xor3A_169 : vector<16xi32>
    %broadcast_in_dim3A_171 = vector.shape_cast %xor3A_170 : vector<16xi32> to vector<16x1xi32>
    %gather3A_172 = vector.shape_cast %broadcast_in_dim3A_171 : vector<16x1xi32> to vector<16xi32>
    %gather3A_173 = tpu.dynamic_gather %min3A_163[%gather3A_172] in [0] : vector<16xf32>, vector<16xi32> -> vector<16xf32>
    %min3A_174 = arith.minimumf %min3A_163, %gather3A_173 : vector<16xf32>
    %broadcast_in_dim3A_175 = vector.shape_cast %xor3A_170 : vector<16xi32> to vector<16x1xi32>
    %gather3A_176 = vector.shape_cast %broadcast_in_dim3A_175 : vector<16x1xi32> to vector<16xi32>
    %gather3A_177 = tpu.dynamic_gather %max3A_167[%gather3A_176] in [0] : vector<16xf32>, vector<16xi32> -> vector<16xf32>
    %max3A_178 = arith.maximumf %max3A_167, %gather3A_177 : vector<16xf32>
    %xor3A_179 = arith.constant 2 : i32
    %xor3A_180 = vector.broadcast %xor3A_179 : i32 to vector<16xi32>
    %xor3A_181 = arith.xori %iota3A, %xor3A_180 : vector<16xi32>
    %broadcast_in_dim3A_182 = vector.shape_cast %xor3A_181 : vector<16xi32> to vector<16x1xi32>
    %gather3A_183 = vector.shape_cast %broadcast_in_dim3A_182 : vector<16x1xi32> to vector<16xi32>
    %gather3A_184 = tpu.dynamic_gather %min3A_174[%gather3A_183] in [0] : vector<16xf32>, vector<16xi32> -> vector<16xf32>
    %min3A_185 = arith.minimumf %min3A_174, %gather3A_184 : vector<16xf32>
    %broadcast_in_dim3A_186 = vector.shape_cast %xor3A_181 : vector<16xi32> to vector<16x1xi32>
    %gather3A_187 = vector.shape_cast %broadcast_in_dim3A_186 : vector<16x1xi32> to vector<16xi32>
    %gather3A_188 = tpu.dynamic_gather %max3A_178[%gather3A_187] in [0] : vector<16xf32>, vector<16xi32> -> vector<16xf32>
    %max3A_189 = arith.maximumf %max3A_178, %gather3A_188 : vector<16xf32>
    %xor3A_190 = arith.constant 1 : i32
    %xor3A_191 = vector.broadcast %xor3A_190 : i32 to vector<16xi32>
    %xor3A_192 = arith.xori %iota3A, %xor3A_191 : vector<16xi32>
    %broadcast_in_dim3A_193 = vector.shape_cast %xor3A_192 : vector<16xi32> to vector<16x1xi32>
    %gather3A_194 = vector.shape_cast %broadcast_in_dim3A_193 : vector<16x1xi32> to vector<16xi32>
    %gather3A_195 = tpu.dynamic_gather %min3A_185[%gather3A_194] in [0] : vector<16xf32>, vector<16xi32> -> vector<16xf32>
    %min3A_196 = arith.minimumf %min3A_185, %gather3A_195 : vector<16xf32>
    %broadcast_in_dim3A_197 = vector.shape_cast %xor3A_192 : vector<16xi32> to vector<16x1xi32>
    %gather3A_198 = vector.shape_cast %broadcast_in_dim3A_197 : vector<16x1xi32> to vector<16xi32>
    %gather3A_199 = tpu.dynamic_gather %max3A_189[%gather3A_198] in [0] : vector<16xf32>, vector<16xi32> -> vector<16xf32>
    %max3A_200 = arith.maximumf %max3A_189, %gather3A_199 : vector<16xf32>
    %sub3A = arith.subf %max3A_200, %min3A_196 : vector<16xf32>
    %mul3A_201 = arith.constant 5.000000e-02 : f32
    %mul3A_202 = vector.broadcast %mul3A_201 : f32 to vector<16xf32>
    %mul3A_203 = arith.mulf %mul3A_202, %sub3A : vector<16xf32>
    %add3A_204 = arith.addf %min3A_196, %mul3A_203 : vector<16xf32>
    %broadcast_in_dim3A_205 = arith.constant 1.000000e+00 : f32
    %broadcast_in_dim3A_206 = vector.broadcast %broadcast_in_dim3A_205 : f32 to vector<16xf32>
    %broadcast_in_dim3A_207 = arith.constant 0.000000e+00 : f32
    %broadcast_in_dim3A_208 = vector.broadcast %broadcast_in_dim3A_207 : f32 to vector<16xf32>
    %get3A_209 = arith.constant 0 : index
    %get3A_210 = tpu.vector_load %arg16[%get3A_209] {strides = array<i32>} : memref<384xf32, #tpu.memory_space<vmem>>, vector<16xf32>,
    %get3A_211 = vector.shape_cast %get3A_210 : vector<16xf32> to vector<16xf32>
    %abs3A_212 = math.absf %get3A_211 : vector<16xf32>
    %ge3A = arith.cmpf oge, %abs3A_212, %add3A_204 : vector<16xf32>
    %select_n3A = arith.select %ge3A, %broadcast_in_dim3A_206, %broadcast_in_dim3A_208 : vector<16xi1>, vector<16xf32>
    %swap3A = arith.constant 0 : index
    %swap3A_213 = tpu.vector_load %arg18[%swap3A] {strides = array<i32>} : memref<384xf32, #tpu.memory_space<vmem>>, vector<16xf32>,
    %swap3A_214 = vector.shape_cast %swap3A_213 : vector<16xf32> to vector<16xf32>
    %swap3A_215 = vector.shape_cast %select_n3A : vector<16xf32> to vector<16xf32>
    tpu.vector_store %arg18[%swap3A], %swap3A_215 {strides = array<i32>} : memref<384xf32, #tpu.memory_space<vmem>>, vector<16xf32>,
    %get3A_216 = arith.constant 0 : index
    %get3A_217 = tpu.vector_load %arg17[%get3A_216] {strides = array<i32>} : memref<384xf32, #tpu.memory_space<vmem>>, vector<16xf32>,
    %get3A_218 = vector.shape_cast %get3A_217 : vector<16xf32> to vector<16xf32>
    %abs3A_219 = math.absf %get3A_218 : vector<16xf32>
    %ge3A_220 = arith.cmpf oge, %abs3A_219, %add3A_204 : vector<16xf32>
    %select_n3A_221 = arith.select %ge3A_220, %broadcast_in_dim3A_206, %broadcast_in_dim3A_208 : vector<16xi1>, vector<16xf32>
    %swap3A_222 = arith.constant 0 : index
    %swap3A_223 = tpu.vector_load %arg19[%swap3A_222] {strides = array<i32>} : memref<384xf32, #tpu.memory_space<vmem>>, vector<16xf32>,
    %swap3A_224 = vector.shape_cast %swap3A_223 : vector<16xf32> to vector<16xf32>
    %swap3A_225 = vector.shape_cast %select_n3A_221 : vector<16xf32> to vector<16xf32>
    tpu.vector_store %arg19[%swap3A_222], %swap3A_225 {strides = array<i32>} : memref<384xf32, #tpu.memory_space<vmem>>, vector<16xf32>,
    %get3A_226 = arith.constant 16 : index
    %get3A_227 = tpu.vector_load %arg16[%get3A_226] {strides = array<i32>} : memref<384xf32, #tpu.memory_space<vmem>>, vector<16xf32>,
    %get3A_228 = vector.shape_cast %get3A_227 : vector<16xf32> to vector<16xf32>
    %abs3A_229 = math.absf %get3A_228 : vector<16xf32>
    %ge3A_230 = arith.cmpf oge, %abs3A_229, %add3A_204 : vector<16xf32>
    %select_n3A_231 = arith.select %ge3A_230, %broadcast_in_dim3A_206, %broadcast_in_dim3A_208 : vector<16xi1>, vector<16xf32>
    %swap3A_232 = arith.constant 16 : index
    %swap3A_233 = tpu.vector_load %arg18[%swap3A_232] {strides = array<i32>} : memref<384xf32, #tpu.memory_space<vmem>>, vector<16xf32>,
    %swap3A_234 = vector.shape_cast %swap3A_233 : vector<16xf32> to vector<16xf32>
    %swap3A_235 = vector.shape_cast %select_n3A_231 : vector<16xf32> to vector<16xf32>
    tpu.vector_store %arg18[%swap3A_232], %swap3A_235 {strides = array<i32>} : memref<384xf32, #tpu.memory_space<vmem>>, vector<16xf32>,
    %get3A_236 = arith.constant 16 : index
    %get3A_237 = tpu.vector_load %arg17[%get3A_236] {strides = array<i32>} : memref<384xf32, #tpu.memory_space<vmem>>, vector<16xf32>,
    %get3A_238 = vector.shape_cast %get3A_237 : vector<16xf32> to vector<16xf32>
    %abs3A_239 = math.absf %get3A_238 : vector<16xf32>
    %ge3A_240 = arith.cmpf oge, %abs3A_239, %add3A_204 : vector<16xf32>
    %select_n3A_241 = arith.select %ge3A_240, %broadcast_in_dim3A_206, %broadcast_in_dim3A_208 : vector<16xi1>, vector<16xf32>
    %swap3A_242 = arith.constant 16 : index
    %swap3A_243 = tpu.vector_load %arg19[%swap3A_242] {strides = array<i32>} : memref<384xf32, #tpu.memory_space<vmem>>, vector<16xf32>,
    %swap3A_244 = vector.shape_cast %swap3A_243 : vector<16xf32> to vector<16xf32>
    %swap3A_245 = vector.shape_cast %select_n3A_241 : vector<16xf32> to vector<16xf32>
    tpu.vector_store %arg19[%swap3A_242], %swap3A_245 {strides = array<i32>} : memref<384xf32, #tpu.memory_space<vmem>>, vector<16xf32>,
    %get3A_246 = arith.constant 32 : index
    %get3A_247 = tpu.vector_load %arg16[%get3A_246] {strides = array<i32>} : memref<384xf32, #tpu.memory_space<vmem>>, vector<16xf32>,
    %get3A_248 = vector.shape_cast %get3A_247 : vector<16xf32> to vector<16xf32>
    %abs3A_249 = math.absf %get3A_248 : vector<16xf32>
    %ge3A_250 = arith.cmpf oge, %abs3A_249, %add3A_204 : vector<16xf32>
    %select_n3A_251 = arith.select %ge3A_250, %broadcast_in_dim3A_206, %broadcast_in_dim3A_208 : vector<16xi1>, vector<16xf32>
    %swap3A_252 = arith.constant 32 : index
    %swap3A_253 = tpu.vector_load %arg18[%swap3A_252] {strides = array<i32>} : memref<384xf32, #tpu.memory_space<vmem>>, vector<16xf32>,
    %swap3A_254 = vector.shape_cast %swap3A_253 : vector<16xf32> to vector<16xf32>
    %swap3A_255 = vector.shape_cast %select_n3A_251 : vector<16xf32> to vector<16xf32>
    tpu.vector_store %arg18[%swap3A_252], %swap3A_255 {strides = array<i32>} : memref<384xf32, #tpu.memory_space<vmem>>, vector<16xf32>,
    %get3A_256 = arith.constant 32 : index
    %get3A_257 = tpu.vector_load %arg17[%get3A_256] {strides = array<i32>} : memref<384xf32, #tpu.memory_space<vmem>>, vector<16xf32>,
    %get3A_258 = vector.shape_cast %get3A_257 : vector<16xf32> to vector<16xf32>
    %abs3A_259 = math.absf %get3A_258 : vector<16xf32>
    %ge3A_260 = arith.cmpf oge, %abs3A_259, %add3A_204 : vector<16xf32>
    %select_n3A_261 = arith.select %ge3A_260, %broadcast_in_dim3A_206, %broadcast_in_dim3A_208 : vector<16xi1>, vector<16xf32>
    %swap3A_262 = arith.constant 32 : index
    %swap3A_263 = tpu.vector_load %arg19[%swap3A_262] {strides = array<i32>} : memref<384xf32, #tpu.memory_space<vmem>>, vector<16xf32>,
    %swap3A_264 = vector.shape_cast %swap3A_263 : vector<16xf32> to vector<16xf32>
    %swap3A_265 = vector.shape_cast %select_n3A_261 : vector<16xf32> to vector<16xf32>
    tpu.vector_store %arg19[%swap3A_262], %swap3A_265 {strides = array<i32>} : memref<384xf32, #tpu.memory_space<vmem>>, vector<16xf32>,
    %get3A_266 = arith.constant 48 : index
    %get3A_267 = tpu.vector_load %arg16[%get3A_266] {strides = array<i32>} : memref<384xf32, #tpu.memory_space<vmem>>, vector<16xf32>,
    %get3A_268 = vector.shape_cast %get3A_267 : vector<16xf32> to vector<16xf32>
    %abs3A_269 = math.absf %get3A_268 : vector<16xf32>
    %ge3A_270 = arith.cmpf oge, %abs3A_269, %add3A_204 : vector<16xf32>
    %select_n3A_271 = arith.select %ge3A_270, %broadcast_in_dim3A_206, %broadcast_in_dim3A_208 : vector<16xi1>, vector<16xf32>
    %swap3A_272 = arith.constant 48 : index
    %swap3A_273 = tpu.vector_load %arg18[%swap3A_272] {strides = array<i32>} : memref<384xf32, #tpu.memory_space<vmem>>, vector<16xf32>,
    %swap3A_274 = vector.shape_cast %swap3A_273 : vector<16xf32> to vector<16xf32>
    %swap3A_275 = vector.shape_cast %select_n3A_271 : vector<16xf32> to vector<16xf32>
    tpu.vector_store %arg18[%swap3A_272], %swap3A_275 {strides = array<i32>} : memref<384xf32, #tpu.memory_space<vmem>>, vector<16xf32>,
    %get3A_276 = arith.constant 48 : index
    %get3A_277 = tpu.vector_load %arg17[%get3A_276] {strides = array<i32>} : memref<384xf32, #tpu.memory_space<vmem>>, vector<16xf32>,
    %get3A_278 = vector.shape_cast %get3A_277 : vector<16xf32> to vector<16xf32>
    %abs3A_279 = math.absf %get3A_278 : vector<16xf32>
    %ge3A_280 = arith.cmpf oge, %abs3A_279, %add3A_204 : vector<16xf32>
    %select_n3A_281 = arith.select %ge3A_280, %broadcast_in_dim3A_206, %broadcast_in_dim3A_208 : vector<16xi1>, vector<16xf32>
    %swap3A_282 = arith.constant 48 : index
    %swap3A_283 = tpu.vector_load %arg19[%swap3A_282] {strides = array<i32>} : memref<384xf32, #tpu.memory_space<vmem>>, vector<16xf32>,
    %swap3A_284 = vector.shape_cast %swap3A_283 : vector<16xf32> to vector<16xf32>
    %swap3A_285 = vector.shape_cast %select_n3A_281 : vector<16xf32> to vector<16xf32>
    tpu.vector_store %arg19[%swap3A_282], %swap3A_285 {strides = array<i32>} : memref<384xf32, #tpu.memory_space<vmem>>, vector<16xf32>,
    %get3A_286 = arith.constant 64 : index
    %get3A_287 = tpu.vector_load %arg16[%get3A_286] {strides = array<i32>} : memref<384xf32, #tpu.memory_space<vmem>>, vector<16xf32>,
    %get3A_288 = vector.shape_cast %get3A_287 : vector<16xf32> to vector<16xf32>
    %abs3A_289 = math.absf %get3A_288 : vector<16xf32>
    %ge3A_290 = arith.cmpf oge, %abs3A_289, %add3A_204 : vector<16xf32>
    %select_n3A_291 = arith.select %ge3A_290, %broadcast_in_dim3A_206, %broadcast_in_dim3A_208 : vector<16xi1>, vector<16xf32>
    %swap3A_292 = arith.constant 64 : index
    %swap3A_293 = tpu.vector_load %arg18[%swap3A_292] {strides = array<i32>} : memref<384xf32, #tpu.memory_space<vmem>>, vector<16xf32>,
    %swap3A_294 = vector.shape_cast %swap3A_293 : vector<16xf32> to vector<16xf32>
    %swap3A_295 = vector.shape_cast %select_n3A_291 : vector<16xf32> to vector<16xf32>
    tpu.vector_store %arg18[%swap3A_292], %swap3A_295 {strides = array<i32>} : memref<384xf32, #tpu.memory_space<vmem>>, vector<16xf32>,
    %get3A_296 = arith.constant 64 : index
    %get3A_297 = tpu.vector_load %arg17[%get3A_296] {strides = array<i32>} : memref<384xf32, #tpu.memory_space<vmem>>, vector<16xf32>,
    %get3A_298 = vector.shape_cast %get3A_297 : vector<16xf32> to vector<16xf32>
    %abs3A_299 = math.absf %get3A_298 : vector<16xf32>
    %ge3A_300 = arith.cmpf oge, %abs3A_299, %add3A_204 : vector<16xf32>
    %select_n3A_301 = arith.select %ge3A_300, %broadcast_in_dim3A_206, %broadcast_in_dim3A_208 : vector<16xi1>, vector<16xf32>
    %swap3A_302 = arith.constant 64 : index
    %swap3A_303 = tpu.vector_load %arg19[%swap3A_302] {strides = array<i32>} : memref<384xf32, #tpu.memory_space<vmem>>, vector<16xf32>,
    %swap3A_304 = vector.shape_cast %swap3A_303 : vector<16xf32> to vector<16xf32>
    %swap3A_305 = vector.shape_cast %select_n3A_301 : vector<16xf32> to vector<16xf32>
    tpu.vector_store %arg19[%swap3A_302], %swap3A_305 {strides = array<i32>} : memref<384xf32, #tpu.memory_space<vmem>>, vector<16xf32>,
    %get3A_306 = arith.constant 80 : index
    %get3A_307 = tpu.vector_load %arg16[%get3A_306] {strides = array<i32>} : memref<384xf32, #tpu.memory_space<vmem>>, vector<16xf32>,
    %get3A_308 = vector.shape_cast %get3A_307 : vector<16xf32> to vector<16xf32>
    %abs3A_309 = math.absf %get3A_308 : vector<16xf32>
    %ge3A_310 = arith.cmpf oge, %abs3A_309, %add3A_204 : vector<16xf32>
    %select_n3A_311 = arith.select %ge3A_310, %broadcast_in_dim3A_206, %broadcast_in_dim3A_208 : vector<16xi1>, vector<16xf32>
    %swap3A_312 = arith.constant 80 : index
    %swap3A_313 = tpu.vector_load %arg18[%swap3A_312] {strides = array<i32>} : memref<384xf32, #tpu.memory_space<vmem>>, vector<16xf32>,
    %swap3A_314 = vector.shape_cast %swap3A_313 : vector<16xf32> to vector<16xf32>
    %swap3A_315 = vector.shape_cast %select_n3A_311 : vector<16xf32> to vector<16xf32>
    tpu.vector_store %arg18[%swap3A_312], %swap3A_315 {strides = array<i32>} : memref<384xf32, #tpu.memory_space<vmem>>, vector<16xf32>,
    %get3A_316 = arith.constant 80 : index
    %get3A_317 = tpu.vector_load %arg17[%get3A_316] {strides = array<i32>} : memref<384xf32, #tpu.memory_space<vmem>>, vector<16xf32>,
    %get3A_318 = vector.shape_cast %get3A_317 : vector<16xf32> to vector<16xf32>
    %abs3A_319 = math.absf %get3A_318 : vector<16xf32>
    %ge3A_320 = arith.cmpf oge, %abs3A_319, %add3A_204 : vector<16xf32>
    %select_n3A_321 = arith.select %ge3A_320, %broadcast_in_dim3A_206, %broadcast_in_dim3A_208 : vector<16xi1>, vector<16xf32>
    %swap3A_322 = arith.constant 80 : index
    %swap3A_323 = tpu.vector_load %arg19[%swap3A_322] {strides = array<i32>} : memref<384xf32, #tpu.memory_space<vmem>>, vector<16xf32>,
    %swap3A_324 = vector.shape_cast %swap3A_323 : vector<16xf32> to vector<16xf32>
    %swap3A_325 = vector.shape_cast %select_n3A_321 : vector<16xf32> to vector<16xf32>
    tpu.vector_store %arg19[%swap3A_322], %swap3A_325 {strides = array<i32>} : memref<384xf32, #tpu.memory_space<vmem>>, vector<16xf32>,
    %get3A_326 = arith.constant 96 : index
    %get3A_327 = tpu.vector_load %arg16[%get3A_326] {strides = array<i32>} : memref<384xf32, #tpu.memory_space<vmem>>, vector<16xf32>,
    %get3A_328 = vector.shape_cast %get3A_327 : vector<16xf32> to vector<16xf32>
    %abs3A_329 = math.absf %get3A_328 : vector<16xf32>
    %ge3A_330 = arith.cmpf oge, %abs3A_329, %add3A_204 : vector<16xf32>
    %select_n3A_331 = arith.select %ge3A_330, %broadcast_in_dim3A_206, %broadcast_in_dim3A_208 : vector<16xi1>, vector<16xf32>
    %swap3A_332 = arith.constant 96 : index
    %swap3A_333 = tpu.vector_load %arg18[%swap3A_332] {strides = array<i32>} : memref<384xf32, #tpu.memory_space<vmem>>, vector<16xf32>,
    %swap3A_334 = vector.shape_cast %swap3A_333 : vector<16xf32> to vector<16xf32>
    %swap3A_335 = vector.shape_cast %select_n3A_331 : vector<16xf32> to vector<16xf32>
    tpu.vector_store %arg18[%swap3A_332], %swap3A_335 {strides = array<i32>} : memref<384xf32, #tpu.memory_space<vmem>>, vector<16xf32>,
    %get3A_336 = arith.constant 96 : index
    %get3A_337 = tpu.vector_load %arg17[%get3A_336] {strides = array<i32>} : memref<384xf32, #tpu.memory_space<vmem>>, vector<16xf32>,
    %get3A_338 = vector.shape_cast %get3A_337 : vector<16xf32> to vector<16xf32>
    %abs3A_339 = math.absf %get3A_338 : vector<16xf32>
    %ge3A_340 = arith.cmpf oge, %abs3A_339, %add3A_204 : vector<16xf32>
    %select_n3A_341 = arith.select %ge3A_340, %broadcast_in_dim3A_206, %broadcast_in_dim3A_208 : vector<16xi1>, vector<16xf32>
    %swap3A_342 = arith.constant 96 : index
    %swap3A_343 = tpu.vector_load %arg19[%swap3A_342] {strides = array<i32>} : memref<384xf32, #tpu.memory_space<vmem>>, vector<16xf32>,
    %swap3A_344 = vector.shape_cast %swap3A_343 : vector<16xf32> to vector<16xf32>
    %swap3A_345 = vector.shape_cast %select_n3A_341 : vector<16xf32> to vector<16xf32>
    tpu.vector_store %arg19[%swap3A_342], %swap3A_345 {strides = array<i32>} : memref<384xf32, #tpu.memory_space<vmem>>, vector<16xf32>,
    %get3A_346 = arith.constant 112 : index
    %get3A_347 = tpu.vector_load %arg16[%get3A_346] {strides = array<i32>} : memref<384xf32, #tpu.memory_space<vmem>>, vector<16xf32>,
    %get3A_348 = vector.shape_cast %get3A_347 : vector<16xf32> to vector<16xf32>
    %abs3A_349 = math.absf %get3A_348 : vector<16xf32>
    %ge3A_350 = arith.cmpf oge, %abs3A_349, %add3A_204 : vector<16xf32>
    %select_n3A_351 = arith.select %ge3A_350, %broadcast_in_dim3A_206, %broadcast_in_dim3A_208 : vector<16xi1>, vector<16xf32>
    %swap3A_352 = arith.constant 112 : index
    %swap3A_353 = tpu.vector_load %arg18[%swap3A_352] {strides = array<i32>} : memref<384xf32, #tpu.memory_space<vmem>>, vector<16xf32>,
    %swap3A_354 = vector.shape_cast %swap3A_353 : vector<16xf32> to vector<16xf32>
    %swap3A_355 = vector.shape_cast %select_n3A_351 : vector<16xf32> to vector<16xf32>
    tpu.vector_store %arg18[%swap3A_352], %swap3A_355 {strides = array<i32>} : memref<384xf32, #tpu.memory_space<vmem>>, vector<16xf32>,
    %get3A_356 = arith.constant 112 : index
    %get3A_357 = tpu.vector_load %arg17[%get3A_356] {strides = array<i32>} : memref<384xf32, #tpu.memory_space<vmem>>, vector<16xf32>,
    %get3A_358 = vector.shape_cast %get3A_357 : vector<16xf32> to vector<16xf32>
    %abs3A_359 = math.absf %get3A_358 : vector<16xf32>
    %ge3A_360 = arith.cmpf oge, %abs3A_359, %add3A_204 : vector<16xf32>
    %select_n3A_361 = arith.select %ge3A_360, %broadcast_in_dim3A_206, %broadcast_in_dim3A_208 : vector<16xi1>, vector<16xf32>
    %swap3A_362 = arith.constant 112 : index
    %swap3A_363 = tpu.vector_load %arg19[%swap3A_362] {strides = array<i32>} : memref<384xf32, #tpu.memory_space<vmem>>, vector<16xf32>,
    %swap3A_364 = vector.shape_cast %swap3A_363 : vector<16xf32> to vector<16xf32>
    %swap3A_365 = vector.shape_cast %select_n3A_361 : vector<16xf32> to vector<16xf32>
    tpu.vector_store %arg19[%swap3A_362], %swap3A_365 {strides = array<i32>} : memref<384xf32, #tpu.memory_space<vmem>>, vector<16xf32>,
    %get3A_366 = arith.constant 128 : index
    %get3A_367 = tpu.vector_load %arg16[%get3A_366] {strides = array<i32>} : memref<384xf32, #tpu.memory_space<vmem>>, vector<16xf32>,
    %get3A_368 = vector.shape_cast %get3A_367 : vector<16xf32> to vector<16xf32>
    %abs3A_369 = math.absf %get3A_368 : vector<16xf32>
    %ge3A_370 = arith.cmpf oge, %abs3A_369, %add3A_204 : vector<16xf32>
    %select_n3A_371 = arith.select %ge3A_370, %broadcast_in_dim3A_206, %broadcast_in_dim3A_208 : vector<16xi1>, vector<16xf32>
    %swap3A_372 = arith.constant 128 : index
    %swap3A_373 = tpu.vector_load %arg18[%swap3A_372] {strides = array<i32>} : memref<384xf32, #tpu.memory_space<vmem>>, vector<16xf32>,
    %swap3A_374 = vector.shape_cast %swap3A_373 : vector<16xf32> to vector<16xf32>
    %swap3A_375 = vector.shape_cast %select_n3A_371 : vector<16xf32> to vector<16xf32>
    tpu.vector_store %arg18[%swap3A_372], %swap3A_375 {strides = array<i32>} : memref<384xf32, #tpu.memory_space<vmem>>, vector<16xf32>,
    %get3A_376 = arith.constant 128 : index
    %get3A_377 = tpu.vector_load %arg17[%get3A_376] {strides = array<i32>} : memref<384xf32, #tpu.memory_space<vmem>>, vector<16xf32>,
    %get3A_378 = vector.shape_cast %get3A_377 : vector<16xf32> to vector<16xf32>
    %abs3A_379 = math.absf %get3A_378 : vector<16xf32>
    %ge3A_380 = arith.cmpf oge, %abs3A_379, %add3A_204 : vector<16xf32>
    %select_n3A_381 = arith.select %ge3A_380, %broadcast_in_dim3A_206, %broadcast_in_dim3A_208 : vector<16xi1>, vector<16xf32>
    %swap3A_382 = arith.constant 128 : index
    %swap3A_383 = tpu.vector_load %arg19[%swap3A_382] {strides = array<i32>} : memref<384xf32, #tpu.memory_space<vmem>>, vector<16xf32>,
    %swap3A_384 = vector.shape_cast %swap3A_383 : vector<16xf32> to vector<16xf32>
    %swap3A_385 = vector.shape_cast %select_n3A_381 : vector<16xf32> to vector<16xf32>
    tpu.vector_store %arg19[%swap3A_382], %swap3A_385 {strides = array<i32>} : memref<384xf32, #tpu.memory_space<vmem>>, vector<16xf32>,
    %get3A_386 = arith.constant 144 : index
    %get3A_387 = tpu.vector_load %arg16[%get3A_386] {strides = array<i32>} : memref<384xf32, #tpu.memory_space<vmem>>, vector<16xf32>,
    %get3A_388 = vector.shape_cast %get3A_387 : vector<16xf32> to vector<16xf32>
    %abs3A_389 = math.absf %get3A_388 : vector<16xf32>
    %ge3A_390 = arith.cmpf oge, %abs3A_389, %add3A_204 : vector<16xf32>
    %select_n3A_391 = arith.select %ge3A_390, %broadcast_in_dim3A_206, %broadcast_in_dim3A_208 : vector<16xi1>, vector<16xf32>
    %swap3A_392 = arith.constant 144 : index
    %swap3A_393 = tpu.vector_load %arg18[%swap3A_392] {strides = array<i32>} : memref<384xf32, #tpu.memory_space<vmem>>, vector<16xf32>,
    %swap3A_394 = vector.shape_cast %swap3A_393 : vector<16xf32> to vector<16xf32>
    %swap3A_395 = vector.shape_cast %select_n3A_391 : vector<16xf32> to vector<16xf32>
    tpu.vector_store %arg18[%swap3A_392], %swap3A_395 {strides = array<i32>} : memref<384xf32, #tpu.memory_space<vmem>>, vector<16xf32>,
    %get3A_396 = arith.constant 144 : index
    %get3A_397 = tpu.vector_load %arg17[%get3A_396] {strides = array<i32>} : memref<384xf32, #tpu.memory_space<vmem>>, vector<16xf32>,
    %get3A_398 = vector.shape_cast %get3A_397 : vector<16xf32> to vector<16xf32>
    %abs3A_399 = math.absf %get3A_398 : vector<16xf32>
    %ge3A_400 = arith.cmpf oge, %abs3A_399, %add3A_204 : vector<16xf32>
    %select_n3A_401 = arith.select %ge3A_400, %broadcast_in_dim3A_206, %broadcast_in_dim3A_208 : vector<16xi1>, vector<16xf32>
    %swap3A_402 = arith.constant 144 : index
    %swap3A_403 = tpu.vector_load %arg19[%swap3A_402] {strides = array<i32>} : memref<384xf32, #tpu.memory_space<vmem>>, vector<16xf32>,
    %swap3A_404 = vector.shape_cast %swap3A_403 : vector<16xf32> to vector<16xf32>
    %swap3A_405 = vector.shape_cast %select_n3A_401 : vector<16xf32> to vector<16xf32>
    tpu.vector_store %arg19[%swap3A_402], %swap3A_405 {strides = array<i32>} : memref<384xf32, #tpu.memory_space<vmem>>, vector<16xf32>,
    %get3A_406 = arith.constant 160 : index
    %get3A_407 = tpu.vector_load %arg16[%get3A_406] {strides = array<i32>} : memref<384xf32, #tpu.memory_space<vmem>>, vector<16xf32>,
    %get3A_408 = vector.shape_cast %get3A_407 : vector<16xf32> to vector<16xf32>
    %abs3A_409 = math.absf %get3A_408 : vector<16xf32>
    %ge3A_410 = arith.cmpf oge, %abs3A_409, %add3A_204 : vector<16xf32>
    %select_n3A_411 = arith.select %ge3A_410, %broadcast_in_dim3A_206, %broadcast_in_dim3A_208 : vector<16xi1>, vector<16xf32>
    %swap3A_412 = arith.constant 160 : index
    %swap3A_413 = tpu.vector_load %arg18[%swap3A_412] {strides = array<i32>} : memref<384xf32, #tpu.memory_space<vmem>>, vector<16xf32>,
    %swap3A_414 = vector.shape_cast %swap3A_413 : vector<16xf32> to vector<16xf32>
    %swap3A_415 = vector.shape_cast %select_n3A_411 : vector<16xf32> to vector<16xf32>
    tpu.vector_store %arg18[%swap3A_412], %swap3A_415 {strides = array<i32>} : memref<384xf32, #tpu.memory_space<vmem>>, vector<16xf32>,
    %get3A_416 = arith.constant 160 : index
    %get3A_417 = tpu.vector_load %arg17[%get3A_416] {strides = array<i32>} : memref<384xf32, #tpu.memory_space<vmem>>, vector<16xf32>,
    %get3A_418 = vector.shape_cast %get3A_417 : vector<16xf32> to vector<16xf32>
    %abs3A_419 = math.absf %get3A_418 : vector<16xf32>
    %ge3A_420 = arith.cmpf oge, %abs3A_419, %add3A_204 : vector<16xf32>
    %select_n3A_421 = arith.select %ge3A_420, %broadcast_in_dim3A_206, %broadcast_in_dim3A_208 : vector<16xi1>, vector<16xf32>
    %swap3A_422 = arith.constant 160 : index
    %swap3A_423 = tpu.vector_load %arg19[%swap3A_422] {strides = array<i32>} : memref<384xf32, #tpu.memory_space<vmem>>, vector<16xf32>,
    %swap3A_424 = vector.shape_cast %swap3A_423 : vector<16xf32> to vector<16xf32>
    %swap3A_425 = vector.shape_cast %select_n3A_421 : vector<16xf32> to vector<16xf32>
    tpu.vector_store %arg19[%swap3A_422], %swap3A_425 {strides = array<i32>} : memref<384xf32, #tpu.memory_space<vmem>>, vector<16xf32>,
    %get3A_426 = arith.constant 176 : index
    %get3A_427 = tpu.vector_load %arg16[%get3A_426] {strides = array<i32>} : memref<384xf32, #tpu.memory_space<vmem>>, vector<16xf32>,
    %get3A_428 = vector.shape_cast %get3A_427 : vector<16xf32> to vector<16xf32>
    %abs3A_429 = math.absf %get3A_428 : vector<16xf32>
    %ge3A_430 = arith.cmpf oge, %abs3A_429, %add3A_204 : vector<16xf32>
    %select_n3A_431 = arith.select %ge3A_430, %broadcast_in_dim3A_206, %broadcast_in_dim3A_208 : vector<16xi1>, vector<16xf32>
    %swap3A_432 = arith.constant 176 : index
    %swap3A_433 = tpu.vector_load %arg18[%swap3A_432] {strides = array<i32>} : memref<384xf32, #tpu.memory_space<vmem>>, vector<16xf32>,
    %swap3A_434 = vector.shape_cast %swap3A_433 : vector<16xf32> to vector<16xf32>
    %swap3A_435 = vector.shape_cast %select_n3A_431 : vector<16xf32> to vector<16xf32>
    tpu.vector_store %arg18[%swap3A_432], %swap3A_435 {strides = array<i32>} : memref<384xf32, #tpu.memory_space<vmem>>, vector<16xf32>,
    %get3A_436 = arith.constant 176 : index
    %get3A_437 = tpu.vector_load %arg17[%get3A_436] {strides = array<i32>} : memref<384xf32, #tpu.memory_space<vmem>>, vector<16xf32>,
    %get3A_438 = vector.shape_cast %get3A_437 : vector<16xf32> to vector<16xf32>
    %abs3A_439 = math.absf %get3A_438 : vector<16xf32>
    %ge3A_440 = arith.cmpf oge, %abs3A_439, %add3A_204 : vector<16xf32>
    %select_n3A_441 = arith.select %ge3A_440, %broadcast_in_dim3A_206, %broadcast_in_dim3A_208 : vector<16xi1>, vector<16xf32>
    %swap3A_442 = arith.constant 176 : index
    %swap3A_443 = tpu.vector_load %arg19[%swap3A_442] {strides = array<i32>} : memref<384xf32, #tpu.memory_space<vmem>>, vector<16xf32>,
    %swap3A_444 = vector.shape_cast %swap3A_443 : vector<16xf32> to vector<16xf32>
    %swap3A_445 = vector.shape_cast %select_n3A_441 : vector<16xf32> to vector<16xf32>
    tpu.vector_store %arg19[%swap3A_442], %swap3A_445 {strides = array<i32>} : memref<384xf32, #tpu.memory_space<vmem>>, vector<16xf32>,
    %get3A_446 = arith.constant 192 : index
    %get3A_447 = tpu.vector_load %arg16[%get3A_446] {strides = array<i32>} : memref<384xf32, #tpu.memory_space<vmem>>, vector<16xf32>,
    %get3A_448 = vector.shape_cast %get3A_447 : vector<16xf32> to vector<16xf32>
    %abs3A_449 = math.absf %get3A_448 : vector<16xf32>
    %ge3A_450 = arith.cmpf oge, %abs3A_449, %add3A_204 : vector<16xf32>
    %select_n3A_451 = arith.select %ge3A_450, %broadcast_in_dim3A_206, %broadcast_in_dim3A_208 : vector<16xi1>, vector<16xf32>
    %swap3A_452 = arith.constant 192 : index
    %swap3A_453 = tpu.vector_load %arg18[%swap3A_452] {strides = array<i32>} : memref<384xf32, #tpu.memory_space<vmem>>, vector<16xf32>,
    %swap3A_454 = vector.shape_cast %swap3A_453 : vector<16xf32> to vector<16xf32>
    %swap3A_455 = vector.shape_cast %select_n3A_451 : vector<16xf32> to vector<16xf32>
    tpu.vector_store %arg18[%swap3A_452], %swap3A_455 {strides = array<i32>} : memref<384xf32, #tpu.memory_space<vmem>>, vector<16xf32>,
    %get3A_456 = arith.constant 192 : index
    %get3A_457 = tpu.vector_load %arg17[%get3A_456] {strides = array<i32>} : memref<384xf32, #tpu.memory_space<vmem>>, vector<16xf32>,
    %get3A_458 = vector.shape_cast %get3A_457 : vector<16xf32> to vector<16xf32>
    %abs3A_459 = math.absf %get3A_458 : vector<16xf32>
    %ge3A_460 = arith.cmpf oge, %abs3A_459, %add3A_204 : vector<16xf32>
    %select_n3A_461 = arith.select %ge3A_460, %broadcast_in_dim3A_206, %broadcast_in_dim3A_208 : vector<16xi1>, vector<16xf32>
    %swap3A_462 = arith.constant 192 : index
    %swap3A_463 = tpu.vector_load %arg19[%swap3A_462] {strides = array<i32>} : memref<384xf32, #tpu.memory_space<vmem>>, vector<16xf32>,
    %swap3A_464 = vector.shape_cast %swap3A_463 : vector<16xf32> to vector<16xf32>
    %swap3A_465 = vector.shape_cast %select_n3A_461 : vector<16xf32> to vector<16xf32>
    tpu.vector_store %arg19[%swap3A_462], %swap3A_465 {strides = array<i32>} : memref<384xf32, #tpu.memory_space<vmem>>, vector<16xf32>,
    %get3A_466 = arith.constant 208 : index
    %get3A_467 = tpu.vector_load %arg16[%get3A_466] {strides = array<i32>} : memref<384xf32, #tpu.memory_space<vmem>>, vector<16xf32>,
    %get3A_468 = vector.shape_cast %get3A_467 : vector<16xf32> to vector<16xf32>
    %abs3A_469 = math.absf %get3A_468 : vector<16xf32>
    %ge3A_470 = arith.cmpf oge, %abs3A_469, %add3A_204 : vector<16xf32>
    %select_n3A_471 = arith.select %ge3A_470, %broadcast_in_dim3A_206, %broadcast_in_dim3A_208 : vector<16xi1>, vector<16xf32>
    %swap3A_472 = arith.constant 208 : index
    %swap3A_473 = tpu.vector_load %arg18[%swap3A_472] {strides = array<i32>} : memref<384xf32, #tpu.memory_space<vmem>>, vector<16xf32>,
    %swap3A_474 = vector.shape_cast %swap3A_473 : vector<16xf32> to vector<16xf32>
    %swap3A_475 = vector.shape_cast %select_n3A_471 : vector<16xf32> to vector<16xf32>
    tpu.vector_store %arg18[%swap3A_472], %swap3A_475 {strides = array<i32>} : memref<384xf32, #tpu.memory_space<vmem>>, vector<16xf32>,
    %get3A_476 = arith.constant 208 : index
    %get3A_477 = tpu.vector_load %arg17[%get3A_476] {strides = array<i32>} : memref<384xf32, #tpu.memory_space<vmem>>, vector<16xf32>,
    %get3A_478 = vector.shape_cast %get3A_477 : vector<16xf32> to vector<16xf32>
    %abs3A_479 = math.absf %get3A_478 : vector<16xf32>
    %ge3A_480 = arith.cmpf oge, %abs3A_479, %add3A_204 : vector<16xf32>
    %select_n3A_481 = arith.select %ge3A_480, %broadcast_in_dim3A_206, %broadcast_in_dim3A_208 : vector<16xi1>, vector<16xf32>
    %swap3A_482 = arith.constant 208 : index
    %swap3A_483 = tpu.vector_load %arg19[%swap3A_482] {strides = array<i32>} : memref<384xf32, #tpu.memory_space<vmem>>, vector<16xf32>,
    %swap3A_484 = vector.shape_cast %swap3A_483 : vector<16xf32> to vector<16xf32>
    %swap3A_485 = vector.shape_cast %select_n3A_481 : vector<16xf32> to vector<16xf32>
    tpu.vector_store %arg19[%swap3A_482], %swap3A_485 {strides = array<i32>} : memref<384xf32, #tpu.memory_space<vmem>>, vector<16xf32>,
    %get3A_486 = arith.constant 224 : index
    %get3A_487 = tpu.vector_load %arg16[%get3A_486] {strides = array<i32>} : memref<384xf32, #tpu.memory_space<vmem>>, vector<16xf32>,
    %get3A_488 = vector.shape_cast %get3A_487 : vector<16xf32> to vector<16xf32>
    %abs3A_489 = math.absf %get3A_488 : vector<16xf32>
    %ge3A_490 = arith.cmpf oge, %abs3A_489, %add3A_204 : vector<16xf32>
    %select_n3A_491 = arith.select %ge3A_490, %broadcast_in_dim3A_206, %broadcast_in_dim3A_208 : vector<16xi1>, vector<16xf32>
    %swap3A_492 = arith.constant 224 : index
    %swap3A_493 = tpu.vector_load %arg18[%swap3A_492] {strides = array<i32>} : memref<384xf32, #tpu.memory_space<vmem>>, vector<16xf32>,
    %swap3A_494 = vector.shape_cast %swap3A_493 : vector<16xf32> to vector<16xf32>
    %swap3A_495 = vector.shape_cast %select_n3A_491 : vector<16xf32> to vector<16xf32>
    tpu.vector_store %arg18[%swap3A_492], %swap3A_495 {strides = array<i32>} : memref<384xf32, #tpu.memory_space<vmem>>, vector<16xf32>,
    %get3A_496 = arith.constant 224 : index
    %get3A_497 = tpu.vector_load %arg17[%get3A_496] {strides = array<i32>} : memref<384xf32, #tpu.memory_space<vmem>>, vector<16xf32>,
    %get3A_498 = vector.shape_cast %get3A_497 : vector<16xf32> to vector<16xf32>
    %abs3A_499 = math.absf %get3A_498 : vector<16xf32>
    %ge3A_500 = arith.cmpf oge, %abs3A_499, %add3A_204 : vector<16xf32>
    %select_n3A_501 = arith.select %ge3A_500, %broadcast_in_dim3A_206, %broadcast_in_dim3A_208 : vector<16xi1>, vector<16xf32>
    %swap3A_502 = arith.constant 224 : index
    %swap3A_503 = tpu.vector_load %arg19[%swap3A_502] {strides = array<i32>} : memref<384xf32, #tpu.memory_space<vmem>>, vector<16xf32>,
    %swap3A_504 = vector.shape_cast %swap3A_503 : vector<16xf32> to vector<16xf32>
    %swap3A_505 = vector.shape_cast %select_n3A_501 : vector<16xf32> to vector<16xf32>
    tpu.vector_store %arg19[%swap3A_502], %swap3A_505 {strides = array<i32>} : memref<384xf32, #tpu.memory_space<vmem>>, vector<16xf32>,
    %get3A_506 = arith.constant 240 : index
    %get3A_507 = tpu.vector_load %arg16[%get3A_506] {strides = array<i32>} : memref<384xf32, #tpu.memory_space<vmem>>, vector<16xf32>,
    %get3A_508 = vector.shape_cast %get3A_507 : vector<16xf32> to vector<16xf32>
    %abs3A_509 = math.absf %get3A_508 : vector<16xf32>
    %ge3A_510 = arith.cmpf oge, %abs3A_509, %add3A_204 : vector<16xf32>
    %select_n3A_511 = arith.select %ge3A_510, %broadcast_in_dim3A_206, %broadcast_in_dim3A_208 : vector<16xi1>, vector<16xf32>
    %swap3A_512 = arith.constant 240 : index
    %swap3A_513 = tpu.vector_load %arg18[%swap3A_512] {strides = array<i32>} : memref<384xf32, #tpu.memory_space<vmem>>, vector<16xf32>,
    %swap3A_514 = vector.shape_cast %swap3A_513 : vector<16xf32> to vector<16xf32>
    %swap3A_515 = vector.shape_cast %select_n3A_511 : vector<16xf32> to vector<16xf32>
    tpu.vector_store %arg18[%swap3A_512], %swap3A_515 {strides = array<i32>} : memref<384xf32, #tpu.memory_space<vmem>>, vector<16xf32>,
    %get3A_516 = arith.constant 240 : index
    %get3A_517 = tpu.vector_load %arg17[%get3A_516] {strides = array<i32>} : memref<384xf32, #tpu.memory_space<vmem>>, vector<16xf32>,
    %get3A_518 = vector.shape_cast %get3A_517 : vector<16xf32> to vector<16xf32>
    %abs3A_519 = math.absf %get3A_518 : vector<16xf32>
    %ge3A_520 = arith.cmpf oge, %abs3A_519, %add3A_204 : vector<16xf32>
    %select_n3A_521 = arith.select %ge3A_520, %broadcast_in_dim3A_206, %broadcast_in_dim3A_208 : vector<16xi1>, vector<16xf32>
    %swap3A_522 = arith.constant 240 : index
    %swap3A_523 = tpu.vector_load %arg19[%swap3A_522] {strides = array<i32>} : memref<384xf32, #tpu.memory_space<vmem>>, vector<16xf32>,
    %swap3A_524 = vector.shape_cast %swap3A_523 : vector<16xf32> to vector<16xf32>
    %swap3A_525 = vector.shape_cast %select_n3A_521 : vector<16xf32> to vector<16xf32>
    tpu.vector_store %arg19[%swap3A_522], %swap3A_525 {strides = array<i32>} : memref<384xf32, #tpu.memory_space<vmem>>, vector<16xf32>,
    %get3A_526 = arith.constant 256 : index
    %get3A_527 = tpu.vector_load %arg16[%get3A_526] {strides = array<i32>} : memref<384xf32, #tpu.memory_space<vmem>>, vector<16xf32>,
    %get3A_528 = vector.shape_cast %get3A_527 : vector<16xf32> to vector<16xf32>
    %abs3A_529 = math.absf %get3A_528 : vector<16xf32>
    %ge3A_530 = arith.cmpf oge, %abs3A_529, %add3A_204 : vector<16xf32>
    %select_n3A_531 = arith.select %ge3A_530, %broadcast_in_dim3A_206, %broadcast_in_dim3A_208 : vector<16xi1>, vector<16xf32>
    %swap3A_532 = arith.constant 256 : index
    %swap3A_533 = tpu.vector_load %arg18[%swap3A_532] {strides = array<i32>} : memref<384xf32, #tpu.memory_space<vmem>>, vector<16xf32>,
    %swap3A_534 = vector.shape_cast %swap3A_533 : vector<16xf32> to vector<16xf32>
    %swap3A_535 = vector.shape_cast %select_n3A_531 : vector<16xf32> to vector<16xf32>
    tpu.vector_store %arg18[%swap3A_532], %swap3A_535 {strides = array<i32>} : memref<384xf32, #tpu.memory_space<vmem>>, vector<16xf32>,
    %get3A_536 = arith.constant 256 : index
    %get3A_537 = tpu.vector_load %arg17[%get3A_536] {strides = array<i32>} : memref<384xf32, #tpu.memory_space<vmem>>, vector<16xf32>,
    %get3A_538 = vector.shape_cast %get3A_537 : vector<16xf32> to vector<16xf32>
    %abs3A_539 = math.absf %get3A_538 : vector<16xf32>
    %ge3A_540 = arith.cmpf oge, %abs3A_539, %add3A_204 : vector<16xf32>
    %select_n3A_541 = arith.select %ge3A_540, %broadcast_in_dim3A_206, %broadcast_in_dim3A_208 : vector<16xi1>, vector<16xf32>
    %swap3A_542 = arith.constant 256 : index
    %swap3A_543 = tpu.vector_load %arg19[%swap3A_542] {strides = array<i32>} : memref<384xf32, #tpu.memory_space<vmem>>, vector<16xf32>,
    %swap3A_544 = vector.shape_cast %swap3A_543 : vector<16xf32> to vector<16xf32>
    %swap3A_545 = vector.shape_cast %select_n3A_541 : vector<16xf32> to vector<16xf32>
    tpu.vector_store %arg19[%swap3A_542], %swap3A_545 {strides = array<i32>} : memref<384xf32, #tpu.memory_space<vmem>>, vector<16xf32>,
    %get3A_546 = arith.constant 272 : index
    %get3A_547 = tpu.vector_load %arg16[%get3A_546] {strides = array<i32>} : memref<384xf32, #tpu.memory_space<vmem>>, vector<16xf32>,
    %get3A_548 = vector.shape_cast %get3A_547 : vector<16xf32> to vector<16xf32>
    %abs3A_549 = math.absf %get3A_548 : vector<16xf32>
    %ge3A_550 = arith.cmpf oge, %abs3A_549, %add3A_204 : vector<16xf32>
    %select_n3A_551 = arith.select %ge3A_550, %broadcast_in_dim3A_206, %broadcast_in_dim3A_208 : vector<16xi1>, vector<16xf32>
    %swap3A_552 = arith.constant 272 : index
    %swap3A_553 = tpu.vector_load %arg18[%swap3A_552] {strides = array<i32>} : memref<384xf32, #tpu.memory_space<vmem>>, vector<16xf32>,
    %swap3A_554 = vector.shape_cast %swap3A_553 : vector<16xf32> to vector<16xf32>
    %swap3A_555 = vector.shape_cast %select_n3A_551 : vector<16xf32> to vector<16xf32>
    tpu.vector_store %arg18[%swap3A_552], %swap3A_555 {strides = array<i32>} : memref<384xf32, #tpu.memory_space<vmem>>, vector<16xf32>,
    %get3A_556 = arith.constant 272 : index
    %get3A_557 = tpu.vector_load %arg17[%get3A_556] {strides = array<i32>} : memref<384xf32, #tpu.memory_space<vmem>>, vector<16xf32>,
    %get3A_558 = vector.shape_cast %get3A_557 : vector<16xf32> to vector<16xf32>
    %abs3A_559 = math.absf %get3A_558 : vector<16xf32>
    %ge3A_560 = arith.cmpf oge, %abs3A_559, %add3A_204 : vector<16xf32>
    %select_n3A_561 = arith.select %ge3A_560, %broadcast_in_dim3A_206, %broadcast_in_dim3A_208 : vector<16xi1>, vector<16xf32>
    %swap3A_562 = arith.constant 272 : index
    %swap3A_563 = tpu.vector_load %arg19[%swap3A_562] {strides = array<i32>} : memref<384xf32, #tpu.memory_space<vmem>>, vector<16xf32>,
    %swap3A_564 = vector.shape_cast %swap3A_563 : vector<16xf32> to vector<16xf32>
    %swap3A_565 = vector.shape_cast %select_n3A_561 : vector<16xf32> to vector<16xf32>
    tpu.vector_store %arg19[%swap3A_562], %swap3A_565 {strides = array<i32>} : memref<384xf32, #tpu.memory_space<vmem>>, vector<16xf32>,
    %get3A_566 = arith.constant 288 : index
    %get3A_567 = tpu.vector_load %arg16[%get3A_566] {strides = array<i32>} : memref<384xf32, #tpu.memory_space<vmem>>, vector<16xf32>,
    %get3A_568 = vector.shape_cast %get3A_567 : vector<16xf32> to vector<16xf32>
    %abs3A_569 = math.absf %get3A_568 : vector<16xf32>
    %ge3A_570 = arith.cmpf oge, %abs3A_569, %add3A_204 : vector<16xf32>
    %select_n3A_571 = arith.select %ge3A_570, %broadcast_in_dim3A_206, %broadcast_in_dim3A_208 : vector<16xi1>, vector<16xf32>
    %swap3A_572 = arith.constant 288 : index
    %swap3A_573 = tpu.vector_load %arg18[%swap3A_572] {strides = array<i32>} : memref<384xf32, #tpu.memory_space<vmem>>, vector<16xf32>,
    %swap3A_574 = vector.shape_cast %swap3A_573 : vector<16xf32> to vector<16xf32>
    %swap3A_575 = vector.shape_cast %select_n3A_571 : vector<16xf32> to vector<16xf32>
    tpu.vector_store %arg18[%swap3A_572], %swap3A_575 {strides = array<i32>} : memref<384xf32, #tpu.memory_space<vmem>>, vector<16xf32>,
    %get3A_576 = arith.constant 288 : index
    %get3A_577 = tpu.vector_load %arg17[%get3A_576] {strides = array<i32>} : memref<384xf32, #tpu.memory_space<vmem>>, vector<16xf32>,
    %get3A_578 = vector.shape_cast %get3A_577 : vector<16xf32> to vector<16xf32>
    %abs3A_579 = math.absf %get3A_578 : vector<16xf32>
    %ge3A_580 = arith.cmpf oge, %abs3A_579, %add3A_204 : vector<16xf32>
    %select_n3A_581 = arith.select %ge3A_580, %broadcast_in_dim3A_206, %broadcast_in_dim3A_208 : vector<16xi1>, vector<16xf32>
    %swap3A_582 = arith.constant 288 : index
    %swap3A_583 = tpu.vector_load %arg19[%swap3A_582] {strides = array<i32>} : memref<384xf32, #tpu.memory_space<vmem>>, vector<16xf32>,
    %swap3A_584 = vector.shape_cast %swap3A_583 : vector<16xf32> to vector<16xf32>
    %swap3A_585 = vector.shape_cast %select_n3A_581 : vector<16xf32> to vector<16xf32>
    tpu.vector_store %arg19[%swap3A_582], %swap3A_585 {strides = array<i32>} : memref<384xf32, #tpu.memory_space<vmem>>, vector<16xf32>,
    %get3A_586 = arith.constant 304 : index
    %get3A_587 = tpu.vector_load %arg16[%get3A_586] {strides = array<i32>} : memref<384xf32, #tpu.memory_space<vmem>>, vector<16xf32>,
    %get3A_588 = vector.shape_cast %get3A_587 : vector<16xf32> to vector<16xf32>
    %abs3A_589 = math.absf %get3A_588 : vector<16xf32>
    %ge3A_590 = arith.cmpf oge, %abs3A_589, %add3A_204 : vector<16xf32>
    %select_n3A_591 = arith.select %ge3A_590, %broadcast_in_dim3A_206, %broadcast_in_dim3A_208 : vector<16xi1>, vector<16xf32>
    %swap3A_592 = arith.constant 304 : index
    %swap3A_593 = tpu.vector_load %arg18[%swap3A_592] {strides = array<i32>} : memref<384xf32, #tpu.memory_space<vmem>>, vector<16xf32>,
    %swap3A_594 = vector.shape_cast %swap3A_593 : vector<16xf32> to vector<16xf32>
    %swap3A_595 = vector.shape_cast %select_n3A_591 : vector<16xf32> to vector<16xf32>
    tpu.vector_store %arg18[%swap3A_592], %swap3A_595 {strides = array<i32>} : memref<384xf32, #tpu.memory_space<vmem>>, vector<16xf32>,
    %get3A_596 = arith.constant 304 : index
    %get3A_597 = tpu.vector_load %arg17[%get3A_596] {strides = array<i32>} : memref<384xf32, #tpu.memory_space<vmem>>, vector<16xf32>,
    %get3A_598 = vector.shape_cast %get3A_597 : vector<16xf32> to vector<16xf32>
    %abs3A_599 = math.absf %get3A_598 : vector<16xf32>
    %ge3A_600 = arith.cmpf oge, %abs3A_599, %add3A_204 : vector<16xf32>
    %select_n3A_601 = arith.select %ge3A_600, %broadcast_in_dim3A_206, %broadcast_in_dim3A_208 : vector<16xi1>, vector<16xf32>
    %swap3A_602 = arith.constant 304 : index
    %swap3A_603 = tpu.vector_load %arg19[%swap3A_602] {strides = array<i32>} : memref<384xf32, #tpu.memory_space<vmem>>, vector<16xf32>,
    %swap3A_604 = vector.shape_cast %swap3A_603 : vector<16xf32> to vector<16xf32>
    %swap3A_605 = vector.shape_cast %select_n3A_601 : vector<16xf32> to vector<16xf32>
    tpu.vector_store %arg19[%swap3A_602], %swap3A_605 {strides = array<i32>} : memref<384xf32, #tpu.memory_space<vmem>>, vector<16xf32>,
    %get3A_606 = arith.constant 320 : index
    %get3A_607 = tpu.vector_load %arg16[%get3A_606] {strides = array<i32>} : memref<384xf32, #tpu.memory_space<vmem>>, vector<16xf32>,
    %get3A_608 = vector.shape_cast %get3A_607 : vector<16xf32> to vector<16xf32>
    %abs3A_609 = math.absf %get3A_608 : vector<16xf32>
    %ge3A_610 = arith.cmpf oge, %abs3A_609, %add3A_204 : vector<16xf32>
    %select_n3A_611 = arith.select %ge3A_610, %broadcast_in_dim3A_206, %broadcast_in_dim3A_208 : vector<16xi1>, vector<16xf32>
    %swap3A_612 = arith.constant 320 : index
    %swap3A_613 = tpu.vector_load %arg18[%swap3A_612] {strides = array<i32>} : memref<384xf32, #tpu.memory_space<vmem>>, vector<16xf32>,
    %swap3A_614 = vector.shape_cast %swap3A_613 : vector<16xf32> to vector<16xf32>
    %swap3A_615 = vector.shape_cast %select_n3A_611 : vector<16xf32> to vector<16xf32>
    tpu.vector_store %arg18[%swap3A_612], %swap3A_615 {strides = array<i32>} : memref<384xf32, #tpu.memory_space<vmem>>, vector<16xf32>,
    %get3A_616 = arith.constant 320 : index
    %get3A_617 = tpu.vector_load %arg17[%get3A_616] {strides = array<i32>} : memref<384xf32, #tpu.memory_space<vmem>>, vector<16xf32>,
    %get3A_618 = vector.shape_cast %get3A_617 : vector<16xf32> to vector<16xf32>
    %abs3A_619 = math.absf %get3A_618 : vector<16xf32>
    %ge3A_620 = arith.cmpf oge, %abs3A_619, %add3A_204 : vector<16xf32>
    %select_n3A_621 = arith.select %ge3A_620, %broadcast_in_dim3A_206, %broadcast_in_dim3A_208 : vector<16xi1>, vector<16xf32>
    %swap3A_622 = arith.constant 320 : index
    %swap3A_623 = tpu.vector_load %arg19[%swap3A_622] {strides = array<i32>} : memref<384xf32, #tpu.memory_space<vmem>>, vector<16xf32>,
    %swap3A_624 = vector.shape_cast %swap3A_623 : vector<16xf32> to vector<16xf32>
    %swap3A_625 = vector.shape_cast %select_n3A_621 : vector<16xf32> to vector<16xf32>
    tpu.vector_store %arg19[%swap3A_622], %swap3A_625 {strides = array<i32>} : memref<384xf32, #tpu.memory_space<vmem>>, vector<16xf32>,
    %get3A_626 = arith.constant 336 : index
    %get3A_627 = tpu.vector_load %arg16[%get3A_626] {strides = array<i32>} : memref<384xf32, #tpu.memory_space<vmem>>, vector<16xf32>,
    %get3A_628 = vector.shape_cast %get3A_627 : vector<16xf32> to vector<16xf32>
    %abs3A_629 = math.absf %get3A_628 : vector<16xf32>
    %ge3A_630 = arith.cmpf oge, %abs3A_629, %add3A_204 : vector<16xf32>
    %select_n3A_631 = arith.select %ge3A_630, %broadcast_in_dim3A_206, %broadcast_in_dim3A_208 : vector<16xi1>, vector<16xf32>
    %swap3A_632 = arith.constant 336 : index
    %swap3A_633 = tpu.vector_load %arg18[%swap3A_632] {strides = array<i32>} : memref<384xf32, #tpu.memory_space<vmem>>, vector<16xf32>,
    %swap3A_634 = vector.shape_cast %swap3A_633 : vector<16xf32> to vector<16xf32>
    %swap3A_635 = vector.shape_cast %select_n3A_631 : vector<16xf32> to vector<16xf32>
    tpu.vector_store %arg18[%swap3A_632], %swap3A_635 {strides = array<i32>} : memref<384xf32, #tpu.memory_space<vmem>>, vector<16xf32>,
    %get3A_636 = arith.constant 336 : index
    %get3A_637 = tpu.vector_load %arg17[%get3A_636] {strides = array<i32>} : memref<384xf32, #tpu.memory_space<vmem>>, vector<16xf32>,
    %get3A_638 = vector.shape_cast %get3A_637 : vector<16xf32> to vector<16xf32>
    %abs3A_639 = math.absf %get3A_638 : vector<16xf32>
    %ge3A_640 = arith.cmpf oge, %abs3A_639, %add3A_204 : vector<16xf32>
    %select_n3A_641 = arith.select %ge3A_640, %broadcast_in_dim3A_206, %broadcast_in_dim3A_208 : vector<16xi1>, vector<16xf32>
    %swap3A_642 = arith.constant 336 : index
    %swap3A_643 = tpu.vector_load %arg19[%swap3A_642] {strides = array<i32>} : memref<384xf32, #tpu.memory_space<vmem>>, vector<16xf32>,
    %swap3A_644 = vector.shape_cast %swap3A_643 : vector<16xf32> to vector<16xf32>
    %swap3A_645 = vector.shape_cast %select_n3A_641 : vector<16xf32> to vector<16xf32>
    tpu.vector_store %arg19[%swap3A_642], %swap3A_645 {strides = array<i32>} : memref<384xf32, #tpu.memory_space<vmem>>, vector<16xf32>,
    %get3A_646 = arith.constant 352 : index
    %get3A_647 = tpu.vector_load %arg16[%get3A_646] {strides = array<i32>} : memref<384xf32, #tpu.memory_space<vmem>>, vector<16xf32>,
    %get3A_648 = vector.shape_cast %get3A_647 : vector<16xf32> to vector<16xf32>
    %abs3A_649 = math.absf %get3A_648 : vector<16xf32>
    %ge3A_650 = arith.cmpf oge, %abs3A_649, %add3A_204 : vector<16xf32>
    %select_n3A_651 = arith.select %ge3A_650, %broadcast_in_dim3A_206, %broadcast_in_dim3A_208 : vector<16xi1>, vector<16xf32>
    %swap3A_652 = arith.constant 352 : index
    %swap3A_653 = tpu.vector_load %arg18[%swap3A_652] {strides = array<i32>} : memref<384xf32, #tpu.memory_space<vmem>>, vector<16xf32>,
    %swap3A_654 = vector.shape_cast %swap3A_653 : vector<16xf32> to vector<16xf32>
    %swap3A_655 = vector.shape_cast %select_n3A_651 : vector<16xf32> to vector<16xf32>
    tpu.vector_store %arg18[%swap3A_652], %swap3A_655 {strides = array<i32>} : memref<384xf32, #tpu.memory_space<vmem>>, vector<16xf32>,
    %get3A_656 = arith.constant 352 : index
    %get3A_657 = tpu.vector_load %arg17[%get3A_656] {strides = array<i32>} : memref<384xf32, #tpu.memory_space<vmem>>, vector<16xf32>,
    %get3A_658 = vector.shape_cast %get3A_657 : vector<16xf32> to vector<16xf32>
    %abs3A_659 = math.absf %get3A_658 : vector<16xf32>
    %ge3A_660 = arith.cmpf oge, %abs3A_659, %add3A_204 : vector<16xf32>
    %select_n3A_661 = arith.select %ge3A_660, %broadcast_in_dim3A_206, %broadcast_in_dim3A_208 : vector<16xi1>, vector<16xf32>
    %swap3A_662 = arith.constant 352 : index
    %swap3A_663 = tpu.vector_load %arg19[%swap3A_662] {strides = array<i32>} : memref<384xf32, #tpu.memory_space<vmem>>, vector<16xf32>,
    %swap3A_664 = vector.shape_cast %swap3A_663 : vector<16xf32> to vector<16xf32>
    %swap3A_665 = vector.shape_cast %select_n3A_661 : vector<16xf32> to vector<16xf32>
    tpu.vector_store %arg19[%swap3A_662], %swap3A_665 {strides = array<i32>} : memref<384xf32, #tpu.memory_space<vmem>>, vector<16xf32>,
    %get3A_666 = arith.constant 368 : index
    %get3A_667 = tpu.vector_load %arg16[%get3A_666] {strides = array<i32>} : memref<384xf32, #tpu.memory_space<vmem>>, vector<16xf32>,
    %get3A_668 = vector.shape_cast %get3A_667 : vector<16xf32> to vector<16xf32>
    %abs3A_669 = math.absf %get3A_668 : vector<16xf32>
    %ge3A_670 = arith.cmpf oge, %abs3A_669, %add3A_204 : vector<16xf32>
    %select_n3A_671 = arith.select %ge3A_670, %broadcast_in_dim3A_206, %broadcast_in_dim3A_208 : vector<16xi1>, vector<16xf32>
    %swap3A_672 = arith.constant 368 : index
    %swap3A_673 = tpu.vector_load %arg18[%swap3A_672] {strides = array<i32>} : memref<384xf32, #tpu.memory_space<vmem>>, vector<16xf32>,
    %swap3A_674 = vector.shape_cast %swap3A_673 : vector<16xf32> to vector<16xf32>
    %swap3A_675 = vector.shape_cast %select_n3A_671 : vector<16xf32> to vector<16xf32>
    tpu.vector_store %arg18[%swap3A_672], %swap3A_675 {strides = array<i32>} : memref<384xf32, #tpu.memory_space<vmem>>, vector<16xf32>,
    %get3A_676 = arith.constant 368 : index
    %get3A_677 = tpu.vector_load %arg17[%get3A_676] {strides = array<i32>} : memref<384xf32, #tpu.memory_space<vmem>>, vector<16xf32>,
    %get3A_678 = vector.shape_cast %get3A_677 : vector<16xf32> to vector<16xf32>
    %abs3A_679 = math.absf %get3A_678 : vector<16xf32>
    %ge3A_680 = arith.cmpf oge, %abs3A_679, %add3A_204 : vector<16xf32>
    %select_n3A_681 = arith.select %ge3A_680, %broadcast_in_dim3A_206, %broadcast_in_dim3A_208 : vector<16xi1>, vector<16xf32>
    %swap3A_682 = arith.constant 368 : index
    %swap3A_683 = tpu.vector_load %arg19[%swap3A_682] {strides = array<i32>} : memref<384xf32, #tpu.memory_space<vmem>>, vector<16xf32>,
    %swap3A_684 = vector.shape_cast %swap3A_683 : vector<16xf32> to vector<16xf32>
    %swap3A_685 = vector.shape_cast %select_n3A_681 : vector<16xf32> to vector<16xf32>
    tpu.vector_store %arg19[%swap3A_682], %swap3A_685 {strides = array<i32>} : memref<384xf32, #tpu.memory_space<vmem>>, vector<16xf32>,
    %scan3A = arith.constant 0 : i32
    %scan3A_686 = arith.constant 0 : i32
    %scan3A_687 = arith.constant 49 : i32
    %scan3A_688 = arith.addi %scan3A_686, %scan3A_687 : i32
    %scan3A_689 = arith.constant 1 : i32
    %scan3A_690 = scf.for %scan3A_711 = %scan3A_686 to %scan3A_688 step %scan3A_689 iter_args(%scan3A_712 = %scan3A) -> (i32)  : i32 {
      %mul3A_713 = arith.constant 2 : i32
      %mul3A_714 = arith.muli %scan3A_711, %mul3A_713 : i32
      %add3A_715 = arith.constant 0 : i32
      %add3A_716 = arith.addi %mul3A_714, %add3A_715 : i32
      %eq3A = arith.constant 0 : i32
      %eq3A_717 = arith.cmpi eq, %scan3A_711, %eq3A : i32
      %mul3A_718 = arith.constant 16 : i32
      %mul3A_719 = arith.muli %add3A_716, %mul3A_718 : i32
      %add3A_720 = arith.addi %mul3A_2, %mul3A_719 : i32
      %dma_wait3A_721 = arith.constant 0 : i32
      %dma_wait3A_722 = tpu.memref_slice %arg2[%add3A_720, %dma_wait3A_721] : memref<50176x384xf32, #tpu.memory_space<hbm>> -> memref<16x384xf32, #tpu.memory_space<hbm>>
      %dma_wait3A_723 = arith.constant 0 : i32
      %dma_wait3A_724 = tpu.memref_slice %arg2[%add3A_720, %dma_wait3A_723] : memref<50176x384xf32, #tpu.memory_space<hbm>> -> memref<16x384xf32, #tpu.memory_space<hbm>>
      tpu.wait_dma2 semaphore(%arg20 : memref<!tpu.dma_semaphore, #tpu.memory_space<semaphore_mem>>) src(%dma_wait3A_724 : memref<16x384xf32, #tpu.memory_space<hbm>>) dst(%arg8 : memref<16x384xf32, #tpu.memory_space<vmem>>)
      %dma_wait3A_725 = arith.constant 0 : i32
      %dma_wait3A_726 = tpu.memref_slice %arg3[%add3A_720, %dma_wait3A_725] : memref<50176x384xf32, #tpu.memory_space<hbm>> -> memref<16x384xf32, #tpu.memory_space<hbm>>
      %dma_wait3A_727 = arith.constant 0 : i32
      %dma_wait3A_728 = tpu.memref_slice %arg3[%add3A_720, %dma_wait3A_727] : memref<50176x384xf32, #tpu.memory_space<hbm>> -> memref<16x384xf32, #tpu.memory_space<hbm>>
      tpu.wait_dma2 semaphore(%arg22 : memref<!tpu.dma_semaphore, #tpu.memory_space<semaphore_mem>>) src(%dma_wait3A_728 : memref<16x384xf32, #tpu.memory_space<hbm>>) dst(%arg10 : memref<16x384xf32, #tpu.memory_space<vmem>>)
      %not3A = arith.constant true
      %not3A_729 = arith.xori %eq3A_717, %not3A : i1
      %convert_element_type3A = arith.extui %not3A_729 : i1 to i32
      %cond3A = arith.constant 0 : i32
      %cond3A_730 = arith.cmpi ne, %convert_element_type3A, %cond3A : i32
      scf.if %cond3A_730 {
        %sub3A_1315 = arith.constant 2 : i32
        %sub3A_1316 = arith.subi %add3A_716, %sub3A_1315 : i32
        %mul3A_1317 = arith.constant 16 : i32
        %mul3A_1318 = arith.muli %sub3A_1316, %mul3A_1317 : i32
        %add3A_1319 = arith.addi %mul3A_2, %mul3A_1318 : i32
        %dma_wait3A_1320 = arith.constant 0 : i32
        %dma_wait3A_1321 = tpu.memref_slice %arg6[%add3A_1319, %dma_wait3A_1320] : memref<50176x384xf32, #tpu.memory_space<hbm>> -> memref<16x384xf32, #tpu.memory_space<hbm>>
        %dma_wait3A_1322 = arith.constant 0 : i32
        %dma_wait3A_1323 = tpu.memref_slice %arg6[%add3A_1319, %dma_wait3A_1322] : memref<50176x384xf32, #tpu.memory_space<hbm>> -> memref<16x384xf32, #tpu.memory_space<hbm>>
        tpu.wait_dma2 semaphore(%arg24 : memref<!tpu.dma_semaphore, #tpu.memory_space<semaphore_mem>>) src(%arg12 : memref<16x384xf32, #tpu.memory_space<vmem>>) dst(%dma_wait3A_1323 : memref<16x384xf32, #tpu.memory_space<hbm>>)
        %dma_wait3A_1324 = arith.constant 0 : i32
        %dma_wait3A_1325 = tpu.memref_slice %arg7[%add3A_1319, %dma_wait3A_1324] : memref<50176x384xf32, #tpu.memory_space<hbm>> -> memref<16x384xf32, #tpu.memory_space<hbm>>
        %dma_wait3A_1326 = arith.constant 0 : i32
        %dma_wait3A_1327 = tpu.memref_slice %arg7[%add3A_1319, %dma_wait3A_1326] : memref<50176x384xf32, #tpu.memory_space<hbm>> -> memref<16x384xf32, #tpu.memory_space<hbm>>
        tpu.wait_dma2 semaphore(%arg26 : memref<!tpu.dma_semaphore, #tpu.memory_space<semaphore_mem>>) src(%arg14 : memref<16x384xf32, #tpu.memory_space<vmem>>) dst(%dma_wait3A_1327 : memref<16x384xf32, #tpu.memory_space<hbm>>)
      } else {
      }
      %get3A_731 = arith.constant 0 : index
      %get3A_732 = tpu.vector_load %arg18[%get3A_731] {strides = array<i32>} : memref<384xf32, #tpu.memory_space<vmem>>, vector<16xf32>,
      %get3A_733 = vector.shape_cast %get3A_732 : vector<16xf32> to vector<16xf32>
      %gt3A = arith.cmpf ogt, %get3A_733, %broadcast_in_dim3A_208 : vector<16xf32>
      %get3A_734 = arith.constant 0 : index
      %get3A_735 = tpu.vector_load %arg19[%get3A_734] {strides = array<i32>} : memref<384xf32, #tpu.memory_space<vmem>>, vector<16xf32>,
      %get3A_736 = vector.shape_cast %get3A_735 : vector<16xf32> to vector<16xf32>
      %gt3A_737 = arith.cmpf ogt, %get3A_736, %broadcast_in_dim3A_208 : vector<16xf32>
      %parallel_loop3A = arith.constant 0 : i32
      %parallel_loop3A_738 = arith.constant 16 : i32
      %parallel_loop3A_739 = arith.constant 1 : i32
      scf.for %parallel_loop3A_1315 = %parallel_loop3A to %parallel_loop3A_738 step %parallel_loop3A_739  : i32 {
        %parallel_loop3A_1316 = arith.index_cast %parallel_loop3A_1315 : i32 to index
        %parallel_loop3A_1317 = arith.constant 0 : index
        %parallel_loop3A_1318 = tpu.vector_load %arg8[%parallel_loop3A_1316, %parallel_loop3A_1317] {strides = array<i32>} : memref<16x384xf32, #tpu.memory_space<vmem>>, vector<1x16xf32>,
        %parallel_loop3A_1319 = vector.shape_cast %parallel_loop3A_1318 : vector<1x16xf32> to vector<16xf32>
        %parallel_loop3A_1320 = arith.index_cast %parallel_loop3A_1315 : i32 to index
        %parallel_loop3A_1321 = arith.constant 0 : index
        %parallel_loop3A_1322 = tpu.vector_load %arg10[%parallel_loop3A_1320, %parallel_loop3A_1321] {strides = array<i32>} : memref<16x384xf32, #tpu.memory_space<vmem>>, vector<1x16xf32>,
        %parallel_loop3A_1323 = vector.shape_cast %parallel_loop3A_1322 : vector<1x16xf32> to vector<16xf32>
        %parallel_loop3A_1324 = arith.mulf %parallel_loop3A_1319, %parallel_loop3A_1323 : vector<16xf32>
        %parallel_loop3A_1325 = arith.select %gt3A, %parallel_loop3A_1319, %parallel_loop3A_1324 : vector<16xi1>, vector<16xf32>
        %parallel_loop3A_1326 = arith.index_cast %parallel_loop3A_1315 : i32 to index
        %parallel_loop3A_1327 = arith.constant 0 : index
        %parallel_loop3A_1328 = tpu.vector_load %arg12[%parallel_loop3A_1326, %parallel_loop3A_1327] {strides = array<i32>} : memref<16x384xf32, #tpu.memory_space<vmem>>, vector<1x16xf32>,
        %parallel_loop3A_1329 = vector.shape_cast %parallel_loop3A_1328 : vector<1x16xf32> to vector<16xf32>
        %parallel_loop3A_1330 = vector.shape_cast %parallel_loop3A_1325 : vector<16xf32> to vector<1x16xf32>
        tpu.vector_store %arg12[%parallel_loop3A_1326, %parallel_loop3A_1327], %parallel_loop3A_1330 {strides = array<i32>} : memref<16x384xf32, #tpu.memory_space<vmem>>, vector<1x16xf32>,
        %parallel_loop3A_1331 = arith.select %gt3A_737, %parallel_loop3A_1323, %parallel_loop3A_1324 : vector<16xi1>, vector<16xf32>
        %parallel_loop3A_1332 = arith.index_cast %parallel_loop3A_1315 : i32 to index
        %parallel_loop3A_1333 = arith.constant 0 : index
        %parallel_loop3A_1334 = tpu.vector_load %arg14[%parallel_loop3A_1332, %parallel_loop3A_1333] {strides = array<i32>} : memref<16x384xf32, #tpu.memory_space<vmem>>, vector<1x16xf32>,
        %parallel_loop3A_1335 = vector.shape_cast %parallel_loop3A_1334 : vector<1x16xf32> to vector<16xf32>
        %parallel_loop3A_1336 = vector.shape_cast %parallel_loop3A_1331 : vector<16xf32> to vector<1x16xf32>
        tpu.vector_store %arg14[%parallel_loop3A_1332, %parallel_loop3A_1333], %parallel_loop3A_1336 {strides = array<i32>} : memref<16x384xf32, #tpu.memory_space<vmem>>, vector<1x16xf32>,
      } {sc.loop_unroll_factor = 8 : i64, sc.parallel_access}
      %get3A_740 = arith.constant 16 : index
      %get3A_741 = tpu.vector_load %arg18[%get3A_740] {strides = array<i32>} : memref<384xf32, #tpu.memory_space<vmem>>, vector<16xf32>,
      %get3A_742 = vector.shape_cast %get3A_741 : vector<16xf32> to vector<16xf32>
      %gt3A_743 = arith.cmpf ogt, %get3A_742, %broadcast_in_dim3A_208 : vector<16xf32>
      %get3A_744 = arith.constant 16 : index
      %get3A_745 = tpu.vector_load %arg19[%get3A_744] {strides = array<i32>} : memref<384xf32, #tpu.memory_space<vmem>>, vector<16xf32>,
      %get3A_746 = vector.shape_cast %get3A_745 : vector<16xf32> to vector<16xf32>
      %gt3A_747 = arith.cmpf ogt, %get3A_746, %broadcast_in_dim3A_208 : vector<16xf32>
      %parallel_loop3A_748 = arith.constant 0 : i32
      %parallel_loop3A_749 = arith.constant 16 : i32
      %parallel_loop3A_750 = arith.constant 1 : i32
      scf.for %parallel_loop3A_1315 = %parallel_loop3A_748 to %parallel_loop3A_749 step %parallel_loop3A_750  : i32 {
        %parallel_loop3A_1316 = arith.index_cast %parallel_loop3A_1315 : i32 to index
        %parallel_loop3A_1317 = arith.constant 16 : index
        %parallel_loop3A_1318 = tpu.vector_load %arg8[%parallel_loop3A_1316, %parallel_loop3A_1317] {strides = array<i32>} : memref<16x384xf32, #tpu.memory_space<vmem>>, vector<1x16xf32>,
        %parallel_loop3A_1319 = vector.shape_cast %parallel_loop3A_1318 : vector<1x16xf32> to vector<16xf32>
        %parallel_loop3A_1320 = arith.index_cast %parallel_loop3A_1315 : i32 to index
        %parallel_loop3A_1321 = arith.constant 16 : index
        %parallel_loop3A_1322 = tpu.vector_load %arg10[%parallel_loop3A_1320, %parallel_loop3A_1321] {strides = array<i32>} : memref<16x384xf32, #tpu.memory_space<vmem>>, vector<1x16xf32>,
        %parallel_loop3A_1323 = vector.shape_cast %parallel_loop3A_1322 : vector<1x16xf32> to vector<16xf32>
        %parallel_loop3A_1324 = arith.mulf %parallel_loop3A_1319, %parallel_loop3A_1323 : vector<16xf32>
        %parallel_loop3A_1325 = arith.select %gt3A_743, %parallel_loop3A_1319, %parallel_loop3A_1324 : vector<16xi1>, vector<16xf32>
        %parallel_loop3A_1326 = arith.index_cast %parallel_loop3A_1315 : i32 to index
        %parallel_loop3A_1327 = arith.constant 16 : index
        %parallel_loop3A_1328 = tpu.vector_load %arg12[%parallel_loop3A_1326, %parallel_loop3A_1327] {strides = array<i32>} : memref<16x384xf32, #tpu.memory_space<vmem>>, vector<1x16xf32>,
        %parallel_loop3A_1329 = vector.shape_cast %parallel_loop3A_1328 : vector<1x16xf32> to vector<16xf32>
        %parallel_loop3A_1330 = vector.shape_cast %parallel_loop3A_1325 : vector<16xf32> to vector<1x16xf32>
        tpu.vector_store %arg12[%parallel_loop3A_1326, %parallel_loop3A_1327], %parallel_loop3A_1330 {strides = array<i32>} : memref<16x384xf32, #tpu.memory_space<vmem>>, vector<1x16xf32>,
        %parallel_loop3A_1331 = arith.select %gt3A_747, %parallel_loop3A_1323, %parallel_loop3A_1324 : vector<16xi1>, vector<16xf32>
        %parallel_loop3A_1332 = arith.index_cast %parallel_loop3A_1315 : i32 to index
        %parallel_loop3A_1333 = arith.constant 16 : index
        %parallel_loop3A_1334 = tpu.vector_load %arg14[%parallel_loop3A_1332, %parallel_loop3A_1333] {strides = array<i32>} : memref<16x384xf32, #tpu.memory_space<vmem>>, vector<1x16xf32>,
        %parallel_loop3A_1335 = vector.shape_cast %parallel_loop3A_1334 : vector<1x16xf32> to vector<16xf32>
        %parallel_loop3A_1336 = vector.shape_cast %parallel_loop3A_1331 : vector<16xf32> to vector<1x16xf32>
        tpu.vector_store %arg14[%parallel_loop3A_1332, %parallel_loop3A_1333], %parallel_loop3A_1336 {strides = array<i32>} : memref<16x384xf32, #tpu.memory_space<vmem>>, vector<1x16xf32>,
      } {sc.loop_unroll_factor = 8 : i64, sc.parallel_access}
      %get3A_751 = arith.constant 32 : index
      %get3A_752 = tpu.vector_load %arg18[%get3A_751] {strides = array<i32>} : memref<384xf32, #tpu.memory_space<vmem>>, vector<16xf32>,
      %get3A_753 = vector.shape_cast %get3A_752 : vector<16xf32> to vector<16xf32>
      %gt3A_754 = arith.cmpf ogt, %get3A_753, %broadcast_in_dim3A_208 : vector<16xf32>
      %get3A_755 = arith.constant 32 : index
      %get3A_756 = tpu.vector_load %arg19[%get3A_755] {strides = array<i32>} : memref<384xf32, #tpu.memory_space<vmem>>, vector<16xf32>,
      %get3A_757 = vector.shape_cast %get3A_756 : vector<16xf32> to vector<16xf32>
      %gt3A_758 = arith.cmpf ogt, %get3A_757, %broadcast_in_dim3A_208 : vector<16xf32>
      %parallel_loop3A_759 = arith.constant 0 : i32
      %parallel_loop3A_760 = arith.constant 16 : i32
      %parallel_loop3A_761 = arith.constant 1 : i32
      scf.for %parallel_loop3A_1315 = %parallel_loop3A_759 to %parallel_loop3A_760 step %parallel_loop3A_761  : i32 {
        %parallel_loop3A_1316 = arith.index_cast %parallel_loop3A_1315 : i32 to index
        %parallel_loop3A_1317 = arith.constant 32 : index
        %parallel_loop3A_1318 = tpu.vector_load %arg8[%parallel_loop3A_1316, %parallel_loop3A_1317] {strides = array<i32>} : memref<16x384xf32, #tpu.memory_space<vmem>>, vector<1x16xf32>,
        %parallel_loop3A_1319 = vector.shape_cast %parallel_loop3A_1318 : vector<1x16xf32> to vector<16xf32>
        %parallel_loop3A_1320 = arith.index_cast %parallel_loop3A_1315 : i32 to index
        %parallel_loop3A_1321 = arith.constant 32 : index
        %parallel_loop3A_1322 = tpu.vector_load %arg10[%parallel_loop3A_1320, %parallel_loop3A_1321] {strides = array<i32>} : memref<16x384xf32, #tpu.memory_space<vmem>>, vector<1x16xf32>,
        %parallel_loop3A_1323 = vector.shape_cast %parallel_loop3A_1322 : vector<1x16xf32> to vector<16xf32>
        %parallel_loop3A_1324 = arith.mulf %parallel_loop3A_1319, %parallel_loop3A_1323 : vector<16xf32>
        %parallel_loop3A_1325 = arith.select %gt3A_754, %parallel_loop3A_1319, %parallel_loop3A_1324 : vector<16xi1>, vector<16xf32>
        %parallel_loop3A_1326 = arith.index_cast %parallel_loop3A_1315 : i32 to index
        %parallel_loop3A_1327 = arith.constant 32 : index
        %parallel_loop3A_1328 = tpu.vector_load %arg12[%parallel_loop3A_1326, %parallel_loop3A_1327] {strides = array<i32>} : memref<16x384xf32, #tpu.memory_space<vmem>>, vector<1x16xf32>,
        %parallel_loop3A_1329 = vector.shape_cast %parallel_loop3A_1328 : vector<1x16xf32> to vector<16xf32>
        %parallel_loop3A_1330 = vector.shape_cast %parallel_loop3A_1325 : vector<16xf32> to vector<1x16xf32>
        tpu.vector_store %arg12[%parallel_loop3A_1326, %parallel_loop3A_1327], %parallel_loop3A_1330 {strides = array<i32>} : memref<16x384xf32, #tpu.memory_space<vmem>>, vector<1x16xf32>,
        %parallel_loop3A_1331 = arith.select %gt3A_758, %parallel_loop3A_1323, %parallel_loop3A_1324 : vector<16xi1>, vector<16xf32>
        %parallel_loop3A_1332 = arith.index_cast %parallel_loop3A_1315 : i32 to index
        %parallel_loop3A_1333 = arith.constant 32 : index
        %parallel_loop3A_1334 = tpu.vector_load %arg14[%parallel_loop3A_1332, %parallel_loop3A_1333] {strides = array<i32>} : memref<16x384xf32, #tpu.memory_space<vmem>>, vector<1x16xf32>,
        %parallel_loop3A_1335 = vector.shape_cast %parallel_loop3A_1334 : vector<1x16xf32> to vector<16xf32>
        %parallel_loop3A_1336 = vector.shape_cast %parallel_loop3A_1331 : vector<16xf32> to vector<1x16xf32>
        tpu.vector_store %arg14[%parallel_loop3A_1332, %parallel_loop3A_1333], %parallel_loop3A_1336 {strides = array<i32>} : memref<16x384xf32, #tpu.memory_space<vmem>>, vector<1x16xf32>,
      } {sc.loop_unroll_factor = 8 : i64, sc.parallel_access}
      %get3A_762 = arith.constant 48 : index
      %get3A_763 = tpu.vector_load %arg18[%get3A_762] {strides = array<i32>} : memref<384xf32, #tpu.memory_space<vmem>>, vector<16xf32>,
      %get3A_764 = vector.shape_cast %get3A_763 : vector<16xf32> to vector<16xf32>
      %gt3A_765 = arith.cmpf ogt, %get3A_764, %broadcast_in_dim3A_208 : vector<16xf32>
      %get3A_766 = arith.constant 48 : index
      %get3A_767 = tpu.vector_load %arg19[%get3A_766] {strides = array<i32>} : memref<384xf32, #tpu.memory_space<vmem>>, vector<16xf32>,
      %get3A_768 = vector.shape_cast %get3A_767 : vector<16xf32> to vector<16xf32>
      %gt3A_769 = arith.cmpf ogt, %get3A_768, %broadcast_in_dim3A_208 : vector<16xf32>
      %parallel_loop3A_770 = arith.constant 0 : i32
      %parallel_loop3A_771 = arith.constant 16 : i32
      %parallel_loop3A_772 = arith.constant 1 : i32
      scf.for %parallel_loop3A_1315 = %parallel_loop3A_770 to %parallel_loop3A_771 step %parallel_loop3A_772  : i32 {
        %parallel_loop3A_1316 = arith.index_cast %parallel_loop3A_1315 : i32 to index
        %parallel_loop3A_1317 = arith.constant 48 : index
        %parallel_loop3A_1318 = tpu.vector_load %arg8[%parallel_loop3A_1316, %parallel_loop3A_1317] {strides = array<i32>} : memref<16x384xf32, #tpu.memory_space<vmem>>, vector<1x16xf32>,
        %parallel_loop3A_1319 = vector.shape_cast %parallel_loop3A_1318 : vector<1x16xf32> to vector<16xf32>
        %parallel_loop3A_1320 = arith.index_cast %parallel_loop3A_1315 : i32 to index
        %parallel_loop3A_1321 = arith.constant 48 : index
        %parallel_loop3A_1322 = tpu.vector_load %arg10[%parallel_loop3A_1320, %parallel_loop3A_1321] {strides = array<i32>} : memref<16x384xf32, #tpu.memory_space<vmem>>, vector<1x16xf32>,
        %parallel_loop3A_1323 = vector.shape_cast %parallel_loop3A_1322 : vector<1x16xf32> to vector<16xf32>
        %parallel_loop3A_1324 = arith.mulf %parallel_loop3A_1319, %parallel_loop3A_1323 : vector<16xf32>
        %parallel_loop3A_1325 = arith.select %gt3A_765, %parallel_loop3A_1319, %parallel_loop3A_1324 : vector<16xi1>, vector<16xf32>
        %parallel_loop3A_1326 = arith.index_cast %parallel_loop3A_1315 : i32 to index
        %parallel_loop3A_1327 = arith.constant 48 : index
        %parallel_loop3A_1328 = tpu.vector_load %arg12[%parallel_loop3A_1326, %parallel_loop3A_1327] {strides = array<i32>} : memref<16x384xf32, #tpu.memory_space<vmem>>, vector<1x16xf32>,
        %parallel_loop3A_1329 = vector.shape_cast %parallel_loop3A_1328 : vector<1x16xf32> to vector<16xf32>
        %parallel_loop3A_1330 = vector.shape_cast %parallel_loop3A_1325 : vector<16xf32> to vector<1x16xf32>
        tpu.vector_store %arg12[%parallel_loop3A_1326, %parallel_loop3A_1327], %parallel_loop3A_1330 {strides = array<i32>} : memref<16x384xf32, #tpu.memory_space<vmem>>, vector<1x16xf32>,
        %parallel_loop3A_1331 = arith.select %gt3A_769, %parallel_loop3A_1323, %parallel_loop3A_1324 : vector<16xi1>, vector<16xf32>
        %parallel_loop3A_1332 = arith.index_cast %parallel_loop3A_1315 : i32 to index
        %parallel_loop3A_1333 = arith.constant 48 : index
        %parallel_loop3A_1334 = tpu.vector_load %arg14[%parallel_loop3A_1332, %parallel_loop3A_1333] {strides = array<i32>} : memref<16x384xf32, #tpu.memory_space<vmem>>, vector<1x16xf32>,
        %parallel_loop3A_1335 = vector.shape_cast %parallel_loop3A_1334 : vector<1x16xf32> to vector<16xf32>
        %parallel_loop3A_1336 = vector.shape_cast %parallel_loop3A_1331 : vector<16xf32> to vector<1x16xf32>
        tpu.vector_store %arg14[%parallel_loop3A_1332, %parallel_loop3A_1333], %parallel_loop3A_1336 {strides = array<i32>} : memref<16x384xf32, #tpu.memory_space<vmem>>, vector<1x16xf32>,
      } {sc.loop_unroll_factor = 8 : i64, sc.parallel_access}
      %get3A_773 = arith.constant 64 : index
      %get3A_774 = tpu.vector_load %arg18[%get3A_773] {strides = array<i32>} : memref<384xf32, #tpu.memory_space<vmem>>, vector<16xf32>,
      %get3A_775 = vector.shape_cast %get3A_774 : vector<16xf32> to vector<16xf32>
      %gt3A_776 = arith.cmpf ogt, %get3A_775, %broadcast_in_dim3A_208 : vector<16xf32>
      %get3A_777 = arith.constant 64 : index
      %get3A_778 = tpu.vector_load %arg19[%get3A_777] {strides = array<i32>} : memref<384xf32, #tpu.memory_space<vmem>>, vector<16xf32>,
      %get3A_779 = vector.shape_cast %get3A_778 : vector<16xf32> to vector<16xf32>
      %gt3A_780 = arith.cmpf ogt, %get3A_779, %broadcast_in_dim3A_208 : vector<16xf32>
      %parallel_loop3A_781 = arith.constant 0 : i32
      %parallel_loop3A_782 = arith.constant 16 : i32
      %parallel_loop3A_783 = arith.constant 1 : i32
      scf.for %parallel_loop3A_1315 = %parallel_loop3A_781 to %parallel_loop3A_782 step %parallel_loop3A_783  : i32 {
        %parallel_loop3A_1316 = arith.index_cast %parallel_loop3A_1315 : i32 to index
        %parallel_loop3A_1317 = arith.constant 64 : index
        %parallel_loop3A_1318 = tpu.vector_load %arg8[%parallel_loop3A_1316, %parallel_loop3A_1317] {strides = array<i32>} : memref<16x384xf32, #tpu.memory_space<vmem>>, vector<1x16xf32>,
        %parallel_loop3A_1319 = vector.shape_cast %parallel_loop3A_1318 : vector<1x16xf32> to vector<16xf32>
        %parallel_loop3A_1320 = arith.index_cast %parallel_loop3A_1315 : i32 to index
        %parallel_loop3A_1321 = arith.constant 64 : index
        %parallel_loop3A_1322 = tpu.vector_load %arg10[%parallel_loop3A_1320, %parallel_loop3A_1321] {strides = array<i32>} : memref<16x384xf32, #tpu.memory_space<vmem>>, vector<1x16xf32>,
        %parallel_loop3A_1323 = vector.shape_cast %parallel_loop3A_1322 : vector<1x16xf32> to vector<16xf32>
        %parallel_loop3A_1324 = arith.mulf %parallel_loop3A_1319, %parallel_loop3A_1323 : vector<16xf32>
        %parallel_loop3A_1325 = arith.select %gt3A_776, %parallel_loop3A_1319, %parallel_loop3A_1324 : vector<16xi1>, vector<16xf32>
        %parallel_loop3A_1326 = arith.index_cast %parallel_loop3A_1315 : i32 to index
        %parallel_loop3A_1327 = arith.constant 64 : index
        %parallel_loop3A_1328 = tpu.vector_load %arg12[%parallel_loop3A_1326, %parallel_loop3A_1327] {strides = array<i32>} : memref<16x384xf32, #tpu.memory_space<vmem>>, vector<1x16xf32>,
        %parallel_loop3A_1329 = vector.shape_cast %parallel_loop3A_1328 : vector<1x16xf32> to vector<16xf32>
        %parallel_loop3A_1330 = vector.shape_cast %parallel_loop3A_1325 : vector<16xf32> to vector<1x16xf32>
        tpu.vector_store %arg12[%parallel_loop3A_1326, %parallel_loop3A_1327], %parallel_loop3A_1330 {strides = array<i32>} : memref<16x384xf32, #tpu.memory_space<vmem>>, vector<1x16xf32>,
        %parallel_loop3A_1331 = arith.select %gt3A_780, %parallel_loop3A_1323, %parallel_loop3A_1324 : vector<16xi1>, vector<16xf32>
        %parallel_loop3A_1332 = arith.index_cast %parallel_loop3A_1315 : i32 to index
        %parallel_loop3A_1333 = arith.constant 64 : index
        %parallel_loop3A_1334 = tpu.vector_load %arg14[%parallel_loop3A_1332, %parallel_loop3A_1333] {strides = array<i32>} : memref<16x384xf32, #tpu.memory_space<vmem>>, vector<1x16xf32>,
        %parallel_loop3A_1335 = vector.shape_cast %parallel_loop3A_1334 : vector<1x16xf32> to vector<16xf32>
        %parallel_loop3A_1336 = vector.shape_cast %parallel_loop3A_1331 : vector<16xf32> to vector<1x16xf32>
        tpu.vector_store %arg14[%parallel_loop3A_1332, %parallel_loop3A_1333], %parallel_loop3A_1336 {strides = array<i32>} : memref<16x384xf32, #tpu.memory_space<vmem>>, vector<1x16xf32>,
      } {sc.loop_unroll_factor = 8 : i64, sc.parallel_access}
      %get3A_784 = arith.constant 80 : index
      %get3A_785 = tpu.vector_load %arg18[%get3A_784] {strides = array<i32>} : memref<384xf32, #tpu.memory_space<vmem>>, vector<16xf32>,
      %get3A_786 = vector.shape_cast %get3A_785 : vector<16xf32> to vector<16xf32>
      %gt3A_787 = arith.cmpf ogt, %get3A_786, %broadcast_in_dim3A_208 : vector<16xf32>
      %get3A_788 = arith.constant 80 : index
      %get3A_789 = tpu.vector_load %arg19[%get3A_788] {strides = array<i32>} : memref<384xf32, #tpu.memory_space<vmem>>, vector<16xf32>,
      %get3A_790 = vector.shape_cast %get3A_789 : vector<16xf32> to vector<16xf32>
      %gt3A_791 = arith.cmpf ogt, %get3A_790, %broadcast_in_dim3A_208 : vector<16xf32>
      %parallel_loop3A_792 = arith.constant 0 : i32
      %parallel_loop3A_793 = arith.constant 16 : i32
      %parallel_loop3A_794 = arith.constant 1 : i32
      scf.for %parallel_loop3A_1315 = %parallel_loop3A_792 to %parallel_loop3A_793 step %parallel_loop3A_794  : i32 {
        %parallel_loop3A_1316 = arith.index_cast %parallel_loop3A_1315 : i32 to index
        %parallel_loop3A_1317 = arith.constant 80 : index
        %parallel_loop3A_1318 = tpu.vector_load %arg8[%parallel_loop3A_1316, %parallel_loop3A_1317] {strides = array<i32>} : memref<16x384xf32, #tpu.memory_space<vmem>>, vector<1x16xf32>,
        %parallel_loop3A_1319 = vector.shape_cast %parallel_loop3A_1318 : vector<1x16xf32> to vector<16xf32>
        %parallel_loop3A_1320 = arith.index_cast %parallel_loop3A_1315 : i32 to index
        %parallel_loop3A_1321 = arith.constant 80 : index
        %parallel_loop3A_1322 = tpu.vector_load %arg10[%parallel_loop3A_1320, %parallel_loop3A_1321] {strides = array<i32>} : memref<16x384xf32, #tpu.memory_space<vmem>>, vector<1x16xf32>,
        %parallel_loop3A_1323 = vector.shape_cast %parallel_loop3A_1322 : vector<1x16xf32> to vector<16xf32>
        %parallel_loop3A_1324 = arith.mulf %parallel_loop3A_1319, %parallel_loop3A_1323 : vector<16xf32>
        %parallel_loop3A_1325 = arith.select %gt3A_787, %parallel_loop3A_1319, %parallel_loop3A_1324 : vector<16xi1>, vector<16xf32>
        %parallel_loop3A_1326 = arith.index_cast %parallel_loop3A_1315 : i32 to index
        %parallel_loop3A_1327 = arith.constant 80 : index
        %parallel_loop3A_1328 = tpu.vector_load %arg12[%parallel_loop3A_1326, %parallel_loop3A_1327] {strides = array<i32>} : memref<16x384xf32, #tpu.memory_space<vmem>>, vector<1x16xf32>,
        %parallel_loop3A_1329 = vector.shape_cast %parallel_loop3A_1328 : vector<1x16xf32> to vector<16xf32>
        %parallel_loop3A_1330 = vector.shape_cast %parallel_loop3A_1325 : vector<16xf32> to vector<1x16xf32>
        tpu.vector_store %arg12[%parallel_loop3A_1326, %parallel_loop3A_1327], %parallel_loop3A_1330 {strides = array<i32>} : memref<16x384xf32, #tpu.memory_space<vmem>>, vector<1x16xf32>,
        %parallel_loop3A_1331 = arith.select %gt3A_791, %parallel_loop3A_1323, %parallel_loop3A_1324 : vector<16xi1>, vector<16xf32>
        %parallel_loop3A_1332 = arith.index_cast %parallel_loop3A_1315 : i32 to index
        %parallel_loop3A_1333 = arith.constant 80 : index
        %parallel_loop3A_1334 = tpu.vector_load %arg14[%parallel_loop3A_1332, %parallel_loop3A_1333] {strides = array<i32>} : memref<16x384xf32, #tpu.memory_space<vmem>>, vector<1x16xf32>,
        %parallel_loop3A_1335 = vector.shape_cast %parallel_loop3A_1334 : vector<1x16xf32> to vector<16xf32>
        %parallel_loop3A_1336 = vector.shape_cast %parallel_loop3A_1331 : vector<16xf32> to vector<1x16xf32>
        tpu.vector_store %arg14[%parallel_loop3A_1332, %parallel_loop3A_1333], %parallel_loop3A_1336 {strides = array<i32>} : memref<16x384xf32, #tpu.memory_space<vmem>>, vector<1x16xf32>,
      } {sc.loop_unroll_factor = 8 : i64, sc.parallel_access}
      %get3A_795 = arith.constant 96 : index
      %get3A_796 = tpu.vector_load %arg18[%get3A_795] {strides = array<i32>} : memref<384xf32, #tpu.memory_space<vmem>>, vector<16xf32>,
      %get3A_797 = vector.shape_cast %get3A_796 : vector<16xf32> to vector<16xf32>
      %gt3A_798 = arith.cmpf ogt, %get3A_797, %broadcast_in_dim3A_208 : vector<16xf32>
      %get3A_799 = arith.constant 96 : index
      %get3A_800 = tpu.vector_load %arg19[%get3A_799] {strides = array<i32>} : memref<384xf32, #tpu.memory_space<vmem>>, vector<16xf32>,
      %get3A_801 = vector.shape_cast %get3A_800 : vector<16xf32> to vector<16xf32>
      %gt3A_802 = arith.cmpf ogt, %get3A_801, %broadcast_in_dim3A_208 : vector<16xf32>
      %parallel_loop3A_803 = arith.constant 0 : i32
      %parallel_loop3A_804 = arith.constant 16 : i32
      %parallel_loop3A_805 = arith.constant 1 : i32
      scf.for %parallel_loop3A_1315 = %parallel_loop3A_803 to %parallel_loop3A_804 step %parallel_loop3A_805  : i32 {
        %parallel_loop3A_1316 = arith.index_cast %parallel_loop3A_1315 : i32 to index
        %parallel_loop3A_1317 = arith.constant 96 : index
        %parallel_loop3A_1318 = tpu.vector_load %arg8[%parallel_loop3A_1316, %parallel_loop3A_1317] {strides = array<i32>} : memref<16x384xf32, #tpu.memory_space<vmem>>, vector<1x16xf32>,
        %parallel_loop3A_1319 = vector.shape_cast %parallel_loop3A_1318 : vector<1x16xf32> to vector<16xf32>
        %parallel_loop3A_1320 = arith.index_cast %parallel_loop3A_1315 : i32 to index
        %parallel_loop3A_1321 = arith.constant 96 : index
        %parallel_loop3A_1322 = tpu.vector_load %arg10[%parallel_loop3A_1320, %parallel_loop3A_1321] {strides = array<i32>} : memref<16x384xf32, #tpu.memory_space<vmem>>, vector<1x16xf32>,
        %parallel_loop3A_1323 = vector.shape_cast %parallel_loop3A_1322 : vector<1x16xf32> to vector<16xf32>
        %parallel_loop3A_1324 = arith.mulf %parallel_loop3A_1319, %parallel_loop3A_1323 : vector<16xf32>
        %parallel_loop3A_1325 = arith.select %gt3A_798, %parallel_loop3A_1319, %parallel_loop3A_1324 : vector<16xi1>, vector<16xf32>
        %parallel_loop3A_1326 = arith.index_cast %parallel_loop3A_1315 : i32 to index
        %parallel_loop3A_1327 = arith.constant 96 : index
        %parallel_loop3A_1328 = tpu.vector_load %arg12[%parallel_loop3A_1326, %parallel_loop3A_1327] {strides = array<i32>} : memref<16x384xf32, #tpu.memory_space<vmem>>, vector<1x16xf32>,
        %parallel_loop3A_1329 = vector.shape_cast %parallel_loop3A_1328 : vector<1x16xf32> to vector<16xf32>
        %parallel_loop3A_1330 = vector.shape_cast %parallel_loop3A_1325 : vector<16xf32> to vector<1x16xf32>
        tpu.vector_store %arg12[%parallel_loop3A_1326, %parallel_loop3A_1327], %parallel_loop3A_1330 {strides = array<i32>} : memref<16x384xf32, #tpu.memory_space<vmem>>, vector<1x16xf32>,
        %parallel_loop3A_1331 = arith.select %gt3A_802, %parallel_loop3A_1323, %parallel_loop3A_1324 : vector<16xi1>, vector<16xf32>
        %parallel_loop3A_1332 = arith.index_cast %parallel_loop3A_1315 : i32 to index
        %parallel_loop3A_1333 = arith.constant 96 : index
        %parallel_loop3A_1334 = tpu.vector_load %arg14[%parallel_loop3A_1332, %parallel_loop3A_1333] {strides = array<i32>} : memref<16x384xf32, #tpu.memory_space<vmem>>, vector<1x16xf32>,
        %parallel_loop3A_1335 = vector.shape_cast %parallel_loop3A_1334 : vector<1x16xf32> to vector<16xf32>
        %parallel_loop3A_1336 = vector.shape_cast %parallel_loop3A_1331 : vector<16xf32> to vector<1x16xf32>
        tpu.vector_store %arg14[%parallel_loop3A_1332, %parallel_loop3A_1333], %parallel_loop3A_1336 {strides = array<i32>} : memref<16x384xf32, #tpu.memory_space<vmem>>, vector<1x16xf32>,
      } {sc.loop_unroll_factor = 8 : i64, sc.parallel_access}
      %get3A_806 = arith.constant 112 : index
      %get3A_807 = tpu.vector_load %arg18[%get3A_806] {strides = array<i32>} : memref<384xf32, #tpu.memory_space<vmem>>, vector<16xf32>,
      %get3A_808 = vector.shape_cast %get3A_807 : vector<16xf32> to vector<16xf32>
      %gt3A_809 = arith.cmpf ogt, %get3A_808, %broadcast_in_dim3A_208 : vector<16xf32>
      %get3A_810 = arith.constant 112 : index
      %get3A_811 = tpu.vector_load %arg19[%get3A_810] {strides = array<i32>} : memref<384xf32, #tpu.memory_space<vmem>>, vector<16xf32>,
      %get3A_812 = vector.shape_cast %get3A_811 : vector<16xf32> to vector<16xf32>
      %gt3A_813 = arith.cmpf ogt, %get3A_812, %broadcast_in_dim3A_208 : vector<16xf32>
      %parallel_loop3A_814 = arith.constant 0 : i32
      %parallel_loop3A_815 = arith.constant 16 : i32
      %parallel_loop3A_816 = arith.constant 1 : i32
      scf.for %parallel_loop3A_1315 = %parallel_loop3A_814 to %parallel_loop3A_815 step %parallel_loop3A_816  : i32 {
        %parallel_loop3A_1316 = arith.index_cast %parallel_loop3A_1315 : i32 to index
        %parallel_loop3A_1317 = arith.constant 112 : index
        %parallel_loop3A_1318 = tpu.vector_load %arg8[%parallel_loop3A_1316, %parallel_loop3A_1317] {strides = array<i32>} : memref<16x384xf32, #tpu.memory_space<vmem>>, vector<1x16xf32>,
        %parallel_loop3A_1319 = vector.shape_cast %parallel_loop3A_1318 : vector<1x16xf32> to vector<16xf32>
        %parallel_loop3A_1320 = arith.index_cast %parallel_loop3A_1315 : i32 to index
        %parallel_loop3A_1321 = arith.constant 112 : index
        %parallel_loop3A_1322 = tpu.vector_load %arg10[%parallel_loop3A_1320, %parallel_loop3A_1321] {strides = array<i32>} : memref<16x384xf32, #tpu.memory_space<vmem>>, vector<1x16xf32>,
        %parallel_loop3A_1323 = vector.shape_cast %parallel_loop3A_1322 : vector<1x16xf32> to vector<16xf32>
        %parallel_loop3A_1324 = arith.mulf %parallel_loop3A_1319, %parallel_loop3A_1323 : vector<16xf32>
        %parallel_loop3A_1325 = arith.select %gt3A_809, %parallel_loop3A_1319, %parallel_loop3A_1324 : vector<16xi1>, vector<16xf32>
        %parallel_loop3A_1326 = arith.index_cast %parallel_loop3A_1315 : i32 to index
        %parallel_loop3A_1327 = arith.constant 112 : index
        %parallel_loop3A_1328 = tpu.vector_load %arg12[%parallel_loop3A_1326, %parallel_loop3A_1327] {strides = array<i32>} : memref<16x384xf32, #tpu.memory_space<vmem>>, vector<1x16xf32>,
        %parallel_loop3A_1329 = vector.shape_cast %parallel_loop3A_1328 : vector<1x16xf32> to vector<16xf32>
        %parallel_loop3A_1330 = vector.shape_cast %parallel_loop3A_1325 : vector<16xf32> to vector<1x16xf32>
        tpu.vector_store %arg12[%parallel_loop3A_1326, %parallel_loop3A_1327], %parallel_loop3A_1330 {strides = array<i32>} : memref<16x384xf32, #tpu.memory_space<vmem>>, vector<1x16xf32>,
        %parallel_loop3A_1331 = arith.select %gt3A_813, %parallel_loop3A_1323, %parallel_loop3A_1324 : vector<16xi1>, vector<16xf32>
        %parallel_loop3A_1332 = arith.index_cast %parallel_loop3A_1315 : i32 to index
        %parallel_loop3A_1333 = arith.constant 112 : index
        %parallel_loop3A_1334 = tpu.vector_load %arg14[%parallel_loop3A_1332, %parallel_loop3A_1333] {strides = array<i32>} : memref<16x384xf32, #tpu.memory_space<vmem>>, vector<1x16xf32>,
        %parallel_loop3A_1335 = vector.shape_cast %parallel_loop3A_1334 : vector<1x16xf32> to vector<16xf32>
        %parallel_loop3A_1336 = vector.shape_cast %parallel_loop3A_1331 : vector<16xf32> to vector<1x16xf32>
        tpu.vector_store %arg14[%parallel_loop3A_1332, %parallel_loop3A_1333], %parallel_loop3A_1336 {strides = array<i32>} : memref<16x384xf32, #tpu.memory_space<vmem>>, vector<1x16xf32>,
      } {sc.loop_unroll_factor = 8 : i64, sc.parallel_access}
      %get3A_817 = arith.constant 128 : index
      %get3A_818 = tpu.vector_load %arg18[%get3A_817] {strides = array<i32>} : memref<384xf32, #tpu.memory_space<vmem>>, vector<16xf32>,
      %get3A_819 = vector.shape_cast %get3A_818 : vector<16xf32> to vector<16xf32>
      %gt3A_820 = arith.cmpf ogt, %get3A_819, %broadcast_in_dim3A_208 : vector<16xf32>
      %get3A_821 = arith.constant 128 : index
      %get3A_822 = tpu.vector_load %arg19[%get3A_821] {strides = array<i32>} : memref<384xf32, #tpu.memory_space<vmem>>, vector<16xf32>,
      %get3A_823 = vector.shape_cast %get3A_822 : vector<16xf32> to vector<16xf32>
      %gt3A_824 = arith.cmpf ogt, %get3A_823, %broadcast_in_dim3A_208 : vector<16xf32>
      %parallel_loop3A_825 = arith.constant 0 : i32
      %parallel_loop3A_826 = arith.constant 16 : i32
      %parallel_loop3A_827 = arith.constant 1 : i32
      scf.for %parallel_loop3A_1315 = %parallel_loop3A_825 to %parallel_loop3A_826 step %parallel_loop3A_827  : i32 {
        %parallel_loop3A_1316 = arith.index_cast %parallel_loop3A_1315 : i32 to index
        %parallel_loop3A_1317 = arith.constant 128 : index
        %parallel_loop3A_1318 = tpu.vector_load %arg8[%parallel_loop3A_1316, %parallel_loop3A_1317] {strides = array<i32>} : memref<16x384xf32, #tpu.memory_space<vmem>>, vector<1x16xf32>,
        %parallel_loop3A_1319 = vector.shape_cast %parallel_loop3A_1318 : vector<1x16xf32> to vector<16xf32>
        %parallel_loop3A_1320 = arith.index_cast %parallel_loop3A_1315 : i32 to index
        %parallel_loop3A_1321 = arith.constant 128 : index
        %parallel_loop3A_1322 = tpu.vector_load %arg10[%parallel_loop3A_1320, %parallel_loop3A_1321] {strides = array<i32>} : memref<16x384xf32, #tpu.memory_space<vmem>>, vector<1x16xf32>,
        %parallel_loop3A_1323 = vector.shape_cast %parallel_loop3A_1322 : vector<1x16xf32> to vector<16xf32>
        %parallel_loop3A_1324 = arith.mulf %parallel_loop3A_1319, %parallel_loop3A_1323 : vector<16xf32>
        %parallel_loop3A_1325 = arith.select %gt3A_820, %parallel_loop3A_1319, %parallel_loop3A_1324 : vector<16xi1>, vector<16xf32>
        %parallel_loop3A_1326 = arith.index_cast %parallel_loop3A_1315 : i32 to index
        %parallel_loop3A_1327 = arith.constant 128 : index
        %parallel_loop3A_1328 = tpu.vector_load %arg12[%parallel_loop3A_1326, %parallel_loop3A_1327] {strides = array<i32>} : memref<16x384xf32, #tpu.memory_space<vmem>>, vector<1x16xf32>,
        %parallel_loop3A_1329 = vector.shape_cast %parallel_loop3A_1328 : vector<1x16xf32> to vector<16xf32>
        %parallel_loop3A_1330 = vector.shape_cast %parallel_loop3A_1325 : vector<16xf32> to vector<1x16xf32>
        tpu.vector_store %arg12[%parallel_loop3A_1326, %parallel_loop3A_1327], %parallel_loop3A_1330 {strides = array<i32>} : memref<16x384xf32, #tpu.memory_space<vmem>>, vector<1x16xf32>,
        %parallel_loop3A_1331 = arith.select %gt3A_824, %parallel_loop3A_1323, %parallel_loop3A_1324 : vector<16xi1>, vector<16xf32>
        %parallel_loop3A_1332 = arith.index_cast %parallel_loop3A_1315 : i32 to index
        %parallel_loop3A_1333 = arith.constant 128 : index
        %parallel_loop3A_1334 = tpu.vector_load %arg14[%parallel_loop3A_1332, %parallel_loop3A_1333] {strides = array<i32>} : memref<16x384xf32, #tpu.memory_space<vmem>>, vector<1x16xf32>,
        %parallel_loop3A_1335 = vector.shape_cast %parallel_loop3A_1334 : vector<1x16xf32> to vector<16xf32>
        %parallel_loop3A_1336 = vector.shape_cast %parallel_loop3A_1331 : vector<16xf32> to vector<1x16xf32>
        tpu.vector_store %arg14[%parallel_loop3A_1332, %parallel_loop3A_1333], %parallel_loop3A_1336 {strides = array<i32>} : memref<16x384xf32, #tpu.memory_space<vmem>>, vector<1x16xf32>,
      } {sc.loop_unroll_factor = 8 : i64, sc.parallel_access}
      %get3A_828 = arith.constant 144 : index
      %get3A_829 = tpu.vector_load %arg18[%get3A_828] {strides = array<i32>} : memref<384xf32, #tpu.memory_space<vmem>>, vector<16xf32>,
      %get3A_830 = vector.shape_cast %get3A_829 : vector<16xf32> to vector<16xf32>
      %gt3A_831 = arith.cmpf ogt, %get3A_830, %broadcast_in_dim3A_208 : vector<16xf32>
      %get3A_832 = arith.constant 144 : index
      %get3A_833 = tpu.vector_load %arg19[%get3A_832] {strides = array<i32>} : memref<384xf32, #tpu.memory_space<vmem>>, vector<16xf32>,
      %get3A_834 = vector.shape_cast %get3A_833 : vector<16xf32> to vector<16xf32>
      %gt3A_835 = arith.cmpf ogt, %get3A_834, %broadcast_in_dim3A_208 : vector<16xf32>
      %parallel_loop3A_836 = arith.constant 0 : i32
      %parallel_loop3A_837 = arith.constant 16 : i32
      %parallel_loop3A_838 = arith.constant 1 : i32
      scf.for %parallel_loop3A_1315 = %parallel_loop3A_836 to %parallel_loop3A_837 step %parallel_loop3A_838  : i32 {
        %parallel_loop3A_1316 = arith.index_cast %parallel_loop3A_1315 : i32 to index
        %parallel_loop3A_1317 = arith.constant 144 : index
        %parallel_loop3A_1318 = tpu.vector_load %arg8[%parallel_loop3A_1316, %parallel_loop3A_1317] {strides = array<i32>} : memref<16x384xf32, #tpu.memory_space<vmem>>, vector<1x16xf32>,
        %parallel_loop3A_1319 = vector.shape_cast %parallel_loop3A_1318 : vector<1x16xf32> to vector<16xf32>
        %parallel_loop3A_1320 = arith.index_cast %parallel_loop3A_1315 : i32 to index
        %parallel_loop3A_1321 = arith.constant 144 : index
        %parallel_loop3A_1322 = tpu.vector_load %arg10[%parallel_loop3A_1320, %parallel_loop3A_1321] {strides = array<i32>} : memref<16x384xf32, #tpu.memory_space<vmem>>, vector<1x16xf32>,
        %parallel_loop3A_1323 = vector.shape_cast %parallel_loop3A_1322 : vector<1x16xf32> to vector<16xf32>
        %parallel_loop3A_1324 = arith.mulf %parallel_loop3A_1319, %parallel_loop3A_1323 : vector<16xf32>
        %parallel_loop3A_1325 = arith.select %gt3A_831, %parallel_loop3A_1319, %parallel_loop3A_1324 : vector<16xi1>, vector<16xf32>
        %parallel_loop3A_1326 = arith.index_cast %parallel_loop3A_1315 : i32 to index
        %parallel_loop3A_1327 = arith.constant 144 : index
        %parallel_loop3A_1328 = tpu.vector_load %arg12[%parallel_loop3A_1326, %parallel_loop3A_1327] {strides = array<i32>} : memref<16x384xf32, #tpu.memory_space<vmem>>, vector<1x16xf32>,
        %parallel_loop3A_1329 = vector.shape_cast %parallel_loop3A_1328 : vector<1x16xf32> to vector<16xf32>
        %parallel_loop3A_1330 = vector.shape_cast %parallel_loop3A_1325 : vector<16xf32> to vector<1x16xf32>
        tpu.vector_store %arg12[%parallel_loop3A_1326, %parallel_loop3A_1327], %parallel_loop3A_1330 {strides = array<i32>} : memref<16x384xf32, #tpu.memory_space<vmem>>, vector<1x16xf32>,
        %parallel_loop3A_1331 = arith.select %gt3A_835, %parallel_loop3A_1323, %parallel_loop3A_1324 : vector<16xi1>, vector<16xf32>
        %parallel_loop3A_1332 = arith.index_cast %parallel_loop3A_1315 : i32 to index
        %parallel_loop3A_1333 = arith.constant 144 : index
        %parallel_loop3A_1334 = tpu.vector_load %arg14[%parallel_loop3A_1332, %parallel_loop3A_1333] {strides = array<i32>} : memref<16x384xf32, #tpu.memory_space<vmem>>, vector<1x16xf32>,
        %parallel_loop3A_1335 = vector.shape_cast %parallel_loop3A_1334 : vector<1x16xf32> to vector<16xf32>
        %parallel_loop3A_1336 = vector.shape_cast %parallel_loop3A_1331 : vector<16xf32> to vector<1x16xf32>
        tpu.vector_store %arg14[%parallel_loop3A_1332, %parallel_loop3A_1333], %parallel_loop3A_1336 {strides = array<i32>} : memref<16x384xf32, #tpu.memory_space<vmem>>, vector<1x16xf32>,
      } {sc.loop_unroll_factor = 8 : i64, sc.parallel_access}
      %get3A_839 = arith.constant 160 : index
      %get3A_840 = tpu.vector_load %arg18[%get3A_839] {strides = array<i32>} : memref<384xf32, #tpu.memory_space<vmem>>, vector<16xf32>,
      %get3A_841 = vector.shape_cast %get3A_840 : vector<16xf32> to vector<16xf32>
      %gt3A_842 = arith.cmpf ogt, %get3A_841, %broadcast_in_dim3A_208 : vector<16xf32>
      %get3A_843 = arith.constant 160 : index
      %get3A_844 = tpu.vector_load %arg19[%get3A_843] {strides = array<i32>} : memref<384xf32, #tpu.memory_space<vmem>>, vector<16xf32>,
      %get3A_845 = vector.shape_cast %get3A_844 : vector<16xf32> to vector<16xf32>
      %gt3A_846 = arith.cmpf ogt, %get3A_845, %broadcast_in_dim3A_208 : vector<16xf32>
      %parallel_loop3A_847 = arith.constant 0 : i32
      %parallel_loop3A_848 = arith.constant 16 : i32
      %parallel_loop3A_849 = arith.constant 1 : i32
      scf.for %parallel_loop3A_1315 = %parallel_loop3A_847 to %parallel_loop3A_848 step %parallel_loop3A_849  : i32 {
        %parallel_loop3A_1316 = arith.index_cast %parallel_loop3A_1315 : i32 to index
        %parallel_loop3A_1317 = arith.constant 160 : index
        %parallel_loop3A_1318 = tpu.vector_load %arg8[%parallel_loop3A_1316, %parallel_loop3A_1317] {strides = array<i32>} : memref<16x384xf32, #tpu.memory_space<vmem>>, vector<1x16xf32>,
        %parallel_loop3A_1319 = vector.shape_cast %parallel_loop3A_1318 : vector<1x16xf32> to vector<16xf32>
        %parallel_loop3A_1320 = arith.index_cast %parallel_loop3A_1315 : i32 to index
        %parallel_loop3A_1321 = arith.constant 160 : index
        %parallel_loop3A_1322 = tpu.vector_load %arg10[%parallel_loop3A_1320, %parallel_loop3A_1321] {strides = array<i32>} : memref<16x384xf32, #tpu.memory_space<vmem>>, vector<1x16xf32>,
        %parallel_loop3A_1323 = vector.shape_cast %parallel_loop3A_1322 : vector<1x16xf32> to vector<16xf32>
        %parallel_loop3A_1324 = arith.mulf %parallel_loop3A_1319, %parallel_loop3A_1323 : vector<16xf32>
        %parallel_loop3A_1325 = arith.select %gt3A_842, %parallel_loop3A_1319, %parallel_loop3A_1324 : vector<16xi1>, vector<16xf32>
        %parallel_loop3A_1326 = arith.index_cast %parallel_loop3A_1315 : i32 to index
        %parallel_loop3A_1327 = arith.constant 160 : index
        %parallel_loop3A_1328 = tpu.vector_load %arg12[%parallel_loop3A_1326, %parallel_loop3A_1327] {strides = array<i32>} : memref<16x384xf32, #tpu.memory_space<vmem>>, vector<1x16xf32>,
        %parallel_loop3A_1329 = vector.shape_cast %parallel_loop3A_1328 : vector<1x16xf32> to vector<16xf32>
        %parallel_loop3A_1330 = vector.shape_cast %parallel_loop3A_1325 : vector<16xf32> to vector<1x16xf32>
        tpu.vector_store %arg12[%parallel_loop3A_1326, %parallel_loop3A_1327], %parallel_loop3A_1330 {strides = array<i32>} : memref<16x384xf32, #tpu.memory_space<vmem>>, vector<1x16xf32>,
        %parallel_loop3A_1331 = arith.select %gt3A_846, %parallel_loop3A_1323, %parallel_loop3A_1324 : vector<16xi1>, vector<16xf32>
        %parallel_loop3A_1332 = arith.index_cast %parallel_loop3A_1315 : i32 to index
        %parallel_loop3A_1333 = arith.constant 160 : index
        %parallel_loop3A_1334 = tpu.vector_load %arg14[%parallel_loop3A_1332, %parallel_loop3A_1333] {strides = array<i32>} : memref<16x384xf32, #tpu.memory_space<vmem>>, vector<1x16xf32>,
        %parallel_loop3A_1335 = vector.shape_cast %parallel_loop3A_1334 : vector<1x16xf32> to vector<16xf32>
        %parallel_loop3A_1336 = vector.shape_cast %parallel_loop3A_1331 : vector<16xf32> to vector<1x16xf32>
        tpu.vector_store %arg14[%parallel_loop3A_1332, %parallel_loop3A_1333], %parallel_loop3A_1336 {strides = array<i32>} : memref<16x384xf32, #tpu.memory_space<vmem>>, vector<1x16xf32>,
      } {sc.loop_unroll_factor = 8 : i64, sc.parallel_access}
      %get3A_850 = arith.constant 176 : index
      %get3A_851 = tpu.vector_load %arg18[%get3A_850] {strides = array<i32>} : memref<384xf32, #tpu.memory_space<vmem>>, vector<16xf32>,
      %get3A_852 = vector.shape_cast %get3A_851 : vector<16xf32> to vector<16xf32>
      %gt3A_853 = arith.cmpf ogt, %get3A_852, %broadcast_in_dim3A_208 : vector<16xf32>
      %get3A_854 = arith.constant 176 : index
      %get3A_855 = tpu.vector_load %arg19[%get3A_854] {strides = array<i32>} : memref<384xf32, #tpu.memory_space<vmem>>, vector<16xf32>,
      %get3A_856 = vector.shape_cast %get3A_855 : vector<16xf32> to vector<16xf32>
      %gt3A_857 = arith.cmpf ogt, %get3A_856, %broadcast_in_dim3A_208 : vector<16xf32>
      %parallel_loop3A_858 = arith.constant 0 : i32
      %parallel_loop3A_859 = arith.constant 16 : i32
      %parallel_loop3A_860 = arith.constant 1 : i32
      scf.for %parallel_loop3A_1315 = %parallel_loop3A_858 to %parallel_loop3A_859 step %parallel_loop3A_860  : i32 {
        %parallel_loop3A_1316 = arith.index_cast %parallel_loop3A_1315 : i32 to index
        %parallel_loop3A_1317 = arith.constant 176 : index
        %parallel_loop3A_1318 = tpu.vector_load %arg8[%parallel_loop3A_1316, %parallel_loop3A_1317] {strides = array<i32>} : memref<16x384xf32, #tpu.memory_space<vmem>>, vector<1x16xf32>,
        %parallel_loop3A_1319 = vector.shape_cast %parallel_loop3A_1318 : vector<1x16xf32> to vector<16xf32>
        %parallel_loop3A_1320 = arith.index_cast %parallel_loop3A_1315 : i32 to index
        %parallel_loop3A_1321 = arith.constant 176 : index
        %parallel_loop3A_1322 = tpu.vector_load %arg10[%parallel_loop3A_1320, %parallel_loop3A_1321] {strides = array<i32>} : memref<16x384xf32, #tpu.memory_space<vmem>>, vector<1x16xf32>,
        %parallel_loop3A_1323 = vector.shape_cast %parallel_loop3A_1322 : vector<1x16xf32> to vector<16xf32>
        %parallel_loop3A_1324 = arith.mulf %parallel_loop3A_1319, %parallel_loop3A_1323 : vector<16xf32>
        %parallel_loop3A_1325 = arith.select %gt3A_853, %parallel_loop3A_1319, %parallel_loop3A_1324 : vector<16xi1>, vector<16xf32>
        %parallel_loop3A_1326 = arith.index_cast %parallel_loop3A_1315 : i32 to index
        %parallel_loop3A_1327 = arith.constant 176 : index
        %parallel_loop3A_1328 = tpu.vector_load %arg12[%parallel_loop3A_1326, %parallel_loop3A_1327] {strides = array<i32>} : memref<16x384xf32, #tpu.memory_space<vmem>>, vector<1x16xf32>,
        %parallel_loop3A_1329 = vector.shape_cast %parallel_loop3A_1328 : vector<1x16xf32> to vector<16xf32>
        %parallel_loop3A_1330 = vector.shape_cast %parallel_loop3A_1325 : vector<16xf32> to vector<1x16xf32>
        tpu.vector_store %arg12[%parallel_loop3A_1326, %parallel_loop3A_1327], %parallel_loop3A_1330 {strides = array<i32>} : memref<16x384xf32, #tpu.memory_space<vmem>>, vector<1x16xf32>,
        %parallel_loop3A_1331 = arith.select %gt3A_857, %parallel_loop3A_1323, %parallel_loop3A_1324 : vector<16xi1>, vector<16xf32>
        %parallel_loop3A_1332 = arith.index_cast %parallel_loop3A_1315 : i32 to index
        %parallel_loop3A_1333 = arith.constant 176 : index
        %parallel_loop3A_1334 = tpu.vector_load %arg14[%parallel_loop3A_1332, %parallel_loop3A_1333] {strides = array<i32>} : memref<16x384xf32, #tpu.memory_space<vmem>>, vector<1x16xf32>,
        %parallel_loop3A_1335 = vector.shape_cast %parallel_loop3A_1334 : vector<1x16xf32> to vector<16xf32>
        %parallel_loop3A_1336 = vector.shape_cast %parallel_loop3A_1331 : vector<16xf32> to vector<1x16xf32>
        tpu.vector_store %arg14[%parallel_loop3A_1332, %parallel_loop3A_1333], %parallel_loop3A_1336 {strides = array<i32>} : memref<16x384xf32, #tpu.memory_space<vmem>>, vector<1x16xf32>,
      } {sc.loop_unroll_factor = 8 : i64, sc.parallel_access}
      %get3A_861 = arith.constant 192 : index
      %get3A_862 = tpu.vector_load %arg18[%get3A_861] {strides = array<i32>} : memref<384xf32, #tpu.memory_space<vmem>>, vector<16xf32>,
      %get3A_863 = vector.shape_cast %get3A_862 : vector<16xf32> to vector<16xf32>
      %gt3A_864 = arith.cmpf ogt, %get3A_863, %broadcast_in_dim3A_208 : vector<16xf32>
      %get3A_865 = arith.constant 192 : index
      %get3A_866 = tpu.vector_load %arg19[%get3A_865] {strides = array<i32>} : memref<384xf32, #tpu.memory_space<vmem>>, vector<16xf32>,
      %get3A_867 = vector.shape_cast %get3A_866 : vector<16xf32> to vector<16xf32>
      %gt3A_868 = arith.cmpf ogt, %get3A_867, %broadcast_in_dim3A_208 : vector<16xf32>
      %parallel_loop3A_869 = arith.constant 0 : i32
      %parallel_loop3A_870 = arith.constant 16 : i32
      %parallel_loop3A_871 = arith.constant 1 : i32
      scf.for %parallel_loop3A_1315 = %parallel_loop3A_869 to %parallel_loop3A_870 step %parallel_loop3A_871  : i32 {
        %parallel_loop3A_1316 = arith.index_cast %parallel_loop3A_1315 : i32 to index
        %parallel_loop3A_1317 = arith.constant 192 : index
        %parallel_loop3A_1318 = tpu.vector_load %arg8[%parallel_loop3A_1316, %parallel_loop3A_1317] {strides = array<i32>} : memref<16x384xf32, #tpu.memory_space<vmem>>, vector<1x16xf32>,
        %parallel_loop3A_1319 = vector.shape_cast %parallel_loop3A_1318 : vector<1x16xf32> to vector<16xf32>
        %parallel_loop3A_1320 = arith.index_cast %parallel_loop3A_1315 : i32 to index
        %parallel_loop3A_1321 = arith.constant 192 : index
        %parallel_loop3A_1322 = tpu.vector_load %arg10[%parallel_loop3A_1320, %parallel_loop3A_1321] {strides = array<i32>} : memref<16x384xf32, #tpu.memory_space<vmem>>, vector<1x16xf32>,
        %parallel_loop3A_1323 = vector.shape_cast %parallel_loop3A_1322 : vector<1x16xf32> to vector<16xf32>
        %parallel_loop3A_1324 = arith.mulf %parallel_loop3A_1319, %parallel_loop3A_1323 : vector<16xf32>
        %parallel_loop3A_1325 = arith.select %gt3A_864, %parallel_loop3A_1319, %parallel_loop3A_1324 : vector<16xi1>, vector<16xf32>
        %parallel_loop3A_1326 = arith.index_cast %parallel_loop3A_1315 : i32 to index
        %parallel_loop3A_1327 = arith.constant 192 : index
        %parallel_loop3A_1328 = tpu.vector_load %arg12[%parallel_loop3A_1326, %parallel_loop3A_1327] {strides = array<i32>} : memref<16x384xf32, #tpu.memory_space<vmem>>, vector<1x16xf32>,
        %parallel_loop3A_1329 = vector.shape_cast %parallel_loop3A_1328 : vector<1x16xf32> to vector<16xf32>
        %parallel_loop3A_1330 = vector.shape_cast %parallel_loop3A_1325 : vector<16xf32> to vector<1x16xf32>
        tpu.vector_store %arg12[%parallel_loop3A_1326, %parallel_loop3A_1327], %parallel_loop3A_1330 {strides = array<i32>} : memref<16x384xf32, #tpu.memory_space<vmem>>, vector<1x16xf32>,
        %parallel_loop3A_1331 = arith.select %gt3A_868, %parallel_loop3A_1323, %parallel_loop3A_1324 : vector<16xi1>, vector<16xf32>
        %parallel_loop3A_1332 = arith.index_cast %parallel_loop3A_1315 : i32 to index
        %parallel_loop3A_1333 = arith.constant 192 : index
        %parallel_loop3A_1334 = tpu.vector_load %arg14[%parallel_loop3A_1332, %parallel_loop3A_1333] {strides = array<i32>} : memref<16x384xf32, #tpu.memory_space<vmem>>, vector<1x16xf32>,
        %parallel_loop3A_1335 = vector.shape_cast %parallel_loop3A_1334 : vector<1x16xf32> to vector<16xf32>
        %parallel_loop3A_1336 = vector.shape_cast %parallel_loop3A_1331 : vector<16xf32> to vector<1x16xf32>
        tpu.vector_store %arg14[%parallel_loop3A_1332, %parallel_loop3A_1333], %parallel_loop3A_1336 {strides = array<i32>} : memref<16x384xf32, #tpu.memory_space<vmem>>, vector<1x16xf32>,
      } {sc.loop_unroll_factor = 8 : i64, sc.parallel_access}
      %get3A_872 = arith.constant 208 : index
      %get3A_873 = tpu.vector_load %arg18[%get3A_872] {strides = array<i32>} : memref<384xf32, #tpu.memory_space<vmem>>, vector<16xf32>,
      %get3A_874 = vector.shape_cast %get3A_873 : vector<16xf32> to vector<16xf32>
      %gt3A_875 = arith.cmpf ogt, %get3A_874, %broadcast_in_dim3A_208 : vector<16xf32>
      %get3A_876 = arith.constant 208 : index
      %get3A_877 = tpu.vector_load %arg19[%get3A_876] {strides = array<i32>} : memref<384xf32, #tpu.memory_space<vmem>>, vector<16xf32>,
      %get3A_878 = vector.shape_cast %get3A_877 : vector<16xf32> to vector<16xf32>
      %gt3A_879 = arith.cmpf ogt, %get3A_878, %broadcast_in_dim3A_208 : vector<16xf32>
      %parallel_loop3A_880 = arith.constant 0 : i32
      %parallel_loop3A_881 = arith.constant 16 : i32
      %parallel_loop3A_882 = arith.constant 1 : i32
      scf.for %parallel_loop3A_1315 = %parallel_loop3A_880 to %parallel_loop3A_881 step %parallel_loop3A_882  : i32 {
        %parallel_loop3A_1316 = arith.index_cast %parallel_loop3A_1315 : i32 to index
        %parallel_loop3A_1317 = arith.constant 208 : index
        %parallel_loop3A_1318 = tpu.vector_load %arg8[%parallel_loop3A_1316, %parallel_loop3A_1317] {strides = array<i32>} : memref<16x384xf32, #tpu.memory_space<vmem>>, vector<1x16xf32>,
        %parallel_loop3A_1319 = vector.shape_cast %parallel_loop3A_1318 : vector<1x16xf32> to vector<16xf32>
        %parallel_loop3A_1320 = arith.index_cast %parallel_loop3A_1315 : i32 to index
        %parallel_loop3A_1321 = arith.constant 208 : index
        %parallel_loop3A_1322 = tpu.vector_load %arg10[%parallel_loop3A_1320, %parallel_loop3A_1321] {strides = array<i32>} : memref<16x384xf32, #tpu.memory_space<vmem>>, vector<1x16xf32>,
        %parallel_loop3A_1323 = vector.shape_cast %parallel_loop3A_1322 : vector<1x16xf32> to vector<16xf32>
        %parallel_loop3A_1324 = arith.mulf %parallel_loop3A_1319, %parallel_loop3A_1323 : vector<16xf32>
        %parallel_loop3A_1325 = arith.select %gt3A_875, %parallel_loop3A_1319, %parallel_loop3A_1324 : vector<16xi1>, vector<16xf32>
        %parallel_loop3A_1326 = arith.index_cast %parallel_loop3A_1315 : i32 to index
        %parallel_loop3A_1327 = arith.constant 208 : index
        %parallel_loop3A_1328 = tpu.vector_load %arg12[%parallel_loop3A_1326, %parallel_loop3A_1327] {strides = array<i32>} : memref<16x384xf32, #tpu.memory_space<vmem>>, vector<1x16xf32>,
        %parallel_loop3A_1329 = vector.shape_cast %parallel_loop3A_1328 : vector<1x16xf32> to vector<16xf32>
        %parallel_loop3A_1330 = vector.shape_cast %parallel_loop3A_1325 : vector<16xf32> to vector<1x16xf32>
        tpu.vector_store %arg12[%parallel_loop3A_1326, %parallel_loop3A_1327], %parallel_loop3A_1330 {strides = array<i32>} : memref<16x384xf32, #tpu.memory_space<vmem>>, vector<1x16xf32>,
        %parallel_loop3A_1331 = arith.select %gt3A_879, %parallel_loop3A_1323, %parallel_loop3A_1324 : vector<16xi1>, vector<16xf32>
        %parallel_loop3A_1332 = arith.index_cast %parallel_loop3A_1315 : i32 to index
        %parallel_loop3A_1333 = arith.constant 208 : index
        %parallel_loop3A_1334 = tpu.vector_load %arg14[%parallel_loop3A_1332, %parallel_loop3A_1333] {strides = array<i32>} : memref<16x384xf32, #tpu.memory_space<vmem>>, vector<1x16xf32>,
        %parallel_loop3A_1335 = vector.shape_cast %parallel_loop3A_1334 : vector<1x16xf32> to vector<16xf32>
        %parallel_loop3A_1336 = vector.shape_cast %parallel_loop3A_1331 : vector<16xf32> to vector<1x16xf32>
        tpu.vector_store %arg14[%parallel_loop3A_1332, %parallel_loop3A_1333], %parallel_loop3A_1336 {strides = array<i32>} : memref<16x384xf32, #tpu.memory_space<vmem>>, vector<1x16xf32>,
      } {sc.loop_unroll_factor = 8 : i64, sc.parallel_access}
      %get3A_883 = arith.constant 224 : index
      %get3A_884 = tpu.vector_load %arg18[%get3A_883] {strides = array<i32>} : memref<384xf32, #tpu.memory_space<vmem>>, vector<16xf32>,
      %get3A_885 = vector.shape_cast %get3A_884 : vector<16xf32> to vector<16xf32>
      %gt3A_886 = arith.cmpf ogt, %get3A_885, %broadcast_in_dim3A_208 : vector<16xf32>
      %get3A_887 = arith.constant 224 : index
      %get3A_888 = tpu.vector_load %arg19[%get3A_887] {strides = array<i32>} : memref<384xf32, #tpu.memory_space<vmem>>, vector<16xf32>,
      %get3A_889 = vector.shape_cast %get3A_888 : vector<16xf32> to vector<16xf32>
      %gt3A_890 = arith.cmpf ogt, %get3A_889, %broadcast_in_dim3A_208 : vector<16xf32>
      %parallel_loop3A_891 = arith.constant 0 : i32
      %parallel_loop3A_892 = arith.constant 16 : i32
      %parallel_loop3A_893 = arith.constant 1 : i32
      scf.for %parallel_loop3A_1315 = %parallel_loop3A_891 to %parallel_loop3A_892 step %parallel_loop3A_893  : i32 {
        %parallel_loop3A_1316 = arith.index_cast %parallel_loop3A_1315 : i32 to index
        %parallel_loop3A_1317 = arith.constant 224 : index
        %parallel_loop3A_1318 = tpu.vector_load %arg8[%parallel_loop3A_1316, %parallel_loop3A_1317] {strides = array<i32>} : memref<16x384xf32, #tpu.memory_space<vmem>>, vector<1x16xf32>,
        %parallel_loop3A_1319 = vector.shape_cast %parallel_loop3A_1318 : vector<1x16xf32> to vector<16xf32>
        %parallel_loop3A_1320 = arith.index_cast %parallel_loop3A_1315 : i32 to index
        %parallel_loop3A_1321 = arith.constant 224 : index
        %parallel_loop3A_1322 = tpu.vector_load %arg10[%parallel_loop3A_1320, %parallel_loop3A_1321] {strides = array<i32>} : memref<16x384xf32, #tpu.memory_space<vmem>>, vector<1x16xf32>,
        %parallel_loop3A_1323 = vector.shape_cast %parallel_loop3A_1322 : vector<1x16xf32> to vector<16xf32>
        %parallel_loop3A_1324 = arith.mulf %parallel_loop3A_1319, %parallel_loop3A_1323 : vector<16xf32>
        %parallel_loop3A_1325 = arith.select %gt3A_886, %parallel_loop3A_1319, %parallel_loop3A_1324 : vector<16xi1>, vector<16xf32>
        %parallel_loop3A_1326 = arith.index_cast %parallel_loop3A_1315 : i32 to index
        %parallel_loop3A_1327 = arith.constant 224 : index
        %parallel_loop3A_1328 = tpu.vector_load %arg12[%parallel_loop3A_1326, %parallel_loop3A_1327] {strides = array<i32>} : memref<16x384xf32, #tpu.memory_space<vmem>>, vector<1x16xf32>,
        %parallel_loop3A_1329 = vector.shape_cast %parallel_loop3A_1328 : vector<1x16xf32> to vector<16xf32>
        %parallel_loop3A_1330 = vector.shape_cast %parallel_loop3A_1325 : vector<16xf32> to vector<1x16xf32>
        tpu.vector_store %arg12[%parallel_loop3A_1326, %parallel_loop3A_1327], %parallel_loop3A_1330 {strides = array<i32>} : memref<16x384xf32, #tpu.memory_space<vmem>>, vector<1x16xf32>,
        %parallel_loop3A_1331 = arith.select %gt3A_890, %parallel_loop3A_1323, %parallel_loop3A_1324 : vector<16xi1>, vector<16xf32>
        %parallel_loop3A_1332 = arith.index_cast %parallel_loop3A_1315 : i32 to index
        %parallel_loop3A_1333 = arith.constant 224 : index
        %parallel_loop3A_1334 = tpu.vector_load %arg14[%parallel_loop3A_1332, %parallel_loop3A_1333] {strides = array<i32>} : memref<16x384xf32, #tpu.memory_space<vmem>>, vector<1x16xf32>,
        %parallel_loop3A_1335 = vector.shape_cast %parallel_loop3A_1334 : vector<1x16xf32> to vector<16xf32>
        %parallel_loop3A_1336 = vector.shape_cast %parallel_loop3A_1331 : vector<16xf32> to vector<1x16xf32>
        tpu.vector_store %arg14[%parallel_loop3A_1332, %parallel_loop3A_1333], %parallel_loop3A_1336 {strides = array<i32>} : memref<16x384xf32, #tpu.memory_space<vmem>>, vector<1x16xf32>,
      } {sc.loop_unroll_factor = 8 : i64, sc.parallel_access}
      %get3A_894 = arith.constant 240 : index
      %get3A_895 = tpu.vector_load %arg18[%get3A_894] {strides = array<i32>} : memref<384xf32, #tpu.memory_space<vmem>>, vector<16xf32>,
      %get3A_896 = vector.shape_cast %get3A_895 : vector<16xf32> to vector<16xf32>
      %gt3A_897 = arith.cmpf ogt, %get3A_896, %broadcast_in_dim3A_208 : vector<16xf32>
      %get3A_898 = arith.constant 240 : index
      %get3A_899 = tpu.vector_load %arg19[%get3A_898] {strides = array<i32>} : memref<384xf32, #tpu.memory_space<vmem>>, vector<16xf32>,
      %get3A_900 = vector.shape_cast %get3A_899 : vector<16xf32> to vector<16xf32>
      %gt3A_901 = arith.cmpf ogt, %get3A_900, %broadcast_in_dim3A_208 : vector<16xf32>
      %parallel_loop3A_902 = arith.constant 0 : i32
      %parallel_loop3A_903 = arith.constant 16 : i32
      %parallel_loop3A_904 = arith.constant 1 : i32
      scf.for %parallel_loop3A_1315 = %parallel_loop3A_902 to %parallel_loop3A_903 step %parallel_loop3A_904  : i32 {
        %parallel_loop3A_1316 = arith.index_cast %parallel_loop3A_1315 : i32 to index
        %parallel_loop3A_1317 = arith.constant 240 : index
        %parallel_loop3A_1318 = tpu.vector_load %arg8[%parallel_loop3A_1316, %parallel_loop3A_1317] {strides = array<i32>} : memref<16x384xf32, #tpu.memory_space<vmem>>, vector<1x16xf32>,
        %parallel_loop3A_1319 = vector.shape_cast %parallel_loop3A_1318 : vector<1x16xf32> to vector<16xf32>
        %parallel_loop3A_1320 = arith.index_cast %parallel_loop3A_1315 : i32 to index
        %parallel_loop3A_1321 = arith.constant 240 : index
        %parallel_loop3A_1322 = tpu.vector_load %arg10[%parallel_loop3A_1320, %parallel_loop3A_1321] {strides = array<i32>} : memref<16x384xf32, #tpu.memory_space<vmem>>, vector<1x16xf32>,
        %parallel_loop3A_1323 = vector.shape_cast %parallel_loop3A_1322 : vector<1x16xf32> to vector<16xf32>
        %parallel_loop3A_1324 = arith.mulf %parallel_loop3A_1319, %parallel_loop3A_1323 : vector<16xf32>
        %parallel_loop3A_1325 = arith.select %gt3A_897, %parallel_loop3A_1319, %parallel_loop3A_1324 : vector<16xi1>, vector<16xf32>
        %parallel_loop3A_1326 = arith.index_cast %parallel_loop3A_1315 : i32 to index
        %parallel_loop3A_1327 = arith.constant 240 : index
        %parallel_loop3A_1328 = tpu.vector_load %arg12[%parallel_loop3A_1326, %parallel_loop3A_1327] {strides = array<i32>} : memref<16x384xf32, #tpu.memory_space<vmem>>, vector<1x16xf32>,
        %parallel_loop3A_1329 = vector.shape_cast %parallel_loop3A_1328 : vector<1x16xf32> to vector<16xf32>
        %parallel_loop3A_1330 = vector.shape_cast %parallel_loop3A_1325 : vector<16xf32> to vector<1x16xf32>
        tpu.vector_store %arg12[%parallel_loop3A_1326, %parallel_loop3A_1327], %parallel_loop3A_1330 {strides = array<i32>} : memref<16x384xf32, #tpu.memory_space<vmem>>, vector<1x16xf32>,
        %parallel_loop3A_1331 = arith.select %gt3A_901, %parallel_loop3A_1323, %parallel_loop3A_1324 : vector<16xi1>, vector<16xf32>
        %parallel_loop3A_1332 = arith.index_cast %parallel_loop3A_1315 : i32 to index
        %parallel_loop3A_1333 = arith.constant 240 : index
        %parallel_loop3A_1334 = tpu.vector_load %arg14[%parallel_loop3A_1332, %parallel_loop3A_1333] {strides = array<i32>} : memref<16x384xf32, #tpu.memory_space<vmem>>, vector<1x16xf32>,
        %parallel_loop3A_1335 = vector.shape_cast %parallel_loop3A_1334 : vector<1x16xf32> to vector<16xf32>
        %parallel_loop3A_1336 = vector.shape_cast %parallel_loop3A_1331 : vector<16xf32> to vector<1x16xf32>
        tpu.vector_store %arg14[%parallel_loop3A_1332, %parallel_loop3A_1333], %parallel_loop3A_1336 {strides = array<i32>} : memref<16x384xf32, #tpu.memory_space<vmem>>, vector<1x16xf32>,
      } {sc.loop_unroll_factor = 8 : i64, sc.parallel_access}
      %get3A_905 = arith.constant 256 : index
      %get3A_906 = tpu.vector_load %arg18[%get3A_905] {strides = array<i32>} : memref<384xf32, #tpu.memory_space<vmem>>, vector<16xf32>,
      %get3A_907 = vector.shape_cast %get3A_906 : vector<16xf32> to vector<16xf32>
      %gt3A_908 = arith.cmpf ogt, %get3A_907, %broadcast_in_dim3A_208 : vector<16xf32>
      %get3A_909 = arith.constant 256 : index
      %get3A_910 = tpu.vector_load %arg19[%get3A_909] {strides = array<i32>} : memref<384xf32, #tpu.memory_space<vmem>>, vector<16xf32>,
      %get3A_911 = vector.shape_cast %get3A_910 : vector<16xf32> to vector<16xf32>
      %gt3A_912 = arith.cmpf ogt, %get3A_911, %broadcast_in_dim3A_208 : vector<16xf32>
      %parallel_loop3A_913 = arith.constant 0 : i32
      %parallel_loop3A_914 = arith.constant 16 : i32
      %parallel_loop3A_915 = arith.constant 1 : i32
      scf.for %parallel_loop3A_1315 = %parallel_loop3A_913 to %parallel_loop3A_914 step %parallel_loop3A_915  : i32 {
        %parallel_loop3A_1316 = arith.index_cast %parallel_loop3A_1315 : i32 to index
        %parallel_loop3A_1317 = arith.constant 256 : index
        %parallel_loop3A_1318 = tpu.vector_load %arg8[%parallel_loop3A_1316, %parallel_loop3A_1317] {strides = array<i32>} : memref<16x384xf32, #tpu.memory_space<vmem>>, vector<1x16xf32>,
        %parallel_loop3A_1319 = vector.shape_cast %parallel_loop3A_1318 : vector<1x16xf32> to vector<16xf32>
        %parallel_loop3A_1320 = arith.index_cast %parallel_loop3A_1315 : i32 to index
        %parallel_loop3A_1321 = arith.constant 256 : index
        %parallel_loop3A_1322 = tpu.vector_load %arg10[%parallel_loop3A_1320, %parallel_loop3A_1321] {strides = array<i32>} : memref<16x384xf32, #tpu.memory_space<vmem>>, vector<1x16xf32>,
        %parallel_loop3A_1323 = vector.shape_cast %parallel_loop3A_1322 : vector<1x16xf32> to vector<16xf32>
        %parallel_loop3A_1324 = arith.mulf %parallel_loop3A_1319, %parallel_loop3A_1323 : vector<16xf32>
        %parallel_loop3A_1325 = arith.select %gt3A_908, %parallel_loop3A_1319, %parallel_loop3A_1324 : vector<16xi1>, vector<16xf32>
        %parallel_loop3A_1326 = arith.index_cast %parallel_loop3A_1315 : i32 to index
        %parallel_loop3A_1327 = arith.constant 256 : index
        %parallel_loop3A_1328 = tpu.vector_load %arg12[%parallel_loop3A_1326, %parallel_loop3A_1327] {strides = array<i32>} : memref<16x384xf32, #tpu.memory_space<vmem>>, vector<1x16xf32>,
        %parallel_loop3A_1329 = vector.shape_cast %parallel_loop3A_1328 : vector<1x16xf32> to vector<16xf32>
        %parallel_loop3A_1330 = vector.shape_cast %parallel_loop3A_1325 : vector<16xf32> to vector<1x16xf32>
        tpu.vector_store %arg12[%parallel_loop3A_1326, %parallel_loop3A_1327], %parallel_loop3A_1330 {strides = array<i32>} : memref<16x384xf32, #tpu.memory_space<vmem>>, vector<1x16xf32>,
        %parallel_loop3A_1331 = arith.select %gt3A_912, %parallel_loop3A_1323, %parallel_loop3A_1324 : vector<16xi1>, vector<16xf32>
        %parallel_loop3A_1332 = arith.index_cast %parallel_loop3A_1315 : i32 to index
        %parallel_loop3A_1333 = arith.constant 256 : index
        %parallel_loop3A_1334 = tpu.vector_load %arg14[%parallel_loop3A_1332, %parallel_loop3A_1333] {strides = array<i32>} : memref<16x384xf32, #tpu.memory_space<vmem>>, vector<1x16xf32>,
        %parallel_loop3A_1335 = vector.shape_cast %parallel_loop3A_1334 : vector<1x16xf32> to vector<16xf32>
        %parallel_loop3A_1336 = vector.shape_cast %parallel_loop3A_1331 : vector<16xf32> to vector<1x16xf32>
        tpu.vector_store %arg14[%parallel_loop3A_1332, %parallel_loop3A_1333], %parallel_loop3A_1336 {strides = array<i32>} : memref<16x384xf32, #tpu.memory_space<vmem>>, vector<1x16xf32>,
      } {sc.loop_unroll_factor = 8 : i64, sc.parallel_access}
      %get3A_916 = arith.constant 272 : index
      %get3A_917 = tpu.vector_load %arg18[%get3A_916] {strides = array<i32>} : memref<384xf32, #tpu.memory_space<vmem>>, vector<16xf32>,
      %get3A_918 = vector.shape_cast %get3A_917 : vector<16xf32> to vector<16xf32>
      %gt3A_919 = arith.cmpf ogt, %get3A_918, %broadcast_in_dim3A_208 : vector<16xf32>
      %get3A_920 = arith.constant 272 : index
      %get3A_921 = tpu.vector_load %arg19[%get3A_920] {strides = array<i32>} : memref<384xf32, #tpu.memory_space<vmem>>, vector<16xf32>,
      %get3A_922 = vector.shape_cast %get3A_921 : vector<16xf32> to vector<16xf32>
      %gt3A_923 = arith.cmpf ogt, %get3A_922, %broadcast_in_dim3A_208 : vector<16xf32>
      %parallel_loop3A_924 = arith.constant 0 : i32
      %parallel_loop3A_925 = arith.constant 16 : i32
      %parallel_loop3A_926 = arith.constant 1 : i32
      scf.for %parallel_loop3A_1315 = %parallel_loop3A_924 to %parallel_loop3A_925 step %parallel_loop3A_926  : i32 {
        %parallel_loop3A_1316 = arith.index_cast %parallel_loop3A_1315 : i32 to index
        %parallel_loop3A_1317 = arith.constant 272 : index
        %parallel_loop3A_1318 = tpu.vector_load %arg8[%parallel_loop3A_1316, %parallel_loop3A_1317] {strides = array<i32>} : memref<16x384xf32, #tpu.memory_space<vmem>>, vector<1x16xf32>,
        %parallel_loop3A_1319 = vector.shape_cast %parallel_loop3A_1318 : vector<1x16xf32> to vector<16xf32>
        %parallel_loop3A_1320 = arith.index_cast %parallel_loop3A_1315 : i32 to index
        %parallel_loop3A_1321 = arith.constant 272 : index
        %parallel_loop3A_1322 = tpu.vector_load %arg10[%parallel_loop3A_1320, %parallel_loop3A_1321] {strides = array<i32>} : memref<16x384xf32, #tpu.memory_space<vmem>>, vector<1x16xf32>,
        %parallel_loop3A_1323 = vector.shape_cast %parallel_loop3A_1322 : vector<1x16xf32> to vector<16xf32>
        %parallel_loop3A_1324 = arith.mulf %parallel_loop3A_1319, %parallel_loop3A_1323 : vector<16xf32>
        %parallel_loop3A_1325 = arith.select %gt3A_919, %parallel_loop3A_1319, %parallel_loop3A_1324 : vector<16xi1>, vector<16xf32>
        %parallel_loop3A_1326 = arith.index_cast %parallel_loop3A_1315 : i32 to index
        %parallel_loop3A_1327 = arith.constant 272 : index
        %parallel_loop3A_1328 = tpu.vector_load %arg12[%parallel_loop3A_1326, %parallel_loop3A_1327] {strides = array<i32>} : memref<16x384xf32, #tpu.memory_space<vmem>>, vector<1x16xf32>,
        %parallel_loop3A_1329 = vector.shape_cast %parallel_loop3A_1328 : vector<1x16xf32> to vector<16xf32>
        %parallel_loop3A_1330 = vector.shape_cast %parallel_loop3A_1325 : vector<16xf32> to vector<1x16xf32>
        tpu.vector_store %arg12[%parallel_loop3A_1326, %parallel_loop3A_1327], %parallel_loop3A_1330 {strides = array<i32>} : memref<16x384xf32, #tpu.memory_space<vmem>>, vector<1x16xf32>,
        %parallel_loop3A_1331 = arith.select %gt3A_923, %parallel_loop3A_1323, %parallel_loop3A_1324 : vector<16xi1>, vector<16xf32>
        %parallel_loop3A_1332 = arith.index_cast %parallel_loop3A_1315 : i32 to index
        %parallel_loop3A_1333 = arith.constant 272 : index
        %parallel_loop3A_1334 = tpu.vector_load %arg14[%parallel_loop3A_1332, %parallel_loop3A_1333] {strides = array<i32>} : memref<16x384xf32, #tpu.memory_space<vmem>>, vector<1x16xf32>,
        %parallel_loop3A_1335 = vector.shape_cast %parallel_loop3A_1334 : vector<1x16xf32> to vector<16xf32>
        %parallel_loop3A_1336 = vector.shape_cast %parallel_loop3A_1331 : vector<16xf32> to vector<1x16xf32>
        tpu.vector_store %arg14[%parallel_loop3A_1332, %parallel_loop3A_1333], %parallel_loop3A_1336 {strides = array<i32>} : memref<16x384xf32, #tpu.memory_space<vmem>>, vector<1x16xf32>,
      } {sc.loop_unroll_factor = 8 : i64, sc.parallel_access}
      %get3A_927 = arith.constant 288 : index
      %get3A_928 = tpu.vector_load %arg18[%get3A_927] {strides = array<i32>} : memref<384xf32, #tpu.memory_space<vmem>>, vector<16xf32>,
      %get3A_929 = vector.shape_cast %get3A_928 : vector<16xf32> to vector<16xf32>
      %gt3A_930 = arith.cmpf ogt, %get3A_929, %broadcast_in_dim3A_208 : vector<16xf32>
      %get3A_931 = arith.constant 288 : index
      %get3A_932 = tpu.vector_load %arg19[%get3A_931] {strides = array<i32>} : memref<384xf32, #tpu.memory_space<vmem>>, vector<16xf32>,
      %get3A_933 = vector.shape_cast %get3A_932 : vector<16xf32> to vector<16xf32>
      %gt3A_934 = arith.cmpf ogt, %get3A_933, %broadcast_in_dim3A_208 : vector<16xf32>
      %parallel_loop3A_935 = arith.constant 0 : i32
      %parallel_loop3A_936 = arith.constant 16 : i32
      %parallel_loop3A_937 = arith.constant 1 : i32
      scf.for %parallel_loop3A_1315 = %parallel_loop3A_935 to %parallel_loop3A_936 step %parallel_loop3A_937  : i32 {
        %parallel_loop3A_1316 = arith.index_cast %parallel_loop3A_1315 : i32 to index
        %parallel_loop3A_1317 = arith.constant 288 : index
        %parallel_loop3A_1318 = tpu.vector_load %arg8[%parallel_loop3A_1316, %parallel_loop3A_1317] {strides = array<i32>} : memref<16x384xf32, #tpu.memory_space<vmem>>, vector<1x16xf32>,
        %parallel_loop3A_1319 = vector.shape_cast %parallel_loop3A_1318 : vector<1x16xf32> to vector<16xf32>
        %parallel_loop3A_1320 = arith.index_cast %parallel_loop3A_1315 : i32 to index
        %parallel_loop3A_1321 = arith.constant 288 : index
        %parallel_loop3A_1322 = tpu.vector_load %arg10[%parallel_loop3A_1320, %parallel_loop3A_1321] {strides = array<i32>} : memref<16x384xf32, #tpu.memory_space<vmem>>, vector<1x16xf32>,
        %parallel_loop3A_1323 = vector.shape_cast %parallel_loop3A_1322 : vector<1x16xf32> to vector<16xf32>
        %parallel_loop3A_1324 = arith.mulf %parallel_loop3A_1319, %parallel_loop3A_1323 : vector<16xf32>
        %parallel_loop3A_1325 = arith.select %gt3A_930, %parallel_loop3A_1319, %parallel_loop3A_1324 : vector<16xi1>, vector<16xf32>
        %parallel_loop3A_1326 = arith.index_cast %parallel_loop3A_1315 : i32 to index
        %parallel_loop3A_1327 = arith.constant 288 : index
        %parallel_loop3A_1328 = tpu.vector_load %arg12[%parallel_loop3A_1326, %parallel_loop3A_1327] {strides = array<i32>} : memref<16x384xf32, #tpu.memory_space<vmem>>, vector<1x16xf32>,
        %parallel_loop3A_1329 = vector.shape_cast %parallel_loop3A_1328 : vector<1x16xf32> to vector<16xf32>
        %parallel_loop3A_1330 = vector.shape_cast %parallel_loop3A_1325 : vector<16xf32> to vector<1x16xf32>
        tpu.vector_store %arg12[%parallel_loop3A_1326, %parallel_loop3A_1327], %parallel_loop3A_1330 {strides = array<i32>} : memref<16x384xf32, #tpu.memory_space<vmem>>, vector<1x16xf32>,
        %parallel_loop3A_1331 = arith.select %gt3A_934, %parallel_loop3A_1323, %parallel_loop3A_1324 : vector<16xi1>, vector<16xf32>
        %parallel_loop3A_1332 = arith.index_cast %parallel_loop3A_1315 : i32 to index
        %parallel_loop3A_1333 = arith.constant 288 : index
        %parallel_loop3A_1334 = tpu.vector_load %arg14[%parallel_loop3A_1332, %parallel_loop3A_1333] {strides = array<i32>} : memref<16x384xf32, #tpu.memory_space<vmem>>, vector<1x16xf32>,
        %parallel_loop3A_1335 = vector.shape_cast %parallel_loop3A_1334 : vector<1x16xf32> to vector<16xf32>
        %parallel_loop3A_1336 = vector.shape_cast %parallel_loop3A_1331 : vector<16xf32> to vector<1x16xf32>
        tpu.vector_store %arg14[%parallel_loop3A_1332, %parallel_loop3A_1333], %parallel_loop3A_1336 {strides = array<i32>} : memref<16x384xf32, #tpu.memory_space<vmem>>, vector<1x16xf32>,
      } {sc.loop_unroll_factor = 8 : i64, sc.parallel_access}
      %get3A_938 = arith.constant 304 : index
      %get3A_939 = tpu.vector_load %arg18[%get3A_938] {strides = array<i32>} : memref<384xf32, #tpu.memory_space<vmem>>, vector<16xf32>,
      %get3A_940 = vector.shape_cast %get3A_939 : vector<16xf32> to vector<16xf32>
      %gt3A_941 = arith.cmpf ogt, %get3A_940, %broadcast_in_dim3A_208 : vector<16xf32>
      %get3A_942 = arith.constant 304 : index
      %get3A_943 = tpu.vector_load %arg19[%get3A_942] {strides = array<i32>} : memref<384xf32, #tpu.memory_space<vmem>>, vector<16xf32>,
      %get3A_944 = vector.shape_cast %get3A_943 : vector<16xf32> to vector<16xf32>
      %gt3A_945 = arith.cmpf ogt, %get3A_944, %broadcast_in_dim3A_208 : vector<16xf32>
      %parallel_loop3A_946 = arith.constant 0 : i32
      %parallel_loop3A_947 = arith.constant 16 : i32
      %parallel_loop3A_948 = arith.constant 1 : i32
      scf.for %parallel_loop3A_1315 = %parallel_loop3A_946 to %parallel_loop3A_947 step %parallel_loop3A_948  : i32 {
        %parallel_loop3A_1316 = arith.index_cast %parallel_loop3A_1315 : i32 to index
        %parallel_loop3A_1317 = arith.constant 304 : index
        %parallel_loop3A_1318 = tpu.vector_load %arg8[%parallel_loop3A_1316, %parallel_loop3A_1317] {strides = array<i32>} : memref<16x384xf32, #tpu.memory_space<vmem>>, vector<1x16xf32>,
        %parallel_loop3A_1319 = vector.shape_cast %parallel_loop3A_1318 : vector<1x16xf32> to vector<16xf32>
        %parallel_loop3A_1320 = arith.index_cast %parallel_loop3A_1315 : i32 to index
        %parallel_loop3A_1321 = arith.constant 304 : index
        %parallel_loop3A_1322 = tpu.vector_load %arg10[%parallel_loop3A_1320, %parallel_loop3A_1321] {strides = array<i32>} : memref<16x384xf32, #tpu.memory_space<vmem>>, vector<1x16xf32>,
        %parallel_loop3A_1323 = vector.shape_cast %parallel_loop3A_1322 : vector<1x16xf32> to vector<16xf32>
        %parallel_loop3A_1324 = arith.mulf %parallel_loop3A_1319, %parallel_loop3A_1323 : vector<16xf32>
        %parallel_loop3A_1325 = arith.select %gt3A_941, %parallel_loop3A_1319, %parallel_loop3A_1324 : vector<16xi1>, vector<16xf32>
        %parallel_loop3A_1326 = arith.index_cast %parallel_loop3A_1315 : i32 to index
        %parallel_loop3A_1327 = arith.constant 304 : index
        %parallel_loop3A_1328 = tpu.vector_load %arg12[%parallel_loop3A_1326, %parallel_loop3A_1327] {strides = array<i32>} : memref<16x384xf32, #tpu.memory_space<vmem>>, vector<1x16xf32>,
        %parallel_loop3A_1329 = vector.shape_cast %parallel_loop3A_1328 : vector<1x16xf32> to vector<16xf32>
        %parallel_loop3A_1330 = vector.shape_cast %parallel_loop3A_1325 : vector<16xf32> to vector<1x16xf32>
        tpu.vector_store %arg12[%parallel_loop3A_1326, %parallel_loop3A_1327], %parallel_loop3A_1330 {strides = array<i32>} : memref<16x384xf32, #tpu.memory_space<vmem>>, vector<1x16xf32>,
        %parallel_loop3A_1331 = arith.select %gt3A_945, %parallel_loop3A_1323, %parallel_loop3A_1324 : vector<16xi1>, vector<16xf32>
        %parallel_loop3A_1332 = arith.index_cast %parallel_loop3A_1315 : i32 to index
        %parallel_loop3A_1333 = arith.constant 304 : index
        %parallel_loop3A_1334 = tpu.vector_load %arg14[%parallel_loop3A_1332, %parallel_loop3A_1333] {strides = array<i32>} : memref<16x384xf32, #tpu.memory_space<vmem>>, vector<1x16xf32>,
        %parallel_loop3A_1335 = vector.shape_cast %parallel_loop3A_1334 : vector<1x16xf32> to vector<16xf32>
        %parallel_loop3A_1336 = vector.shape_cast %parallel_loop3A_1331 : vector<16xf32> to vector<1x16xf32>
        tpu.vector_store %arg14[%parallel_loop3A_1332, %parallel_loop3A_1333], %parallel_loop3A_1336 {strides = array<i32>} : memref<16x384xf32, #tpu.memory_space<vmem>>, vector<1x16xf32>,
      } {sc.loop_unroll_factor = 8 : i64, sc.parallel_access}
      %get3A_949 = arith.constant 320 : index
      %get3A_950 = tpu.vector_load %arg18[%get3A_949] {strides = array<i32>} : memref<384xf32, #tpu.memory_space<vmem>>, vector<16xf32>,
      %get3A_951 = vector.shape_cast %get3A_950 : vector<16xf32> to vector<16xf32>
      %gt3A_952 = arith.cmpf ogt, %get3A_951, %broadcast_in_dim3A_208 : vector<16xf32>
      %get3A_953 = arith.constant 320 : index
      %get3A_954 = tpu.vector_load %arg19[%get3A_953] {strides = array<i32>} : memref<384xf32, #tpu.memory_space<vmem>>, vector<16xf32>,
      %get3A_955 = vector.shape_cast %get3A_954 : vector<16xf32> to vector<16xf32>
      %gt3A_956 = arith.cmpf ogt, %get3A_955, %broadcast_in_dim3A_208 : vector<16xf32>
      %parallel_loop3A_957 = arith.constant 0 : i32
      %parallel_loop3A_958 = arith.constant 16 : i32
      %parallel_loop3A_959 = arith.constant 1 : i32
      scf.for %parallel_loop3A_1315 = %parallel_loop3A_957 to %parallel_loop3A_958 step %parallel_loop3A_959  : i32 {
        %parallel_loop3A_1316 = arith.index_cast %parallel_loop3A_1315 : i32 to index
        %parallel_loop3A_1317 = arith.constant 320 : index
        %parallel_loop3A_1318 = tpu.vector_load %arg8[%parallel_loop3A_1316, %parallel_loop3A_1317] {strides = array<i32>} : memref<16x384xf32, #tpu.memory_space<vmem>>, vector<1x16xf32>,
        %parallel_loop3A_1319 = vector.shape_cast %parallel_loop3A_1318 : vector<1x16xf32> to vector<16xf32>
        %parallel_loop3A_1320 = arith.index_cast %parallel_loop3A_1315 : i32 to index
        %parallel_loop3A_1321 = arith.constant 320 : index
        %parallel_loop3A_1322 = tpu.vector_load %arg10[%parallel_loop3A_1320, %parallel_loop3A_1321] {strides = array<i32>} : memref<16x384xf32, #tpu.memory_space<vmem>>, vector<1x16xf32>,
        %parallel_loop3A_1323 = vector.shape_cast %parallel_loop3A_1322 : vector<1x16xf32> to vector<16xf32>
        %parallel_loop3A_1324 = arith.mulf %parallel_loop3A_1319, %parallel_loop3A_1323 : vector<16xf32>
        %parallel_loop3A_1325 = arith.select %gt3A_952, %parallel_loop3A_1319, %parallel_loop3A_1324 : vector<16xi1>, vector<16xf32>
        %parallel_loop3A_1326 = arith.index_cast %parallel_loop3A_1315 : i32 to index
        %parallel_loop3A_1327 = arith.constant 320 : index
        %parallel_loop3A_1328 = tpu.vector_load %arg12[%parallel_loop3A_1326, %parallel_loop3A_1327] {strides = array<i32>} : memref<16x384xf32, #tpu.memory_space<vmem>>, vector<1x16xf32>,
        %parallel_loop3A_1329 = vector.shape_cast %parallel_loop3A_1328 : vector<1x16xf32> to vector<16xf32>
        %parallel_loop3A_1330 = vector.shape_cast %parallel_loop3A_1325 : vector<16xf32> to vector<1x16xf32>
        tpu.vector_store %arg12[%parallel_loop3A_1326, %parallel_loop3A_1327], %parallel_loop3A_1330 {strides = array<i32>} : memref<16x384xf32, #tpu.memory_space<vmem>>, vector<1x16xf32>,
        %parallel_loop3A_1331 = arith.select %gt3A_956, %parallel_loop3A_1323, %parallel_loop3A_1324 : vector<16xi1>, vector<16xf32>
        %parallel_loop3A_1332 = arith.index_cast %parallel_loop3A_1315 : i32 to index
        %parallel_loop3A_1333 = arith.constant 320 : index
        %parallel_loop3A_1334 = tpu.vector_load %arg14[%parallel_loop3A_1332, %parallel_loop3A_1333] {strides = array<i32>} : memref<16x384xf32, #tpu.memory_space<vmem>>, vector<1x16xf32>,
        %parallel_loop3A_1335 = vector.shape_cast %parallel_loop3A_1334 : vector<1x16xf32> to vector<16xf32>
        %parallel_loop3A_1336 = vector.shape_cast %parallel_loop3A_1331 : vector<16xf32> to vector<1x16xf32>
        tpu.vector_store %arg14[%parallel_loop3A_1332, %parallel_loop3A_1333], %parallel_loop3A_1336 {strides = array<i32>} : memref<16x384xf32, #tpu.memory_space<vmem>>, vector<1x16xf32>,
      } {sc.loop_unroll_factor = 8 : i64, sc.parallel_access}
      %get3A_960 = arith.constant 336 : index
      %get3A_961 = tpu.vector_load %arg18[%get3A_960] {strides = array<i32>} : memref<384xf32, #tpu.memory_space<vmem>>, vector<16xf32>,
      %get3A_962 = vector.shape_cast %get3A_961 : vector<16xf32> to vector<16xf32>
      %gt3A_963 = arith.cmpf ogt, %get3A_962, %broadcast_in_dim3A_208 : vector<16xf32>
      %get3A_964 = arith.constant 336 : index
      %get3A_965 = tpu.vector_load %arg19[%get3A_964] {strides = array<i32>} : memref<384xf32, #tpu.memory_space<vmem>>, vector<16xf32>,
      %get3A_966 = vector.shape_cast %get3A_965 : vector<16xf32> to vector<16xf32>
      %gt3A_967 = arith.cmpf ogt, %get3A_966, %broadcast_in_dim3A_208 : vector<16xf32>
      %parallel_loop3A_968 = arith.constant 0 : i32
      %parallel_loop3A_969 = arith.constant 16 : i32
      %parallel_loop3A_970 = arith.constant 1 : i32
      scf.for %parallel_loop3A_1315 = %parallel_loop3A_968 to %parallel_loop3A_969 step %parallel_loop3A_970  : i32 {
        %parallel_loop3A_1316 = arith.index_cast %parallel_loop3A_1315 : i32 to index
        %parallel_loop3A_1317 = arith.constant 336 : index
        %parallel_loop3A_1318 = tpu.vector_load %arg8[%parallel_loop3A_1316, %parallel_loop3A_1317] {strides = array<i32>} : memref<16x384xf32, #tpu.memory_space<vmem>>, vector<1x16xf32>,
        %parallel_loop3A_1319 = vector.shape_cast %parallel_loop3A_1318 : vector<1x16xf32> to vector<16xf32>
        %parallel_loop3A_1320 = arith.index_cast %parallel_loop3A_1315 : i32 to index
        %parallel_loop3A_1321 = arith.constant 336 : index
        %parallel_loop3A_1322 = tpu.vector_load %arg10[%parallel_loop3A_1320, %parallel_loop3A_1321] {strides = array<i32>} : memref<16x384xf32, #tpu.memory_space<vmem>>, vector<1x16xf32>,
        %parallel_loop3A_1323 = vector.shape_cast %parallel_loop3A_1322 : vector<1x16xf32> to vector<16xf32>
        %parallel_loop3A_1324 = arith.mulf %parallel_loop3A_1319, %parallel_loop3A_1323 : vector<16xf32>
        %parallel_loop3A_1325 = arith.select %gt3A_963, %parallel_loop3A_1319, %parallel_loop3A_1324 : vector<16xi1>, vector<16xf32>
        %parallel_loop3A_1326 = arith.index_cast %parallel_loop3A_1315 : i32 to index
        %parallel_loop3A_1327 = arith.constant 336 : index
        %parallel_loop3A_1328 = tpu.vector_load %arg12[%parallel_loop3A_1326, %parallel_loop3A_1327] {strides = array<i32>} : memref<16x384xf32, #tpu.memory_space<vmem>>, vector<1x16xf32>,
        %parallel_loop3A_1329 = vector.shape_cast %parallel_loop3A_1328 : vector<1x16xf32> to vector<16xf32>
        %parallel_loop3A_1330 = vector.shape_cast %parallel_loop3A_1325 : vector<16xf32> to vector<1x16xf32>
        tpu.vector_store %arg12[%parallel_loop3A_1326, %parallel_loop3A_1327], %parallel_loop3A_1330 {strides = array<i32>} : memref<16x384xf32, #tpu.memory_space<vmem>>, vector<1x16xf32>,
        %parallel_loop3A_1331 = arith.select %gt3A_967, %parallel_loop3A_1323, %parallel_loop3A_1324 : vector<16xi1>, vector<16xf32>
        %parallel_loop3A_1332 = arith.index_cast %parallel_loop3A_1315 : i32 to index
        %parallel_loop3A_1333 = arith.constant 336 : index
        %parallel_loop3A_1334 = tpu.vector_load %arg14[%parallel_loop3A_1332, %parallel_loop3A_1333] {strides = array<i32>} : memref<16x384xf32, #tpu.memory_space<vmem>>, vector<1x16xf32>,
        %parallel_loop3A_1335 = vector.shape_cast %parallel_loop3A_1334 : vector<1x16xf32> to vector<16xf32>
        %parallel_loop3A_1336 = vector.shape_cast %parallel_loop3A_1331 : vector<16xf32> to vector<1x16xf32>
        tpu.vector_store %arg14[%parallel_loop3A_1332, %parallel_loop3A_1333], %parallel_loop3A_1336 {strides = array<i32>} : memref<16x384xf32, #tpu.memory_space<vmem>>, vector<1x16xf32>,
      } {sc.loop_unroll_factor = 8 : i64, sc.parallel_access}
      %get3A_971 = arith.constant 352 : index
      %get3A_972 = tpu.vector_load %arg18[%get3A_971] {strides = array<i32>} : memref<384xf32, #tpu.memory_space<vmem>>, vector<16xf32>,
      %get3A_973 = vector.shape_cast %get3A_972 : vector<16xf32> to vector<16xf32>
      %gt3A_974 = arith.cmpf ogt, %get3A_973, %broadcast_in_dim3A_208 : vector<16xf32>
      %get3A_975 = arith.constant 352 : index
      %get3A_976 = tpu.vector_load %arg19[%get3A_975] {strides = array<i32>} : memref<384xf32, #tpu.memory_space<vmem>>, vector<16xf32>,
      %get3A_977 = vector.shape_cast %get3A_976 : vector<16xf32> to vector<16xf32>
      %gt3A_978 = arith.cmpf ogt, %get3A_977, %broadcast_in_dim3A_208 : vector<16xf32>
      %parallel_loop3A_979 = arith.constant 0 : i32
      %parallel_loop3A_980 = arith.constant 16 : i32
      %parallel_loop3A_981 = arith.constant 1 : i32
      scf.for %parallel_loop3A_1315 = %parallel_loop3A_979 to %parallel_loop3A_980 step %parallel_loop3A_981  : i32 {
        %parallel_loop3A_1316 = arith.index_cast %parallel_loop3A_1315 : i32 to index
        %parallel_loop3A_1317 = arith.constant 352 : index
        %parallel_loop3A_1318 = tpu.vector_load %arg8[%parallel_loop3A_1316, %parallel_loop3A_1317] {strides = array<i32>} : memref<16x384xf32, #tpu.memory_space<vmem>>, vector<1x16xf32>,
        %parallel_loop3A_1319 = vector.shape_cast %parallel_loop3A_1318 : vector<1x16xf32> to vector<16xf32>
        %parallel_loop3A_1320 = arith.index_cast %parallel_loop3A_1315 : i32 to index
        %parallel_loop3A_1321 = arith.constant 352 : index
        %parallel_loop3A_1322 = tpu.vector_load %arg10[%parallel_loop3A_1320, %parallel_loop3A_1321] {strides = array<i32>} : memref<16x384xf32, #tpu.memory_space<vmem>>, vector<1x16xf32>,
        %parallel_loop3A_1323 = vector.shape_cast %parallel_loop3A_1322 : vector<1x16xf32> to vector<16xf32>
        %parallel_loop3A_1324 = arith.mulf %parallel_loop3A_1319, %parallel_loop3A_1323 : vector<16xf32>
        %parallel_loop3A_1325 = arith.select %gt3A_974, %parallel_loop3A_1319, %parallel_loop3A_1324 : vector<16xi1>, vector<16xf32>
        %parallel_loop3A_1326 = arith.index_cast %parallel_loop3A_1315 : i32 to index
        %parallel_loop3A_1327 = arith.constant 352 : index
        %parallel_loop3A_1328 = tpu.vector_load %arg12[%parallel_loop3A_1326, %parallel_loop3A_1327] {strides = array<i32>} : memref<16x384xf32, #tpu.memory_space<vmem>>, vector<1x16xf32>,
        %parallel_loop3A_1329 = vector.shape_cast %parallel_loop3A_1328 : vector<1x16xf32> to vector<16xf32>
        %parallel_loop3A_1330 = vector.shape_cast %parallel_loop3A_1325 : vector<16xf32> to vector<1x16xf32>
        tpu.vector_store %arg12[%parallel_loop3A_1326, %parallel_loop3A_1327], %parallel_loop3A_1330 {strides = array<i32>} : memref<16x384xf32, #tpu.memory_space<vmem>>, vector<1x16xf32>,
        %parallel_loop3A_1331 = arith.select %gt3A_978, %parallel_loop3A_1323, %parallel_loop3A_1324 : vector<16xi1>, vector<16xf32>
        %parallel_loop3A_1332 = arith.index_cast %parallel_loop3A_1315 : i32 to index
        %parallel_loop3A_1333 = arith.constant 352 : index
        %parallel_loop3A_1334 = tpu.vector_load %arg14[%parallel_loop3A_1332, %parallel_loop3A_1333] {strides = array<i32>} : memref<16x384xf32, #tpu.memory_space<vmem>>, vector<1x16xf32>,
        %parallel_loop3A_1335 = vector.shape_cast %parallel_loop3A_1334 : vector<1x16xf32> to vector<16xf32>
        %parallel_loop3A_1336 = vector.shape_cast %parallel_loop3A_1331 : vector<16xf32> to vector<1x16xf32>
        tpu.vector_store %arg14[%parallel_loop3A_1332, %parallel_loop3A_1333], %parallel_loop3A_1336 {strides = array<i32>} : memref<16x384xf32, #tpu.memory_space<vmem>>, vector<1x16xf32>,
      } {sc.loop_unroll_factor = 8 : i64, sc.parallel_access}
      %get3A_982 = arith.constant 368 : index
      %get3A_983 = tpu.vector_load %arg18[%get3A_982] {strides = array<i32>} : memref<384xf32, #tpu.memory_space<vmem>>, vector<16xf32>,
      %get3A_984 = vector.shape_cast %get3A_983 : vector<16xf32> to vector<16xf32>
      %gt3A_985 = arith.cmpf ogt, %get3A_984, %broadcast_in_dim3A_208 : vector<16xf32>
      %get3A_986 = arith.constant 368 : index
      %get3A_987 = tpu.vector_load %arg19[%get3A_986] {strides = array<i32>} : memref<384xf32, #tpu.memory_space<vmem>>, vector<16xf32>,
      %get3A_988 = vector.shape_cast %get3A_987 : vector<16xf32> to vector<16xf32>
      %gt3A_989 = arith.cmpf ogt, %get3A_988, %broadcast_in_dim3A_208 : vector<16xf32>
      %parallel_loop3A_990 = arith.constant 0 : i32
      %parallel_loop3A_991 = arith.constant 16 : i32
      %parallel_loop3A_992 = arith.constant 1 : i32
      scf.for %parallel_loop3A_1315 = %parallel_loop3A_990 to %parallel_loop3A_991 step %parallel_loop3A_992  : i32 {
        %parallel_loop3A_1316 = arith.index_cast %parallel_loop3A_1315 : i32 to index
        %parallel_loop3A_1317 = arith.constant 368 : index
        %parallel_loop3A_1318 = tpu.vector_load %arg8[%parallel_loop3A_1316, %parallel_loop3A_1317] {strides = array<i32>} : memref<16x384xf32, #tpu.memory_space<vmem>>, vector<1x16xf32>,
        %parallel_loop3A_1319 = vector.shape_cast %parallel_loop3A_1318 : vector<1x16xf32> to vector<16xf32>
        %parallel_loop3A_1320 = arith.index_cast %parallel_loop3A_1315 : i32 to index
        %parallel_loop3A_1321 = arith.constant 368 : index
        %parallel_loop3A_1322 = tpu.vector_load %arg10[%parallel_loop3A_1320, %parallel_loop3A_1321] {strides = array<i32>} : memref<16x384xf32, #tpu.memory_space<vmem>>, vector<1x16xf32>,
        %parallel_loop3A_1323 = vector.shape_cast %parallel_loop3A_1322 : vector<1x16xf32> to vector<16xf32>
        %parallel_loop3A_1324 = arith.mulf %parallel_loop3A_1319, %parallel_loop3A_1323 : vector<16xf32>
        %parallel_loop3A_1325 = arith.select %gt3A_985, %parallel_loop3A_1319, %parallel_loop3A_1324 : vector<16xi1>, vector<16xf32>
        %parallel_loop3A_1326 = arith.index_cast %parallel_loop3A_1315 : i32 to index
        %parallel_loop3A_1327 = arith.constant 368 : index
        %parallel_loop3A_1328 = tpu.vector_load %arg12[%parallel_loop3A_1326, %parallel_loop3A_1327] {strides = array<i32>} : memref<16x384xf32, #tpu.memory_space<vmem>>, vector<1x16xf32>,
        %parallel_loop3A_1329 = vector.shape_cast %parallel_loop3A_1328 : vector<1x16xf32> to vector<16xf32>
        %parallel_loop3A_1330 = vector.shape_cast %parallel_loop3A_1325 : vector<16xf32> to vector<1x16xf32>
        tpu.vector_store %arg12[%parallel_loop3A_1326, %parallel_loop3A_1327], %parallel_loop3A_1330 {strides = array<i32>} : memref<16x384xf32, #tpu.memory_space<vmem>>, vector<1x16xf32>,
        %parallel_loop3A_1331 = arith.select %gt3A_989, %parallel_loop3A_1323, %parallel_loop3A_1324 : vector<16xi1>, vector<16xf32>
        %parallel_loop3A_1332 = arith.index_cast %parallel_loop3A_1315 : i32 to index
        %parallel_loop3A_1333 = arith.constant 368 : index
        %parallel_loop3A_1334 = tpu.vector_load %arg14[%parallel_loop3A_1332, %parallel_loop3A_1333] {strides = array<i32>} : memref<16x384xf32, #tpu.memory_space<vmem>>, vector<1x16xf32>,
        %parallel_loop3A_1335 = vector.shape_cast %parallel_loop3A_1334 : vector<1x16xf32> to vector<16xf32>
        %parallel_loop3A_1336 = vector.shape_cast %parallel_loop3A_1331 : vector<16xf32> to vector<1x16xf32>
        tpu.vector_store %arg14[%parallel_loop3A_1332, %parallel_loop3A_1333], %parallel_loop3A_1336 {strides = array<i32>} : memref<16x384xf32, #tpu.memory_space<vmem>>, vector<1x16xf32>,
      } {sc.loop_unroll_factor = 8 : i64, sc.parallel_access}
      %mul3A_993 = arith.constant 16 : i32
      %mul3A_994 = arith.muli %add3A_716, %mul3A_993 : i32
      %add3A_995 = arith.addi %mul3A_2, %mul3A_994 : i32
      %dma_start3A_996 = arith.constant 0 : i32
      %dma_start3A_997 = tpu.memref_slice %arg6[%add3A_995, %dma_start3A_996] : memref<50176x384xf32, #tpu.memory_space<hbm>> -> memref<16x384xf32, #tpu.memory_space<hbm>>
      %dma_start3A_998 = arith.constant 0 : i32
      %dma_start3A_999 = tpu.memref_slice %arg6[%add3A_995, %dma_start3A_998] : memref<50176x384xf32, #tpu.memory_space<hbm>> -> memref<16x384xf32, #tpu.memory_space<hbm>>
      tpu.enqueue_dma source(%arg12 : memref<16x384xf32, #tpu.memory_space<vmem>>) target(%dma_start3A_999 : memref<16x384xf32, #tpu.memory_space<hbm>>) target_semaphore(%arg24 : memref<!tpu.dma_semaphore, #tpu.memory_space<semaphore_mem>>)
      %dma_start3A_1000 = arith.constant 0 : i32
      %dma_start3A_1001 = tpu.memref_slice %arg7[%add3A_995, %dma_start3A_1000] : memref<50176x384xf32, #tpu.memory_space<hbm>> -> memref<16x384xf32, #tpu.memory_space<hbm>>
      %dma_start3A_1002 = arith.constant 0 : i32
      %dma_start3A_1003 = tpu.memref_slice %arg7[%add3A_995, %dma_start3A_1002] : memref<50176x384xf32, #tpu.memory_space<hbm>> -> memref<16x384xf32, #tpu.memory_space<hbm>>
      tpu.enqueue_dma source(%arg14 : memref<16x384xf32, #tpu.memory_space<vmem>>) target(%dma_start3A_1003 : memref<16x384xf32, #tpu.memory_space<hbm>>) target_semaphore(%arg26 : memref<!tpu.dma_semaphore, #tpu.memory_space<semaphore_mem>>)
      %add3A_1004 = arith.constant 2 : i32
      %add3A_1005 = arith.addi %add3A_716, %add3A_1004 : i32
      %lt3A = arith.constant 98 : i32
      %lt3A_1006 = arith.cmpi slt, %add3A_1005, %lt3A : i32
      %convert_element_type3A_1007 = arith.extui %lt3A_1006 : i1 to i32
      %cond3A_1008 = arith.constant 0 : i32
      %cond3A_1009 = arith.cmpi ne, %convert_element_type3A_1007, %cond3A_1008 : i32
      scf.if %cond3A_1009 {
        %add3A_1315 = arith.constant 2 : i32
        %add3A_1316 = arith.addi %add3A_716, %add3A_1315 : i32
        %mul3A_1317 = arith.constant 16 : i32
        %mul3A_1318 = arith.muli %add3A_1316, %mul3A_1317 : i32
        %add3A_1319 = arith.addi %mul3A_2, %mul3A_1318 : i32
        %dma_start3A_1320 = arith.constant 0 : i32
        %dma_start3A_1321 = tpu.memref_slice %arg2[%add3A_1319, %dma_start3A_1320] : memref<50176x384xf32, #tpu.memory_space<hbm>> -> memref<16x384xf32, #tpu.memory_space<hbm>>
        %dma_start3A_1322 = arith.constant 0 : i32
        %dma_start3A_1323 = tpu.memref_slice %arg2[%add3A_1319, %dma_start3A_1322] : memref<50176x384xf32, #tpu.memory_space<hbm>> -> memref<16x384xf32, #tpu.memory_space<hbm>>
        tpu.enqueue_dma source(%dma_start3A_1323 : memref<16x384xf32, #tpu.memory_space<hbm>>) target(%arg8 : memref<16x384xf32, #tpu.memory_space<vmem>>) target_semaphore(%arg20 : memref<!tpu.dma_semaphore, #tpu.memory_space<semaphore_mem>>)
        %dma_start3A_1324 = arith.constant 0 : i32
        %dma_start3A_1325 = tpu.memref_slice %arg3[%add3A_1319, %dma_start3A_1324] : memref<50176x384xf32, #tpu.memory_space<hbm>> -> memref<16x384xf32, #tpu.memory_space<hbm>>
        %dma_start3A_1326 = arith.constant 0 : i32
        %dma_start3A_1327 = tpu.memref_slice %arg3[%add3A_1319, %dma_start3A_1326] : memref<50176x384xf32, #tpu.memory_space<hbm>> -> memref<16x384xf32, #tpu.memory_space<hbm>>
        tpu.enqueue_dma source(%dma_start3A_1327 : memref<16x384xf32, #tpu.memory_space<hbm>>) target(%arg10 : memref<16x384xf32, #tpu.memory_space<vmem>>) target_semaphore(%arg22 : memref<!tpu.dma_semaphore, #tpu.memory_space<semaphore_mem>>)
      } else {
      }
      %mul3A_1010 = arith.constant 2 : i32
      %mul3A_1011 = arith.muli %scan3A_711, %mul3A_1010 : i32
      %add3A_1012 = arith.constant 1 : i32
      %add3A_1013 = arith.addi %mul3A_1011, %add3A_1012 : i32
      %eq3A_1014 = arith.constant 0 : i32
      %eq3A_1015 = arith.cmpi eq, %scan3A_711, %eq3A_1014 : i32
      %mul3A_1016 = arith.constant 16 : i32
      %mul3A_1017 = arith.muli %add3A_1013, %mul3A_1016 : i32
      %add3A_1018 = arith.addi %mul3A_2, %mul3A_1017 : i32
      %dma_wait3A_1019 = arith.constant 0 : i32
      %dma_wait3A_1020 = tpu.memref_slice %arg2[%add3A_1018, %dma_wait3A_1019] : memref<50176x384xf32, #tpu.memory_space<hbm>> -> memref<16x384xf32, #tpu.memory_space<hbm>>
      %dma_wait3A_1021 = arith.constant 0 : i32
      %dma_wait3A_1022 = tpu.memref_slice %arg2[%add3A_1018, %dma_wait3A_1021] : memref<50176x384xf32, #tpu.memory_space<hbm>> -> memref<16x384xf32, #tpu.memory_space<hbm>>
      tpu.wait_dma2 semaphore(%arg21 : memref<!tpu.dma_semaphore, #tpu.memory_space<semaphore_mem>>) src(%dma_wait3A_1022 : memref<16x384xf32, #tpu.memory_space<hbm>>) dst(%arg9 : memref<16x384xf32, #tpu.memory_space<vmem>>)
      %dma_wait3A_1023 = arith.constant 0 : i32
      %dma_wait3A_1024 = tpu.memref_slice %arg3[%add3A_1018, %dma_wait3A_1023] : memref<50176x384xf32, #tpu.memory_space<hbm>> -> memref<16x384xf32, #tpu.memory_space<hbm>>
      %dma_wait3A_1025 = arith.constant 0 : i32
      %dma_wait3A_1026 = tpu.memref_slice %arg3[%add3A_1018, %dma_wait3A_1025] : memref<50176x384xf32, #tpu.memory_space<hbm>> -> memref<16x384xf32, #tpu.memory_space<hbm>>
      tpu.wait_dma2 semaphore(%arg23 : memref<!tpu.dma_semaphore, #tpu.memory_space<semaphore_mem>>) src(%dma_wait3A_1026 : memref<16x384xf32, #tpu.memory_space<hbm>>) dst(%arg11 : memref<16x384xf32, #tpu.memory_space<vmem>>)
      %not3A_1027 = arith.constant true
      %not3A_1028 = arith.xori %eq3A_1015, %not3A_1027 : i1
      %convert_element_type3A_1029 = arith.extui %not3A_1028 : i1 to i32
      %cond3A_1030 = arith.constant 0 : i32
      %cond3A_1031 = arith.cmpi ne, %convert_element_type3A_1029, %cond3A_1030 : i32
      scf.if %cond3A_1031 {
        %sub3A_1315 = arith.constant 2 : i32
        %sub3A_1316 = arith.subi %add3A_1013, %sub3A_1315 : i32
        %mul3A_1317 = arith.constant 16 : i32
        %mul3A_1318 = arith.muli %sub3A_1316, %mul3A_1317 : i32
        %add3A_1319 = arith.addi %mul3A_2, %mul3A_1318 : i32
        %dma_wait3A_1320 = arith.constant 0 : i32
        %dma_wait3A_1321 = tpu.memref_slice %arg6[%add3A_1319, %dma_wait3A_1320] : memref<50176x384xf32, #tpu.memory_space<hbm>> -> memref<16x384xf32, #tpu.memory_space<hbm>>
        %dma_wait3A_1322 = arith.constant 0 : i32
        %dma_wait3A_1323 = tpu.memref_slice %arg6[%add3A_1319, %dma_wait3A_1322] : memref<50176x384xf32, #tpu.memory_space<hbm>> -> memref<16x384xf32, #tpu.memory_space<hbm>>
        tpu.wait_dma2 semaphore(%arg25 : memref<!tpu.dma_semaphore, #tpu.memory_space<semaphore_mem>>) src(%arg13 : memref<16x384xf32, #tpu.memory_space<vmem>>) dst(%dma_wait3A_1323 : memref<16x384xf32, #tpu.memory_space<hbm>>)
        %dma_wait3A_1324 = arith.constant 0 : i32
        %dma_wait3A_1325 = tpu.memref_slice %arg7[%add3A_1319, %dma_wait3A_1324] : memref<50176x384xf32, #tpu.memory_space<hbm>> -> memref<16x384xf32, #tpu.memory_space<hbm>>
        %dma_wait3A_1326 = arith.constant 0 : i32
        %dma_wait3A_1327 = tpu.memref_slice %arg7[%add3A_1319, %dma_wait3A_1326] : memref<50176x384xf32, #tpu.memory_space<hbm>> -> memref<16x384xf32, #tpu.memory_space<hbm>>
        tpu.wait_dma2 semaphore(%arg27 : memref<!tpu.dma_semaphore, #tpu.memory_space<semaphore_mem>>) src(%arg15 : memref<16x384xf32, #tpu.memory_space<vmem>>) dst(%dma_wait3A_1327 : memref<16x384xf32, #tpu.memory_space<hbm>>)
      } else {
      }
      %get3A_1032 = arith.constant 0 : index
      %get3A_1033 = tpu.vector_load %arg18[%get3A_1032] {strides = array<i32>} : memref<384xf32, #tpu.memory_space<vmem>>, vector<16xf32>,
      %get3A_1034 = vector.shape_cast %get3A_1033 : vector<16xf32> to vector<16xf32>
      %gt3A_1035 = arith.cmpf ogt, %get3A_1034, %broadcast_in_dim3A_208 : vector<16xf32>
      %get3A_1036 = arith.constant 0 : index
      %get3A_1037 = tpu.vector_load %arg19[%get3A_1036] {strides = array<i32>} : memref<384xf32, #tpu.memory_space<vmem>>, vector<16xf32>,
      %get3A_1038 = vector.shape_cast %get3A_1037 : vector<16xf32> to vector<16xf32>
      %gt3A_1039 = arith.cmpf ogt, %get3A_1038, %broadcast_in_dim3A_208 : vector<16xf32>
      %parallel_loop3A_1040 = arith.constant 0 : i32
      %parallel_loop3A_1041 = arith.constant 16 : i32
      %parallel_loop3A_1042 = arith.constant 1 : i32
      scf.for %parallel_loop3A_1315 = %parallel_loop3A_1040 to %parallel_loop3A_1041 step %parallel_loop3A_1042  : i32 {
        %parallel_loop3A_1316 = arith.index_cast %parallel_loop3A_1315 : i32 to index
        %parallel_loop3A_1317 = arith.constant 0 : index
        %parallel_loop3A_1318 = tpu.vector_load %arg9[%parallel_loop3A_1316, %parallel_loop3A_1317] {strides = array<i32>} : memref<16x384xf32, #tpu.memory_space<vmem>>, vector<1x16xf32>,
        %parallel_loop3A_1319 = vector.shape_cast %parallel_loop3A_1318 : vector<1x16xf32> to vector<16xf32>
        %parallel_loop3A_1320 = arith.index_cast %parallel_loop3A_1315 : i32 to index
        %parallel_loop3A_1321 = arith.constant 0 : index
        %parallel_loop3A_1322 = tpu.vector_load %arg11[%parallel_loop3A_1320, %parallel_loop3A_1321] {strides = array<i32>} : memref<16x384xf32, #tpu.memory_space<vmem>>, vector<1x16xf32>,
        %parallel_loop3A_1323 = vector.shape_cast %parallel_loop3A_1322 : vector<1x16xf32> to vector<16xf32>
        %parallel_loop3A_1324 = arith.mulf %parallel_loop3A_1319, %parallel_loop3A_1323 : vector<16xf32>
        %parallel_loop3A_1325 = arith.select %gt3A_1035, %parallel_loop3A_1319, %parallel_loop3A_1324 : vector<16xi1>, vector<16xf32>
        %parallel_loop3A_1326 = arith.index_cast %parallel_loop3A_1315 : i32 to index
        %parallel_loop3A_1327 = arith.constant 0 : index
        %parallel_loop3A_1328 = tpu.vector_load %arg13[%parallel_loop3A_1326, %parallel_loop3A_1327] {strides = array<i32>} : memref<16x384xf32, #tpu.memory_space<vmem>>, vector<1x16xf32>,
        %parallel_loop3A_1329 = vector.shape_cast %parallel_loop3A_1328 : vector<1x16xf32> to vector<16xf32>
        %parallel_loop3A_1330 = vector.shape_cast %parallel_loop3A_1325 : vector<16xf32> to vector<1x16xf32>
        tpu.vector_store %arg13[%parallel_loop3A_1326, %parallel_loop3A_1327], %parallel_loop3A_1330 {strides = array<i32>} : memref<16x384xf32, #tpu.memory_space<vmem>>, vector<1x16xf32>,
        %parallel_loop3A_1331 = arith.select %gt3A_1039, %parallel_loop3A_1323, %parallel_loop3A_1324 : vector<16xi1>, vector<16xf32>
        %parallel_loop3A_1332 = arith.index_cast %parallel_loop3A_1315 : i32 to index
        %parallel_loop3A_1333 = arith.constant 0 : index
        %parallel_loop3A_1334 = tpu.vector_load %arg15[%parallel_loop3A_1332, %parallel_loop3A_1333] {strides = array<i32>} : memref<16x384xf32, #tpu.memory_space<vmem>>, vector<1x16xf32>,
        %parallel_loop3A_1335 = vector.shape_cast %parallel_loop3A_1334 : vector<1x16xf32> to vector<16xf32>
        %parallel_loop3A_1336 = vector.shape_cast %parallel_loop3A_1331 : vector<16xf32> to vector<1x16xf32>
        tpu.vector_store %arg15[%parallel_loop3A_1332, %parallel_loop3A_1333], %parallel_loop3A_1336 {strides = array<i32>} : memref<16x384xf32, #tpu.memory_space<vmem>>, vector<1x16xf32>,
      } {sc.loop_unroll_factor = 8 : i64, sc.parallel_access}
      %get3A_1043 = arith.constant 16 : index
      %get3A_1044 = tpu.vector_load %arg18[%get3A_1043] {strides = array<i32>} : memref<384xf32, #tpu.memory_space<vmem>>, vector<16xf32>,
      %get3A_1045 = vector.shape_cast %get3A_1044 : vector<16xf32> to vector<16xf32>
      %gt3A_1046 = arith.cmpf ogt, %get3A_1045, %broadcast_in_dim3A_208 : vector<16xf32>
      %get3A_1047 = arith.constant 16 : index
      %get3A_1048 = tpu.vector_load %arg19[%get3A_1047] {strides = array<i32>} : memref<384xf32, #tpu.memory_space<vmem>>, vector<16xf32>,
      %get3A_1049 = vector.shape_cast %get3A_1048 : vector<16xf32> to vector<16xf32>
      %gt3A_1050 = arith.cmpf ogt, %get3A_1049, %broadcast_in_dim3A_208 : vector<16xf32>
      %parallel_loop3A_1051 = arith.constant 0 : i32
      %parallel_loop3A_1052 = arith.constant 16 : i32
      %parallel_loop3A_1053 = arith.constant 1 : i32
      scf.for %parallel_loop3A_1315 = %parallel_loop3A_1051 to %parallel_loop3A_1052 step %parallel_loop3A_1053  : i32 {
        %parallel_loop3A_1316 = arith.index_cast %parallel_loop3A_1315 : i32 to index
        %parallel_loop3A_1317 = arith.constant 16 : index
        %parallel_loop3A_1318 = tpu.vector_load %arg9[%parallel_loop3A_1316, %parallel_loop3A_1317] {strides = array<i32>} : memref<16x384xf32, #tpu.memory_space<vmem>>, vector<1x16xf32>,
        %parallel_loop3A_1319 = vector.shape_cast %parallel_loop3A_1318 : vector<1x16xf32> to vector<16xf32>
        %parallel_loop3A_1320 = arith.index_cast %parallel_loop3A_1315 : i32 to index
        %parallel_loop3A_1321 = arith.constant 16 : index
        %parallel_loop3A_1322 = tpu.vector_load %arg11[%parallel_loop3A_1320, %parallel_loop3A_1321] {strides = array<i32>} : memref<16x384xf32, #tpu.memory_space<vmem>>, vector<1x16xf32>,
        %parallel_loop3A_1323 = vector.shape_cast %parallel_loop3A_1322 : vector<1x16xf32> to vector<16xf32>
        %parallel_loop3A_1324 = arith.mulf %parallel_loop3A_1319, %parallel_loop3A_1323 : vector<16xf32>
        %parallel_loop3A_1325 = arith.select %gt3A_1046, %parallel_loop3A_1319, %parallel_loop3A_1324 : vector<16xi1>, vector<16xf32>
        %parallel_loop3A_1326 = arith.index_cast %parallel_loop3A_1315 : i32 to index
        %parallel_loop3A_1327 = arith.constant 16 : index
        %parallel_loop3A_1328 = tpu.vector_load %arg13[%parallel_loop3A_1326, %parallel_loop3A_1327] {strides = array<i32>} : memref<16x384xf32, #tpu.memory_space<vmem>>, vector<1x16xf32>,
        %parallel_loop3A_1329 = vector.shape_cast %parallel_loop3A_1328 : vector<1x16xf32> to vector<16xf32>
        %parallel_loop3A_1330 = vector.shape_cast %parallel_loop3A_1325 : vector<16xf32> to vector<1x16xf32>
        tpu.vector_store %arg13[%parallel_loop3A_1326, %parallel_loop3A_1327], %parallel_loop3A_1330 {strides = array<i32>} : memref<16x384xf32, #tpu.memory_space<vmem>>, vector<1x16xf32>,
        %parallel_loop3A_1331 = arith.select %gt3A_1050, %parallel_loop3A_1323, %parallel_loop3A_1324 : vector<16xi1>, vector<16xf32>
        %parallel_loop3A_1332 = arith.index_cast %parallel_loop3A_1315 : i32 to index
        %parallel_loop3A_1333 = arith.constant 16 : index
        %parallel_loop3A_1334 = tpu.vector_load %arg15[%parallel_loop3A_1332, %parallel_loop3A_1333] {strides = array<i32>} : memref<16x384xf32, #tpu.memory_space<vmem>>, vector<1x16xf32>,
        %parallel_loop3A_1335 = vector.shape_cast %parallel_loop3A_1334 : vector<1x16xf32> to vector<16xf32>
        %parallel_loop3A_1336 = vector.shape_cast %parallel_loop3A_1331 : vector<16xf32> to vector<1x16xf32>
        tpu.vector_store %arg15[%parallel_loop3A_1332, %parallel_loop3A_1333], %parallel_loop3A_1336 {strides = array<i32>} : memref<16x384xf32, #tpu.memory_space<vmem>>, vector<1x16xf32>,
      } {sc.loop_unroll_factor = 8 : i64, sc.parallel_access}
      %get3A_1054 = arith.constant 32 : index
      %get3A_1055 = tpu.vector_load %arg18[%get3A_1054] {strides = array<i32>} : memref<384xf32, #tpu.memory_space<vmem>>, vector<16xf32>,
      %get3A_1056 = vector.shape_cast %get3A_1055 : vector<16xf32> to vector<16xf32>
      %gt3A_1057 = arith.cmpf ogt, %get3A_1056, %broadcast_in_dim3A_208 : vector<16xf32>
      %get3A_1058 = arith.constant 32 : index
      %get3A_1059 = tpu.vector_load %arg19[%get3A_1058] {strides = array<i32>} : memref<384xf32, #tpu.memory_space<vmem>>, vector<16xf32>,
      %get3A_1060 = vector.shape_cast %get3A_1059 : vector<16xf32> to vector<16xf32>
      %gt3A_1061 = arith.cmpf ogt, %get3A_1060, %broadcast_in_dim3A_208 : vector<16xf32>
      %parallel_loop3A_1062 = arith.constant 0 : i32
      %parallel_loop3A_1063 = arith.constant 16 : i32
      %parallel_loop3A_1064 = arith.constant 1 : i32
      scf.for %parallel_loop3A_1315 = %parallel_loop3A_1062 to %parallel_loop3A_1063 step %parallel_loop3A_1064  : i32 {
        %parallel_loop3A_1316 = arith.index_cast %parallel_loop3A_1315 : i32 to index
        %parallel_loop3A_1317 = arith.constant 32 : index
        %parallel_loop3A_1318 = tpu.vector_load %arg9[%parallel_loop3A_1316, %parallel_loop3A_1317] {strides = array<i32>} : memref<16x384xf32, #tpu.memory_space<vmem>>, vector<1x16xf32>,
        %parallel_loop3A_1319 = vector.shape_cast %parallel_loop3A_1318 : vector<1x16xf32> to vector<16xf32>
        %parallel_loop3A_1320 = arith.index_cast %parallel_loop3A_1315 : i32 to index
        %parallel_loop3A_1321 = arith.constant 32 : index
        %parallel_loop3A_1322 = tpu.vector_load %arg11[%parallel_loop3A_1320, %parallel_loop3A_1321] {strides = array<i32>} : memref<16x384xf32, #tpu.memory_space<vmem>>, vector<1x16xf32>,
        %parallel_loop3A_1323 = vector.shape_cast %parallel_loop3A_1322 : vector<1x16xf32> to vector<16xf32>
        %parallel_loop3A_1324 = arith.mulf %parallel_loop3A_1319, %parallel_loop3A_1323 : vector<16xf32>
        %parallel_loop3A_1325 = arith.select %gt3A_1057, %parallel_loop3A_1319, %parallel_loop3A_1324 : vector<16xi1>, vector<16xf32>
        %parallel_loop3A_1326 = arith.index_cast %parallel_loop3A_1315 : i32 to index
        %parallel_loop3A_1327 = arith.constant 32 : index
        %parallel_loop3A_1328 = tpu.vector_load %arg13[%parallel_loop3A_1326, %parallel_loop3A_1327] {strides = array<i32>} : memref<16x384xf32, #tpu.memory_space<vmem>>, vector<1x16xf32>,
        %parallel_loop3A_1329 = vector.shape_cast %parallel_loop3A_1328 : vector<1x16xf32> to vector<16xf32>
        %parallel_loop3A_1330 = vector.shape_cast %parallel_loop3A_1325 : vector<16xf32> to vector<1x16xf32>
        tpu.vector_store %arg13[%parallel_loop3A_1326, %parallel_loop3A_1327], %parallel_loop3A_1330 {strides = array<i32>} : memref<16x384xf32, #tpu.memory_space<vmem>>, vector<1x16xf32>,
        %parallel_loop3A_1331 = arith.select %gt3A_1061, %parallel_loop3A_1323, %parallel_loop3A_1324 : vector<16xi1>, vector<16xf32>
        %parallel_loop3A_1332 = arith.index_cast %parallel_loop3A_1315 : i32 to index
        %parallel_loop3A_1333 = arith.constant 32 : index
        %parallel_loop3A_1334 = tpu.vector_load %arg15[%parallel_loop3A_1332, %parallel_loop3A_1333] {strides = array<i32>} : memref<16x384xf32, #tpu.memory_space<vmem>>, vector<1x16xf32>,
        %parallel_loop3A_1335 = vector.shape_cast %parallel_loop3A_1334 : vector<1x16xf32> to vector<16xf32>
        %parallel_loop3A_1336 = vector.shape_cast %parallel_loop3A_1331 : vector<16xf32> to vector<1x16xf32>
        tpu.vector_store %arg15[%parallel_loop3A_1332, %parallel_loop3A_1333], %parallel_loop3A_1336 {strides = array<i32>} : memref<16x384xf32, #tpu.memory_space<vmem>>, vector<1x16xf32>,
      } {sc.loop_unroll_factor = 8 : i64, sc.parallel_access}
      %get3A_1065 = arith.constant 48 : index
      %get3A_1066 = tpu.vector_load %arg18[%get3A_1065] {strides = array<i32>} : memref<384xf32, #tpu.memory_space<vmem>>, vector<16xf32>,
      %get3A_1067 = vector.shape_cast %get3A_1066 : vector<16xf32> to vector<16xf32>
      %gt3A_1068 = arith.cmpf ogt, %get3A_1067, %broadcast_in_dim3A_208 : vector<16xf32>
      %get3A_1069 = arith.constant 48 : index
      %get3A_1070 = tpu.vector_load %arg19[%get3A_1069] {strides = array<i32>} : memref<384xf32, #tpu.memory_space<vmem>>, vector<16xf32>,
      %get3A_1071 = vector.shape_cast %get3A_1070 : vector<16xf32> to vector<16xf32>
      %gt3A_1072 = arith.cmpf ogt, %get3A_1071, %broadcast_in_dim3A_208 : vector<16xf32>
      %parallel_loop3A_1073 = arith.constant 0 : i32
      %parallel_loop3A_1074 = arith.constant 16 : i32
      %parallel_loop3A_1075 = arith.constant 1 : i32
      scf.for %parallel_loop3A_1315 = %parallel_loop3A_1073 to %parallel_loop3A_1074 step %parallel_loop3A_1075  : i32 {
        %parallel_loop3A_1316 = arith.index_cast %parallel_loop3A_1315 : i32 to index
        %parallel_loop3A_1317 = arith.constant 48 : index
        %parallel_loop3A_1318 = tpu.vector_load %arg9[%parallel_loop3A_1316, %parallel_loop3A_1317] {strides = array<i32>} : memref<16x384xf32, #tpu.memory_space<vmem>>, vector<1x16xf32>,
        %parallel_loop3A_1319 = vector.shape_cast %parallel_loop3A_1318 : vector<1x16xf32> to vector<16xf32>
        %parallel_loop3A_1320 = arith.index_cast %parallel_loop3A_1315 : i32 to index
        %parallel_loop3A_1321 = arith.constant 48 : index
        %parallel_loop3A_1322 = tpu.vector_load %arg11[%parallel_loop3A_1320, %parallel_loop3A_1321] {strides = array<i32>} : memref<16x384xf32, #tpu.memory_space<vmem>>, vector<1x16xf32>,
        %parallel_loop3A_1323 = vector.shape_cast %parallel_loop3A_1322 : vector<1x16xf32> to vector<16xf32>
        %parallel_loop3A_1324 = arith.mulf %parallel_loop3A_1319, %parallel_loop3A_1323 : vector<16xf32>
        %parallel_loop3A_1325 = arith.select %gt3A_1068, %parallel_loop3A_1319, %parallel_loop3A_1324 : vector<16xi1>, vector<16xf32>
        %parallel_loop3A_1326 = arith.index_cast %parallel_loop3A_1315 : i32 to index
        %parallel_loop3A_1327 = arith.constant 48 : index
        %parallel_loop3A_1328 = tpu.vector_load %arg13[%parallel_loop3A_1326, %parallel_loop3A_1327] {strides = array<i32>} : memref<16x384xf32, #tpu.memory_space<vmem>>, vector<1x16xf32>,
        %parallel_loop3A_1329 = vector.shape_cast %parallel_loop3A_1328 : vector<1x16xf32> to vector<16xf32>
        %parallel_loop3A_1330 = vector.shape_cast %parallel_loop3A_1325 : vector<16xf32> to vector<1x16xf32>
        tpu.vector_store %arg13[%parallel_loop3A_1326, %parallel_loop3A_1327], %parallel_loop3A_1330 {strides = array<i32>} : memref<16x384xf32, #tpu.memory_space<vmem>>, vector<1x16xf32>,
        %parallel_loop3A_1331 = arith.select %gt3A_1072, %parallel_loop3A_1323, %parallel_loop3A_1324 : vector<16xi1>, vector<16xf32>
        %parallel_loop3A_1332 = arith.index_cast %parallel_loop3A_1315 : i32 to index
        %parallel_loop3A_1333 = arith.constant 48 : index
        %parallel_loop3A_1334 = tpu.vector_load %arg15[%parallel_loop3A_1332, %parallel_loop3A_1333] {strides = array<i32>} : memref<16x384xf32, #tpu.memory_space<vmem>>, vector<1x16xf32>,
        %parallel_loop3A_1335 = vector.shape_cast %parallel_loop3A_1334 : vector<1x16xf32> to vector<16xf32>
        %parallel_loop3A_1336 = vector.shape_cast %parallel_loop3A_1331 : vector<16xf32> to vector<1x16xf32>
        tpu.vector_store %arg15[%parallel_loop3A_1332, %parallel_loop3A_1333], %parallel_loop3A_1336 {strides = array<i32>} : memref<16x384xf32, #tpu.memory_space<vmem>>, vector<1x16xf32>,
      } {sc.loop_unroll_factor = 8 : i64, sc.parallel_access}
      %get3A_1076 = arith.constant 64 : index
      %get3A_1077 = tpu.vector_load %arg18[%get3A_1076] {strides = array<i32>} : memref<384xf32, #tpu.memory_space<vmem>>, vector<16xf32>,
      %get3A_1078 = vector.shape_cast %get3A_1077 : vector<16xf32> to vector<16xf32>
      %gt3A_1079 = arith.cmpf ogt, %get3A_1078, %broadcast_in_dim3A_208 : vector<16xf32>
      %get3A_1080 = arith.constant 64 : index
      %get3A_1081 = tpu.vector_load %arg19[%get3A_1080] {strides = array<i32>} : memref<384xf32, #tpu.memory_space<vmem>>, vector<16xf32>,
      %get3A_1082 = vector.shape_cast %get3A_1081 : vector<16xf32> to vector<16xf32>
      %gt3A_1083 = arith.cmpf ogt, %get3A_1082, %broadcast_in_dim3A_208 : vector<16xf32>
      %parallel_loop3A_1084 = arith.constant 0 : i32
      %parallel_loop3A_1085 = arith.constant 16 : i32
      %parallel_loop3A_1086 = arith.constant 1 : i32
      scf.for %parallel_loop3A_1315 = %parallel_loop3A_1084 to %parallel_loop3A_1085 step %parallel_loop3A_1086  : i32 {
        %parallel_loop3A_1316 = arith.index_cast %parallel_loop3A_1315 : i32 to index
        %parallel_loop3A_1317 = arith.constant 64 : index
        %parallel_loop3A_1318 = tpu.vector_load %arg9[%parallel_loop3A_1316, %parallel_loop3A_1317] {strides = array<i32>} : memref<16x384xf32, #tpu.memory_space<vmem>>, vector<1x16xf32>,
        %parallel_loop3A_1319 = vector.shape_cast %parallel_loop3A_1318 : vector<1x16xf32> to vector<16xf32>
        %parallel_loop3A_1320 = arith.index_cast %parallel_loop3A_1315 : i32 to index
        %parallel_loop3A_1321 = arith.constant 64 : index
        %parallel_loop3A_1322 = tpu.vector_load %arg11[%parallel_loop3A_1320, %parallel_loop3A_1321] {strides = array<i32>} : memref<16x384xf32, #tpu.memory_space<vmem>>, vector<1x16xf32>,
        %parallel_loop3A_1323 = vector.shape_cast %parallel_loop3A_1322 : vector<1x16xf32> to vector<16xf32>
        %parallel_loop3A_1324 = arith.mulf %parallel_loop3A_1319, %parallel_loop3A_1323 : vector<16xf32>
        %parallel_loop3A_1325 = arith.select %gt3A_1079, %parallel_loop3A_1319, %parallel_loop3A_1324 : vector<16xi1>, vector<16xf32>
        %parallel_loop3A_1326 = arith.index_cast %parallel_loop3A_1315 : i32 to index
        %parallel_loop3A_1327 = arith.constant 64 : index
        %parallel_loop3A_1328 = tpu.vector_load %arg13[%parallel_loop3A_1326, %parallel_loop3A_1327] {strides = array<i32>} : memref<16x384xf32, #tpu.memory_space<vmem>>, vector<1x16xf32>,
        %parallel_loop3A_1329 = vector.shape_cast %parallel_loop3A_1328 : vector<1x16xf32> to vector<16xf32>
        %parallel_loop3A_1330 = vector.shape_cast %parallel_loop3A_1325 : vector<16xf32> to vector<1x16xf32>
        tpu.vector_store %arg13[%parallel_loop3A_1326, %parallel_loop3A_1327], %parallel_loop3A_1330 {strides = array<i32>} : memref<16x384xf32, #tpu.memory_space<vmem>>, vector<1x16xf32>,
        %parallel_loop3A_1331 = arith.select %gt3A_1083, %parallel_loop3A_1323, %parallel_loop3A_1324 : vector<16xi1>, vector<16xf32>
        %parallel_loop3A_1332 = arith.index_cast %parallel_loop3A_1315 : i32 to index
        %parallel_loop3A_1333 = arith.constant 64 : index
        %parallel_loop3A_1334 = tpu.vector_load %arg15[%parallel_loop3A_1332, %parallel_loop3A_1333] {strides = array<i32>} : memref<16x384xf32, #tpu.memory_space<vmem>>, vector<1x16xf32>,
        %parallel_loop3A_1335 = vector.shape_cast %parallel_loop3A_1334 : vector<1x16xf32> to vector<16xf32>
        %parallel_loop3A_1336 = vector.shape_cast %parallel_loop3A_1331 : vector<16xf32> to vector<1x16xf32>
        tpu.vector_store %arg15[%parallel_loop3A_1332, %parallel_loop3A_1333], %parallel_loop3A_1336 {strides = array<i32>} : memref<16x384xf32, #tpu.memory_space<vmem>>, vector<1x16xf32>,
      } {sc.loop_unroll_factor = 8 : i64, sc.parallel_access}
      %get3A_1087 = arith.constant 80 : index
      %get3A_1088 = tpu.vector_load %arg18[%get3A_1087] {strides = array<i32>} : memref<384xf32, #tpu.memory_space<vmem>>, vector<16xf32>,
      %get3A_1089 = vector.shape_cast %get3A_1088 : vector<16xf32> to vector<16xf32>
      %gt3A_1090 = arith.cmpf ogt, %get3A_1089, %broadcast_in_dim3A_208 : vector<16xf32>
      %get3A_1091 = arith.constant 80 : index
      %get3A_1092 = tpu.vector_load %arg19[%get3A_1091] {strides = array<i32>} : memref<384xf32, #tpu.memory_space<vmem>>, vector<16xf32>,
      %get3A_1093 = vector.shape_cast %get3A_1092 : vector<16xf32> to vector<16xf32>
      %gt3A_1094 = arith.cmpf ogt, %get3A_1093, %broadcast_in_dim3A_208 : vector<16xf32>
      %parallel_loop3A_1095 = arith.constant 0 : i32
      %parallel_loop3A_1096 = arith.constant 16 : i32
      %parallel_loop3A_1097 = arith.constant 1 : i32
      scf.for %parallel_loop3A_1315 = %parallel_loop3A_1095 to %parallel_loop3A_1096 step %parallel_loop3A_1097  : i32 {
        %parallel_loop3A_1316 = arith.index_cast %parallel_loop3A_1315 : i32 to index
        %parallel_loop3A_1317 = arith.constant 80 : index
        %parallel_loop3A_1318 = tpu.vector_load %arg9[%parallel_loop3A_1316, %parallel_loop3A_1317] {strides = array<i32>} : memref<16x384xf32, #tpu.memory_space<vmem>>, vector<1x16xf32>,
        %parallel_loop3A_1319 = vector.shape_cast %parallel_loop3A_1318 : vector<1x16xf32> to vector<16xf32>
        %parallel_loop3A_1320 = arith.index_cast %parallel_loop3A_1315 : i32 to index
        %parallel_loop3A_1321 = arith.constant 80 : index
        %parallel_loop3A_1322 = tpu.vector_load %arg11[%parallel_loop3A_1320, %parallel_loop3A_1321] {strides = array<i32>} : memref<16x384xf32, #tpu.memory_space<vmem>>, vector<1x16xf32>,
        %parallel_loop3A_1323 = vector.shape_cast %parallel_loop3A_1322 : vector<1x16xf32> to vector<16xf32>
        %parallel_loop3A_1324 = arith.mulf %parallel_loop3A_1319, %parallel_loop3A_1323 : vector<16xf32>
        %parallel_loop3A_1325 = arith.select %gt3A_1090, %parallel_loop3A_1319, %parallel_loop3A_1324 : vector<16xi1>, vector<16xf32>
        %parallel_loop3A_1326 = arith.index_cast %parallel_loop3A_1315 : i32 to index
        %parallel_loop3A_1327 = arith.constant 80 : index
        %parallel_loop3A_1328 = tpu.vector_load %arg13[%parallel_loop3A_1326, %parallel_loop3A_1327] {strides = array<i32>} : memref<16x384xf32, #tpu.memory_space<vmem>>, vector<1x16xf32>,
        %parallel_loop3A_1329 = vector.shape_cast %parallel_loop3A_1328 : vector<1x16xf32> to vector<16xf32>
        %parallel_loop3A_1330 = vector.shape_cast %parallel_loop3A_1325 : vector<16xf32> to vector<1x16xf32>
        tpu.vector_store %arg13[%parallel_loop3A_1326, %parallel_loop3A_1327], %parallel_loop3A_1330 {strides = array<i32>} : memref<16x384xf32, #tpu.memory_space<vmem>>, vector<1x16xf32>,
        %parallel_loop3A_1331 = arith.select %gt3A_1094, %parallel_loop3A_1323, %parallel_loop3A_1324 : vector<16xi1>, vector<16xf32>
        %parallel_loop3A_1332 = arith.index_cast %parallel_loop3A_1315 : i32 to index
        %parallel_loop3A_1333 = arith.constant 80 : index
        %parallel_loop3A_1334 = tpu.vector_load %arg15[%parallel_loop3A_1332, %parallel_loop3A_1333] {strides = array<i32>} : memref<16x384xf32, #tpu.memory_space<vmem>>, vector<1x16xf32>,
        %parallel_loop3A_1335 = vector.shape_cast %parallel_loop3A_1334 : vector<1x16xf32> to vector<16xf32>
        %parallel_loop3A_1336 = vector.shape_cast %parallel_loop3A_1331 : vector<16xf32> to vector<1x16xf32>
        tpu.vector_store %arg15[%parallel_loop3A_1332, %parallel_loop3A_1333], %parallel_loop3A_1336 {strides = array<i32>} : memref<16x384xf32, #tpu.memory_space<vmem>>, vector<1x16xf32>,
      } {sc.loop_unroll_factor = 8 : i64, sc.parallel_access}
      %get3A_1098 = arith.constant 96 : index
      %get3A_1099 = tpu.vector_load %arg18[%get3A_1098] {strides = array<i32>} : memref<384xf32, #tpu.memory_space<vmem>>, vector<16xf32>,
      %get3A_1100 = vector.shape_cast %get3A_1099 : vector<16xf32> to vector<16xf32>
      %gt3A_1101 = arith.cmpf ogt, %get3A_1100, %broadcast_in_dim3A_208 : vector<16xf32>
      %get3A_1102 = arith.constant 96 : index
      %get3A_1103 = tpu.vector_load %arg19[%get3A_1102] {strides = array<i32>} : memref<384xf32, #tpu.memory_space<vmem>>, vector<16xf32>,
      %get3A_1104 = vector.shape_cast %get3A_1103 : vector<16xf32> to vector<16xf32>
      %gt3A_1105 = arith.cmpf ogt, %get3A_1104, %broadcast_in_dim3A_208 : vector<16xf32>
      %parallel_loop3A_1106 = arith.constant 0 : i32
      %parallel_loop3A_1107 = arith.constant 16 : i32
      %parallel_loop3A_1108 = arith.constant 1 : i32
      scf.for %parallel_loop3A_1315 = %parallel_loop3A_1106 to %parallel_loop3A_1107 step %parallel_loop3A_1108  : i32 {
        %parallel_loop3A_1316 = arith.index_cast %parallel_loop3A_1315 : i32 to index
        %parallel_loop3A_1317 = arith.constant 96 : index
        %parallel_loop3A_1318 = tpu.vector_load %arg9[%parallel_loop3A_1316, %parallel_loop3A_1317] {strides = array<i32>} : memref<16x384xf32, #tpu.memory_space<vmem>>, vector<1x16xf32>,
        %parallel_loop3A_1319 = vector.shape_cast %parallel_loop3A_1318 : vector<1x16xf32> to vector<16xf32>
        %parallel_loop3A_1320 = arith.index_cast %parallel_loop3A_1315 : i32 to index
        %parallel_loop3A_1321 = arith.constant 96 : index
        %parallel_loop3A_1322 = tpu.vector_load %arg11[%parallel_loop3A_1320, %parallel_loop3A_1321] {strides = array<i32>} : memref<16x384xf32, #tpu.memory_space<vmem>>, vector<1x16xf32>,
        %parallel_loop3A_1323 = vector.shape_cast %parallel_loop3A_1322 : vector<1x16xf32> to vector<16xf32>
        %parallel_loop3A_1324 = arith.mulf %parallel_loop3A_1319, %parallel_loop3A_1323 : vector<16xf32>
        %parallel_loop3A_1325 = arith.select %gt3A_1101, %parallel_loop3A_1319, %parallel_loop3A_1324 : vector<16xi1>, vector<16xf32>
        %parallel_loop3A_1326 = arith.index_cast %parallel_loop3A_1315 : i32 to index
        %parallel_loop3A_1327 = arith.constant 96 : index
        %parallel_loop3A_1328 = tpu.vector_load %arg13[%parallel_loop3A_1326, %parallel_loop3A_1327] {strides = array<i32>} : memref<16x384xf32, #tpu.memory_space<vmem>>, vector<1x16xf32>,
        %parallel_loop3A_1329 = vector.shape_cast %parallel_loop3A_1328 : vector<1x16xf32> to vector<16xf32>
        %parallel_loop3A_1330 = vector.shape_cast %parallel_loop3A_1325 : vector<16xf32> to vector<1x16xf32>
        tpu.vector_store %arg13[%parallel_loop3A_1326, %parallel_loop3A_1327], %parallel_loop3A_1330 {strides = array<i32>} : memref<16x384xf32, #tpu.memory_space<vmem>>, vector<1x16xf32>,
        %parallel_loop3A_1331 = arith.select %gt3A_1105, %parallel_loop3A_1323, %parallel_loop3A_1324 : vector<16xi1>, vector<16xf32>
        %parallel_loop3A_1332 = arith.index_cast %parallel_loop3A_1315 : i32 to index
        %parallel_loop3A_1333 = arith.constant 96 : index
        %parallel_loop3A_1334 = tpu.vector_load %arg15[%parallel_loop3A_1332, %parallel_loop3A_1333] {strides = array<i32>} : memref<16x384xf32, #tpu.memory_space<vmem>>, vector<1x16xf32>,
        %parallel_loop3A_1335 = vector.shape_cast %parallel_loop3A_1334 : vector<1x16xf32> to vector<16xf32>
        %parallel_loop3A_1336 = vector.shape_cast %parallel_loop3A_1331 : vector<16xf32> to vector<1x16xf32>
        tpu.vector_store %arg15[%parallel_loop3A_1332, %parallel_loop3A_1333], %parallel_loop3A_1336 {strides = array<i32>} : memref<16x384xf32, #tpu.memory_space<vmem>>, vector<1x16xf32>,
      } {sc.loop_unroll_factor = 8 : i64, sc.parallel_access}
      %get3A_1109 = arith.constant 112 : index
      %get3A_1110 = tpu.vector_load %arg18[%get3A_1109] {strides = array<i32>} : memref<384xf32, #tpu.memory_space<vmem>>, vector<16xf32>,
      %get3A_1111 = vector.shape_cast %get3A_1110 : vector<16xf32> to vector<16xf32>
      %gt3A_1112 = arith.cmpf ogt, %get3A_1111, %broadcast_in_dim3A_208 : vector<16xf32>
      %get3A_1113 = arith.constant 112 : index
      %get3A_1114 = tpu.vector_load %arg19[%get3A_1113] {strides = array<i32>} : memref<384xf32, #tpu.memory_space<vmem>>, vector<16xf32>,
      %get3A_1115 = vector.shape_cast %get3A_1114 : vector<16xf32> to vector<16xf32>
      %gt3A_1116 = arith.cmpf ogt, %get3A_1115, %broadcast_in_dim3A_208 : vector<16xf32>
      %parallel_loop3A_1117 = arith.constant 0 : i32
      %parallel_loop3A_1118 = arith.constant 16 : i32
      %parallel_loop3A_1119 = arith.constant 1 : i32
      scf.for %parallel_loop3A_1315 = %parallel_loop3A_1117 to %parallel_loop3A_1118 step %parallel_loop3A_1119  : i32 {
        %parallel_loop3A_1316 = arith.index_cast %parallel_loop3A_1315 : i32 to index
        %parallel_loop3A_1317 = arith.constant 112 : index
        %parallel_loop3A_1318 = tpu.vector_load %arg9[%parallel_loop3A_1316, %parallel_loop3A_1317] {strides = array<i32>} : memref<16x384xf32, #tpu.memory_space<vmem>>, vector<1x16xf32>,
        %parallel_loop3A_1319 = vector.shape_cast %parallel_loop3A_1318 : vector<1x16xf32> to vector<16xf32>
        %parallel_loop3A_1320 = arith.index_cast %parallel_loop3A_1315 : i32 to index
        %parallel_loop3A_1321 = arith.constant 112 : index
        %parallel_loop3A_1322 = tpu.vector_load %arg11[%parallel_loop3A_1320, %parallel_loop3A_1321] {strides = array<i32>} : memref<16x384xf32, #tpu.memory_space<vmem>>, vector<1x16xf32>,
        %parallel_loop3A_1323 = vector.shape_cast %parallel_loop3A_1322 : vector<1x16xf32> to vector<16xf32>
        %parallel_loop3A_1324 = arith.mulf %parallel_loop3A_1319, %parallel_loop3A_1323 : vector<16xf32>
        %parallel_loop3A_1325 = arith.select %gt3A_1112, %parallel_loop3A_1319, %parallel_loop3A_1324 : vector<16xi1>, vector<16xf32>
        %parallel_loop3A_1326 = arith.index_cast %parallel_loop3A_1315 : i32 to index
        %parallel_loop3A_1327 = arith.constant 112 : index
        %parallel_loop3A_1328 = tpu.vector_load %arg13[%parallel_loop3A_1326, %parallel_loop3A_1327] {strides = array<i32>} : memref<16x384xf32, #tpu.memory_space<vmem>>, vector<1x16xf32>,
        %parallel_loop3A_1329 = vector.shape_cast %parallel_loop3A_1328 : vector<1x16xf32> to vector<16xf32>
        %parallel_loop3A_1330 = vector.shape_cast %parallel_loop3A_1325 : vector<16xf32> to vector<1x16xf32>
        tpu.vector_store %arg13[%parallel_loop3A_1326, %parallel_loop3A_1327], %parallel_loop3A_1330 {strides = array<i32>} : memref<16x384xf32, #tpu.memory_space<vmem>>, vector<1x16xf32>,
        %parallel_loop3A_1331 = arith.select %gt3A_1116, %parallel_loop3A_1323, %parallel_loop3A_1324 : vector<16xi1>, vector<16xf32>
        %parallel_loop3A_1332 = arith.index_cast %parallel_loop3A_1315 : i32 to index
        %parallel_loop3A_1333 = arith.constant 112 : index
        %parallel_loop3A_1334 = tpu.vector_load %arg15[%parallel_loop3A_1332, %parallel_loop3A_1333] {strides = array<i32>} : memref<16x384xf32, #tpu.memory_space<vmem>>, vector<1x16xf32>,
        %parallel_loop3A_1335 = vector.shape_cast %parallel_loop3A_1334 : vector<1x16xf32> to vector<16xf32>
        %parallel_loop3A_1336 = vector.shape_cast %parallel_loop3A_1331 : vector<16xf32> to vector<1x16xf32>
        tpu.vector_store %arg15[%parallel_loop3A_1332, %parallel_loop3A_1333], %parallel_loop3A_1336 {strides = array<i32>} : memref<16x384xf32, #tpu.memory_space<vmem>>, vector<1x16xf32>,
      } {sc.loop_unroll_factor = 8 : i64, sc.parallel_access}
      %get3A_1120 = arith.constant 128 : index
      %get3A_1121 = tpu.vector_load %arg18[%get3A_1120] {strides = array<i32>} : memref<384xf32, #tpu.memory_space<vmem>>, vector<16xf32>,
      %get3A_1122 = vector.shape_cast %get3A_1121 : vector<16xf32> to vector<16xf32>
      %gt3A_1123 = arith.cmpf ogt, %get3A_1122, %broadcast_in_dim3A_208 : vector<16xf32>
      %get3A_1124 = arith.constant 128 : index
      %get3A_1125 = tpu.vector_load %arg19[%get3A_1124] {strides = array<i32>} : memref<384xf32, #tpu.memory_space<vmem>>, vector<16xf32>,
      %get3A_1126 = vector.shape_cast %get3A_1125 : vector<16xf32> to vector<16xf32>
      %gt3A_1127 = arith.cmpf ogt, %get3A_1126, %broadcast_in_dim3A_208 : vector<16xf32>
      %parallel_loop3A_1128 = arith.constant 0 : i32
      %parallel_loop3A_1129 = arith.constant 16 : i32
      %parallel_loop3A_1130 = arith.constant 1 : i32
      scf.for %parallel_loop3A_1315 = %parallel_loop3A_1128 to %parallel_loop3A_1129 step %parallel_loop3A_1130  : i32 {
        %parallel_loop3A_1316 = arith.index_cast %parallel_loop3A_1315 : i32 to index
        %parallel_loop3A_1317 = arith.constant 128 : index
        %parallel_loop3A_1318 = tpu.vector_load %arg9[%parallel_loop3A_1316, %parallel_loop3A_1317] {strides = array<i32>} : memref<16x384xf32, #tpu.memory_space<vmem>>, vector<1x16xf32>,
        %parallel_loop3A_1319 = vector.shape_cast %parallel_loop3A_1318 : vector<1x16xf32> to vector<16xf32>
        %parallel_loop3A_1320 = arith.index_cast %parallel_loop3A_1315 : i32 to index
        %parallel_loop3A_1321 = arith.constant 128 : index
        %parallel_loop3A_1322 = tpu.vector_load %arg11[%parallel_loop3A_1320, %parallel_loop3A_1321] {strides = array<i32>} : memref<16x384xf32, #tpu.memory_space<vmem>>, vector<1x16xf32>,
        %parallel_loop3A_1323 = vector.shape_cast %parallel_loop3A_1322 : vector<1x16xf32> to vector<16xf32>
        %parallel_loop3A_1324 = arith.mulf %parallel_loop3A_1319, %parallel_loop3A_1323 : vector<16xf32>
        %parallel_loop3A_1325 = arith.select %gt3A_1123, %parallel_loop3A_1319, %parallel_loop3A_1324 : vector<16xi1>, vector<16xf32>
        %parallel_loop3A_1326 = arith.index_cast %parallel_loop3A_1315 : i32 to index
        %parallel_loop3A_1327 = arith.constant 128 : index
        %parallel_loop3A_1328 = tpu.vector_load %arg13[%parallel_loop3A_1326, %parallel_loop3A_1327] {strides = array<i32>} : memref<16x384xf32, #tpu.memory_space<vmem>>, vector<1x16xf32>,
        %parallel_loop3A_1329 = vector.shape_cast %parallel_loop3A_1328 : vector<1x16xf32> to vector<16xf32>
        %parallel_loop3A_1330 = vector.shape_cast %parallel_loop3A_1325 : vector<16xf32> to vector<1x16xf32>
        tpu.vector_store %arg13[%parallel_loop3A_1326, %parallel_loop3A_1327], %parallel_loop3A_1330 {strides = array<i32>} : memref<16x384xf32, #tpu.memory_space<vmem>>, vector<1x16xf32>,
        %parallel_loop3A_1331 = arith.select %gt3A_1127, %parallel_loop3A_1323, %parallel_loop3A_1324 : vector<16xi1>, vector<16xf32>
        %parallel_loop3A_1332 = arith.index_cast %parallel_loop3A_1315 : i32 to index
        %parallel_loop3A_1333 = arith.constant 128 : index
        %parallel_loop3A_1334 = tpu.vector_load %arg15[%parallel_loop3A_1332, %parallel_loop3A_1333] {strides = array<i32>} : memref<16x384xf32, #tpu.memory_space<vmem>>, vector<1x16xf32>,
        %parallel_loop3A_1335 = vector.shape_cast %parallel_loop3A_1334 : vector<1x16xf32> to vector<16xf32>
        %parallel_loop3A_1336 = vector.shape_cast %parallel_loop3A_1331 : vector<16xf32> to vector<1x16xf32>
        tpu.vector_store %arg15[%parallel_loop3A_1332, %parallel_loop3A_1333], %parallel_loop3A_1336 {strides = array<i32>} : memref<16x384xf32, #tpu.memory_space<vmem>>, vector<1x16xf32>,
      } {sc.loop_unroll_factor = 8 : i64, sc.parallel_access}
      %get3A_1131 = arith.constant 144 : index
      %get3A_1132 = tpu.vector_load %arg18[%get3A_1131] {strides = array<i32>} : memref<384xf32, #tpu.memory_space<vmem>>, vector<16xf32>,
      %get3A_1133 = vector.shape_cast %get3A_1132 : vector<16xf32> to vector<16xf32>
      %gt3A_1134 = arith.cmpf ogt, %get3A_1133, %broadcast_in_dim3A_208 : vector<16xf32>
      %get3A_1135 = arith.constant 144 : index
      %get3A_1136 = tpu.vector_load %arg19[%get3A_1135] {strides = array<i32>} : memref<384xf32, #tpu.memory_space<vmem>>, vector<16xf32>,
      %get3A_1137 = vector.shape_cast %get3A_1136 : vector<16xf32> to vector<16xf32>
      %gt3A_1138 = arith.cmpf ogt, %get3A_1137, %broadcast_in_dim3A_208 : vector<16xf32>
      %parallel_loop3A_1139 = arith.constant 0 : i32
      %parallel_loop3A_1140 = arith.constant 16 : i32
      %parallel_loop3A_1141 = arith.constant 1 : i32
      scf.for %parallel_loop3A_1315 = %parallel_loop3A_1139 to %parallel_loop3A_1140 step %parallel_loop3A_1141  : i32 {
        %parallel_loop3A_1316 = arith.index_cast %parallel_loop3A_1315 : i32 to index
        %parallel_loop3A_1317 = arith.constant 144 : index
        %parallel_loop3A_1318 = tpu.vector_load %arg9[%parallel_loop3A_1316, %parallel_loop3A_1317] {strides = array<i32>} : memref<16x384xf32, #tpu.memory_space<vmem>>, vector<1x16xf32>,
        %parallel_loop3A_1319 = vector.shape_cast %parallel_loop3A_1318 : vector<1x16xf32> to vector<16xf32>
        %parallel_loop3A_1320 = arith.index_cast %parallel_loop3A_1315 : i32 to index
        %parallel_loop3A_1321 = arith.constant 144 : index
        %parallel_loop3A_1322 = tpu.vector_load %arg11[%parallel_loop3A_1320, %parallel_loop3A_1321] {strides = array<i32>} : memref<16x384xf32, #tpu.memory_space<vmem>>, vector<1x16xf32>,
        %parallel_loop3A_1323 = vector.shape_cast %parallel_loop3A_1322 : vector<1x16xf32> to vector<16xf32>
        %parallel_loop3A_1324 = arith.mulf %parallel_loop3A_1319, %parallel_loop3A_1323 : vector<16xf32>
        %parallel_loop3A_1325 = arith.select %gt3A_1134, %parallel_loop3A_1319, %parallel_loop3A_1324 : vector<16xi1>, vector<16xf32>
        %parallel_loop3A_1326 = arith.index_cast %parallel_loop3A_1315 : i32 to index
        %parallel_loop3A_1327 = arith.constant 144 : index
        %parallel_loop3A_1328 = tpu.vector_load %arg13[%parallel_loop3A_1326, %parallel_loop3A_1327] {strides = array<i32>} : memref<16x384xf32, #tpu.memory_space<vmem>>, vector<1x16xf32>,
        %parallel_loop3A_1329 = vector.shape_cast %parallel_loop3A_1328 : vector<1x16xf32> to vector<16xf32>
        %parallel_loop3A_1330 = vector.shape_cast %parallel_loop3A_1325 : vector<16xf32> to vector<1x16xf32>
        tpu.vector_store %arg13[%parallel_loop3A_1326, %parallel_loop3A_1327], %parallel_loop3A_1330 {strides = array<i32>} : memref<16x384xf32, #tpu.memory_space<vmem>>, vector<1x16xf32>,
        %parallel_loop3A_1331 = arith.select %gt3A_1138, %parallel_loop3A_1323, %parallel_loop3A_1324 : vector<16xi1>, vector<16xf32>
        %parallel_loop3A_1332 = arith.index_cast %parallel_loop3A_1315 : i32 to index
        %parallel_loop3A_1333 = arith.constant 144 : index
        %parallel_loop3A_1334 = tpu.vector_load %arg15[%parallel_loop3A_1332, %parallel_loop3A_1333] {strides = array<i32>} : memref<16x384xf32, #tpu.memory_space<vmem>>, vector<1x16xf32>,
        %parallel_loop3A_1335 = vector.shape_cast %parallel_loop3A_1334 : vector<1x16xf32> to vector<16xf32>
        %parallel_loop3A_1336 = vector.shape_cast %parallel_loop3A_1331 : vector<16xf32> to vector<1x16xf32>
        tpu.vector_store %arg15[%parallel_loop3A_1332, %parallel_loop3A_1333], %parallel_loop3A_1336 {strides = array<i32>} : memref<16x384xf32, #tpu.memory_space<vmem>>, vector<1x16xf32>,
      } {sc.loop_unroll_factor = 8 : i64, sc.parallel_access}
      %get3A_1142 = arith.constant 160 : index
      %get3A_1143 = tpu.vector_load %arg18[%get3A_1142] {strides = array<i32>} : memref<384xf32, #tpu.memory_space<vmem>>, vector<16xf32>,
      %get3A_1144 = vector.shape_cast %get3A_1143 : vector<16xf32> to vector<16xf32>
      %gt3A_1145 = arith.cmpf ogt, %get3A_1144, %broadcast_in_dim3A_208 : vector<16xf32>
      %get3A_1146 = arith.constant 160 : index
      %get3A_1147 = tpu.vector_load %arg19[%get3A_1146] {strides = array<i32>} : memref<384xf32, #tpu.memory_space<vmem>>, vector<16xf32>,
      %get3A_1148 = vector.shape_cast %get3A_1147 : vector<16xf32> to vector<16xf32>
      %gt3A_1149 = arith.cmpf ogt, %get3A_1148, %broadcast_in_dim3A_208 : vector<16xf32>
      %parallel_loop3A_1150 = arith.constant 0 : i32
      %parallel_loop3A_1151 = arith.constant 16 : i32
      %parallel_loop3A_1152 = arith.constant 1 : i32
      scf.for %parallel_loop3A_1315 = %parallel_loop3A_1150 to %parallel_loop3A_1151 step %parallel_loop3A_1152  : i32 {
        %parallel_loop3A_1316 = arith.index_cast %parallel_loop3A_1315 : i32 to index
        %parallel_loop3A_1317 = arith.constant 160 : index
        %parallel_loop3A_1318 = tpu.vector_load %arg9[%parallel_loop3A_1316, %parallel_loop3A_1317] {strides = array<i32>} : memref<16x384xf32, #tpu.memory_space<vmem>>, vector<1x16xf32>,
        %parallel_loop3A_1319 = vector.shape_cast %parallel_loop3A_1318 : vector<1x16xf32> to vector<16xf32>
        %parallel_loop3A_1320 = arith.index_cast %parallel_loop3A_1315 : i32 to index
        %parallel_loop3A_1321 = arith.constant 160 : index
        %parallel_loop3A_1322 = tpu.vector_load %arg11[%parallel_loop3A_1320, %parallel_loop3A_1321] {strides = array<i32>} : memref<16x384xf32, #tpu.memory_space<vmem>>, vector<1x16xf32>,
        %parallel_loop3A_1323 = vector.shape_cast %parallel_loop3A_1322 : vector<1x16xf32> to vector<16xf32>
        %parallel_loop3A_1324 = arith.mulf %parallel_loop3A_1319, %parallel_loop3A_1323 : vector<16xf32>
        %parallel_loop3A_1325 = arith.select %gt3A_1145, %parallel_loop3A_1319, %parallel_loop3A_1324 : vector<16xi1>, vector<16xf32>
        %parallel_loop3A_1326 = arith.index_cast %parallel_loop3A_1315 : i32 to index
        %parallel_loop3A_1327 = arith.constant 160 : index
        %parallel_loop3A_1328 = tpu.vector_load %arg13[%parallel_loop3A_1326, %parallel_loop3A_1327] {strides = array<i32>} : memref<16x384xf32, #tpu.memory_space<vmem>>, vector<1x16xf32>,
        %parallel_loop3A_1329 = vector.shape_cast %parallel_loop3A_1328 : vector<1x16xf32> to vector<16xf32>
        %parallel_loop3A_1330 = vector.shape_cast %parallel_loop3A_1325 : vector<16xf32> to vector<1x16xf32>
        tpu.vector_store %arg13[%parallel_loop3A_1326, %parallel_loop3A_1327], %parallel_loop3A_1330 {strides = array<i32>} : memref<16x384xf32, #tpu.memory_space<vmem>>, vector<1x16xf32>,
        %parallel_loop3A_1331 = arith.select %gt3A_1149, %parallel_loop3A_1323, %parallel_loop3A_1324 : vector<16xi1>, vector<16xf32>
        %parallel_loop3A_1332 = arith.index_cast %parallel_loop3A_1315 : i32 to index
        %parallel_loop3A_1333 = arith.constant 160 : index
        %parallel_loop3A_1334 = tpu.vector_load %arg15[%parallel_loop3A_1332, %parallel_loop3A_1333] {strides = array<i32>} : memref<16x384xf32, #tpu.memory_space<vmem>>, vector<1x16xf32>,
        %parallel_loop3A_1335 = vector.shape_cast %parallel_loop3A_1334 : vector<1x16xf32> to vector<16xf32>
        %parallel_loop3A_1336 = vector.shape_cast %parallel_loop3A_1331 : vector<16xf32> to vector<1x16xf32>
        tpu.vector_store %arg15[%parallel_loop3A_1332, %parallel_loop3A_1333], %parallel_loop3A_1336 {strides = array<i32>} : memref<16x384xf32, #tpu.memory_space<vmem>>, vector<1x16xf32>,
      } {sc.loop_unroll_factor = 8 : i64, sc.parallel_access}
      %get3A_1153 = arith.constant 176 : index
      %get3A_1154 = tpu.vector_load %arg18[%get3A_1153] {strides = array<i32>} : memref<384xf32, #tpu.memory_space<vmem>>, vector<16xf32>,
      %get3A_1155 = vector.shape_cast %get3A_1154 : vector<16xf32> to vector<16xf32>
      %gt3A_1156 = arith.cmpf ogt, %get3A_1155, %broadcast_in_dim3A_208 : vector<16xf32>
      %get3A_1157 = arith.constant 176 : index
      %get3A_1158 = tpu.vector_load %arg19[%get3A_1157] {strides = array<i32>} : memref<384xf32, #tpu.memory_space<vmem>>, vector<16xf32>,
      %get3A_1159 = vector.shape_cast %get3A_1158 : vector<16xf32> to vector<16xf32>
      %gt3A_1160 = arith.cmpf ogt, %get3A_1159, %broadcast_in_dim3A_208 : vector<16xf32>
      %parallel_loop3A_1161 = arith.constant 0 : i32
      %parallel_loop3A_1162 = arith.constant 16 : i32
      %parallel_loop3A_1163 = arith.constant 1 : i32
      scf.for %parallel_loop3A_1315 = %parallel_loop3A_1161 to %parallel_loop3A_1162 step %parallel_loop3A_1163  : i32 {
        %parallel_loop3A_1316 = arith.index_cast %parallel_loop3A_1315 : i32 to index
        %parallel_loop3A_1317 = arith.constant 176 : index
        %parallel_loop3A_1318 = tpu.vector_load %arg9[%parallel_loop3A_1316, %parallel_loop3A_1317] {strides = array<i32>} : memref<16x384xf32, #tpu.memory_space<vmem>>, vector<1x16xf32>,
        %parallel_loop3A_1319 = vector.shape_cast %parallel_loop3A_1318 : vector<1x16xf32> to vector<16xf32>
        %parallel_loop3A_1320 = arith.index_cast %parallel_loop3A_1315 : i32 to index
        %parallel_loop3A_1321 = arith.constant 176 : index
        %parallel_loop3A_1322 = tpu.vector_load %arg11[%parallel_loop3A_1320, %parallel_loop3A_1321] {strides = array<i32>} : memref<16x384xf32, #tpu.memory_space<vmem>>, vector<1x16xf32>,
        %parallel_loop3A_1323 = vector.shape_cast %parallel_loop3A_1322 : vector<1x16xf32> to vector<16xf32>
        %parallel_loop3A_1324 = arith.mulf %parallel_loop3A_1319, %parallel_loop3A_1323 : vector<16xf32>
        %parallel_loop3A_1325 = arith.select %gt3A_1156, %parallel_loop3A_1319, %parallel_loop3A_1324 : vector<16xi1>, vector<16xf32>
        %parallel_loop3A_1326 = arith.index_cast %parallel_loop3A_1315 : i32 to index
        %parallel_loop3A_1327 = arith.constant 176 : index
        %parallel_loop3A_1328 = tpu.vector_load %arg13[%parallel_loop3A_1326, %parallel_loop3A_1327] {strides = array<i32>} : memref<16x384xf32, #tpu.memory_space<vmem>>, vector<1x16xf32>,
        %parallel_loop3A_1329 = vector.shape_cast %parallel_loop3A_1328 : vector<1x16xf32> to vector<16xf32>
        %parallel_loop3A_1330 = vector.shape_cast %parallel_loop3A_1325 : vector<16xf32> to vector<1x16xf32>
        tpu.vector_store %arg13[%parallel_loop3A_1326, %parallel_loop3A_1327], %parallel_loop3A_1330 {strides = array<i32>} : memref<16x384xf32, #tpu.memory_space<vmem>>, vector<1x16xf32>,
        %parallel_loop3A_1331 = arith.select %gt3A_1160, %parallel_loop3A_1323, %parallel_loop3A_1324 : vector<16xi1>, vector<16xf32>
        %parallel_loop3A_1332 = arith.index_cast %parallel_loop3A_1315 : i32 to index
        %parallel_loop3A_1333 = arith.constant 176 : index
        %parallel_loop3A_1334 = tpu.vector_load %arg15[%parallel_loop3A_1332, %parallel_loop3A_1333] {strides = array<i32>} : memref<16x384xf32, #tpu.memory_space<vmem>>, vector<1x16xf32>,
        %parallel_loop3A_1335 = vector.shape_cast %parallel_loop3A_1334 : vector<1x16xf32> to vector<16xf32>
        %parallel_loop3A_1336 = vector.shape_cast %parallel_loop3A_1331 : vector<16xf32> to vector<1x16xf32>
        tpu.vector_store %arg15[%parallel_loop3A_1332, %parallel_loop3A_1333], %parallel_loop3A_1336 {strides = array<i32>} : memref<16x384xf32, #tpu.memory_space<vmem>>, vector<1x16xf32>,
      } {sc.loop_unroll_factor = 8 : i64, sc.parallel_access}
      %get3A_1164 = arith.constant 192 : index
      %get3A_1165 = tpu.vector_load %arg18[%get3A_1164] {strides = array<i32>} : memref<384xf32, #tpu.memory_space<vmem>>, vector<16xf32>,
      %get3A_1166 = vector.shape_cast %get3A_1165 : vector<16xf32> to vector<16xf32>
      %gt3A_1167 = arith.cmpf ogt, %get3A_1166, %broadcast_in_dim3A_208 : vector<16xf32>
      %get3A_1168 = arith.constant 192 : index
      %get3A_1169 = tpu.vector_load %arg19[%get3A_1168] {strides = array<i32>} : memref<384xf32, #tpu.memory_space<vmem>>, vector<16xf32>,
      %get3A_1170 = vector.shape_cast %get3A_1169 : vector<16xf32> to vector<16xf32>
      %gt3A_1171 = arith.cmpf ogt, %get3A_1170, %broadcast_in_dim3A_208 : vector<16xf32>
      %parallel_loop3A_1172 = arith.constant 0 : i32
      %parallel_loop3A_1173 = arith.constant 16 : i32
      %parallel_loop3A_1174 = arith.constant 1 : i32
      scf.for %parallel_loop3A_1315 = %parallel_loop3A_1172 to %parallel_loop3A_1173 step %parallel_loop3A_1174  : i32 {
        %parallel_loop3A_1316 = arith.index_cast %parallel_loop3A_1315 : i32 to index
        %parallel_loop3A_1317 = arith.constant 192 : index
        %parallel_loop3A_1318 = tpu.vector_load %arg9[%parallel_loop3A_1316, %parallel_loop3A_1317] {strides = array<i32>} : memref<16x384xf32, #tpu.memory_space<vmem>>, vector<1x16xf32>,
        %parallel_loop3A_1319 = vector.shape_cast %parallel_loop3A_1318 : vector<1x16xf32> to vector<16xf32>
        %parallel_loop3A_1320 = arith.index_cast %parallel_loop3A_1315 : i32 to index
        %parallel_loop3A_1321 = arith.constant 192 : index
        %parallel_loop3A_1322 = tpu.vector_load %arg11[%parallel_loop3A_1320, %parallel_loop3A_1321] {strides = array<i32>} : memref<16x384xf32, #tpu.memory_space<vmem>>, vector<1x16xf32>,
        %parallel_loop3A_1323 = vector.shape_cast %parallel_loop3A_1322 : vector<1x16xf32> to vector<16xf32>
        %parallel_loop3A_1324 = arith.mulf %parallel_loop3A_1319, %parallel_loop3A_1323 : vector<16xf32>
        %parallel_loop3A_1325 = arith.select %gt3A_1167, %parallel_loop3A_1319, %parallel_loop3A_1324 : vector<16xi1>, vector<16xf32>
        %parallel_loop3A_1326 = arith.index_cast %parallel_loop3A_1315 : i32 to index
        %parallel_loop3A_1327 = arith.constant 192 : index
        %parallel_loop3A_1328 = tpu.vector_load %arg13[%parallel_loop3A_1326, %parallel_loop3A_1327] {strides = array<i32>} : memref<16x384xf32, #tpu.memory_space<vmem>>, vector<1x16xf32>,
        %parallel_loop3A_1329 = vector.shape_cast %parallel_loop3A_1328 : vector<1x16xf32> to vector<16xf32>
        %parallel_loop3A_1330 = vector.shape_cast %parallel_loop3A_1325 : vector<16xf32> to vector<1x16xf32>
        tpu.vector_store %arg13[%parallel_loop3A_1326, %parallel_loop3A_1327], %parallel_loop3A_1330 {strides = array<i32>} : memref<16x384xf32, #tpu.memory_space<vmem>>, vector<1x16xf32>,
        %parallel_loop3A_1331 = arith.select %gt3A_1171, %parallel_loop3A_1323, %parallel_loop3A_1324 : vector<16xi1>, vector<16xf32>
        %parallel_loop3A_1332 = arith.index_cast %parallel_loop3A_1315 : i32 to index
        %parallel_loop3A_1333 = arith.constant 192 : index
        %parallel_loop3A_1334 = tpu.vector_load %arg15[%parallel_loop3A_1332, %parallel_loop3A_1333] {strides = array<i32>} : memref<16x384xf32, #tpu.memory_space<vmem>>, vector<1x16xf32>,
        %parallel_loop3A_1335 = vector.shape_cast %parallel_loop3A_1334 : vector<1x16xf32> to vector<16xf32>
        %parallel_loop3A_1336 = vector.shape_cast %parallel_loop3A_1331 : vector<16xf32> to vector<1x16xf32>
        tpu.vector_store %arg15[%parallel_loop3A_1332, %parallel_loop3A_1333], %parallel_loop3A_1336 {strides = array<i32>} : memref<16x384xf32, #tpu.memory_space<vmem>>, vector<1x16xf32>,
      } {sc.loop_unroll_factor = 8 : i64, sc.parallel_access}
      %get3A_1175 = arith.constant 208 : index
      %get3A_1176 = tpu.vector_load %arg18[%get3A_1175] {strides = array<i32>} : memref<384xf32, #tpu.memory_space<vmem>>, vector<16xf32>,
      %get3A_1177 = vector.shape_cast %get3A_1176 : vector<16xf32> to vector<16xf32>
      %gt3A_1178 = arith.cmpf ogt, %get3A_1177, %broadcast_in_dim3A_208 : vector<16xf32>
      %get3A_1179 = arith.constant 208 : index
      %get3A_1180 = tpu.vector_load %arg19[%get3A_1179] {strides = array<i32>} : memref<384xf32, #tpu.memory_space<vmem>>, vector<16xf32>,
      %get3A_1181 = vector.shape_cast %get3A_1180 : vector<16xf32> to vector<16xf32>
      %gt3A_1182 = arith.cmpf ogt, %get3A_1181, %broadcast_in_dim3A_208 : vector<16xf32>
      %parallel_loop3A_1183 = arith.constant 0 : i32
      %parallel_loop3A_1184 = arith.constant 16 : i32
      %parallel_loop3A_1185 = arith.constant 1 : i32
      scf.for %parallel_loop3A_1315 = %parallel_loop3A_1183 to %parallel_loop3A_1184 step %parallel_loop3A_1185  : i32 {
        %parallel_loop3A_1316 = arith.index_cast %parallel_loop3A_1315 : i32 to index
        %parallel_loop3A_1317 = arith.constant 208 : index
        %parallel_loop3A_1318 = tpu.vector_load %arg9[%parallel_loop3A_1316, %parallel_loop3A_1317] {strides = array<i32>} : memref<16x384xf32, #tpu.memory_space<vmem>>, vector<1x16xf32>,
        %parallel_loop3A_1319 = vector.shape_cast %parallel_loop3A_1318 : vector<1x16xf32> to vector<16xf32>
        %parallel_loop3A_1320 = arith.index_cast %parallel_loop3A_1315 : i32 to index
        %parallel_loop3A_1321 = arith.constant 208 : index
        %parallel_loop3A_1322 = tpu.vector_load %arg11[%parallel_loop3A_1320, %parallel_loop3A_1321] {strides = array<i32>} : memref<16x384xf32, #tpu.memory_space<vmem>>, vector<1x16xf32>,
        %parallel_loop3A_1323 = vector.shape_cast %parallel_loop3A_1322 : vector<1x16xf32> to vector<16xf32>
        %parallel_loop3A_1324 = arith.mulf %parallel_loop3A_1319, %parallel_loop3A_1323 : vector<16xf32>
        %parallel_loop3A_1325 = arith.select %gt3A_1178, %parallel_loop3A_1319, %parallel_loop3A_1324 : vector<16xi1>, vector<16xf32>
        %parallel_loop3A_1326 = arith.index_cast %parallel_loop3A_1315 : i32 to index
        %parallel_loop3A_1327 = arith.constant 208 : index
        %parallel_loop3A_1328 = tpu.vector_load %arg13[%parallel_loop3A_1326, %parallel_loop3A_1327] {strides = array<i32>} : memref<16x384xf32, #tpu.memory_space<vmem>>, vector<1x16xf32>,
        %parallel_loop3A_1329 = vector.shape_cast %parallel_loop3A_1328 : vector<1x16xf32> to vector<16xf32>
        %parallel_loop3A_1330 = vector.shape_cast %parallel_loop3A_1325 : vector<16xf32> to vector<1x16xf32>
        tpu.vector_store %arg13[%parallel_loop3A_1326, %parallel_loop3A_1327], %parallel_loop3A_1330 {strides = array<i32>} : memref<16x384xf32, #tpu.memory_space<vmem>>, vector<1x16xf32>,
        %parallel_loop3A_1331 = arith.select %gt3A_1182, %parallel_loop3A_1323, %parallel_loop3A_1324 : vector<16xi1>, vector<16xf32>
        %parallel_loop3A_1332 = arith.index_cast %parallel_loop3A_1315 : i32 to index
        %parallel_loop3A_1333 = arith.constant 208 : index
        %parallel_loop3A_1334 = tpu.vector_load %arg15[%parallel_loop3A_1332, %parallel_loop3A_1333] {strides = array<i32>} : memref<16x384xf32, #tpu.memory_space<vmem>>, vector<1x16xf32>,
        %parallel_loop3A_1335 = vector.shape_cast %parallel_loop3A_1334 : vector<1x16xf32> to vector<16xf32>
        %parallel_loop3A_1336 = vector.shape_cast %parallel_loop3A_1331 : vector<16xf32> to vector<1x16xf32>
        tpu.vector_store %arg15[%parallel_loop3A_1332, %parallel_loop3A_1333], %parallel_loop3A_1336 {strides = array<i32>} : memref<16x384xf32, #tpu.memory_space<vmem>>, vector<1x16xf32>,
      } {sc.loop_unroll_factor = 8 : i64, sc.parallel_access}
      %get3A_1186 = arith.constant 224 : index
      %get3A_1187 = tpu.vector_load %arg18[%get3A_1186] {strides = array<i32>} : memref<384xf32, #tpu.memory_space<vmem>>, vector<16xf32>,
      %get3A_1188 = vector.shape_cast %get3A_1187 : vector<16xf32> to vector<16xf32>
      %gt3A_1189 = arith.cmpf ogt, %get3A_1188, %broadcast_in_dim3A_208 : vector<16xf32>
      %get3A_1190 = arith.constant 224 : index
      %get3A_1191 = tpu.vector_load %arg19[%get3A_1190] {strides = array<i32>} : memref<384xf32, #tpu.memory_space<vmem>>, vector<16xf32>,
      %get3A_1192 = vector.shape_cast %get3A_1191 : vector<16xf32> to vector<16xf32>
      %gt3A_1193 = arith.cmpf ogt, %get3A_1192, %broadcast_in_dim3A_208 : vector<16xf32>
      %parallel_loop3A_1194 = arith.constant 0 : i32
      %parallel_loop3A_1195 = arith.constant 16 : i32
      %parallel_loop3A_1196 = arith.constant 1 : i32
      scf.for %parallel_loop3A_1315 = %parallel_loop3A_1194 to %parallel_loop3A_1195 step %parallel_loop3A_1196  : i32 {
        %parallel_loop3A_1316 = arith.index_cast %parallel_loop3A_1315 : i32 to index
        %parallel_loop3A_1317 = arith.constant 224 : index
        %parallel_loop3A_1318 = tpu.vector_load %arg9[%parallel_loop3A_1316, %parallel_loop3A_1317] {strides = array<i32>} : memref<16x384xf32, #tpu.memory_space<vmem>>, vector<1x16xf32>,
        %parallel_loop3A_1319 = vector.shape_cast %parallel_loop3A_1318 : vector<1x16xf32> to vector<16xf32>
        %parallel_loop3A_1320 = arith.index_cast %parallel_loop3A_1315 : i32 to index
        %parallel_loop3A_1321 = arith.constant 224 : index
        %parallel_loop3A_1322 = tpu.vector_load %arg11[%parallel_loop3A_1320, %parallel_loop3A_1321] {strides = array<i32>} : memref<16x384xf32, #tpu.memory_space<vmem>>, vector<1x16xf32>,
        %parallel_loop3A_1323 = vector.shape_cast %parallel_loop3A_1322 : vector<1x16xf32> to vector<16xf32>
        %parallel_loop3A_1324 = arith.mulf %parallel_loop3A_1319, %parallel_loop3A_1323 : vector<16xf32>
        %parallel_loop3A_1325 = arith.select %gt3A_1189, %parallel_loop3A_1319, %parallel_loop3A_1324 : vector<16xi1>, vector<16xf32>
        %parallel_loop3A_1326 = arith.index_cast %parallel_loop3A_1315 : i32 to index
        %parallel_loop3A_1327 = arith.constant 224 : index
        %parallel_loop3A_1328 = tpu.vector_load %arg13[%parallel_loop3A_1326, %parallel_loop3A_1327] {strides = array<i32>} : memref<16x384xf32, #tpu.memory_space<vmem>>, vector<1x16xf32>,
        %parallel_loop3A_1329 = vector.shape_cast %parallel_loop3A_1328 : vector<1x16xf32> to vector<16xf32>
        %parallel_loop3A_1330 = vector.shape_cast %parallel_loop3A_1325 : vector<16xf32> to vector<1x16xf32>
        tpu.vector_store %arg13[%parallel_loop3A_1326, %parallel_loop3A_1327], %parallel_loop3A_1330 {strides = array<i32>} : memref<16x384xf32, #tpu.memory_space<vmem>>, vector<1x16xf32>,
        %parallel_loop3A_1331 = arith.select %gt3A_1193, %parallel_loop3A_1323, %parallel_loop3A_1324 : vector<16xi1>, vector<16xf32>
        %parallel_loop3A_1332 = arith.index_cast %parallel_loop3A_1315 : i32 to index
        %parallel_loop3A_1333 = arith.constant 224 : index
        %parallel_loop3A_1334 = tpu.vector_load %arg15[%parallel_loop3A_1332, %parallel_loop3A_1333] {strides = array<i32>} : memref<16x384xf32, #tpu.memory_space<vmem>>, vector<1x16xf32>,
        %parallel_loop3A_1335 = vector.shape_cast %parallel_loop3A_1334 : vector<1x16xf32> to vector<16xf32>
        %parallel_loop3A_1336 = vector.shape_cast %parallel_loop3A_1331 : vector<16xf32> to vector<1x16xf32>
        tpu.vector_store %arg15[%parallel_loop3A_1332, %parallel_loop3A_1333], %parallel_loop3A_1336 {strides = array<i32>} : memref<16x384xf32, #tpu.memory_space<vmem>>, vector<1x16xf32>,
      } {sc.loop_unroll_factor = 8 : i64, sc.parallel_access}
      %get3A_1197 = arith.constant 240 : index
      %get3A_1198 = tpu.vector_load %arg18[%get3A_1197] {strides = array<i32>} : memref<384xf32, #tpu.memory_space<vmem>>, vector<16xf32>,
      %get3A_1199 = vector.shape_cast %get3A_1198 : vector<16xf32> to vector<16xf32>
      %gt3A_1200 = arith.cmpf ogt, %get3A_1199, %broadcast_in_dim3A_208 : vector<16xf32>
      %get3A_1201 = arith.constant 240 : index
      %get3A_1202 = tpu.vector_load %arg19[%get3A_1201] {strides = array<i32>} : memref<384xf32, #tpu.memory_space<vmem>>, vector<16xf32>,
      %get3A_1203 = vector.shape_cast %get3A_1202 : vector<16xf32> to vector<16xf32>
      %gt3A_1204 = arith.cmpf ogt, %get3A_1203, %broadcast_in_dim3A_208 : vector<16xf32>
      %parallel_loop3A_1205 = arith.constant 0 : i32
      %parallel_loop3A_1206 = arith.constant 16 : i32
      %parallel_loop3A_1207 = arith.constant 1 : i32
      scf.for %parallel_loop3A_1315 = %parallel_loop3A_1205 to %parallel_loop3A_1206 step %parallel_loop3A_1207  : i32 {
        %parallel_loop3A_1316 = arith.index_cast %parallel_loop3A_1315 : i32 to index
        %parallel_loop3A_1317 = arith.constant 240 : index
        %parallel_loop3A_1318 = tpu.vector_load %arg9[%parallel_loop3A_1316, %parallel_loop3A_1317] {strides = array<i32>} : memref<16x384xf32, #tpu.memory_space<vmem>>, vector<1x16xf32>,
        %parallel_loop3A_1319 = vector.shape_cast %parallel_loop3A_1318 : vector<1x16xf32> to vector<16xf32>
        %parallel_loop3A_1320 = arith.index_cast %parallel_loop3A_1315 : i32 to index
        %parallel_loop3A_1321 = arith.constant 240 : index
        %parallel_loop3A_1322 = tpu.vector_load %arg11[%parallel_loop3A_1320, %parallel_loop3A_1321] {strides = array<i32>} : memref<16x384xf32, #tpu.memory_space<vmem>>, vector<1x16xf32>,
        %parallel_loop3A_1323 = vector.shape_cast %parallel_loop3A_1322 : vector<1x16xf32> to vector<16xf32>
        %parallel_loop3A_1324 = arith.mulf %parallel_loop3A_1319, %parallel_loop3A_1323 : vector<16xf32>
        %parallel_loop3A_1325 = arith.select %gt3A_1200, %parallel_loop3A_1319, %parallel_loop3A_1324 : vector<16xi1>, vector<16xf32>
        %parallel_loop3A_1326 = arith.index_cast %parallel_loop3A_1315 : i32 to index
        %parallel_loop3A_1327 = arith.constant 240 : index
        %parallel_loop3A_1328 = tpu.vector_load %arg13[%parallel_loop3A_1326, %parallel_loop3A_1327] {strides = array<i32>} : memref<16x384xf32, #tpu.memory_space<vmem>>, vector<1x16xf32>,
        %parallel_loop3A_1329 = vector.shape_cast %parallel_loop3A_1328 : vector<1x16xf32> to vector<16xf32>
        %parallel_loop3A_1330 = vector.shape_cast %parallel_loop3A_1325 : vector<16xf32> to vector<1x16xf32>
        tpu.vector_store %arg13[%parallel_loop3A_1326, %parallel_loop3A_1327], %parallel_loop3A_1330 {strides = array<i32>} : memref<16x384xf32, #tpu.memory_space<vmem>>, vector<1x16xf32>,
        %parallel_loop3A_1331 = arith.select %gt3A_1204, %parallel_loop3A_1323, %parallel_loop3A_1324 : vector<16xi1>, vector<16xf32>
        %parallel_loop3A_1332 = arith.index_cast %parallel_loop3A_1315 : i32 to index
        %parallel_loop3A_1333 = arith.constant 240 : index
        %parallel_loop3A_1334 = tpu.vector_load %arg15[%parallel_loop3A_1332, %parallel_loop3A_1333] {strides = array<i32>} : memref<16x384xf32, #tpu.memory_space<vmem>>, vector<1x16xf32>,
        %parallel_loop3A_1335 = vector.shape_cast %parallel_loop3A_1334 : vector<1x16xf32> to vector<16xf32>
        %parallel_loop3A_1336 = vector.shape_cast %parallel_loop3A_1331 : vector<16xf32> to vector<1x16xf32>
        tpu.vector_store %arg15[%parallel_loop3A_1332, %parallel_loop3A_1333], %parallel_loop3A_1336 {strides = array<i32>} : memref<16x384xf32, #tpu.memory_space<vmem>>, vector<1x16xf32>,
      } {sc.loop_unroll_factor = 8 : i64, sc.parallel_access}
      %get3A_1208 = arith.constant 256 : index
      %get3A_1209 = tpu.vector_load %arg18[%get3A_1208] {strides = array<i32>} : memref<384xf32, #tpu.memory_space<vmem>>, vector<16xf32>,
      %get3A_1210 = vector.shape_cast %get3A_1209 : vector<16xf32> to vector<16xf32>
      %gt3A_1211 = arith.cmpf ogt, %get3A_1210, %broadcast_in_dim3A_208 : vector<16xf32>
      %get3A_1212 = arith.constant 256 : index
      %get3A_1213 = tpu.vector_load %arg19[%get3A_1212] {strides = array<i32>} : memref<384xf32, #tpu.memory_space<vmem>>, vector<16xf32>,
      %get3A_1214 = vector.shape_cast %get3A_1213 : vector<16xf32> to vector<16xf32>
      %gt3A_1215 = arith.cmpf ogt, %get3A_1214, %broadcast_in_dim3A_208 : vector<16xf32>
      %parallel_loop3A_1216 = arith.constant 0 : i32
      %parallel_loop3A_1217 = arith.constant 16 : i32
      %parallel_loop3A_1218 = arith.constant 1 : i32
      scf.for %parallel_loop3A_1315 = %parallel_loop3A_1216 to %parallel_loop3A_1217 step %parallel_loop3A_1218  : i32 {
        %parallel_loop3A_1316 = arith.index_cast %parallel_loop3A_1315 : i32 to index
        %parallel_loop3A_1317 = arith.constant 256 : index
        %parallel_loop3A_1318 = tpu.vector_load %arg9[%parallel_loop3A_1316, %parallel_loop3A_1317] {strides = array<i32>} : memref<16x384xf32, #tpu.memory_space<vmem>>, vector<1x16xf32>,
        %parallel_loop3A_1319 = vector.shape_cast %parallel_loop3A_1318 : vector<1x16xf32> to vector<16xf32>
        %parallel_loop3A_1320 = arith.index_cast %parallel_loop3A_1315 : i32 to index
        %parallel_loop3A_1321 = arith.constant 256 : index
        %parallel_loop3A_1322 = tpu.vector_load %arg11[%parallel_loop3A_1320, %parallel_loop3A_1321] {strides = array<i32>} : memref<16x384xf32, #tpu.memory_space<vmem>>, vector<1x16xf32>,
        %parallel_loop3A_1323 = vector.shape_cast %parallel_loop3A_1322 : vector<1x16xf32> to vector<16xf32>
        %parallel_loop3A_1324 = arith.mulf %parallel_loop3A_1319, %parallel_loop3A_1323 : vector<16xf32>
        %parallel_loop3A_1325 = arith.select %gt3A_1211, %parallel_loop3A_1319, %parallel_loop3A_1324 : vector<16xi1>, vector<16xf32>
        %parallel_loop3A_1326 = arith.index_cast %parallel_loop3A_1315 : i32 to index
        %parallel_loop3A_1327 = arith.constant 256 : index
        %parallel_loop3A_1328 = tpu.vector_load %arg13[%parallel_loop3A_1326, %parallel_loop3A_1327] {strides = array<i32>} : memref<16x384xf32, #tpu.memory_space<vmem>>, vector<1x16xf32>,
        %parallel_loop3A_1329 = vector.shape_cast %parallel_loop3A_1328 : vector<1x16xf32> to vector<16xf32>
        %parallel_loop3A_1330 = vector.shape_cast %parallel_loop3A_1325 : vector<16xf32> to vector<1x16xf32>
        tpu.vector_store %arg13[%parallel_loop3A_1326, %parallel_loop3A_1327], %parallel_loop3A_1330 {strides = array<i32>} : memref<16x384xf32, #tpu.memory_space<vmem>>, vector<1x16xf32>,
        %parallel_loop3A_1331 = arith.select %gt3A_1215, %parallel_loop3A_1323, %parallel_loop3A_1324 : vector<16xi1>, vector<16xf32>
        %parallel_loop3A_1332 = arith.index_cast %parallel_loop3A_1315 : i32 to index
        %parallel_loop3A_1333 = arith.constant 256 : index
        %parallel_loop3A_1334 = tpu.vector_load %arg15[%parallel_loop3A_1332, %parallel_loop3A_1333] {strides = array<i32>} : memref<16x384xf32, #tpu.memory_space<vmem>>, vector<1x16xf32>,
        %parallel_loop3A_1335 = vector.shape_cast %parallel_loop3A_1334 : vector<1x16xf32> to vector<16xf32>
        %parallel_loop3A_1336 = vector.shape_cast %parallel_loop3A_1331 : vector<16xf32> to vector<1x16xf32>
        tpu.vector_store %arg15[%parallel_loop3A_1332, %parallel_loop3A_1333], %parallel_loop3A_1336 {strides = array<i32>} : memref<16x384xf32, #tpu.memory_space<vmem>>, vector<1x16xf32>,
      } {sc.loop_unroll_factor = 8 : i64, sc.parallel_access}
      %get3A_1219 = arith.constant 272 : index
      %get3A_1220 = tpu.vector_load %arg18[%get3A_1219] {strides = array<i32>} : memref<384xf32, #tpu.memory_space<vmem>>, vector<16xf32>,
      %get3A_1221 = vector.shape_cast %get3A_1220 : vector<16xf32> to vector<16xf32>
      %gt3A_1222 = arith.cmpf ogt, %get3A_1221, %broadcast_in_dim3A_208 : vector<16xf32>
      %get3A_1223 = arith.constant 272 : index
      %get3A_1224 = tpu.vector_load %arg19[%get3A_1223] {strides = array<i32>} : memref<384xf32, #tpu.memory_space<vmem>>, vector<16xf32>,
      %get3A_1225 = vector.shape_cast %get3A_1224 : vector<16xf32> to vector<16xf32>
      %gt3A_1226 = arith.cmpf ogt, %get3A_1225, %broadcast_in_dim3A_208 : vector<16xf32>
      %parallel_loop3A_1227 = arith.constant 0 : i32
      %parallel_loop3A_1228 = arith.constant 16 : i32
      %parallel_loop3A_1229 = arith.constant 1 : i32
      scf.for %parallel_loop3A_1315 = %parallel_loop3A_1227 to %parallel_loop3A_1228 step %parallel_loop3A_1229  : i32 {
        %parallel_loop3A_1316 = arith.index_cast %parallel_loop3A_1315 : i32 to index
        %parallel_loop3A_1317 = arith.constant 272 : index
        %parallel_loop3A_1318 = tpu.vector_load %arg9[%parallel_loop3A_1316, %parallel_loop3A_1317] {strides = array<i32>} : memref<16x384xf32, #tpu.memory_space<vmem>>, vector<1x16xf32>,
        %parallel_loop3A_1319 = vector.shape_cast %parallel_loop3A_1318 : vector<1x16xf32> to vector<16xf32>
        %parallel_loop3A_1320 = arith.index_cast %parallel_loop3A_1315 : i32 to index
        %parallel_loop3A_1321 = arith.constant 272 : index
        %parallel_loop3A_1322 = tpu.vector_load %arg11[%parallel_loop3A_1320, %parallel_loop3A_1321] {strides = array<i32>} : memref<16x384xf32, #tpu.memory_space<vmem>>, vector<1x16xf32>,
        %parallel_loop3A_1323 = vector.shape_cast %parallel_loop3A_1322 : vector<1x16xf32> to vector<16xf32>
        %parallel_loop3A_1324 = arith.mulf %parallel_loop3A_1319, %parallel_loop3A_1323 : vector<16xf32>
        %parallel_loop3A_1325 = arith.select %gt3A_1222, %parallel_loop3A_1319, %parallel_loop3A_1324 : vector<16xi1>, vector<16xf32>
        %parallel_loop3A_1326 = arith.index_cast %parallel_loop3A_1315 : i32 to index
        %parallel_loop3A_1327 = arith.constant 272 : index
        %parallel_loop3A_1328 = tpu.vector_load %arg13[%parallel_loop3A_1326, %parallel_loop3A_1327] {strides = array<i32>} : memref<16x384xf32, #tpu.memory_space<vmem>>, vector<1x16xf32>,
        %parallel_loop3A_1329 = vector.shape_cast %parallel_loop3A_1328 : vector<1x16xf32> to vector<16xf32>
        %parallel_loop3A_1330 = vector.shape_cast %parallel_loop3A_1325 : vector<16xf32> to vector<1x16xf32>
        tpu.vector_store %arg13[%parallel_loop3A_1326, %parallel_loop3A_1327], %parallel_loop3A_1330 {strides = array<i32>} : memref<16x384xf32, #tpu.memory_space<vmem>>, vector<1x16xf32>,
        %parallel_loop3A_1331 = arith.select %gt3A_1226, %parallel_loop3A_1323, %parallel_loop3A_1324 : vector<16xi1>, vector<16xf32>
        %parallel_loop3A_1332 = arith.index_cast %parallel_loop3A_1315 : i32 to index
        %parallel_loop3A_1333 = arith.constant 272 : index
        %parallel_loop3A_1334 = tpu.vector_load %arg15[%parallel_loop3A_1332, %parallel_loop3A_1333] {strides = array<i32>} : memref<16x384xf32, #tpu.memory_space<vmem>>, vector<1x16xf32>,
        %parallel_loop3A_1335 = vector.shape_cast %parallel_loop3A_1334 : vector<1x16xf32> to vector<16xf32>
        %parallel_loop3A_1336 = vector.shape_cast %parallel_loop3A_1331 : vector<16xf32> to vector<1x16xf32>
        tpu.vector_store %arg15[%parallel_loop3A_1332, %parallel_loop3A_1333], %parallel_loop3A_1336 {strides = array<i32>} : memref<16x384xf32, #tpu.memory_space<vmem>>, vector<1x16xf32>,
      } {sc.loop_unroll_factor = 8 : i64, sc.parallel_access}
      %get3A_1230 = arith.constant 288 : index
      %get3A_1231 = tpu.vector_load %arg18[%get3A_1230] {strides = array<i32>} : memref<384xf32, #tpu.memory_space<vmem>>, vector<16xf32>,
      %get3A_1232 = vector.shape_cast %get3A_1231 : vector<16xf32> to vector<16xf32>
      %gt3A_1233 = arith.cmpf ogt, %get3A_1232, %broadcast_in_dim3A_208 : vector<16xf32>
      %get3A_1234 = arith.constant 288 : index
      %get3A_1235 = tpu.vector_load %arg19[%get3A_1234] {strides = array<i32>} : memref<384xf32, #tpu.memory_space<vmem>>, vector<16xf32>,
      %get3A_1236 = vector.shape_cast %get3A_1235 : vector<16xf32> to vector<16xf32>
      %gt3A_1237 = arith.cmpf ogt, %get3A_1236, %broadcast_in_dim3A_208 : vector<16xf32>
      %parallel_loop3A_1238 = arith.constant 0 : i32
      %parallel_loop3A_1239 = arith.constant 16 : i32
      %parallel_loop3A_1240 = arith.constant 1 : i32
      scf.for %parallel_loop3A_1315 = %parallel_loop3A_1238 to %parallel_loop3A_1239 step %parallel_loop3A_1240  : i32 {
        %parallel_loop3A_1316 = arith.index_cast %parallel_loop3A_1315 : i32 to index
        %parallel_loop3A_1317 = arith.constant 288 : index
        %parallel_loop3A_1318 = tpu.vector_load %arg9[%parallel_loop3A_1316, %parallel_loop3A_1317] {strides = array<i32>} : memref<16x384xf32, #tpu.memory_space<vmem>>, vector<1x16xf32>,
        %parallel_loop3A_1319 = vector.shape_cast %parallel_loop3A_1318 : vector<1x16xf32> to vector<16xf32>
        %parallel_loop3A_1320 = arith.index_cast %parallel_loop3A_1315 : i32 to index
        %parallel_loop3A_1321 = arith.constant 288 : index
        %parallel_loop3A_1322 = tpu.vector_load %arg11[%parallel_loop3A_1320, %parallel_loop3A_1321] {strides = array<i32>} : memref<16x384xf32, #tpu.memory_space<vmem>>, vector<1x16xf32>,
        %parallel_loop3A_1323 = vector.shape_cast %parallel_loop3A_1322 : vector<1x16xf32> to vector<16xf32>
        %parallel_loop3A_1324 = arith.mulf %parallel_loop3A_1319, %parallel_loop3A_1323 : vector<16xf32>
        %parallel_loop3A_1325 = arith.select %gt3A_1233, %parallel_loop3A_1319, %parallel_loop3A_1324 : vector<16xi1>, vector<16xf32>
        %parallel_loop3A_1326 = arith.index_cast %parallel_loop3A_1315 : i32 to index
        %parallel_loop3A_1327 = arith.constant 288 : index
        %parallel_loop3A_1328 = tpu.vector_load %arg13[%parallel_loop3A_1326, %parallel_loop3A_1327] {strides = array<i32>} : memref<16x384xf32, #tpu.memory_space<vmem>>, vector<1x16xf32>,
        %parallel_loop3A_1329 = vector.shape_cast %parallel_loop3A_1328 : vector<1x16xf32> to vector<16xf32>
        %parallel_loop3A_1330 = vector.shape_cast %parallel_loop3A_1325 : vector<16xf32> to vector<1x16xf32>
        tpu.vector_store %arg13[%parallel_loop3A_1326, %parallel_loop3A_1327], %parallel_loop3A_1330 {strides = array<i32>} : memref<16x384xf32, #tpu.memory_space<vmem>>, vector<1x16xf32>,
        %parallel_loop3A_1331 = arith.select %gt3A_1237, %parallel_loop3A_1323, %parallel_loop3A_1324 : vector<16xi1>, vector<16xf32>
        %parallel_loop3A_1332 = arith.index_cast %parallel_loop3A_1315 : i32 to index
        %parallel_loop3A_1333 = arith.constant 288 : index
        %parallel_loop3A_1334 = tpu.vector_load %arg15[%parallel_loop3A_1332, %parallel_loop3A_1333] {strides = array<i32>} : memref<16x384xf32, #tpu.memory_space<vmem>>, vector<1x16xf32>,
        %parallel_loop3A_1335 = vector.shape_cast %parallel_loop3A_1334 : vector<1x16xf32> to vector<16xf32>
        %parallel_loop3A_1336 = vector.shape_cast %parallel_loop3A_1331 : vector<16xf32> to vector<1x16xf32>
        tpu.vector_store %arg15[%parallel_loop3A_1332, %parallel_loop3A_1333], %parallel_loop3A_1336 {strides = array<i32>} : memref<16x384xf32, #tpu.memory_space<vmem>>, vector<1x16xf32>,
      } {sc.loop_unroll_factor = 8 : i64, sc.parallel_access}
      %get3A_1241 = arith.constant 304 : index
      %get3A_1242 = tpu.vector_load %arg18[%get3A_1241] {strides = array<i32>} : memref<384xf32, #tpu.memory_space<vmem>>, vector<16xf32>,
      %get3A_1243 = vector.shape_cast %get3A_1242 : vector<16xf32> to vector<16xf32>
      %gt3A_1244 = arith.cmpf ogt, %get3A_1243, %broadcast_in_dim3A_208 : vector<16xf32>
      %get3A_1245 = arith.constant 304 : index
      %get3A_1246 = tpu.vector_load %arg19[%get3A_1245] {strides = array<i32>} : memref<384xf32, #tpu.memory_space<vmem>>, vector<16xf32>,
      %get3A_1247 = vector.shape_cast %get3A_1246 : vector<16xf32> to vector<16xf32>
      %gt3A_1248 = arith.cmpf ogt, %get3A_1247, %broadcast_in_dim3A_208 : vector<16xf32>
      %parallel_loop3A_1249 = arith.constant 0 : i32
      %parallel_loop3A_1250 = arith.constant 16 : i32
      %parallel_loop3A_1251 = arith.constant 1 : i32
      scf.for %parallel_loop3A_1315 = %parallel_loop3A_1249 to %parallel_loop3A_1250 step %parallel_loop3A_1251  : i32 {
        %parallel_loop3A_1316 = arith.index_cast %parallel_loop3A_1315 : i32 to index
        %parallel_loop3A_1317 = arith.constant 304 : index
        %parallel_loop3A_1318 = tpu.vector_load %arg9[%parallel_loop3A_1316, %parallel_loop3A_1317] {strides = array<i32>} : memref<16x384xf32, #tpu.memory_space<vmem>>, vector<1x16xf32>,
        %parallel_loop3A_1319 = vector.shape_cast %parallel_loop3A_1318 : vector<1x16xf32> to vector<16xf32>
        %parallel_loop3A_1320 = arith.index_cast %parallel_loop3A_1315 : i32 to index
        %parallel_loop3A_1321 = arith.constant 304 : index
        %parallel_loop3A_1322 = tpu.vector_load %arg11[%parallel_loop3A_1320, %parallel_loop3A_1321] {strides = array<i32>} : memref<16x384xf32, #tpu.memory_space<vmem>>, vector<1x16xf32>,
        %parallel_loop3A_1323 = vector.shape_cast %parallel_loop3A_1322 : vector<1x16xf32> to vector<16xf32>
        %parallel_loop3A_1324 = arith.mulf %parallel_loop3A_1319, %parallel_loop3A_1323 : vector<16xf32>
        %parallel_loop3A_1325 = arith.select %gt3A_1244, %parallel_loop3A_1319, %parallel_loop3A_1324 : vector<16xi1>, vector<16xf32>
        %parallel_loop3A_1326 = arith.index_cast %parallel_loop3A_1315 : i32 to index
        %parallel_loop3A_1327 = arith.constant 304 : index
        %parallel_loop3A_1328 = tpu.vector_load %arg13[%parallel_loop3A_1326, %parallel_loop3A_1327] {strides = array<i32>} : memref<16x384xf32, #tpu.memory_space<vmem>>, vector<1x16xf32>,
        %parallel_loop3A_1329 = vector.shape_cast %parallel_loop3A_1328 : vector<1x16xf32> to vector<16xf32>
        %parallel_loop3A_1330 = vector.shape_cast %parallel_loop3A_1325 : vector<16xf32> to vector<1x16xf32>
        tpu.vector_store %arg13[%parallel_loop3A_1326, %parallel_loop3A_1327], %parallel_loop3A_1330 {strides = array<i32>} : memref<16x384xf32, #tpu.memory_space<vmem>>, vector<1x16xf32>,
        %parallel_loop3A_1331 = arith.select %gt3A_1248, %parallel_loop3A_1323, %parallel_loop3A_1324 : vector<16xi1>, vector<16xf32>
        %parallel_loop3A_1332 = arith.index_cast %parallel_loop3A_1315 : i32 to index
        %parallel_loop3A_1333 = arith.constant 304 : index
        %parallel_loop3A_1334 = tpu.vector_load %arg15[%parallel_loop3A_1332, %parallel_loop3A_1333] {strides = array<i32>} : memref<16x384xf32, #tpu.memory_space<vmem>>, vector<1x16xf32>,
        %parallel_loop3A_1335 = vector.shape_cast %parallel_loop3A_1334 : vector<1x16xf32> to vector<16xf32>
        %parallel_loop3A_1336 = vector.shape_cast %parallel_loop3A_1331 : vector<16xf32> to vector<1x16xf32>
        tpu.vector_store %arg15[%parallel_loop3A_1332, %parallel_loop3A_1333], %parallel_loop3A_1336 {strides = array<i32>} : memref<16x384xf32, #tpu.memory_space<vmem>>, vector<1x16xf32>,
      } {sc.loop_unroll_factor = 8 : i64, sc.parallel_access}
      %get3A_1252 = arith.constant 320 : index
      %get3A_1253 = tpu.vector_load %arg18[%get3A_1252] {strides = array<i32>} : memref<384xf32, #tpu.memory_space<vmem>>, vector<16xf32>,
      %get3A_1254 = vector.shape_cast %get3A_1253 : vector<16xf32> to vector<16xf32>
      %gt3A_1255 = arith.cmpf ogt, %get3A_1254, %broadcast_in_dim3A_208 : vector<16xf32>
      %get3A_1256 = arith.constant 320 : index
      %get3A_1257 = tpu.vector_load %arg19[%get3A_1256] {strides = array<i32>} : memref<384xf32, #tpu.memory_space<vmem>>, vector<16xf32>,
      %get3A_1258 = vector.shape_cast %get3A_1257 : vector<16xf32> to vector<16xf32>
      %gt3A_1259 = arith.cmpf ogt, %get3A_1258, %broadcast_in_dim3A_208 : vector<16xf32>
      %parallel_loop3A_1260 = arith.constant 0 : i32
      %parallel_loop3A_1261 = arith.constant 16 : i32
      %parallel_loop3A_1262 = arith.constant 1 : i32
      scf.for %parallel_loop3A_1315 = %parallel_loop3A_1260 to %parallel_loop3A_1261 step %parallel_loop3A_1262  : i32 {
        %parallel_loop3A_1316 = arith.index_cast %parallel_loop3A_1315 : i32 to index
        %parallel_loop3A_1317 = arith.constant 320 : index
        %parallel_loop3A_1318 = tpu.vector_load %arg9[%parallel_loop3A_1316, %parallel_loop3A_1317] {strides = array<i32>} : memref<16x384xf32, #tpu.memory_space<vmem>>, vector<1x16xf32>,
        %parallel_loop3A_1319 = vector.shape_cast %parallel_loop3A_1318 : vector<1x16xf32> to vector<16xf32>
        %parallel_loop3A_1320 = arith.index_cast %parallel_loop3A_1315 : i32 to index
        %parallel_loop3A_1321 = arith.constant 320 : index
        %parallel_loop3A_1322 = tpu.vector_load %arg11[%parallel_loop3A_1320, %parallel_loop3A_1321] {strides = array<i32>} : memref<16x384xf32, #tpu.memory_space<vmem>>, vector<1x16xf32>,
        %parallel_loop3A_1323 = vector.shape_cast %parallel_loop3A_1322 : vector<1x16xf32> to vector<16xf32>
        %parallel_loop3A_1324 = arith.mulf %parallel_loop3A_1319, %parallel_loop3A_1323 : vector<16xf32>
        %parallel_loop3A_1325 = arith.select %gt3A_1255, %parallel_loop3A_1319, %parallel_loop3A_1324 : vector<16xi1>, vector<16xf32>
        %parallel_loop3A_1326 = arith.index_cast %parallel_loop3A_1315 : i32 to index
        %parallel_loop3A_1327 = arith.constant 320 : index
        %parallel_loop3A_1328 = tpu.vector_load %arg13[%parallel_loop3A_1326, %parallel_loop3A_1327] {strides = array<i32>} : memref<16x384xf32, #tpu.memory_space<vmem>>, vector<1x16xf32>,
        %parallel_loop3A_1329 = vector.shape_cast %parallel_loop3A_1328 : vector<1x16xf32> to vector<16xf32>
        %parallel_loop3A_1330 = vector.shape_cast %parallel_loop3A_1325 : vector<16xf32> to vector<1x16xf32>
        tpu.vector_store %arg13[%parallel_loop3A_1326, %parallel_loop3A_1327], %parallel_loop3A_1330 {strides = array<i32>} : memref<16x384xf32, #tpu.memory_space<vmem>>, vector<1x16xf32>,
        %parallel_loop3A_1331 = arith.select %gt3A_1259, %parallel_loop3A_1323, %parallel_loop3A_1324 : vector<16xi1>, vector<16xf32>
        %parallel_loop3A_1332 = arith.index_cast %parallel_loop3A_1315 : i32 to index
        %parallel_loop3A_1333 = arith.constant 320 : index
        %parallel_loop3A_1334 = tpu.vector_load %arg15[%parallel_loop3A_1332, %parallel_loop3A_1333] {strides = array<i32>} : memref<16x384xf32, #tpu.memory_space<vmem>>, vector<1x16xf32>,
        %parallel_loop3A_1335 = vector.shape_cast %parallel_loop3A_1334 : vector<1x16xf32> to vector<16xf32>
        %parallel_loop3A_1336 = vector.shape_cast %parallel_loop3A_1331 : vector<16xf32> to vector<1x16xf32>
        tpu.vector_store %arg15[%parallel_loop3A_1332, %parallel_loop3A_1333], %parallel_loop3A_1336 {strides = array<i32>} : memref<16x384xf32, #tpu.memory_space<vmem>>, vector<1x16xf32>,
      } {sc.loop_unroll_factor = 8 : i64, sc.parallel_access}
      %get3A_1263 = arith.constant 336 : index
      %get3A_1264 = tpu.vector_load %arg18[%get3A_1263] {strides = array<i32>} : memref<384xf32, #tpu.memory_space<vmem>>, vector<16xf32>,
      %get3A_1265 = vector.shape_cast %get3A_1264 : vector<16xf32> to vector<16xf32>
      %gt3A_1266 = arith.cmpf ogt, %get3A_1265, %broadcast_in_dim3A_208 : vector<16xf32>
      %get3A_1267 = arith.constant 336 : index
      %get3A_1268 = tpu.vector_load %arg19[%get3A_1267] {strides = array<i32>} : memref<384xf32, #tpu.memory_space<vmem>>, vector<16xf32>,
      %get3A_1269 = vector.shape_cast %get3A_1268 : vector<16xf32> to vector<16xf32>
      %gt3A_1270 = arith.cmpf ogt, %get3A_1269, %broadcast_in_dim3A_208 : vector<16xf32>
      %parallel_loop3A_1271 = arith.constant 0 : i32
      %parallel_loop3A_1272 = arith.constant 16 : i32
      %parallel_loop3A_1273 = arith.constant 1 : i32
      scf.for %parallel_loop3A_1315 = %parallel_loop3A_1271 to %parallel_loop3A_1272 step %parallel_loop3A_1273  : i32 {
        %parallel_loop3A_1316 = arith.index_cast %parallel_loop3A_1315 : i32 to index
        %parallel_loop3A_1317 = arith.constant 336 : index
        %parallel_loop3A_1318 = tpu.vector_load %arg9[%parallel_loop3A_1316, %parallel_loop3A_1317] {strides = array<i32>} : memref<16x384xf32, #tpu.memory_space<vmem>>, vector<1x16xf32>,
        %parallel_loop3A_1319 = vector.shape_cast %parallel_loop3A_1318 : vector<1x16xf32> to vector<16xf32>
        %parallel_loop3A_1320 = arith.index_cast %parallel_loop3A_1315 : i32 to index
        %parallel_loop3A_1321 = arith.constant 336 : index
        %parallel_loop3A_1322 = tpu.vector_load %arg11[%parallel_loop3A_1320, %parallel_loop3A_1321] {strides = array<i32>} : memref<16x384xf32, #tpu.memory_space<vmem>>, vector<1x16xf32>,
        %parallel_loop3A_1323 = vector.shape_cast %parallel_loop3A_1322 : vector<1x16xf32> to vector<16xf32>
        %parallel_loop3A_1324 = arith.mulf %parallel_loop3A_1319, %parallel_loop3A_1323 : vector<16xf32>
        %parallel_loop3A_1325 = arith.select %gt3A_1266, %parallel_loop3A_1319, %parallel_loop3A_1324 : vector<16xi1>, vector<16xf32>
        %parallel_loop3A_1326 = arith.index_cast %parallel_loop3A_1315 : i32 to index
        %parallel_loop3A_1327 = arith.constant 336 : index
        %parallel_loop3A_1328 = tpu.vector_load %arg13[%parallel_loop3A_1326, %parallel_loop3A_1327] {strides = array<i32>} : memref<16x384xf32, #tpu.memory_space<vmem>>, vector<1x16xf32>,
        %parallel_loop3A_1329 = vector.shape_cast %parallel_loop3A_1328 : vector<1x16xf32> to vector<16xf32>
        %parallel_loop3A_1330 = vector.shape_cast %parallel_loop3A_1325 : vector<16xf32> to vector<1x16xf32>
        tpu.vector_store %arg13[%parallel_loop3A_1326, %parallel_loop3A_1327], %parallel_loop3A_1330 {strides = array<i32>} : memref<16x384xf32, #tpu.memory_space<vmem>>, vector<1x16xf32>,
        %parallel_loop3A_1331 = arith.select %gt3A_1270, %parallel_loop3A_1323, %parallel_loop3A_1324 : vector<16xi1>, vector<16xf32>
        %parallel_loop3A_1332 = arith.index_cast %parallel_loop3A_1315 : i32 to index
        %parallel_loop3A_1333 = arith.constant 336 : index
        %parallel_loop3A_1334 = tpu.vector_load %arg15[%parallel_loop3A_1332, %parallel_loop3A_1333] {strides = array<i32>} : memref<16x384xf32, #tpu.memory_space<vmem>>, vector<1x16xf32>,
        %parallel_loop3A_1335 = vector.shape_cast %parallel_loop3A_1334 : vector<1x16xf32> to vector<16xf32>
        %parallel_loop3A_1336 = vector.shape_cast %parallel_loop3A_1331 : vector<16xf32> to vector<1x16xf32>
        tpu.vector_store %arg15[%parallel_loop3A_1332, %parallel_loop3A_1333], %parallel_loop3A_1336 {strides = array<i32>} : memref<16x384xf32, #tpu.memory_space<vmem>>, vector<1x16xf32>,
      } {sc.loop_unroll_factor = 8 : i64, sc.parallel_access}
      %get3A_1274 = arith.constant 352 : index
      %get3A_1275 = tpu.vector_load %arg18[%get3A_1274] {strides = array<i32>} : memref<384xf32, #tpu.memory_space<vmem>>, vector<16xf32>,
      %get3A_1276 = vector.shape_cast %get3A_1275 : vector<16xf32> to vector<16xf32>
      %gt3A_1277 = arith.cmpf ogt, %get3A_1276, %broadcast_in_dim3A_208 : vector<16xf32>
      %get3A_1278 = arith.constant 352 : index
      %get3A_1279 = tpu.vector_load %arg19[%get3A_1278] {strides = array<i32>} : memref<384xf32, #tpu.memory_space<vmem>>, vector<16xf32>,
      %get3A_1280 = vector.shape_cast %get3A_1279 : vector<16xf32> to vector<16xf32>
      %gt3A_1281 = arith.cmpf ogt, %get3A_1280, %broadcast_in_dim3A_208 : vector<16xf32>
      %parallel_loop3A_1282 = arith.constant 0 : i32
      %parallel_loop3A_1283 = arith.constant 16 : i32
      %parallel_loop3A_1284 = arith.constant 1 : i32
      scf.for %parallel_loop3A_1315 = %parallel_loop3A_1282 to %parallel_loop3A_1283 step %parallel_loop3A_1284  : i32 {
        %parallel_loop3A_1316 = arith.index_cast %parallel_loop3A_1315 : i32 to index
        %parallel_loop3A_1317 = arith.constant 352 : index
        %parallel_loop3A_1318 = tpu.vector_load %arg9[%parallel_loop3A_1316, %parallel_loop3A_1317] {strides = array<i32>} : memref<16x384xf32, #tpu.memory_space<vmem>>, vector<1x16xf32>,
        %parallel_loop3A_1319 = vector.shape_cast %parallel_loop3A_1318 : vector<1x16xf32> to vector<16xf32>
        %parallel_loop3A_1320 = arith.index_cast %parallel_loop3A_1315 : i32 to index
        %parallel_loop3A_1321 = arith.constant 352 : index
        %parallel_loop3A_1322 = tpu.vector_load %arg11[%parallel_loop3A_1320, %parallel_loop3A_1321] {strides = array<i32>} : memref<16x384xf32, #tpu.memory_space<vmem>>, vector<1x16xf32>,
        %parallel_loop3A_1323 = vector.shape_cast %parallel_loop3A_1322 : vector<1x16xf32> to vector<16xf32>
        %parallel_loop3A_1324 = arith.mulf %parallel_loop3A_1319, %parallel_loop3A_1323 : vector<16xf32>
        %parallel_loop3A_1325 = arith.select %gt3A_1277, %parallel_loop3A_1319, %parallel_loop3A_1324 : vector<16xi1>, vector<16xf32>
        %parallel_loop3A_1326 = arith.index_cast %parallel_loop3A_1315 : i32 to index
        %parallel_loop3A_1327 = arith.constant 352 : index
        %parallel_loop3A_1328 = tpu.vector_load %arg13[%parallel_loop3A_1326, %parallel_loop3A_1327] {strides = array<i32>} : memref<16x384xf32, #tpu.memory_space<vmem>>, vector<1x16xf32>,
        %parallel_loop3A_1329 = vector.shape_cast %parallel_loop3A_1328 : vector<1x16xf32> to vector<16xf32>
        %parallel_loop3A_1330 = vector.shape_cast %parallel_loop3A_1325 : vector<16xf32> to vector<1x16xf32>
        tpu.vector_store %arg13[%parallel_loop3A_1326, %parallel_loop3A_1327], %parallel_loop3A_1330 {strides = array<i32>} : memref<16x384xf32, #tpu.memory_space<vmem>>, vector<1x16xf32>,
        %parallel_loop3A_1331 = arith.select %gt3A_1281, %parallel_loop3A_1323, %parallel_loop3A_1324 : vector<16xi1>, vector<16xf32>
        %parallel_loop3A_1332 = arith.index_cast %parallel_loop3A_1315 : i32 to index
        %parallel_loop3A_1333 = arith.constant 352 : index
        %parallel_loop3A_1334 = tpu.vector_load %arg15[%parallel_loop3A_1332, %parallel_loop3A_1333] {strides = array<i32>} : memref<16x384xf32, #tpu.memory_space<vmem>>, vector<1x16xf32>,
        %parallel_loop3A_1335 = vector.shape_cast %parallel_loop3A_1334 : vector<1x16xf32> to vector<16xf32>
        %parallel_loop3A_1336 = vector.shape_cast %parallel_loop3A_1331 : vector<16xf32> to vector<1x16xf32>
        tpu.vector_store %arg15[%parallel_loop3A_1332, %parallel_loop3A_1333], %parallel_loop3A_1336 {strides = array<i32>} : memref<16x384xf32, #tpu.memory_space<vmem>>, vector<1x16xf32>,
      } {sc.loop_unroll_factor = 8 : i64, sc.parallel_access}
      %get3A_1285 = arith.constant 368 : index
      %get3A_1286 = tpu.vector_load %arg18[%get3A_1285] {strides = array<i32>} : memref<384xf32, #tpu.memory_space<vmem>>, vector<16xf32>,
      %get3A_1287 = vector.shape_cast %get3A_1286 : vector<16xf32> to vector<16xf32>
      %gt3A_1288 = arith.cmpf ogt, %get3A_1287, %broadcast_in_dim3A_208 : vector<16xf32>
      %get3A_1289 = arith.constant 368 : index
      %get3A_1290 = tpu.vector_load %arg19[%get3A_1289] {strides = array<i32>} : memref<384xf32, #tpu.memory_space<vmem>>, vector<16xf32>,
      %get3A_1291 = vector.shape_cast %get3A_1290 : vector<16xf32> to vector<16xf32>
      %gt3A_1292 = arith.cmpf ogt, %get3A_1291, %broadcast_in_dim3A_208 : vector<16xf32>
      %parallel_loop3A_1293 = arith.constant 0 : i32
      %parallel_loop3A_1294 = arith.constant 16 : i32
      %parallel_loop3A_1295 = arith.constant 1 : i32
      scf.for %parallel_loop3A_1315 = %parallel_loop3A_1293 to %parallel_loop3A_1294 step %parallel_loop3A_1295  : i32 {
        %parallel_loop3A_1316 = arith.index_cast %parallel_loop3A_1315 : i32 to index
        %parallel_loop3A_1317 = arith.constant 368 : index
        %parallel_loop3A_1318 = tpu.vector_load %arg9[%parallel_loop3A_1316, %parallel_loop3A_1317] {strides = array<i32>} : memref<16x384xf32, #tpu.memory_space<vmem>>, vector<1x16xf32>,
        %parallel_loop3A_1319 = vector.shape_cast %parallel_loop3A_1318 : vector<1x16xf32> to vector<16xf32>
        %parallel_loop3A_1320 = arith.index_cast %parallel_loop3A_1315 : i32 to index
        %parallel_loop3A_1321 = arith.constant 368 : index
        %parallel_loop3A_1322 = tpu.vector_load %arg11[%parallel_loop3A_1320, %parallel_loop3A_1321] {strides = array<i32>} : memref<16x384xf32, #tpu.memory_space<vmem>>, vector<1x16xf32>,
        %parallel_loop3A_1323 = vector.shape_cast %parallel_loop3A_1322 : vector<1x16xf32> to vector<16xf32>
        %parallel_loop3A_1324 = arith.mulf %parallel_loop3A_1319, %parallel_loop3A_1323 : vector<16xf32>
        %parallel_loop3A_1325 = arith.select %gt3A_1288, %parallel_loop3A_1319, %parallel_loop3A_1324 : vector<16xi1>, vector<16xf32>
        %parallel_loop3A_1326 = arith.index_cast %parallel_loop3A_1315 : i32 to index
        %parallel_loop3A_1327 = arith.constant 368 : index
        %parallel_loop3A_1328 = tpu.vector_load %arg13[%parallel_loop3A_1326, %parallel_loop3A_1327] {strides = array<i32>} : memref<16x384xf32, #tpu.memory_space<vmem>>, vector<1x16xf32>,
        %parallel_loop3A_1329 = vector.shape_cast %parallel_loop3A_1328 : vector<1x16xf32> to vector<16xf32>
        %parallel_loop3A_1330 = vector.shape_cast %parallel_loop3A_1325 : vector<16xf32> to vector<1x16xf32>
        tpu.vector_store %arg13[%parallel_loop3A_1326, %parallel_loop3A_1327], %parallel_loop3A_1330 {strides = array<i32>} : memref<16x384xf32, #tpu.memory_space<vmem>>, vector<1x16xf32>,
        %parallel_loop3A_1331 = arith.select %gt3A_1292, %parallel_loop3A_1323, %parallel_loop3A_1324 : vector<16xi1>, vector<16xf32>
        %parallel_loop3A_1332 = arith.index_cast %parallel_loop3A_1315 : i32 to index
        %parallel_loop3A_1333 = arith.constant 368 : index
        %parallel_loop3A_1334 = tpu.vector_load %arg15[%parallel_loop3A_1332, %parallel_loop3A_1333] {strides = array<i32>} : memref<16x384xf32, #tpu.memory_space<vmem>>, vector<1x16xf32>,
        %parallel_loop3A_1335 = vector.shape_cast %parallel_loop3A_1334 : vector<1x16xf32> to vector<16xf32>
        %parallel_loop3A_1336 = vector.shape_cast %parallel_loop3A_1331 : vector<16xf32> to vector<1x16xf32>
        tpu.vector_store %arg15[%parallel_loop3A_1332, %parallel_loop3A_1333], %parallel_loop3A_1336 {strides = array<i32>} : memref<16x384xf32, #tpu.memory_space<vmem>>, vector<1x16xf32>,
      } {sc.loop_unroll_factor = 8 : i64, sc.parallel_access}
      %mul3A_1296 = arith.constant 16 : i32
      %mul3A_1297 = arith.muli %add3A_1013, %mul3A_1296 : i32
      %add3A_1298 = arith.addi %mul3A_2, %mul3A_1297 : i32
      %dma_start3A_1299 = arith.constant 0 : i32
      %dma_start3A_1300 = tpu.memref_slice %arg6[%add3A_1298, %dma_start3A_1299] : memref<50176x384xf32, #tpu.memory_space<hbm>> -> memref<16x384xf32, #tpu.memory_space<hbm>>
      %dma_start3A_1301 = arith.constant 0 : i32
      %dma_start3A_1302 = tpu.memref_slice %arg6[%add3A_1298, %dma_start3A_1301] : memref<50176x384xf32, #tpu.memory_space<hbm>> -> memref<16x384xf32, #tpu.memory_space<hbm>>
      tpu.enqueue_dma source(%arg13 : memref<16x384xf32, #tpu.memory_space<vmem>>) target(%dma_start3A_1302 : memref<16x384xf32, #tpu.memory_space<hbm>>) target_semaphore(%arg25 : memref<!tpu.dma_semaphore, #tpu.memory_space<semaphore_mem>>)
      %dma_start3A_1303 = arith.constant 0 : i32
      %dma_start3A_1304 = tpu.memref_slice %arg7[%add3A_1298, %dma_start3A_1303] : memref<50176x384xf32, #tpu.memory_space<hbm>> -> memref<16x384xf32, #tpu.memory_space<hbm>>
      %dma_start3A_1305 = arith.constant 0 : i32
      %dma_start3A_1306 = tpu.memref_slice %arg7[%add3A_1298, %dma_start3A_1305] : memref<50176x384xf32, #tpu.memory_space<hbm>> -> memref<16x384xf32, #tpu.memory_space<hbm>>
      tpu.enqueue_dma source(%arg15 : memref<16x384xf32, #tpu.memory_space<vmem>>) target(%dma_start3A_1306 : memref<16x384xf32, #tpu.memory_space<hbm>>) target_semaphore(%arg27 : memref<!tpu.dma_semaphore, #tpu.memory_space<semaphore_mem>>)
      %add3A_1307 = arith.constant 2 : i32
      %add3A_1308 = arith.addi %add3A_1013, %add3A_1307 : i32
      %lt3A_1309 = arith.constant 98 : i32
      %lt3A_1310 = arith.cmpi slt, %add3A_1308, %lt3A_1309 : i32
      %convert_element_type3A_1311 = arith.extui %lt3A_1310 : i1 to i32
      %cond3A_1312 = arith.constant 0 : i32
      %cond3A_1313 = arith.cmpi ne, %convert_element_type3A_1311, %cond3A_1312 : i32
      scf.if %cond3A_1313 {
        %add3A_1315 = arith.constant 2 : i32
        %add3A_1316 = arith.addi %add3A_1013, %add3A_1315 : i32
        %mul3A_1317 = arith.constant 16 : i32
        %mul3A_1318 = arith.muli %add3A_1316, %mul3A_1317 : i32
        %add3A_1319 = arith.addi %mul3A_2, %mul3A_1318 : i32
        %dma_start3A_1320 = arith.constant 0 : i32
        %dma_start3A_1321 = tpu.memref_slice %arg2[%add3A_1319, %dma_start3A_1320] : memref<50176x384xf32, #tpu.memory_space<hbm>> -> memref<16x384xf32, #tpu.memory_space<hbm>>
        %dma_start3A_1322 = arith.constant 0 : i32
        %dma_start3A_1323 = tpu.memref_slice %arg2[%add3A_1319, %dma_start3A_1322] : memref<50176x384xf32, #tpu.memory_space<hbm>> -> memref<16x384xf32, #tpu.memory_space<hbm>>
        tpu.enqueue_dma source(%dma_start3A_1323 : memref<16x384xf32, #tpu.memory_space<hbm>>) target(%arg9 : memref<16x384xf32, #tpu.memory_space<vmem>>) target_semaphore(%arg21 : memref<!tpu.dma_semaphore, #tpu.memory_space<semaphore_mem>>)
        %dma_start3A_1324 = arith.constant 0 : i32
        %dma_start3A_1325 = tpu.memref_slice %arg3[%add3A_1319, %dma_start3A_1324] : memref<50176x384xf32, #tpu.memory_space<hbm>> -> memref<16x384xf32, #tpu.memory_space<hbm>>
        %dma_start3A_1326 = arith.constant 0 : i32
        %dma_start3A_1327 = tpu.memref_slice %arg3[%add3A_1319, %dma_start3A_1326] : memref<50176x384xf32, #tpu.memory_space<hbm>> -> memref<16x384xf32, #tpu.memory_space<hbm>>
        tpu.enqueue_dma source(%dma_start3A_1327 : memref<16x384xf32, #tpu.memory_space<hbm>>) target(%arg11 : memref<16x384xf32, #tpu.memory_space<vmem>>) target_semaphore(%arg23 : memref<!tpu.dma_semaphore, #tpu.memory_space<semaphore_mem>>)
      } else {
      }
      %scan3A_1314 = arith.constant 0 : i32
      scf.yield %scan3A_1314 : i32
    }
    %scan3A_691 = arith.constant 49 : i32
    %add3A_692 = arith.constant 1536 : i32
    %add3A_693 = arith.addi %mul3A_2, %add3A_692 : i32
    %dma_wait3A = arith.constant 0 : i32
    %dma_wait3A_694 = tpu.memref_slice %arg6[%add3A_693, %dma_wait3A] : memref<50176x384xf32, #tpu.memory_space<hbm>> -> memref<16x384xf32, #tpu.memory_space<hbm>>
    %dma_wait3A_695 = arith.constant 0 : i32
    %dma_wait3A_696 = tpu.memref_slice %arg6[%add3A_693, %dma_wait3A_695] : memref<50176x384xf32, #tpu.memory_space<hbm>> -> memref<16x384xf32, #tpu.memory_space<hbm>>
    tpu.wait_dma2 semaphore(%arg24 : memref<!tpu.dma_semaphore, #tpu.memory_space<semaphore_mem>>) src(%arg12 : memref<16x384xf32, #tpu.memory_space<vmem>>) dst(%dma_wait3A_696 : memref<16x384xf32, #tpu.memory_space<hbm>>)
    %dma_wait3A_697 = arith.constant 0 : i32
    %dma_wait3A_698 = tpu.memref_slice %arg7[%add3A_693, %dma_wait3A_697] : memref<50176x384xf32, #tpu.memory_space<hbm>> -> memref<16x384xf32, #tpu.memory_space<hbm>>
    %dma_wait3A_699 = arith.constant 0 : i32
    %dma_wait3A_700 = tpu.memref_slice %arg7[%add3A_693, %dma_wait3A_699] : memref<50176x384xf32, #tpu.memory_space<hbm>> -> memref<16x384xf32, #tpu.memory_space<hbm>>
    tpu.wait_dma2 semaphore(%arg26 : memref<!tpu.dma_semaphore, #tpu.memory_space<semaphore_mem>>) src(%arg14 : memref<16x384xf32, #tpu.memory_space<vmem>>) dst(%dma_wait3A_700 : memref<16x384xf32, #tpu.memory_space<hbm>>)
    %add3A_701 = arith.constant 1552 : i32
    %add3A_702 = arith.addi %mul3A_2, %add3A_701 : i32
    %dma_wait3A_703 = arith.constant 0 : i32
    %dma_wait3A_704 = tpu.memref_slice %arg6[%add3A_702, %dma_wait3A_703] : memref<50176x384xf32, #tpu.memory_space<hbm>> -> memref<16x384xf32, #tpu.memory_space<hbm>>
    %dma_wait3A_705 = arith.constant 0 : i32
    %dma_wait3A_706 = tpu.memref_slice %arg6[%add3A_702, %dma_wait3A_705] : memref<50176x384xf32, #tpu.memory_space<hbm>> -> memref<16x384xf32, #tpu.memory_space<hbm>>
    tpu.wait_dma2 semaphore(%arg25 : memref<!tpu.dma_semaphore, #tpu.memory_space<semaphore_mem>>) src(%arg13 : memref<16x384xf32, #tpu.memory_space<vmem>>) dst(%dma_wait3A_706 : memref<16x384xf32, #tpu.memory_space<hbm>>)
    %dma_wait3A_707 = arith.constant 0 : i32
    %dma_wait3A_708 = tpu.memref_slice %arg7[%add3A_702, %dma_wait3A_707] : memref<50176x384xf32, #tpu.memory_space<hbm>> -> memref<16x384xf32, #tpu.memory_space<hbm>>
    %dma_wait3A_709 = arith.constant 0 : i32
    %dma_wait3A_710 = tpu.memref_slice %arg7[%add3A_702, %dma_wait3A_709] : memref<50176x384xf32, #tpu.memory_space<hbm>> -> memref<16x384xf32, #tpu.memory_space<hbm>>
    tpu.wait_dma2 semaphore(%arg27 : memref<!tpu.dma_semaphore, #tpu.memory_space<semaphore_mem>>) src(%arg15 : memref<16x384xf32, #tpu.memory_space<vmem>>) dst(%dma_wait3A_710 : memref<16x384xf32, #tpu.memory_space<hbm>>)
    return
  }
}

</mosaic_0001>

<sc_bundles>
// kernel: kernel.3.cloned.1.call-start
scs
__scs_entry_jumppad:
0x0: {  	(pc) =	sbr.rel $0x88, $3  }
0x1: {  	(tag) =	ssettag $0x0;
	lr =	simm.s32 $0x1  }
0x2: {  	[smem:$0x3F9D] =	sst lr;
	_ =	strace $0xD0000000  }
0x3: {  	_ = 	snop  }
0x4: {  	_ = 	snop  }
0x5: {  	_ = 	snop  }
0x6: {  	_ = 	snop  }
0x7: {  	_ = 	snop  }
__scs_overlays_trampoline_lowered:
0x8: {  	[smem:$0x3FAC] =	sst s0  }
0x9: {  	[smem:$0x3FAD] =	sst s1  }
0xa: {  	[smem:$0x3FAE] =	sst s2  }
0xb: {  	[smem:$0x3FAF] =	sst s3  }
0xc: {  	[smem:$0x3FB0] =	sst s4  }
0xd: {  	[smem:$0x3FB1] =	sst s5  }
0xe: {  	[smem:$0x3FB2] =	sst s6  }
0xf: {  	[smem:$0x3FB3] =	sst s7  }
0x10: {  	[smem:$0x3FB4] =	sst s8  }
0x11: {  	[smem:$0x3FB5] =	sst s9;
	s0 =	simm.s32 @!p0 $0x0  }
0x12: {  	s1 =	sld [smem:$0x3F9B];
	s0 =	simm.s32 @p0 $0x1  }
0x13: {  	[smem:$0x3FB6] =	sst s0;
	s0 =	simm.s32 @!p1 $0x0  }
0x14: {  	s2 =	sld [smem:$0x3F9A];
	s0 =	simm.s32 @p1 $0x1  }
0x15: {  	[smem:$0x3FB7] =	sst s0;
	s0 =	simm.s32 @!p2 $0x0  }
0x16: {  	s3 =	sld [smem:$0x3FDB];
	s0 =	simm.s32 @p2 $0x1  }
0x17: {  	s4 =	simm.s32 $0x1BF5;
	[smem:$0x3FB9] =	sst s0  }
0x18: {  	s0 =	sld [smem:$0x3F9C];
	_ =	swait.ge [sflag:s4], $0x0  }
0x19: {  	s7 =	sld [smem:$0x3F9D]  }
0x1a: {  	s8 =	sadd.s32 $0xFFFFE003, lr  }
0x1b: {  	s9 =	sadd.s32 $0xFFFFFEF7, lr;
	s5 =	simm.s32 $0xFFFFFFFF;
	p2 =	slt.u32 s8, $0xFFFFF086  }
0x1c: {  	p1 =	slt.u32 s9, $0xF7A;
	s5 =	simm.s32 @!p2 $0x0  }
0x1d: {  	s5 =	simm.s32 @p1 $0x1;
	p0 =	seq.s32 s7, s2  }
0x1e: {  	s7 =	smul.u32 @!p0 $0xF7A, s2;
	p2 =	seq.s32 @!p0 s5, $0x0  }
0x1f: {  	s9 =	smul.u32 $0xF7A, s1;
	s8 =	simm.s32 @!p0 $0x1BF5;
	p2 =	por !p2, p0  }
0x20: {  	[sflag:s8] =	ssyncset.s32 @!p0 $0xFFFFF086;
	s6 =	sadd.s32 @!p0 s3, s7;
	s7 =	simm.s32 @!p0 $0x108  }
0x21: {  	s3 =	sadd.s32 s3, s9;
	s6 =	sadd.s32 @!p0 $0x88, s6;
	s7 =	simm.s32 @p2 $0x1082  }
0x22: {  	[simem:s7], [sflag:s8] =	dma.local @!p0 [hbm:s6], $0xF7A  }
0x23: {  	s9 =	sor.u32 $0xD0000000, s2;
	s6 =	simm.s32 $0x108;
	_ =	swait.ge @!p0 [sflag:s8], $0x0  }
0x24: {  	s3 =	sadd.s32 $0x88, s3;
	s6 =	simm.s32 @!p1 $0x1082;
	[sflag:s4] =	ssyncset.s32 $0xFFFFF086  }
0x25: {  	[simem:s6], [sflag:s4] =	dma.local [hbm:s3], $0xF7A  }
0x26: {  	[smem:$0x3F9D] =	sst s1;
	(tag) =	ssettag s2;
	_ =	strace s9  }
0x27: {  	s1 =	sld [smem:$0x3FAD]  }
0x28: {  	s2 =	sld [smem:$0x3FAE]  }
0x29: {  	s4 =	sld [smem:$0x3FB0]  }
0x2a: {  	p0 =	seq.s32 s5, $0x0;
	s5 =	sld [smem:$0x3FB1]  }
0x2b: {  	s6 =	sld [smem:$0x3FB2]  }
0x2c: {  	s7 =	sld [smem:$0x3FB3]  }
0x2d: {  	s3 =	simm.s32 $0x108;
	s8 =	sld [smem:$0x3FB4]  }
0x2e: {  	s3 =	simm.s32 @!p0 $0x1082;
	s9 =	sld [smem:$0x3FB5]  }
0x2f: {  	lr =	sadd.s32 s0, s3;
	s0 =	sld [smem:$0x3FAC]  }
0x30: {  	s3 =	sld [smem:$0x3FAF]  }
0x31: {  	[smem:$0x3FB8] =	sst s10  }
0x32: {  	s10 =	sld [smem:$0x3FB6];
	_ =	sdelay $0x3  }
0x33: {  	p0 =	seq.s32 s10, $0x1;
	s10 =	sld [smem:$0x3FB8];
	_ =	sdelay $0x3  }
0x34: {  	[smem:$0x3FB8] =	sst s10  }
0x35: {  	s10 =	sld [smem:$0x3FB7];
	_ =	sdelay $0x3  }
0x36: {  	p1 =	seq.s32 s10, $0x1;
	s10 =	sld [smem:$0x3FB8];
	_ =	sdelay $0x3  }
0x37: {  	[smem:$0x3FB8] =	sst s10  }
0x38: {  	s10 =	sld [smem:$0x3FB9]  }
0x39: {  	_ = 	snop;
	(pc) =	sbr.ind lr, $3  }
0x3a: {  	_ = 	snop  }
0x3b: {  	_ = 	snop  }
0x3c: {  	p2 =	seq.s32 s10, $0x1;
	s10 =	sld [smem:$0x3FB8]  }
0x3d: {  	_ =	shalt  }
0x3e: {  	_ =	shalt  }
0x3f: {  	_ =	shalt  }
0x40: {  	_ =	shalt  }
0x41: {  	_ =	shalt  }
0x42: {  	_ =	shalt  }
0x43: {  	_ =	shalt  }
0x44: {  	_ =	shalt  }
0x45: {  	_ =	shalt  }
0x46: {  	_ =	shalt  }
0x47: {  	_ =	shalt  }
0x48: {  	_ =	shalt  }
0x49: {  	_ =	shalt  }
0x4a: {  	_ =	shalt  }
0x4b: {  	_ =	shalt  }
0x4c: {  	_ =	shalt  }
0x4d: {  	_ =	shalt  }
0x4e: {  	_ =	shalt  }
0x4f: {  	_ =	shalt  }
0x50: {  	_ =	shalt  }
0x51: {  	_ =	shalt  }
0x52: {  	_ =	shalt  }
0x53: {  	_ =	shalt  }
0x54: {  	_ =	shalt  }
0x55: {  	_ =	shalt  }
0x56: {  	_ =	shalt  }
0x57: {  	_ =	shalt  }
0x58: {  	_ =	shalt  }
0x59: {  	_ =	shalt  }
0x5a: {  	_ =	shalt  }
0x5b: {  	_ =	shalt  }
0x5c: {  	_ =	shalt  }
0x5d: {  	_ =	shalt  }
0x5e: {  	_ =	shalt  }
0x5f: {  	_ =	shalt  }
0x60: {  	_ =	shalt  }
0x61: {  	_ =	shalt  }
0x62: {  	_ =	shalt  }
0x63: {  	_ =	shalt  }
0x64: {  	_ =	shalt  }
0x65: {  	_ =	shalt  }
0x66: {  	_ =	shalt  }
0x67: {  	_ =	shalt  }
0x68: {  	_ =	shalt  }
0x69: {  	_ =	shalt  }
0x6a: {  	_ =	shalt  }
0x6b: {  	_ =	shalt  }
0x6c: {  	_ =	shalt  }
0x6d: {  	_ =	shalt  }
0x6e: {  	_ =	shalt  }
0x6f: {  	_ =	shalt  }
0x70: {  	_ =	shalt  }
0x71: {  	_ =	shalt  }
0x72: {  	_ =	shalt  }
0x73: {  	_ =	shalt  }
0x74: {  	_ =	shalt  }
0x75: {  	_ =	shalt  }
0x76: {  	_ =	shalt  }
0x77: {  	_ =	shalt  }
0x78: {  	_ =	shalt  }
0x79: {  	_ =	shalt  }
0x7a: {  	_ =	shalt  }
0x7b: {  	_ =	shalt  }
0x7c: {  	_ =	shalt  }
0x7d: {  	_ =	shalt  }
0x7e: {  	_ =	shalt  }
0x7f: {  	_ =	shalt  }
0x80: {  	_ =	shalt  }
0x81: {  	_ =	shalt  }
0x82: {  	_ =	shalt  }
0x83: {  	_ =	shalt  }
0x84: {  	_ =	shalt  }
0x85: {  	_ =	shalt  }
0x86: {  	_ =	shalt  }
0x87: {  	_ =	shalt  }
.Lfunc_end0:
.L_simem_size_0:
called_computation_lowered:
.L_overlay_start_0:
0x88: {  	s2 =	sld [smem:$0x3FD9]  }
0x89: {  	s3 =	sld [smem:$0x3FFE];
	_ =	sdelay $0x1  }
0x8a: {  	s1 =	srdreg.scid  }
0x8b: {  	s0 =	sand.u32 $0x1, s1  }
0x8c: {  	s15 =	sshll.u32 s0, $0xA;
	s2 =	sadd.s32 s3, s2  }
0x8d: {  	s2 =	sadd.s32 s2, s15  }
0x8e: {  	[smem:$0x3FC4] =	sst s2  }
0x8f: {  	_ = 	snop  }
0x90: {  	s2 =	sld [smem:$0x3FC9]  }
0x91: {  	s16 =	sld [smem:$0x3FD0]  }
0x92: {  	s4 =	sld [smem:$0x3FC8]  }
0x93: {  	s5 =	sld [smem:$0x3FC7]  }
0x94: {  	s7 =	simm.s32 $0xA;
	s8 =	simm.s32 $0x10;
	s6 =	sld [smem:$0x3FC6]  }
0x95: {  	[smem:s8], [sflag:s7] =	dma.local [hbm:s16], $0x1  }
0x96: {  	_ =	swait.eq [sflag:s7], $0x1  }
0x97: {  	[sflag:s7] =	ssyncset.done $0x0  }
0x98: {  	s17 =	sld [smem:$0x10];
	[sflag:s7] =	ssyncadd.s32 $0xFFFFFFFF  }
0x99: {  	s18 =	sld [smem:$0x11];
	(tm) =	ssettm $0x1  }
0x9a: {  	s19 =	sld [smem:$0x3FFB];
	_ =	sdelay $0x3  }
0x9b: {  	_ =	strace s19  }
0x9c: {  	s8 =	sld [smem:$0x3FFC];
	_ =	sdelay $0x3  }
0x9d: {  	_ =	strace s8  }
0x9e: {  	s8 =	sld [smem:$0x3FFD];
	_ =	sdelay $0x3  }
0x9f: {  	_ =	strace s8  }
0xa0: {  	_ =	strace $0x8FFFFFFF  }
0xa1: {  	s20 =	sld [smem:$0x3FDB];
	_ =	sdelay $0x1  }
0xa2: {  	s9 =	simm.s32 $_scs_section_size  }
0xa3: {  	s10 =	simm.s32 $_size__tile_overlayer_lowered;
	s11 =	simm.s32 $_tile_overlayer_lowered  }
0xa4: {  	s23 =	simm.s32 $0x1BFF;
	s22 =	sshll.u32 s11, $0x1;
	s8 =	sadd.s32 s9, s20  }
0xa5: {  	s12 =	simm.s32 $0x0;
	s21 =	sshll.u32 s10, $0x1;
	s10 =	sadd.s32 s22, s8  }
0xa6: {  	[timem:s12], [sflag:s23] =	dma.local [hbm:s10], s21  }
0xa7: {  	_ =	swait.ge [sflag:s23], s21  }
0xa8: {  	s9 =	ssub.s32 $0x0, s21;
	[sflag:s23] =	ssyncset.done $0x0  }
0xa9: {  	[sflag:s23] =	ssyncadd.s32 s9;
	_ =	sdelay $0x1  }
0xaa: {  	s24 =	simm.s32 $0x1B8B  }
0xab: {  	_ =	swait.ge [sflag:s24], $0x1  }
0xac: {  	[sflag:s24] =	ssyncset.done $0x0  }
0xad: {  	s25 =	simm.s32 $0x1B8E;
	[sflag:s24] =	ssyncadd.s32 $0xFFFFFFFF  }
0xae: {  	s26 =	simm.s32 $execute0_lowered;
	[smem:$0x3FD2] =	sst s25  }
0xaf: {  	s9 =	sshll.u32 s26, $0x1;
	_ =	strace $0x80000046;
	[dreg:$0x1] =	wrdreg $0xFFFFFFFF  }
0xb0: {  	s28 =	simm.s32 $_size_execute0_lowered;
	s8 =	sadd.s32 s8, s9;
	[dreg:$0x0] =	wrdreg $0x0  }
0xb1: {  	s9 =	sshll.u32 s28, $0x1;
	[dreg:$0x2] =	wrdreg s8  }
0xb2: {  	[dreg:$0x3] =	wrdreg s9  }
0xb3: {  	[dreg:$0x4] =	wrdreg $0xC0  }
0xb4: {  	_ =	task [dreg:s12], $0x5FFFF  }
0xb5: {  	[dreg:$0x1] =	wrdreg $0xFFFFFFFF  }
0xb6: {  	[dreg:$0x0] =	wrdreg $0x60  }
0xb7: {  	[dreg:$0x2] =	wrdreg s2  }
0xb8: {  	[dreg:$0x3] =	wrdreg s4  }
0xb9: {  	[dreg:$0x4] =	wrdreg s5  }
0xba: {  	[dreg:$0x5] =	wrdreg s6  }
0xbb: {  	[dreg:$0x6] =	wrdreg s17  }
0xbc: {  	[dreg:$0x7] =	wrdreg s18  }
0xbd: {  	[dreg:$0x8] =	wrdreg $0x9  }
0xbe: {  	_ =	task.clear_ibuf [dreg:s12], $0x9FFFF;
	_ =	strace $0x90000046  }
0xbf: {  	s29 =	simm.s32 $0x9;
	_ =	strace $0x80000048  }
0xc0: {  	_ =	swait.ge [sflag:s29], $0x1  }
0xc1: {  	[sflag:s29] =	ssyncadd.s32 $0xFFFFFFFF  }
0xc2: {  	_ =	strace $0x90000048  }
0xc3: {  	_ =	sfence  }
0xc4: {  	s30 =	sld [smem:$0x0];
	_ =	sdelay $0x2  }
0xc5: {  	s31 =	sshll.u32 s1, $0xD;
	s1 =	sshrl.u32 s1, $0x2  }
0xc6: {  	s3 =	sand.u32 $0x4000, s31;
	s1 =	sadd.s32 s1, s30  }
0xc7: {  	s0 =	sor.u32 s3, s0;
	s1 =	sshll.u32 s1, $0x11  }
0xc8: {  	s0 =	sor.u32 s1, s0  }
0xc9: {  	s0 =	sadd.s32 $0x8F2B, s0  }
0xca: {  	[sflag:s0] =	ssyncadd.remote.s32 $0x1  }
0xcb: {  	_ =	sfence.sel $0xFFFF  }
0xcc: {  	[dreg:$0x0] =	wrdreg $0xFFFFFFFF;
	(pc) =	sbr.abs _section_cstart, $3  }
0xcd: {  	[dreg:$0x1] =	wrdreg $0xFFFFFFFF  }
0xce: {  	_ =	task.clear_ibuf [dreg:s12], $0x2FFFF;
	_ =	strace $0x9FFFFFFF  }
0xcf: {  	(tm) =	ssettm $0x7FFFFFFF  }
tec
execute0_lowered:
.L_overlay_start_1:
0x0: {  	(tag) =	ssettag $0x1  }
0x1: {  	s1 =	rddreg [dreg:$0x0]  }
0x2: {  	s0 =	srdreg.scid;
	s2 =	rddreg [dreg:$0x1]  }
0x3: {  	s4 =	stileid.u32;
	s7 =	rddreg [dreg:$0x4]  }
0x4: {  	s8 =	rddreg [dreg:$0x5];
	s9 =	simm.s32 $0x0;
	s0 =	sand.u32 $0x1, s0  }
0x5: {  	s19 =	simm.s32 $0x1800;
	s20 =	simm.s32 $0x4800;
	s3 =	sshll.u32 s0, $0x4  }
0x6: {  	v0 =	vimm.s32 $0xFEDCBA98;
	v1 =	vimm.s32 $0x76543210;
	s22 =	simm.s32 $0x9;
	s28 =	simm.s32 $0x9000;
	s3 =	sor.u32 s4, s3  }
0x7: {  	v2 =	vimm.s32 $0xBA98FEDC;
	v3 =	vimm.s32 $0x32107654;
	s29 =	simm.s32 $0x2;
	s30 =	simm.s32 $0x4;
	s6 =	smul.u32 $0x620, s3  }
0x8: {  	v4 =	vimm.s32 $0xDCFE98BA;
	v5 =	vimm.s32 $0x54761032;
	s31 =	simm.s32 $0x7800;
	s18 =	simm.s32 $0x8;
	s21 =	simm.s32 $0x0  }
0x9: {  	v6 =	vimm.s32 $0xEFCDAB89;
	v7 =	vimm.s32 $0x67452301;
	[smem:$0x7FF] =	sst s9;
	s0 =	ssub.s32 $0x2, s0;
	s3 =	sshrl.u32 s6, $0x3  }
0xa: {  	v0 =	vunpack.c.l.s4.s8 v0;
	v1 =	vunpack.c.l.s4.s8 v1;
	v2 =	vunpack.c.l.s4.s8 v2;
	_ =	strace $0x80000047;
	s5 =	sshrl.u32 s0, $0x1;
	s23 =	smul.u32 $0xC00, s3  }
0xb: {  	v3 =	vunpack.c.l.s4.s8 v3;
	v4 =	vunpack.c.l.s4.s8 v4;
	v5 =	vunpack.c.l.s4.s8 v5;
	s0 =	ssub.s32 s0, s5;
	s5 =	simm.s32 $0x6;
	s3 =	smul.u32 $0x180, s3  }
0xc: {  	v6 =	vunpack.c.l.s4.s8 v6;
	v7 =	vunpack.c.l.s4.s8 v7;
	v0 =	vunpack.c.0.s8.s32 v0;
	s17 =	smax.u32 s0, $0x1;
	s0 =	simm.s32 $0x5;
	s14 =	sadd.s32 $0x20, s6  }
0xd: {  	v2 =	vunpack.c.0.s8.s32 v2;
	v3 =	vunpack.c.0.s8.s32 v3;
	v4 =	vunpack.c.0.s8.s32 v4;
	s15 =	sor.u32 $0x10, s6;
	s4 =	sshrl.u32 s23, $0x3;
	s24 =	sadd.s32 s1, s3  }
.Ltmp0:
0xe: {  	v5 =	vunpack.c.0.s8.s32 v5;
	v6 =	vunpack.c.0.s8.s32 v6;
	v7 =	vunpack.c.0.s8.s32 v7;
	s3 =	sadd.s32 s2, s3;
	[dreg:$0x7] =	wrdreg s24;
	(pc) =	sbr.rel .LBB2_1-.Ltmp0, $4  }
0xf: {  	v1 =	vunpack.c.0.s8.s32 v1;
	v2 =	vcombine.low v3, v2;
	s16 =	sadd.s32 $0x30, s6;
	s4 =	sadd.s32 $0x300, s4;
	[dreg:$0x8] =	wrdreg s3  }
0x10: {  	v3 =	vcombine.low v5, v4;
	v4 =	vcombine.low v7, v6;
	v0 =	vand.u32 $0xF, v0;
	s24 =	simm.s32 $0x1;
	s3 =	simm.s32 $0x7;
	s25 =	sadd.s32 s1, s4  }
0x11: {  	v0 =	vcombine.low v0, v1;
	v1 =	vand.u32 $0xF, v2;
	s26 =	sadd.s32 s2, s4;
	s4 =	simm.s32 $0xA800;
	[dreg:$0x9] =	wrdreg s25  }
0x12: {  	v2 =	vand.u32 $0xF, v3;
	v3 =	vand.u32 $0xF, v4;
	v4 =	vimm.f32 $0.0e+00;
	[dreg:$0xa] =	wrdreg s26;
	s25 =	simm.s32 $0x3;
	s26 =	simm.s32 $0x6000  }
.LBB2_100:
0x13: {  	_ =	swait.ge [sflag:s0], $0x1800  }
0x14: {  	[sflag:s0] =	ssyncset.done $0x0  }
0x15: {  	[sflag:s0] =	ssyncadd.s32 $0xFFFFE800  }
0x16: {  	_ =	swait.ge [sflag:s3], $0x1800  }
0x17: {  	[sflag:s3] =	ssyncset.done $0x0  }
0x18: {  	s21 =	sadd.s32 $0x1, s21;
	[sflag:s3] =	ssyncadd.s32 $0xFFFFE800  }
0x19: {  	p0 =	sne.s32 s21, s17;
	_ =	swait.ge [sflag:s5], $0x1800  }
.Ltmp1:
0x1a: {  	[sflag:s5] =	ssyncset.done $0x0;
	(pc) =	sbr.rel @!p0 .LBB2_101-.Ltmp1, $4  }
0x1b: {  	[sflag:s5] =	ssyncadd.s32 $0xFFFFE800  }
0x1c: {  	_ =	swait.ge [sflag:s18], $0x1800  }
0x1d: {  	[sflag:s18] =	ssyncset.done $0x0  }
0x1e: {  	[sflag:s18] =	ssyncadd.s32 $0xFFFFE800  }
.LBB2_1:
0x1f: {  	s10 =	rddreg [dreg:$0x7]  }
0x20: {  	[tilespmem:s9], [sflag:$0x1] =	stream.linear.gather [hbm4b:s10+s9], $0x1800, $0x38;
	[tilespmem:$0xC600] =	vst v63  }
0x21: {  	s12 =	rddreg [dreg:$0x8];
	s11 =	simm.s32 $0x3000  }
0x22: {  	[tilespmem:s11], [sflag:$0x3] =	stream.linear.gather [hbm4b:s12+s9], $0x1800, $0x38;
	[tilespmem:$0xC600] =	vst v63  }
0x23: {  	s13 =	rddreg [dreg:$0x9]  }
0x24: {  	[tilespmem:s19], [sflag:$0x2] =	stream.linear.gather [hbm4b:s13+s9], $0x1800, $0x38;
	[tilespmem:$0xC600] =	vst v63  }
0x25: {  	s23 =	rddreg [dreg:$0xa]  }
0x26: {  	[tilespmem:s20], [sflag:$0x4] =	stream.linear.gather [hbm4b:s23+s9], $0x1800, $0x38;
	[tilespmem:$0xC600] =	vst v63  }
0x27: {  	s11 =	rddreg [dreg:$0x2];
	s12 =	simm.s32 $0xC000  }
0x28: {  	[tilespmem:s12], [sflag:$0x9] =	stream.linear.gather [hbm4b:s11+s9], $0x180, $0x38;
	[tilespmem:$0xC600] =	vst v63  }
0x29: {  	_ =	swait.ge [sflag:s22], $0x180  }
0x2a: {  	[sflag:s22] =	ssyncset.done $0x0  }
0x2b: {  	[sflag:s22] =	ssyncadd.s32 $0xFFFFFE80  }
0x2c: {  	s23 =	simm.s32 $0xC180;
	s13 =	rddreg [dreg:$0x3]  }
0x2d: {  	[tilespmem:s23], [sflag:$0x9] =	stream.linear.gather [hbm4b:s13+s9], $0x180, $0x38;
	[tilespmem:$0xC600] =	vst v63  }
0x2e: {  	_ =	swait.ge [sflag:s22], $0x180  }
0x2f: {  	[sflag:s22] =	ssyncset.done $0x0  }
0x30: {  	[sflag:s22] =	ssyncadd.s32 $0xFFFFFE80  }
0x31: {  	v5 =	vld [tilespmem:$0xC000]  }
0x32: {  	v6 =	vld [tilespmem:$0xC010]  }
0x33: {  	v7 =	vld [tilespmem:$0xC020]  }
0x34: {  	v8 =	vld [tilespmem:$0xC030]  }
0x35: {  	v9 =	vld [tilespmem:$0xC040]  }
0x36: {  	v10 =	vld [tilespmem:$0xC050]  }
0x37: {  	v11 =	vand.u32 $0x7FFFFFFF, v5;
	v5 =	vand.u32 $0x7FFFFFFF, v6;
	v6 =	vld [tilespmem:$0xC060]  }
0x38: {  	v13 =	vld [tilespmem:$0xC070];
	v7 =	vand.u32 $0x7FFFFFFF, v7;
	v12 =	vmin.f32 v11, v5;
	v5 =	vmax.f32 v11, v5  }
0x39: {  	v18 =	vld [tilespmem:$0xC080];
	v12 =	vmin.f32 v12, v7;
	v5 =	vmax.f32 v5, v7;
	v7 =	vand.u32 $0x7FFFFFFF, v8  }
0x3a: {  	v19 =	vld [tilespmem:$0xC090];
	v12 =	vmin.f32 v12, v7;
	v5 =	vmax.f32 v5, v7;
	v7 =	vand.u32 $0x7FFFFFFF, v9  }
0x3b: {  	v20 =	vld [tilespmem:$0xC0A0];
	v12 =	vmin.f32 v12, v7;
	v5 =	vmax.f32 v5, v7;
	v7 =	vand.u32 $0x7FFFFFFF, v10  }
0x3c: {  	v12 =	vmin.f32 v12, v7;
	v5 =	vmax.f32 v5, v7;
	v6 =	vand.u32 $0x7FFFFFFF, v6;
	v7 =	vld [tilespmem:$0xC0B0]  }
0x3d: {  	v21 =	vld [tilespmem:$0xC0C0];
	v12 =	vmin.f32 v12, v6;
	v5 =	vmax.f32 v5, v6;
	v6 =	vand.u32 $0x7FFFFFFF, v13  }
0x3e: {  	v22 =	vld [tilespmem:$0xC0D0];
	v12 =	vmin.f32 v12, v6;
	v5 =	vmax.f32 v5, v6;
	v6 =	vand.u32 $0x7FFFFFFF, v18  }
0x3f: {  	v23 =	vld [tilespmem:$0xC0E0];
	v12 =	vmin.f32 v12, v6;
	v5 =	vmax.f32 v5, v6;
	v6 =	vand.u32 $0x7FFFFFFF, v19  }
0x40: {  	v24 =	vld [tilespmem:$0xC0F0];
	v12 =	vmin.f32 v12, v6;
	v5 =	vmax.f32 v5, v6;
	v6 =	vand.u32 $0x7FFFFFFF, v20  }
0x41: {  	v12 =	vmin.f32 v12, v6;
	v5 =	vmax.f32 v5, v6;
	v6 =	vand.u32 $0x7FFFFFFF, v7;
	v7 =	vld [tilespmem:$0xC100]  }
0x42: {  	v25 =	vld [tilespmem:$0xC110];
	v12 =	vmin.f32 v12, v6;
	v5 =	vmax.f32 v5, v6;
	v6 =	vand.u32 $0x7FFFFFFF, v21  }
0x43: {  	v26 =	vld [tilespmem:$0xC120];
	v12 =	vmin.f32 v12, v6;
	v5 =	vmax.f32 v5, v6;
	v6 =	vand.u32 $0x7FFFFFFF, v22  }
0x44: {  	v27 =	vld [tilespmem:$0xC130];
	v12 =	vmin.f32 v12, v6;
	v5 =	vmax.f32 v5, v6;
	v6 =	vand.u32 $0x7FFFFFFF, v23  }
0x45: {  	v28 =	vld [tilespmem:$0xC140];
	v12 =	vmin.f32 v12, v6;
	v5 =	vmax.f32 v5, v6;
	v6 =	vand.u32 $0x7FFFFFFF, v24  }
0x46: {  	v12 =	vmin.f32 v12, v6;
	v5 =	vmax.f32 v5, v6;
	v6 =	vand.u32 $0x7FFFFFFF, v7;
	v7 =	vld [tilespmem:$0xC150]  }
0x47: {  	v29 =	vld [tilespmem:$0xC160];
	v12 =	vmin.f32 v12, v6;
	v5 =	vmax.f32 v5, v6;
	v6 =	vand.u32 $0x7FFFFFFF, v25  }
0x48: {  	v30 =	vld [tilespmem:$0xC170];
	v12 =	vmin.f32 v12, v6;
	v5 =	vmax.f32 v5, v6;
	v6 =	vand.u32 $0x7FFFFFFF, v26  }
0x49: {  	v12 =	vmin.f32 v12, v6;
	v5 =	vmax.f32 v5, v6;
	v6 =	vand.u32 $0x7FFFFFFF, v27  }
0x4a: {  	v9 =	vmin.f32 v12, v6;
	v5 =	vmax.f32 v5, v6;
	v6 =	vand.u32 $0x7FFFFFFF, v28  }
0x4b: {  	v9 =	vmin.f32 v9, v6;
	v5 =	vmax.f32 v5, v6;
	v6 =	vand.u32 $0x7FFFFFFF, v7  }
0x4c: {  	v7 =	vmin.f32 v9, v6;
	v5 =	vmax.f32 v5, v6;
	v6 =	vand.u32 $0x7FFFFFFF, v29  }
0x4d: {  	v7 =	vmin.f32 v7, v6;
	v5 =	vmax.f32 v5, v6;
	v6 =	vand.u32 $0x7FFFFFFF, v30  }
0x4e: {  	v7 =	vmin.f32 v7, v6;
	v5 =	vmax.f32 v5, v6  }
0x4f: {  	v6 =	vperm.xlane v7, v0;
	v31 =	vperm.xlane v5, v0;
	_ =	sdelay $0x1  }
0x50: {  	v6 =	vmin.f32 v7, v6;
	v5 =	vmax.f32 v5, v31  }
0x51: {  	v7 =	vperm.xlane v6, v1;
	v8 =	vperm.xlane v5, v1;
	_ =	sdelay $0x1  }
0x52: {  	v6 =	vmin.f32 v6, v7;
	v5 =	vmax.f32 v5, v8  }
0x53: {  	v7 =	vperm.xlane v6, v2;
	v8 =	vperm.xlane v5, v2;
	_ =	sdelay $0x1  }
0x54: {  	v6 =	vmin.f32 v6, v7;
	v5 =	vmax.f32 v5, v8  }
0x55: {  	v7 =	vperm.xlane v6, v3;
	v8 =	vperm.xlane v5, v3;
	_ =	sdelay $0x1  }
0x56: {  	v6 =	vmin.f32 v6, v7;
	v5 =	vmax.f32 v5, v8  }
0x57: {  	v5 =	vsub.f32 v5, v6  }
0x58: {  	v7 =	vld [tilespmem:$0xC180]  }
0x59: {  	v32 =	vld [tilespmem:$0xC010];
	v5 =	vmul.f32 $5.000000070e-02, v5  }
0x5a: {  	v33 =	vld [tilespmem:$0xC190]  }
0x5b: {  	v5 =	vadd.f32 v5, v6;
	v6 =	vld [tilespmem:$0xC020]  }
0x5c: {  	v34 =	vld [tilespmem:$0xC1A0]  }
0x5d: {  	v35 =	vld [tilespmem:$0xC030];
	v7 =	vand.u32 $0x7FFFFFFF, v7;
	vm0 =	vge.f32 v11, v5  }
0x5e: {  	v37 =	vld [tilespmem:$0xC1B0];
	vm5 =	vge.f32 v7, v5;
	v7 =	vand.u32 $0x7FFFFFFF, v32;
	v36 =	vsel vm0, $0x3F800000, v4  }
0x5f: {  	v39 =	vld [tilespmem:$0xC040];
	v38 =	vsel vm5, $0x3F800000, v4;
	vm6 =	vge.f32 v7, v5;
	v7 =	vand.u32 $0x7FFFFFFF, v33;
	[tilespmem:$0xC300] =	vst v36  }
0x60: {  	[tilespmem:$0xC480] =	vst v38;
	v40 =	vsel vm6, $0x3F800000, v4;
	vm7 =	vge.f32 v7, v5;
	v7 =	vld [tilespmem:$0xC1C0];
	v6 =	vand.u32 $0x7FFFFFFF, v6  }
0x61: {  	v42 =	vld [tilespmem:$0xC050];
	[tilespmem:$0xC310] =	vst v40;
	v41 =	vsel vm7, $0x3F800000, v4;
	vm8 =	vge.f32 v6, v5;
	v6 =	vand.u32 $0x7FFFFFFF, v34  }
0x62: {  	v44 =	vld [tilespmem:$0xC1D0];
	[tilespmem:$0xC490] =	vst v41;
	v43 =	vsel vm8, $0x3F800000, v4;
	vm9 =	vge.f32 v6, v5;
	v6 =	vand.u32 $0x7FFFFFFF, v35  }
0x63: {  	v46 =	vld [tilespmem:$0xC060];
	[tilespmem:$0xC320] =	vst v43;
	v45 =	vsel vm9, $0x3F800000, v4;
	vm10 =	vge.f32 v6, v5;
	v6 =	vand.u32 $0x7FFFFFFF, v37  }
0x64: {  	v48 =	vld [tilespmem:$0xC1E0];
	[tilespmem:$0xC4A0] =	vst v45;
	v47 =	vsel vm10, $0x3F800000, v4;
	vm11 =	vge.f32 v6, v5;
	v6 =	vand.u32 $0x7FFFFFFF, v39  }
0x65: {  	[tilespmem:$0xC330] =	vst v47;
	v49 =	vsel vm11, $0x3F800000, v4;
	vm12 =	vge.f32 v6, v5;
	v6 =	vand.u32 $0x7FFFFFFF, v7;
	v7 =	vld [tilespmem:$0xC070]  }
0x66: {  	v51 =	vld [tilespmem:$0xC1F0];
	[tilespmem:$0xC4B0] =	vst v49;
	v50 =	vsel vm12, $0x3F800000, v4;
	vm13 =	vge.f32 v6, v5;
	v6 =	vand.u32 $0x7FFFFFFF, v42  }
0x67: {  	v53 =	vld [tilespmem:$0xC080];
	[tilespmem:$0xC340] =	vst v50;
	v52 =	vsel vm13, $0x3F800000, v4;
	vm14 =	vge.f32 v6, v5;
	v6 =	vand.u32 $0x7FFFFFFF, v44  }
0x68: {  	v55 =	vld [tilespmem:$0xC200];
	[tilespmem:$0xC4C0] =	vst v52;
	v54 =	vsel vm14, $0x3F800000, v4;
	vm15 =	vge.f32 v6, v5;
	v6 =	vand.u32 $0x7FFFFFFF, v46  }
0x69: {  	v57 =	vld [tilespmem:$0xC090];
	[tilespmem:$0xC350] =	vst v54;
	v56 =	vsel vm15, $0x3F800000, v4;
	vm4 =	vge.f32 v6, v5;
	v6 =	vand.u32 $0x7FFFFFFF, v48  }
0x6a: {  	[tilespmem:$0xC4D0] =	vst v56;
	v58 =	vsel vm4, $0x3F800000, v4;
	vm5 =	vge.f32 v6, v5;
	v6 =	vand.u32 $0x7FFFFFFF, v7;
	v7 =	vld [tilespmem:$0xC210]  }
0x6b: {  	v60 =	vld [tilespmem:$0xC0A0];
	[tilespmem:$0xC360] =	vst v58;
	v59 =	vsel vm5, $0x3F800000, v4;
	vm6 =	vge.f32 v6, v5;
	v6 =	vand.u32 $0x7FFFFFFF, v51  }
0x6c: {  	v62 =	vld [tilespmem:$0xC220];
	[tilespmem:$0xC4E0] =	vst v59;
	v61 =	vsel vm6, $0x3F800000, v4;
	vm7 =	vge.f32 v6, v5;
	v6 =	vand.u32 $0x7FFFFFFF, v53  }
0x6d: {  	v16 =	vld [tilespmem:$0xC0B0];
	[tilespmem:$0xC370] =	vst v61;
	v63 =	vsel vm7, $0x3F800000, v4;
	vm8 =	vge.f32 v6, v5;
	v6 =	vand.u32 $0x7FFFFFFF, v55  }
0x6e: {  	v18 =	vld [tilespmem:$0xC230];
	[tilespmem:$0xC4F0] =	vst v63;
	v17 =	vsel vm8, $0x3F800000, v4;
	vm9 =	vge.f32 v6, v5;
	v6 =	vand.u32 $0x7FFFFFFF, v57  }
0x6f: {  	[tilespmem:$0xC380] =	vst v17;
	v19 =	vsel vm9, $0x3F800000, v4;
	vm10 =	vge.f32 v6, v5;
	v6 =	vand.u32 $0x7FFFFFFF, v7;
	v7 =	vld [tilespmem:$0xC0C0]  }
0x70: {  	v21 =	vld [tilespmem:$0xC240];
	[tilespmem:$0xC500] =	vst v19;
	v20 =	vsel vm10, $0x3F800000, v4;
	vm11 =	vge.f32 v6, v5;
	v6 =	vand.u32 $0x7FFFFFFF, v60  }
0x71: {  	v23 =	vld [tilespmem:$0xC0D0];
	[tilespmem:$0xC390] =	vst v20;
	v22 =	vsel vm11, $0x3F800000, v4;
	vm12 =	vge.f32 v6, v5;
	v6 =	vand.u32 $0x7FFFFFFF, v62  }
0x72: {  	v25 =	vld [tilespmem:$0xC250];
	[tilespmem:$0xC510] =	vst v22;
	v24 =	vsel vm12, $0x3F800000, v4;
	vm13 =	vge.f32 v6, v5;
	v6 =	vand.u32 $0x7FFFFFFF, v16  }
0x73: {  	v27 =	vld [tilespmem:$0xC0E0];
	[tilespmem:$0xC3A0] =	vst v24;
	v26 =	vsel vm13, $0x3F800000, v4;
	vm14 =	vge.f32 v6, v5;
	v6 =	vand.u32 $0x7FFFFFFF, v18  }
0x74: {  	[tilespmem:$0xC520] =	vst v26;
	v28 =	vsel vm14, $0x3F800000, v4;
	vm15 =	vge.f32 v6, v5;
	v6 =	vand.u32 $0x7FFFFFFF, v7;
	v7 =	vld [tilespmem:$0xC260]  }
0x75: {  	v30 =	vld [tilespmem:$0xC0F0];
	[tilespmem:$0xC3B0] =	vst v28;
	v29 =	vsel vm15, $0x3F800000, v4;
	vm4 =	vge.f32 v6, v5;
	v6 =	vand.u32 $0x7FFFFFFF, v21  }
0x76: {  	v32 =	vld [tilespmem:$0xC270];
	[tilespmem:$0xC530] =	vst v29;
	v31 =	vsel vm4, $0x3F800000, v4;
	vm5 =	vge.f32 v6, v5;
	v6 =	vand.u32 $0x7FFFFFFF, v23  }
0x77: {  	v34 =	vld [tilespmem:$0xC100];
	[tilespmem:$0xC3C0] =	vst v31;
	v33 =	vsel vm5, $0x3F800000, v4;
	vm6 =	vge.f32 v6, v5;
	v6 =	vand.u32 $0x7FFFFFFF, v25  }
0x78: {  	v36 =	vld [tilespmem:$0xC280];
	[tilespmem:$0xC540] =	vst v33;
	v35 =	vsel vm6, $0x3F800000, v4;
	vm7 =	vge.f32 v6, v5;
	v6 =	vand.u32 $0x7FFFFFFF, v27  }
0x79: {  	[tilespmem:$0xC3D0] =	vst v35;
	v37 =	vsel vm7, $0x3F800000, v4;
	vm8 =	vge.f32 v6, v5;
	v6 =	vand.u32 $0x7FFFFFFF, v7;
	v7 =	vld [tilespmem:$0xC110]  }
0x7a: {  	v39 =	vld [tilespmem:$0xC290];
	[tilespmem:$0xC550] =	vst v37;
	v38 =	vsel vm8, $0x3F800000, v4;
	vm9 =	vge.f32 v6, v5;
	v6 =	vand.u32 $0x7FFFFFFF, v30  }
0x7b: {  	v41 =	vld [tilespmem:$0xC120];
	[tilespmem:$0xC3E0] =	vst v38;
	v40 =	vsel vm9, $0x3F800000, v4;
	vm10 =	vge.f32 v6, v5;
	v6 =	vand.u32 $0x7FFFFFFF, v32  }
0x7c: {  	v43 =	vld [tilespmem:$0xC2A0];
	[tilespmem:$0xC560] =	vst v40;
	v42 =	vsel vm10, $0x3F800000, v4;
	vm11 =	vge.f32 v6, v5;
	v6 =	vand.u32 $0x7FFFFFFF, v34  }
0x7d: {  	v45 =	vld [tilespmem:$0xC130];
	[tilespmem:$0xC3F0] =	vst v42;
	v44 =	vsel vm11, $0x3F800000, v4;
	vm12 =	vge.f32 v6, v5;
	v6 =	vand.u32 $0x7FFFFFFF, v36  }
0x7e: {  	[tilespmem:$0xC570] =	vst v44;
	v46 =	vsel vm12, $0x3F800000, v4;
	vm13 =	vge.f32 v6, v5;
	v6 =	vand.u32 $0x7FFFFFFF, v7;
	v7 =	vld [tilespmem:$0xC2B0]  }
0x7f: {  	v48 =	vld [tilespmem:$0xC140];
	[tilespmem:$0xC400] =	vst v46;
	v47 =	vsel vm13, $0x3F800000, v4;
	vm14 =	vge.f32 v6, v5;
	v6 =	vand.u32 $0x7FFFFFFF, v39  }
0x80: {  	v50 =	vld [tilespmem:$0xC2C0];
	[tilespmem:$0xC580] =	vst v47;
	v49 =	vsel vm14, $0x3F800000, v4;
	vm15 =	vge.f32 v6, v5;
	v6 =	vand.u32 $0x7FFFFFFF, v41  }
0x81: {  	v52 =	vld [tilespmem:$0xC150];
	[tilespmem:$0xC410] =	vst v49;
	v51 =	vsel vm15, $0x3F800000, v4;
	vm4 =	vge.f32 v6, v5;
	v6 =	vand.u32 $0x7FFFFFFF, v43  }
0x82: {  	v54 =	vld [tilespmem:$0xC2D0];
	[tilespmem:$0xC590] =	vst v51;
	v53 =	vsel vm4, $0x3F800000, v4;
	vm5 =	vge.f32 v6, v5;
	v6 =	vand.u32 $0x7FFFFFFF, v45  }
0x83: {  	[tilespmem:$0xC420] =	vst v53;
	v55 =	vsel vm5, $0x3F800000, v4;
	vm6 =	vge.f32 v6, v5;
	v6 =	vand.u32 $0x7FFFFFFF, v7;
	v7 =	vld [tilespmem:$0xC160]  }
0x84: {  	v57 =	vld [tilespmem:$0xC2E0];
	[tilespmem:$0xC5A0] =	vst v55;
	v56 =	vsel vm6, $0x3F800000, v4;
	vm7 =	vge.f32 v6, v5;
	v6 =	vand.u32 $0x7FFFFFFF, v48  }
0x85: {  	v59 =	vld [tilespmem:$0xC170];
	[tilespmem:$0xC430] =	vst v56;
	v58 =	vsel vm7, $0x3F800000, v4;
	vm8 =	vge.f32 v6, v5;
	v6 =	vand.u32 $0x7FFFFFFF, v50  }
0x86: {  	v61 =	vld [tilespmem:$0xC2F0];
	[tilespmem:$0xC5B0] =	vst v58;
	v60 =	vsel vm8, $0x3F800000, v4;
	vm9 =	vge.f32 v6, v5;
	v6 =	vand.u32 $0x7FFFFFFF, v52  }
0x87: {  	[tilespmem:$0xC440] =	vst v60;
	v62 =	vsel vm9, $0x3F800000, v4;
	vm10 =	vge.f32 v6, v5;
	v6 =	vand.u32 $0x7FFFFFFF, v54  }
0x88: {  	[tilespmem:$0xC5C0] =	vst v62;
	v63 =	vsel vm10, $0x3F800000, v4;
	vm11 =	vge.f32 v6, v5;
	v6 =	vand.u32 $0x7FFFFFFF, v7  }
0x89: {  	[tilespmem:$0xC450] =	vst v63;
	v7 =	vsel vm11, $0x3F800000, v4;
	vm12 =	vge.f32 v6, v5;
	v6 =	vand.u32 $0x7FFFFFFF, v57  }
0x8a: {  	[tilespmem:$0xC5D0] =	vst v7;
	v7 =	vsel vm12, $0x3F800000, v4;
	vm13 =	vge.f32 v6, v5;
	v6 =	vand.u32 $0x7FFFFFFF, v59  }
0x8b: {  	[tilespmem:$0xC460] =	vst v7;
	v7 =	vsel vm13, $0x3F800000, v4;
	vm14 =	vge.f32 v6, v5;
	v6 =	vand.u32 $0x7FFFFFFF, v61  }
0x8c: {  	[tilespmem:$0xC5E0] =	vst v7;
	v7 =	vsel vm14, $0x3F800000, v4;
	vm15 =	vge.f32 v6, v5  }
0x8d: {  	[tilespmem:$0xC470] =	vst v7;
	v5 =	vsel vm15, $0x3F800000, v4  }
0x8e: {  	s23 =	simm.s32 $0x0;
	[tilespmem:$0xC5F0] =	vst v5  }
.LBB2_2:
0x8f: {  	_ =	swait.ge [sflag:s24], $0x1800  }
0x90: {  	[sflag:s24] =	ssyncset.done $0x0  }
0x91: {  	[sflag:s24] =	ssyncadd.s32 $0xFFFFE800  }
0x92: {  	_ =	swait.ge [sflag:s25], $0x1800  }
0x93: {  	p0 =	seq.s32 s23, $0x0;
	[sflag:s25] =	ssyncset.done $0x0  }
0x94: {  	s10 =	simm.s32 @!p0 $0x5;
	[sflag:s25] =	ssyncadd.s32 $0xFFFFE800  }
0x95: {  	_ =	swait.ge @!p0 [sflag:s10], $0x1800  }
0x96: {  	[sflag:s10] =	ssyncset.done @!p0 $0x0  }
0x97: {  	[sflag:s10] =	ssyncadd.s32 @!p0 $0xFFFFE800;
	s10 =	simm.s32 @!p0 $0x7  }
0x98: {  	_ =	swait.ge @!p0 [sflag:s10], $0x1800  }
0x99: {  	[sflag:s10] =	ssyncset.done @!p0 $0x0  }
0x9a: {  	[sflag:s10] =	ssyncadd.s32 @!p0 $0xFFFFE800  }
0x9b: {  	v5 =	vld [tilespmem:$0xC300]  }
0x9c: {  	v6 =	vld [tilespmem:$0xC480];
	_ =	sdelay $0x3  }
0x9d: {  	s10 =	sshll.u32 s23, $0x5  }
0x9e: {  	s12 =	simm.s32 $0x0;
	p1 =	por $0x1, $0x1;
	s11 =	sadd.s32 s6, s10;
	vm0 =	vgt.f32 v6, $0.0e+00;
	vm1 =	vgt.f32 v5, $0.0e+00  }
.LBB2_3:
0x9f: {  	v5 =	vld [tilespmem:s12+$0x0]  }
0xa0: {  	v6 =	vld [tilespmem:s12+$0x3000]  }
0xa1: {  	s13 =	sor.u32 $0x80, s12;
	v8 =	vld [tilespmem:s12+$0x3080]  }
0xa2: {  	v7 =	vld [tilespmem:s13+$0x0]  }
0xa3: {  	v10 =	vld [tilespmem:s12+$0x3100];
	s13 =	sor.u32 $0x100, s12  }
0xa4: {  	v9 =	vld [tilespmem:s13+$0x0]  }
0xa5: {  	v13 =	vld [tilespmem:s12+$0x3180];
	s13 =	sor.u32 $0x180, s12;
	v11 =	vmul.f32 v6, v5  }
0xa6: {  	v12 =	vld [tilespmem:s13+$0x0];
	s13 =	sor.u32 $0x200, s12  }
0xa7: {  	v15 =	vld [tilespmem:s13+$0x0];
	v14 =	vmul.f32 v8, v7;
	v5 =	vsel vm1, v5, v11  }
0xa8: {  	[tilespmem:s12+$0x6000] =	vst v5;
	v5 =	vsel vm0, v6, v11;
	v6 =	vld [tilespmem:s12+$0x3200]  }
0xa9: {  	v56 =	vld [tilespmem:s12+$0x3280];
	s13 =	sor.u32 $0x280, s12;
	[tilespmem:s12+$0x9000] =	vst v5;
	v5 =	vsel vm1, v7, v14;
	v7 =	vmul.f32 v10, v9  }
0xaa: {  	v55 =	vld [tilespmem:s13+$0x0];
	s13 =	sor.u32 $0x300, s12;
	[tilespmem:s12+$0x6080] =	vst v5;
	v5 =	vsel vm0, v8, v14  }
0xab: {  	v58 =	vld [tilespmem:s13+$0x0];
	v57 =	vmul.f32 v13, v12;
	[tilespmem:s12+$0x9080] =	vst v5;
	v5 =	vsel vm1, v9, v7  }
0xac: {  	[tilespmem:s12+$0x6100] =	vst v5;
	v5 =	vsel vm0, v10, v7;
	v7 =	vld [tilespmem:s12+$0x3300]  }
0xad: {  	v61 =	vld [tilespmem:s12+$0x3380];
	s13 =	sor.u32 $0x380, s12;
	[tilespmem:s12+$0x9100] =	vst v5;
	v5 =	vsel vm1, v12, v57;
	v59 =	vmul.f32 v6, v15  }
0xae: {  	v60 =	vld [tilespmem:s13+$0x0];
	[tilespmem:s12+$0x6180] =	vst v5;
	v5 =	vsel vm0, v13, v57  }
0xaf: {  	v62 =	vmul.f32 v56, v55;
	[tilespmem:s12+$0x9180] =	vst v5;
	v5 =	vsel vm1, v15, v59  }
0xb0: {  	[tilespmem:s12+$0x6200] =	vst v5;
	v5 =	vsel vm0, v6, v59  }
0xb1: {  	[tilespmem:s12+$0x9200] =	vst v5;
	v5 =	vsel vm1, v55, v62;
	v6 =	vmul.f32 v7, v58  }
0xb2: {  	p2 =	por p1, p1;
	[tilespmem:s12+$0x6280] =	vst v5;
	v5 =	vsel vm0, v56, v62  }
.Ltmp2:
0xb3: {  	v63 =	vmul.f32 v61, v60;
	[tilespmem:s12+$0x9280] =	vst v5;
	v5 =	vsel vm1, v58, v6;
	(pc) =	sbr.rel @p2 .LBB2_3-.Ltmp2, $4  }
0xb4: {  	[tilespmem:s12+$0x6300] =	vst v5;
	v5 =	vsel vm0, v7, v6  }
0xb5: {  	[tilespmem:s12+$0x9300] =	vst v5;
	v5 =	vsel vm1, v60, v63  }
0xb6: {  	[tilespmem:s12+$0x6380] =	vst v5;
	v5 =	vsel vm0, v61, v63  }
0xb7: {  	p1 =	por $0x0, $0x0;
	[tilespmem:s12+$0x9380] =	vst v5;
	s12 =	simm.s32 $0xC00  }
0xb8: {  	v5 =	vld [tilespmem:$0xC310]  }
0xb9: {  	v6 =	vld [tilespmem:$0xC490];
	_ =	sdelay $0x4  }
0xba: {  	s12 =	simm.s32 $0x0;
	p1 =	por $0x1, $0x1;
	vm0 =	vgt.f32 v6, $0.0e+00;
	vm1 =	vgt.f32 v5, $0.0e+00  }
.LBB2_5:
0xbb: {  	s13 =	sor.u32 $0x10, s12;
	v6 =	vld [tilespmem:s12+$0x3010]  }
0xbc: {  	v5 =	vld [tilespmem:s13+$0x0]  }
0xbd: {  	v8 =	vld [tilespmem:s12+$0x3090];
	s13 =	sor.u32 $0x90, s12  }
0xbe: {  	v7 =	vld [tilespmem:s13+$0x0]  }
0xbf: {  	v10 =	vld [tilespmem:s12+$0x3110];
	s13 =	sor.u32 $0x110, s12  }
0xc0: {  	v9 =	vld [tilespmem:s13+$0x0]  }
0xc1: {  	v13 =	vld [tilespmem:s12+$0x3190];
	s13 =	sor.u32 $0x190, s12;
	v11 =	vmul.f32 v6, v5  }
0xc2: {  	v12 =	vld [tilespmem:s13+$0x0];
	s13 =	sor.u32 $0x210, s12  }
0xc3: {  	v15 =	vld [tilespmem:s13+$0x0];
	v14 =	vmul.f32 v8, v7;
	v5 =	vsel vm1, v5, v11  }
0xc4: {  	[tilespmem:s12+$0x6010] =	vst v5;
	v5 =	vsel vm0, v6, v11;
	v6 =	vld [tilespmem:s12+$0x3210]  }
0xc5: {  	v56 =	vld [tilespmem:s12+$0x3290];
	s13 =	sor.u32 $0x290, s12;
	[tilespmem:s12+$0x9010] =	vst v5;
	v5 =	vsel vm1, v7, v14;
	v7 =	vmul.f32 v10, v9  }
0xc6: {  	v55 =	vld [tilespmem:s13+$0x0];
	s13 =	sor.u32 $0x310, s12;
	[tilespmem:s12+$0x6090] =	vst v5;
	v5 =	vsel vm0, v8, v14  }
0xc7: {  	v58 =	vld [tilespmem:s13+$0x0];
	v57 =	vmul.f32 v13, v12;
	[tilespmem:s12+$0x9090] =	vst v5;
	v5 =	vsel vm1, v9, v7  }
0xc8: {  	[tilespmem:s12+$0x6110] =	vst v5;
	v5 =	vsel vm0, v10, v7;
	v7 =	vld [tilespmem:s12+$0x3310]  }
0xc9: {  	v61 =	vld [tilespmem:s12+$0x3390];
	s13 =	sor.u32 $0x390, s12;
	[tilespmem:s12+$0x9110] =	vst v5;
	v5 =	vsel vm1, v12, v57;
	v59 =	vmul.f32 v6, v15  }
0xca: {  	v60 =	vld [tilespmem:s13+$0x0];
	[tilespmem:s12+$0x6190] =	vst v5;
	v5 =	vsel vm0, v13, v57  }
0xcb: {  	v62 =	vmul.f32 v56, v55;
	[tilespmem:s12+$0x9190] =	vst v5;
	v5 =	vsel vm1, v15, v59  }
0xcc: {  	[tilespmem:s12+$0x6210] =	vst v5;
	v5 =	vsel vm0, v6, v59  }
0xcd: {  	[tilespmem:s12+$0x9210] =	vst v5;
	v5 =	vsel vm1, v55, v62;
	v6 =	vmul.f32 v7, v58  }
0xce: {  	p2 =	por p1, p1;
	[tilespmem:s12+$0x6290] =	vst v5;
	v5 =	vsel vm0, v56, v62  }
.Ltmp3:
0xcf: {  	v63 =	vmul.f32 v61, v60;
	[tilespmem:s12+$0x9290] =	vst v5;
	v5 =	vsel vm1, v58, v6;
	(pc) =	sbr.rel @p2 .LBB2_5-.Ltmp3, $4  }
0xd0: {  	[tilespmem:s12+$0x6310] =	vst v5;
	v5 =	vsel vm0, v7, v6  }
0xd1: {  	[tilespmem:s12+$0x9310] =	vst v5;
	v5 =	vsel vm1, v60, v63  }
0xd2: {  	[tilespmem:s12+$0x6390] =	vst v5;
	v5 =	vsel vm0, v61, v63  }
0xd3: {  	p1 =	por $0x0, $0x0;
	[tilespmem:s12+$0x9390] =	vst v5;
	s12 =	simm.s32 $0xC00  }
0xd4: {  	v5 =	vld [tilespmem:$0xC320]  }
0xd5: {  	v6 =	vld [tilespmem:$0xC4A0];
	_ =	sdelay $0x4  }
0xd6: {  	s12 =	simm.s32 $0x0;
	p1 =	por $0x1, $0x1;
	vm0 =	vgt.f32 v6, $0.0e+00;
	vm1 =	vgt.f32 v5, $0.0e+00  }
.LBB2_7:
0xd7: {  	s13 =	sor.u32 $0x20, s12;
	v6 =	vld [tilespmem:s12+$0x3020]  }
0xd8: {  	v5 =	vld [tilespmem:s13+$0x0]  }
0xd9: {  	v8 =	vld [tilespmem:s12+$0x30A0];
	s13 =	sor.u32 $0xA0, s12  }
0xda: {  	v7 =	vld [tilespmem:s13+$0x0]  }
0xdb: {  	v10 =	vld [tilespmem:s12+$0x3120];
	s13 =	sor.u32 $0x120, s12  }
0xdc: {  	v9 =	vld [tilespmem:s13+$0x0]  }
0xdd: {  	v13 =	vld [tilespmem:s12+$0x31A0];
	s13 =	sor.u32 $0x1A0, s12;
	v11 =	vmul.f32 v6, v5  }
0xde: {  	v12 =	vld [tilespmem:s13+$0x0];
	s13 =	sor.u32 $0x220, s12  }
0xdf: {  	v15 =	vld [tilespmem:s13+$0x0];
	v14 =	vmul.f32 v8, v7;
	v5 =	vsel vm1, v5, v11  }
0xe0: {  	[tilespmem:s12+$0x6020] =	vst v5;
	v5 =	vsel vm0, v6, v11;
	v6 =	vld [tilespmem:s12+$0x3220]  }
0xe1: {  	v56 =	vld [tilespmem:s12+$0x32A0];
	s13 =	sor.u32 $0x2A0, s12;
	[tilespmem:s12+$0x9020] =	vst v5;
	v5 =	vsel vm1, v7, v14;
	v7 =	vmul.f32 v10, v9  }
0xe2: {  	v55 =	vld [tilespmem:s13+$0x0];
	s13 =	sor.u32 $0x320, s12;
	[tilespmem:s12+$0x60A0] =	vst v5;
	v5 =	vsel vm0, v8, v14  }
0xe3: {  	v58 =	vld [tilespmem:s13+$0x0];
	v57 =	vmul.f32 v13, v12;
	[tilespmem:s12+$0x90A0] =	vst v5;
	v5 =	vsel vm1, v9, v7  }
0xe4: {  	[tilespmem:s12+$0x6120] =	vst v5;
	v5 =	vsel vm0, v10, v7;
	v7 =	vld [tilespmem:s12+$0x3320]  }
0xe5: {  	v61 =	vld [tilespmem:s12+$0x33A0];
	s13 =	sor.u32 $0x3A0, s12;
	[tilespmem:s12+$0x9120] =	vst v5;
	v5 =	vsel vm1, v12, v57;
	v59 =	vmul.f32 v6, v15  }
0xe6: {  	v60 =	vld [tilespmem:s13+$0x0];
	[tilespmem:s12+$0x61A0] =	vst v5;
	v5 =	vsel vm0, v13, v57  }
0xe7: {  	v62 =	vmul.f32 v56, v55;
	[tilespmem:s12+$0x91A0] =	vst v5;
	v5 =	vsel vm1, v15, v59  }
0xe8: {  	[tilespmem:s12+$0x6220] =	vst v5;
	v5 =	vsel vm0, v6, v59  }
0xe9: {  	[tilespmem:s12+$0x9220] =	vst v5;
	v5 =	vsel vm1, v55, v62;
	v6 =	vmul.f32 v7, v58  }
0xea: {  	p2 =	por p1, p1;
	[tilespmem:s12+$0x62A0] =	vst v5;
	v5 =	vsel vm0, v56, v62  }
.Ltmp4:
0xeb: {  	v63 =	vmul.f32 v61, v60;
	[tilespmem:s12+$0x92A0] =	vst v5;
	v5 =	vsel vm1, v58, v6;
	(pc) =	sbr.rel @p2 .LBB2_7-.Ltmp4, $4  }
0xec: {  	[tilespmem:s12+$0x6320] =	vst v5;
	v5 =	vsel vm0, v7, v6  }
0xed: {  	[tilespmem:s12+$0x9320] =	vst v5;
	v5 =	vsel vm1, v60, v63  }
0xee: {  	[tilespmem:s12+$0x63A0] =	vst v5;
	v5 =	vsel vm0, v61, v63  }
0xef: {  	p1 =	por $0x0, $0x0;
	[tilespmem:s12+$0x93A0] =	vst v5;
	s12 =	simm.s32 $0xC00  }
0xf0: {  	v5 =	vld [tilespmem:$0xC330]  }
0xf1: {  	v6 =	vld [tilespmem:$0xC4B0];
	_ =	sdelay $0x4  }
0xf2: {  	s12 =	simm.s32 $0x0;
	p1 =	por $0x1, $0x1;
	vm0 =	vgt.f32 v6, $0.0e+00;
	vm1 =	vgt.f32 v5, $0.0e+00  }
.LBB2_9:
0xf3: {  	s13 =	sor.u32 $0x30, s12;
	v6 =	vld [tilespmem:s12+$0x3030]  }
0xf4: {  	v5 =	vld [tilespmem:s13+$0x0]  }
0xf5: {  	v8 =	vld [tilespmem:s12+$0x30B0];
	s13 =	sor.u32 $0xB0, s12  }
0xf6: {  	v7 =	vld [tilespmem:s13+$0x0]  }
0xf7: {  	v10 =	vld [tilespmem:s12+$0x3130];
	s13 =	sor.u32 $0x130, s12  }
0xf8: {  	v9 =	vld [tilespmem:s13+$0x0]  }
0xf9: {  	v13 =	vld [tilespmem:s12+$0x31B0];
	s13 =	sor.u32 $0x1B0, s12;
	v11 =	vmul.f32 v6, v5  }
0xfa: {  	v12 =	vld [tilespmem:s13+$0x0];
	s13 =	sor.u32 $0x230, s12  }
0xfb: {  	v15 =	vld [tilespmem:s13+$0x0];
	v14 =	vmul.f32 v8, v7;
	v5 =	vsel vm1, v5, v11  }
0xfc: {  	[tilespmem:s12+$0x6030] =	vst v5;
	v5 =	vsel vm0, v6, v11;
	v6 =	vld [tilespmem:s12+$0x3230]  }
0xfd: {  	v56 =	vld [tilespmem:s12+$0x32B0];
	s13 =	sor.u32 $0x2B0, s12;
	[tilespmem:s12+$0x9030] =	vst v5;
	v5 =	vsel vm1, v7, v14;
	v7 =	vmul.f32 v10, v9  }
0xfe: {  	v55 =	vld [tilespmem:s13+$0x0];
	s13 =	sor.u32 $0x330, s12;
	[tilespmem:s12+$0x60B0] =	vst v5;
	v5 =	vsel vm0, v8, v14  }
0xff: {  	v58 =	vld [tilespmem:s13+$0x0];
	v57 =	vmul.f32 v13, v12;
	[tilespmem:s12+$0x90B0] =	vst v5;
	v5 =	vsel vm1, v9, v7  }
0x100: {  	[tilespmem:s12+$0x6130] =	vst v5;
	v5 =	vsel vm0, v10, v7;
	v7 =	vld [tilespmem:s12+$0x3330]  }
0x101: {  	v61 =	vld [tilespmem:s12+$0x33B0];
	s13 =	sor.u32 $0x3B0, s12;
	[tilespmem:s12+$0x9130] =	vst v5;
	v5 =	vsel vm1, v12, v57;
	v59 =	vmul.f32 v6, v15  }
0x102: {  	v60 =	vld [tilespmem:s13+$0x0];
	[tilespmem:s12+$0x61B0] =	vst v5;
	v5 =	vsel vm0, v13, v57  }
0x103: {  	v62 =	vmul.f32 v56, v55;
	[tilespmem:s12+$0x91B0] =	vst v5;
	v5 =	vsel vm1, v15, v59  }
0x104: {  	[tilespmem:s12+$0x6230] =	vst v5;
	v5 =	vsel vm0, v6, v59  }
0x105: {  	[tilespmem:s12+$0x9230] =	vst v5;
	v5 =	vsel vm1, v55, v62;
	v6 =	vmul.f32 v7, v58  }
0x106: {  	p2 =	por p1, p1;
	[tilespmem:s12+$0x62B0] =	vst v5;
	v5 =	vsel vm0, v56, v62  }
.Ltmp5:
0x107: {  	v63 =	vmul.f32 v61, v60;
	[tilespmem:s12+$0x92B0] =	vst v5;
	v5 =	vsel vm1, v58, v6;
	(pc) =	sbr.rel @p2 .LBB2_9-.Ltmp5, $4  }
0x108: {  	[tilespmem:s12+$0x6330] =	vst v5;
	v5 =	vsel vm0, v7, v6  }
0x109: {  	[tilespmem:s12+$0x9330] =	vst v5;
	v5 =	vsel vm1, v60, v63  }
0x10a: {  	[tilespmem:s12+$0x63B0] =	vst v5;
	v5 =	vsel vm0, v61, v63  }
0x10b: {  	p1 =	por $0x0, $0x0;
	[tilespmem:s12+$0x93B0] =	vst v5;
	s12 =	simm.s32 $0xC00  }
0x10c: {  	v5 =	vld [tilespmem:$0xC340]  }
0x10d: {  	v6 =	vld [tilespmem:$0xC4C0];
	_ =	sdelay $0x4  }
0x10e: {  	s12 =	simm.s32 $0x0;
	p1 =	por $0x1, $0x1;
	vm0 =	vgt.f32 v6, $0.0e+00;
	vm1 =	vgt.f32 v5, $0.0e+00  }
.LBB2_11:
0x10f: {  	s13 =	sor.u32 $0x40, s12;
	v6 =	vld [tilespmem:s12+$0x3040]  }
0x110: {  	v5 =	vld [tilespmem:s13+$0x0]  }
0x111: {  	v8 =	vld [tilespmem:s12+$0x30C0];
	s13 =	sor.u32 $0xC0, s12  }
0x112: {  	v7 =	vld [tilespmem:s13+$0x0]  }
0x113: {  	v10 =	vld [tilespmem:s12+$0x3140];
	s13 =	sor.u32 $0x140, s12  }
0x114: {  	v9 =	vld [tilespmem:s13+$0x0]  }
0x115: {  	v13 =	vld [tilespmem:s12+$0x31C0];
	s13 =	sor.u32 $0x1C0, s12;
	v11 =	vmul.f32 v6, v5  }
0x116: {  	v12 =	vld [tilespmem:s13+$0x0];
	s13 =	sor.u32 $0x240, s12  }
0x117: {  	v15 =	vld [tilespmem:s13+$0x0];
	v14 =	vmul.f32 v8, v7;
	v5 =	vsel vm1, v5, v11  }
0x118: {  	[tilespmem:s12+$0x6040] =	vst v5;
	v5 =	vsel vm0, v6, v11;
	v6 =	vld [tilespmem:s12+$0x3240]  }
0x119: {  	v56 =	vld [tilespmem:s12+$0x32C0];
	s13 =	sor.u32 $0x2C0, s12;
	[tilespmem:s12+$0x9040] =	vst v5;
	v5 =	vsel vm1, v7, v14;
	v7 =	vmul.f32 v10, v9  }
0x11a: {  	v55 =	vld [tilespmem:s13+$0x0];
	s13 =	sor.u32 $0x340, s12;
	[tilespmem:s12+$0x60C0] =	vst v5;
	v5 =	vsel vm0, v8, v14  }
0x11b: {  	v58 =	vld [tilespmem:s13+$0x0];
	v57 =	vmul.f32 v13, v12;
	[tilespmem:s12+$0x90C0] =	vst v5;
	v5 =	vsel vm1, v9, v7  }
0x11c: {  	[tilespmem:s12+$0x6140] =	vst v5;
	v5 =	vsel vm0, v10, v7;
	v7 =	vld [tilespmem:s12+$0x3340]  }
0x11d: {  	v61 =	vld [tilespmem:s12+$0x33C0];
	s13 =	sor.u32 $0x3C0, s12;
	[tilespmem:s12+$0x9140] =	vst v5;
	v5 =	vsel vm1, v12, v57;
	v59 =	vmul.f32 v6, v15  }
0x11e: {  	v60 =	vld [tilespmem:s13+$0x0];
	[tilespmem:s12+$0x61C0] =	vst v5;
	v5 =	vsel vm0, v13, v57  }
0x11f: {  	v62 =	vmul.f32 v56, v55;
	[tilespmem:s12+$0x91C0] =	vst v5;
	v5 =	vsel vm1, v15, v59  }
0x120: {  	[tilespmem:s12+$0x6240] =	vst v5;
	v5 =	vsel vm0, v6, v59  }
0x121: {  	[tilespmem:s12+$0x9240] =	vst v5;
	v5 =	vsel vm1, v55, v62;
	v6 =	vmul.f32 v7, v58  }
0x122: {  	p2 =	por p1, p1;
	[tilespmem:s12+$0x62C0] =	vst v5;
	v5 =	vsel vm0, v56, v62  }
.Ltmp6:
0x123: {  	v63 =	vmul.f32 v61, v60;
	[tilespmem:s12+$0x92C0] =	vst v5;
	v5 =	vsel vm1, v58, v6;
	(pc) =	sbr.rel @p2 .LBB2_11-.Ltmp6, $4  }
0x124: {  	[tilespmem:s12+$0x6340] =	vst v5;
	v5 =	vsel vm0, v7, v6  }
0x125: {  	[tilespmem:s12+$0x9340] =	vst v5;
	v5 =	vsel vm1, v60, v63  }
0x126: {  	[tilespmem:s12+$0x63C0] =	vst v5;
	v5 =	vsel vm0, v61, v63  }
0x127: {  	p1 =	por $0x0, $0x0;
	[tilespmem:s12+$0x93C0] =	vst v5;
	s12 =	simm.s32 $0xC00  }
0x128: {  	v5 =	vld [tilespmem:$0xC350]  }
0x129: {  	v6 =	vld [tilespmem:$0xC4D0];
	_ =	sdelay $0x4  }
0x12a: {  	s12 =	simm.s32 $0x0;
	p1 =	por $0x1, $0x1;
	vm0 =	vgt.f32 v6, $0.0e+00;
	vm1 =	vgt.f32 v5, $0.0e+00  }
.LBB2_13:
0x12b: {  	s13 =	sor.u32 $0x50, s12;
	v6 =	vld [tilespmem:s12+$0x3050]  }
0x12c: {  	v5 =	vld [tilespmem:s13+$0x0]  }
0x12d: {  	v8 =	vld [tilespmem:s12+$0x30D0];
	s13 =	sor.u32 $0xD0, s12  }
0x12e: {  	v7 =	vld [tilespmem:s13+$0x0]  }
0x12f: {  	v10 =	vld [tilespmem:s12+$0x3150];
	s13 =	sor.u32 $0x150, s12  }
0x130: {  	v9 =	vld [tilespmem:s13+$0x0]  }
0x131: {  	v13 =	vld [tilespmem:s12+$0x31D0];
	s13 =	sor.u32 $0x1D0, s12;
	v11 =	vmul.f32 v6, v5  }
0x132: {  	v12 =	vld [tilespmem:s13+$0x0];
	s13 =	sor.u32 $0x250, s12  }
0x133: {  	v15 =	vld [tilespmem:s13+$0x0];
	v14 =	vmul.f32 v8, v7;
	v5 =	vsel vm1, v5, v11  }
0x134: {  	[tilespmem:s12+$0x6050] =	vst v5;
	v5 =	vsel vm0, v6, v11;
	v6 =	vld [tilespmem:s12+$0x3250]  }
0x135: {  	v56 =	vld [tilespmem:s12+$0x32D0];
	s13 =	sor.u32 $0x2D0, s12;
	[tilespmem:s12+$0x9050] =	vst v5;
	v5 =	vsel vm1, v7, v14;
	v7 =	vmul.f32 v10, v9  }
0x136: {  	v55 =	vld [tilespmem:s13+$0x0];
	s13 =	sor.u32 $0x350, s12;
	[tilespmem:s12+$0x60D0] =	vst v5;
	v5 =	vsel vm0, v8, v14  }
0x137: {  	v58 =	vld [tilespmem:s13+$0x0];
	v57 =	vmul.f32 v13, v12;
	[tilespmem:s12+$0x90D0] =	vst v5;
	v5 =	vsel vm1, v9, v7  }
0x138: {  	[tilespmem:s12+$0x6150] =	vst v5;
	v5 =	vsel vm0, v10, v7;
	v7 =	vld [tilespmem:s12+$0x3350]  }
0x139: {  	v61 =	vld [tilespmem:s12+$0x33D0];
	s13 =	sor.u32 $0x3D0, s12;
	[tilespmem:s12+$0x9150] =	vst v5;
	v5 =	vsel vm1, v12, v57;
	v59 =	vmul.f32 v6, v15  }
0x13a: {  	v60 =	vld [tilespmem:s13+$0x0];
	[tilespmem:s12+$0x61D0] =	vst v5;
	v5 =	vsel vm0, v13, v57  }
0x13b: {  	v62 =	vmul.f32 v56, v55;
	[tilespmem:s12+$0x91D0] =	vst v5;
	v5 =	vsel vm1, v15, v59  }
0x13c: {  	[tilespmem:s12+$0x6250] =	vst v5;
	v5 =	vsel vm0, v6, v59  }
0x13d: {  	[tilespmem:s12+$0x9250] =	vst v5;
	v5 =	vsel vm1, v55, v62;
	v6 =	vmul.f32 v7, v58  }
0x13e: {  	p2 =	por p1, p1;
	[tilespmem:s12+$0x62D0] =	vst v5;
	v5 =	vsel vm0, v56, v62  }
.Ltmp7:
0x13f: {  	v63 =	vmul.f32 v61, v60;
	[tilespmem:s12+$0x92D0] =	vst v5;
	v5 =	vsel vm1, v58, v6;
	(pc) =	sbr.rel @p2 .LBB2_13-.Ltmp7, $4  }
0x140: {  	[tilespmem:s12+$0x6350] =	vst v5;
	v5 =	vsel vm0, v7, v6  }
0x141: {  	[tilespmem:s12+$0x9350] =	vst v5;
	v5 =	vsel vm1, v60, v63  }
0x142: {  	[tilespmem:s12+$0x63D0] =	vst v5;
	v5 =	vsel vm0, v61, v63  }
0x143: {  	p1 =	por $0x0, $0x0;
	[tilespmem:s12+$0x93D0] =	vst v5;
	s12 =	simm.s32 $0xC00  }
0x144: {  	v5 =	vld [tilespmem:$0xC360]  }
0x145: {  	v6 =	vld [tilespmem:$0xC4E0];
	_ =	sdelay $0x4  }
0x146: {  	s12 =	simm.s32 $0x0;
	p1 =	por $0x1, $0x1;
	vm0 =	vgt.f32 v6, $0.0e+00;
	vm1 =	vgt.f32 v5, $0.0e+00  }
.LBB2_15:
0x147: {  	s13 =	sor.u32 $0x60, s12;
	v6 =	vld [tilespmem:s12+$0x3060]  }
0x148: {  	v5 =	vld [tilespmem:s13+$0x0]  }
0x149: {  	v8 =	vld [tilespmem:s12+$0x30E0];
	s13 =	sor.u32 $0xE0, s12  }
0x14a: {  	v7 =	vld [tilespmem:s13+$0x0]  }
0x14b: {  	v10 =	vld [tilespmem:s12+$0x3160];
	s13 =	sor.u32 $0x160, s12  }
0x14c: {  	v9 =	vld [tilespmem:s13+$0x0]  }
0x14d: {  	v13 =	vld [tilespmem:s12+$0x31E0];
	s13 =	sor.u32 $0x1E0, s12;
	v11 =	vmul.f32 v6, v5  }
0x14e: {  	v12 =	vld [tilespmem:s13+$0x0];
	s13 =	sor.u32 $0x260, s12  }
0x14f: {  	v15 =	vld [tilespmem:s13+$0x0];
	v14 =	vmul.f32 v8, v7;
	v5 =	vsel vm1, v5, v11  }
0x150: {  	[tilespmem:s12+$0x6060] =	vst v5;
	v5 =	vsel vm0, v6, v11;
	v6 =	vld [tilespmem:s12+$0x3260]  }
0x151: {  	v56 =	vld [tilespmem:s12+$0x32E0];
	s13 =	sor.u32 $0x2E0, s12;
	[tilespmem:s12+$0x9060] =	vst v5;
	v5 =	vsel vm1, v7, v14;
	v7 =	vmul.f32 v10, v9  }
0x152: {  	v55 =	vld [tilespmem:s13+$0x0];
	s13 =	sor.u32 $0x360, s12;
	[tilespmem:s12+$0x60E0] =	vst v5;
	v5 =	vsel vm0, v8, v14  }
0x153: {  	v58 =	vld [tilespmem:s13+$0x0];
	v57 =	vmul.f32 v13, v12;
	[tilespmem:s12+$0x90E0] =	vst v5;
	v5 =	vsel vm1, v9, v7  }
0x154: {  	[tilespmem:s12+$0x6160] =	vst v5;
	v5 =	vsel vm0, v10, v7;
	v7 =	vld [tilespmem:s12+$0x3360]  }
0x155: {  	v61 =	vld [tilespmem:s12+$0x33E0];
	s13 =	sor.u32 $0x3E0, s12;
	[tilespmem:s12+$0x9160] =	vst v5;
	v5 =	vsel vm1, v12, v57;
	v59 =	vmul.f32 v6, v15  }
0x156: {  	v60 =	vld [tilespmem:s13+$0x0];
	[tilespmem:s12+$0x61E0] =	vst v5;
	v5 =	vsel vm0, v13, v57  }
0x157: {  	v62 =	vmul.f32 v56, v55;
	[tilespmem:s12+$0x91E0] =	vst v5;
	v5 =	vsel vm1, v15, v59  }
0x158: {  	[tilespmem:s12+$0x6260] =	vst v5;
	v5 =	vsel vm0, v6, v59  }
0x159: {  	[tilespmem:s12+$0x9260] =	vst v5;
	v5 =	vsel vm1, v55, v62;
	v6 =	vmul.f32 v7, v58  }
0x15a: {  	p2 =	por p1, p1;
	[tilespmem:s12+$0x62E0] =	vst v5;
	v5 =	vsel vm0, v56, v62  }
.Ltmp8:
0x15b: {  	v63 =	vmul.f32 v61, v60;
	[tilespmem:s12+$0x92E0] =	vst v5;
	v5 =	vsel vm1, v58, v6;
	(pc) =	sbr.rel @p2 .LBB2_15-.Ltmp8, $4  }
0x15c: {  	[tilespmem:s12+$0x6360] =	vst v5;
	v5 =	vsel vm0, v7, v6  }
0x15d: {  	[tilespmem:s12+$0x9360] =	vst v5;
	v5 =	vsel vm1, v60, v63  }
0x15e: {  	[tilespmem:s12+$0x63E0] =	vst v5;
	v5 =	vsel vm0, v61, v63  }
0x15f: {  	p1 =	por $0x0, $0x0;
	[tilespmem:s12+$0x93E0] =	vst v5;
	s12 =	simm.s32 $0xC00  }
0x160: {  	v5 =	vld [tilespmem:$0xC370]  }
0x161: {  	v6 =	vld [tilespmem:$0xC4F0];
	_ =	sdelay $0x4  }
0x162: {  	s12 =	simm.s32 $0x0;
	p1 =	por $0x1, $0x1;
	vm0 =	vgt.f32 v6, $0.0e+00;
	vm1 =	vgt.f32 v5, $0.0e+00  }
.LBB2_17:
0x163: {  	s13 =	sor.u32 $0x70, s12;
	v6 =	vld [tilespmem:s12+$0x3070]  }
0x164: {  	v5 =	vld [tilespmem:s13+$0x0]  }
0x165: {  	v8 =	vld [tilespmem:s12+$0x30F0];
	s13 =	sor.u32 $0xF0, s12  }
0x166: {  	v7 =	vld [tilespmem:s13+$0x0]  }
0x167: {  	v10 =	vld [tilespmem:s12+$0x3170];
	s13 =	sor.u32 $0x170, s12  }
0x168: {  	v9 =	vld [tilespmem:s13+$0x0]  }
0x169: {  	v13 =	vld [tilespmem:s12+$0x31F0];
	s13 =	sor.u32 $0x1F0, s12;
	v11 =	vmul.f32 v6, v5  }
0x16a: {  	v12 =	vld [tilespmem:s13+$0x0];
	s13 =	sor.u32 $0x270, s12  }
0x16b: {  	v15 =	vld [tilespmem:s13+$0x0];
	v14 =	vmul.f32 v8, v7;
	v5 =	vsel vm1, v5, v11  }
0x16c: {  	[tilespmem:s12+$0x6070] =	vst v5;
	v5 =	vsel vm0, v6, v11;
	v6 =	vld [tilespmem:s12+$0x3270]  }
0x16d: {  	v56 =	vld [tilespmem:s12+$0x32F0];
	s13 =	sor.u32 $0x2F0, s12;
	[tilespmem:s12+$0x9070] =	vst v5;
	v5 =	vsel vm1, v7, v14;
	v7 =	vmul.f32 v10, v9  }
0x16e: {  	v55 =	vld [tilespmem:s13+$0x0];
	s13 =	sor.u32 $0x370, s12;
	[tilespmem:s12+$0x60F0] =	vst v5;
	v5 =	vsel vm0, v8, v14  }
0x16f: {  	v58 =	vld [tilespmem:s13+$0x0];
	v57 =	vmul.f32 v13, v12;
	[tilespmem:s12+$0x90F0] =	vst v5;
	v5 =	vsel vm1, v9, v7  }
0x170: {  	[tilespmem:s12+$0x6170] =	vst v5;
	v5 =	vsel vm0, v10, v7;
	v7 =	vld [tilespmem:s12+$0x3370]  }
0x171: {  	v61 =	vld [tilespmem:s12+$0x33F0];
	s13 =	sor.u32 $0x3F0, s12;
	[tilespmem:s12+$0x9170] =	vst v5;
	v5 =	vsel vm1, v12, v57;
	v59 =	vmul.f32 v6, v15  }
0x172: {  	v60 =	vld [tilespmem:s13+$0x0];
	[tilespmem:s12+$0x61F0] =	vst v5;
	v5 =	vsel vm0, v13, v57  }
0x173: {  	v62 =	vmul.f32 v56, v55;
	[tilespmem:s12+$0x91F0] =	vst v5;
	v5 =	vsel vm1, v15, v59  }
0x174: {  	[tilespmem:s12+$0x6270] =	vst v5;
	v5 =	vsel vm0, v6, v59  }
0x175: {  	[tilespmem:s12+$0x9270] =	vst v5;
	v5 =	vsel vm1, v55, v62;
	v6 =	vmul.f32 v7, v58  }
0x176: {  	p2 =	por p1, p1;
	[tilespmem:s12+$0x62F0] =	vst v5;
	v5 =	vsel vm0, v56, v62  }
.Ltmp9:
0x177: {  	v63 =	vmul.f32 v61, v60;
	[tilespmem:s12+$0x92F0] =	vst v5;
	v5 =	vsel vm1, v58, v6;
	(pc) =	sbr.rel @p2 .LBB2_17-.Ltmp9, $4  }
0x178: {  	[tilespmem:s12+$0x6370] =	vst v5;
	v5 =	vsel vm0, v7, v6  }
0x179: {  	[tilespmem:s12+$0x9370] =	vst v5;
	v5 =	vsel vm1, v60, v63  }
0x17a: {  	[tilespmem:s12+$0x63F0] =	vst v5;
	v5 =	vsel vm0, v61, v63  }
0x17b: {  	p1 =	por $0x0, $0x0;
	[tilespmem:s12+$0x93F0] =	vst v5;
	s12 =	simm.s32 $0xC00  }
0x17c: {  	v5 =	vld [tilespmem:$0xC380]  }
0x17d: {  	v6 =	vld [tilespmem:$0xC500];
	_ =	sdelay $0x4  }
0x17e: {  	s12 =	simm.s32 $0x0;
	p1 =	por $0x1, $0x1;
	vm0 =	vgt.f32 v6, $0.0e+00;
	vm1 =	vgt.f32 v5, $0.0e+00  }
.LBB2_19:
0x17f: {  	v5 =	vld [tilespmem:s12+$0x400]  }
0x180: {  	v6 =	vld [tilespmem:s12+$0x3400]  }
0x181: {  	v7 =	vld [tilespmem:s12+$0x480]  }
0x182: {  	v8 =	vld [tilespmem:s12+$0x3480]  }
0x183: {  	v9 =	vld [tilespmem:s12+$0x500]  }
0x184: {  	v10 =	vld [tilespmem:s12+$0x3500]  }
0x185: {  	v12 =	vld [tilespmem:s12+$0x580];
	v11 =	vmul.f32 v6, v5  }
0x186: {  	v13 =	vld [tilespmem:s12+$0x3580]  }
0x187: {  	v15 =	vld [tilespmem:s12+$0x600];
	v14 =	vmul.f32 v8, v7;
	v5 =	vsel vm1, v5, v11  }
0x188: {  	[tilespmem:s12+$0x6400] =	vst v5;
	v5 =	vsel vm0, v6, v11;
	v6 =	vld [tilespmem:s12+$0x3600]  }
0x189: {  	v55 =	vld [tilespmem:s12+$0x680];
	[tilespmem:s12+$0x9400] =	vst v5;
	v5 =	vsel vm1, v7, v14;
	v7 =	vmul.f32 v10, v9  }
0x18a: {  	v56 =	vld [tilespmem:s12+$0x3680];
	[tilespmem:s12+$0x6480] =	vst v5;
	v5 =	vsel vm0, v8, v14  }
0x18b: {  	v58 =	vld [tilespmem:s12+$0x700];
	v57 =	vmul.f32 v13, v12;
	[tilespmem:s12+$0x9480] =	vst v5;
	v5 =	vsel vm1, v9, v7  }
0x18c: {  	[tilespmem:s12+$0x6500] =	vst v5;
	v5 =	vsel vm0, v10, v7;
	v7 =	vld [tilespmem:s12+$0x3700]  }
0x18d: {  	v60 =	vld [tilespmem:s12+$0x780];
	[tilespmem:s12+$0x9500] =	vst v5;
	v5 =	vsel vm1, v12, v57;
	v59 =	vmul.f32 v6, v15  }
0x18e: {  	v61 =	vld [tilespmem:s12+$0x3780];
	[tilespmem:s12+$0x6580] =	vst v5;
	v5 =	vsel vm0, v13, v57  }
0x18f: {  	v62 =	vmul.f32 v56, v55;
	[tilespmem:s12+$0x9580] =	vst v5;
	v5 =	vsel vm1, v15, v59  }
0x190: {  	[tilespmem:s12+$0x6600] =	vst v5;
	v5 =	vsel vm0, v6, v59  }
0x191: {  	[tilespmem:s12+$0x9600] =	vst v5;
	v5 =	vsel vm1, v55, v62;
	v6 =	vmul.f32 v7, v58  }
0x192: {  	p2 =	por p1, p1;
	[tilespmem:s12+$0x6680] =	vst v5;
	v5 =	vsel vm0, v56, v62  }
.Ltmp10:
0x193: {  	v63 =	vmul.f32 v61, v60;
	[tilespmem:s12+$0x9680] =	vst v5;
	v5 =	vsel vm1, v58, v6;
	(pc) =	sbr.rel @p2 .LBB2_19-.Ltmp10, $4  }
0x194: {  	[tilespmem:s12+$0x6700] =	vst v5;
	v5 =	vsel vm0, v7, v6  }
0x195: {  	[tilespmem:s12+$0x9700] =	vst v5;
	v5 =	vsel vm1, v60, v63  }
0x196: {  	[tilespmem:s12+$0x6780] =	vst v5;
	v5 =	vsel vm0, v61, v63  }
0x197: {  	p1 =	por $0x0, $0x0;
	[tilespmem:s12+$0x9780] =	vst v5;
	s12 =	simm.s32 $0xC00  }
0x198: {  	v5 =	vld [tilespmem:$0xC390]  }
0x199: {  	v6 =	vld [tilespmem:$0xC510];
	_ =	sdelay $0x4  }
0x19a: {  	s12 =	simm.s32 $0x0;
	p1 =	por $0x1, $0x1;
	vm0 =	vgt.f32 v6, $0.0e+00;
	vm1 =	vgt.f32 v5, $0.0e+00  }
.LBB2_21:
0x19b: {  	v5 =	vld [tilespmem:s12+$0x410]  }
0x19c: {  	v6 =	vld [tilespmem:s12+$0x3410]  }
0x19d: {  	v7 =	vld [tilespmem:s12+$0x490]  }
0x19e: {  	v8 =	vld [tilespmem:s12+$0x3490]  }
0x19f: {  	v9 =	vld [tilespmem:s12+$0x510]  }
0x1a0: {  	v10 =	vld [tilespmem:s12+$0x3510]  }
0x1a1: {  	v12 =	vld [tilespmem:s12+$0x590];
	v11 =	vmul.f32 v6, v5  }
0x1a2: {  	v13 =	vld [tilespmem:s12+$0x3590]  }
0x1a3: {  	v15 =	vld [tilespmem:s12+$0x610];
	v14 =	vmul.f32 v8, v7;
	v5 =	vsel vm1, v5, v11  }
0x1a4: {  	[tilespmem:s12+$0x6410] =	vst v5;
	v5 =	vsel vm0, v6, v11;
	v6 =	vld [tilespmem:s12+$0x3610]  }
0x1a5: {  	v55 =	vld [tilespmem:s12+$0x690];
	[tilespmem:s12+$0x9410] =	vst v5;
	v5 =	vsel vm1, v7, v14;
	v7 =	vmul.f32 v10, v9  }
0x1a6: {  	v56 =	vld [tilespmem:s12+$0x3690];
	[tilespmem:s12+$0x6490] =	vst v5;
	v5 =	vsel vm0, v8, v14  }
0x1a7: {  	v58 =	vld [tilespmem:s12+$0x710];
	v57 =	vmul.f32 v13, v12;
	[tilespmem:s12+$0x9490] =	vst v5;
	v5 =	vsel vm1, v9, v7  }
0x1a8: {  	[tilespmem:s12+$0x6510] =	vst v5;
	v5 =	vsel vm0, v10, v7;
	v7 =	vld [tilespmem:s12+$0x3710]  }
0x1a9: {  	v60 =	vld [tilespmem:s12+$0x790];
	[tilespmem:s12+$0x9510] =	vst v5;
	v5 =	vsel vm1, v12, v57;
	v59 =	vmul.f32 v6, v15  }
0x1aa: {  	v61 =	vld [tilespmem:s12+$0x3790];
	[tilespmem:s12+$0x6590] =	vst v5;
	v5 =	vsel vm0, v13, v57  }
0x1ab: {  	v62 =	vmul.f32 v56, v55;
	[tilespmem:s12+$0x9590] =	vst v5;
	v5 =	vsel vm1, v15, v59  }
0x1ac: {  	[tilespmem:s12+$0x6610] =	vst v5;
	v5 =	vsel vm0, v6, v59  }
0x1ad: {  	[tilespmem:s12+$0x9610] =	vst v5;
	v5 =	vsel vm1, v55, v62;
	v6 =	vmul.f32 v7, v58  }
0x1ae: {  	p2 =	por p1, p1;
	[tilespmem:s12+$0x6690] =	vst v5;
	v5 =	vsel vm0, v56, v62  }
.Ltmp11:
0x1af: {  	v63 =	vmul.f32 v61, v60;
	[tilespmem:s12+$0x9690] =	vst v5;
	v5 =	vsel vm1, v58, v6;
	(pc) =	sbr.rel @p2 .LBB2_21-.Ltmp11, $4  }
0x1b0: {  	[tilespmem:s12+$0x6710] =	vst v5;
	v5 =	vsel vm0, v7, v6  }
0x1b1: {  	[tilespmem:s12+$0x9710] =	vst v5;
	v5 =	vsel vm1, v60, v63  }
0x1b2: {  	[tilespmem:s12+$0x6790] =	vst v5;
	v5 =	vsel vm0, v61, v63  }
0x1b3: {  	p1 =	por $0x0, $0x0;
	[tilespmem:s12+$0x9790] =	vst v5;
	s12 =	simm.s32 $0xC00  }
0x1b4: {  	v5 =	vld [tilespmem:$0xC3A0]  }
0x1b5: {  	v6 =	vld [tilespmem:$0xC520];
	_ =	sdelay $0x4  }
0x1b6: {  	s12 =	simm.s32 $0x0;
	p1 =	por $0x1, $0x1;
	vm0 =	vgt.f32 v6, $0.0e+00;
	vm1 =	vgt.f32 v5, $0.0e+00  }
.LBB2_23:
0x1b7: {  	v5 =	vld [tilespmem:s12+$0x420]  }
0x1b8: {  	v6 =	vld [tilespmem:s12+$0x3420]  }
0x1b9: {  	v7 =	vld [tilespmem:s12+$0x4A0]  }
0x1ba: {  	v8 =	vld [tilespmem:s12+$0x34A0]  }
0x1bb: {  	v9 =	vld [tilespmem:s12+$0x520]  }
0x1bc: {  	v10 =	vld [tilespmem:s12+$0x3520]  }
0x1bd: {  	v12 =	vld [tilespmem:s12+$0x5A0];
	v11 =	vmul.f32 v6, v5  }
0x1be: {  	v13 =	vld [tilespmem:s12+$0x35A0]  }
0x1bf: {  	v15 =	vld [tilespmem:s12+$0x620];
	v14 =	vmul.f32 v8, v7;
	v5 =	vsel vm1, v5, v11  }
0x1c0: {  	[tilespmem:s12+$0x6420] =	vst v5;
	v5 =	vsel vm0, v6, v11;
	v6 =	vld [tilespmem:s12+$0x3620]  }
0x1c1: {  	v55 =	vld [tilespmem:s12+$0x6A0];
	[tilespmem:s12+$0x9420] =	vst v5;
	v5 =	vsel vm1, v7, v14;
	v7 =	vmul.f32 v10, v9  }
0x1c2: {  	v56 =	vld [tilespmem:s12+$0x36A0];
	[tilespmem:s12+$0x64A0] =	vst v5;
	v5 =	vsel vm0, v8, v14  }
0x1c3: {  	v58 =	vld [tilespmem:s12+$0x720];
	v57 =	vmul.f32 v13, v12;
	[tilespmem:s12+$0x94A0] =	vst v5;
	v5 =	vsel vm1, v9, v7  }
0x1c4: {  	[tilespmem:s12+$0x6520] =	vst v5;
	v5 =	vsel vm0, v10, v7;
	v7 =	vld [tilespmem:s12+$0x3720]  }
0x1c5: {  	v60 =	vld [tilespmem:s12+$0x7A0];
	[tilespmem:s12+$0x9520] =	vst v5;
	v5 =	vsel vm1, v12, v57;
	v59 =	vmul.f32 v6, v15  }
0x1c6: {  	v61 =	vld [tilespmem:s12+$0x37A0];
	[tilespmem:s12+$0x65A0] =	vst v5;
	v5 =	vsel vm0, v13, v57  }
0x1c7: {  	v62 =	vmul.f32 v56, v55;
	[tilespmem:s12+$0x95A0] =	vst v5;
	v5 =	vsel vm1, v15, v59  }
0x1c8: {  	[tilespmem:s12+$0x6620] =	vst v5;
	v5 =	vsel vm0, v6, v59  }
0x1c9: {  	[tilespmem:s12+$0x9620] =	vst v5;
	v5 =	vsel vm1, v55, v62;
	v6 =	vmul.f32 v7, v58  }
0x1ca: {  	p2 =	por p1, p1;
	[tilespmem:s12+$0x66A0] =	vst v5;
	v5 =	vsel vm0, v56, v62  }
.Ltmp12:
0x1cb: {  	v63 =	vmul.f32 v61, v60;
	[tilespmem:s12+$0x96A0] =	vst v5;
	v5 =	vsel vm1, v58, v6;
	(pc) =	sbr.rel @p2 .LBB2_23-.Ltmp12, $4  }
0x1cc: {  	[tilespmem:s12+$0x6720] =	vst v5;
	v5 =	vsel vm0, v7, v6  }
0x1cd: {  	[tilespmem:s12+$0x9720] =	vst v5;
	v5 =	vsel vm1, v60, v63  }
0x1ce: {  	[tilespmem:s12+$0x67A0] =	vst v5;
	v5 =	vsel vm0, v61, v63  }
0x1cf: {  	p1 =	por $0x0, $0x0;
	[tilespmem:s12+$0x97A0] =	vst v5;
	s12 =	simm.s32 $0xC00  }
0x1d0: {  	v5 =	vld [tilespmem:$0xC3B0]  }
0x1d1: {  	v6 =	vld [tilespmem:$0xC530];
	_ =	sdelay $0x4  }
0x1d2: {  	s12 =	simm.s32 $0x0;
	p1 =	por $0x1, $0x1;
	vm0 =	vgt.f32 v6, $0.0e+00;
	vm1 =	vgt.f32 v5, $0.0e+00  }
.LBB2_25:
0x1d3: {  	v5 =	vld [tilespmem:s12+$0x430]  }
0x1d4: {  	v6 =	vld [tilespmem:s12+$0x3430]  }
0x1d5: {  	v7 =	vld [tilespmem:s12+$0x4B0]  }
0x1d6: {  	v8 =	vld [tilespmem:s12+$0x34B0]  }
0x1d7: {  	v9 =	vld [tilespmem:s12+$0x530]  }
0x1d8: {  	v10 =	vld [tilespmem:s12+$0x3530]  }
0x1d9: {  	v12 =	vld [tilespmem:s12+$0x5B0];
	v11 =	vmul.f32 v6, v5  }
0x1da: {  	v13 =	vld [tilespmem:s12+$0x35B0]  }
0x1db: {  	v15 =	vld [tilespmem:s12+$0x630];
	v14 =	vmul.f32 v8, v7;
	v5 =	vsel vm1, v5, v11  }
0x1dc: {  	[tilespmem:s12+$0x6430] =	vst v5;
	v5 =	vsel vm0, v6, v11;
	v6 =	vld [tilespmem:s12+$0x3630]  }
0x1dd: {  	v55 =	vld [tilespmem:s12+$0x6B0];
	[tilespmem:s12+$0x9430] =	vst v5;
	v5 =	vsel vm1, v7, v14;
	v7 =	vmul.f32 v10, v9  }
0x1de: {  	v56 =	vld [tilespmem:s12+$0x36B0];
	[tilespmem:s12+$0x64B0] =	vst v5;
	v5 =	vsel vm0, v8, v14  }
0x1df: {  	v58 =	vld [tilespmem:s12+$0x730];
	v57 =	vmul.f32 v13, v12;
	[tilespmem:s12+$0x94B0] =	vst v5;
	v5 =	vsel vm1, v9, v7  }
0x1e0: {  	[tilespmem:s12+$0x6530] =	vst v5;
	v5 =	vsel vm0, v10, v7;
	v7 =	vld [tilespmem:s12+$0x3730]  }
0x1e1: {  	v60 =	vld [tilespmem:s12+$0x7B0];
	[tilespmem:s12+$0x9530] =	vst v5;
	v5 =	vsel vm1, v12, v57;
	v59 =	vmul.f32 v6, v15  }
0x1e2: {  	v61 =	vld [tilespmem:s12+$0x37B0];
	[tilespmem:s12+$0x65B0] =	vst v5;
	v5 =	vsel vm0, v13, v57  }
0x1e3: {  	v62 =	vmul.f32 v56, v55;
	[tilespmem:s12+$0x95B0] =	vst v5;
	v5 =	vsel vm1, v15, v59  }
0x1e4: {  	[tilespmem:s12+$0x6630] =	vst v5;
	v5 =	vsel vm0, v6, v59  }
0x1e5: {  	[tilespmem:s12+$0x9630] =	vst v5;
	v5 =	vsel vm1, v55, v62;
	v6 =	vmul.f32 v7, v58  }
0x1e6: {  	p2 =	por p1, p1;
	[tilespmem:s12+$0x66B0] =	vst v5;
	v5 =	vsel vm0, v56, v62  }
.Ltmp13:
0x1e7: {  	v63 =	vmul.f32 v61, v60;
	[tilespmem:s12+$0x96B0] =	vst v5;
	v5 =	vsel vm1, v58, v6;
	(pc) =	sbr.rel @p2 .LBB2_25-.Ltmp13, $4  }
0x1e8: {  	[tilespmem:s12+$0x6730] =	vst v5;
	v5 =	vsel vm0, v7, v6  }
0x1e9: {  	[tilespmem:s12+$0x9730] =	vst v5;
	v5 =	vsel vm1, v60, v63  }
0x1ea: {  	[tilespmem:s12+$0x67B0] =	vst v5;
	v5 =	vsel vm0, v61, v63  }
0x1eb: {  	p1 =	por $0x0, $0x0;
	[tilespmem:s12+$0x97B0] =	vst v5;
	s12 =	simm.s32 $0xC00  }
0x1ec: {  	v5 =	vld [tilespmem:$0xC3C0]  }
0x1ed: {  	v6 =	vld [tilespmem:$0xC540];
	_ =	sdelay $0x4  }
0x1ee: {  	s12 =	simm.s32 $0x0;
	p1 =	por $0x1, $0x1;
	vm0 =	vgt.f32 v6, $0.0e+00;
	vm1 =	vgt.f32 v5, $0.0e+00  }
.LBB2_27:
0x1ef: {  	v5 =	vld [tilespmem:s12+$0x440]  }
0x1f0: {  	v6 =	vld [tilespmem:s12+$0x3440]  }
0x1f1: {  	v7 =	vld [tilespmem:s12+$0x4C0]  }
0x1f2: {  	v8 =	vld [tilespmem:s12+$0x34C0]  }
0x1f3: {  	v9 =	vld [tilespmem:s12+$0x540]  }
0x1f4: {  	v10 =	vld [tilespmem:s12+$0x3540]  }
0x1f5: {  	v12 =	vld [tilespmem:s12+$0x5C0];
	v11 =	vmul.f32 v6, v5  }
0x1f6: {  	v13 =	vld [tilespmem:s12+$0x35C0]  }
0x1f7: {  	v15 =	vld [tilespmem:s12+$0x640];
	v14 =	vmul.f32 v8, v7;
	v5 =	vsel vm1, v5, v11  }
0x1f8: {  	[tilespmem:s12+$0x6440] =	vst v5;
	v5 =	vsel vm0, v6, v11;
	v6 =	vld [tilespmem:s12+$0x3640]  }
0x1f9: {  	v55 =	vld [tilespmem:s12+$0x6C0];
	[tilespmem:s12+$0x9440] =	vst v5;
	v5 =	vsel vm1, v7, v14;
	v7 =	vmul.f32 v10, v9  }
0x1fa: {  	v56 =	vld [tilespmem:s12+$0x36C0];
	[tilespmem:s12+$0x64C0] =	vst v5;
	v5 =	vsel vm0, v8, v14  }
0x1fb: {  	v58 =	vld [tilespmem:s12+$0x740];
	v57 =	vmul.f32 v13, v12;
	[tilespmem:s12+$0x94C0] =	vst v5;
	v5 =	vsel vm1, v9, v7  }
0x1fc: {  	[tilespmem:s12+$0x6540] =	vst v5;
	v5 =	vsel vm0, v10, v7;
	v7 =	vld [tilespmem:s12+$0x3740]  }
0x1fd: {  	v60 =	vld [tilespmem:s12+$0x7C0];
	[tilespmem:s12+$0x9540] =	vst v5;
	v5 =	vsel vm1, v12, v57;
	v59 =	vmul.f32 v6, v15  }
0x1fe: {  	v61 =	vld [tilespmem:s12+$0x37C0];
	[tilespmem:s12+$0x65C0] =	vst v5;
	v5 =	vsel vm0, v13, v57  }
0x1ff: {  	v62 =	vmul.f32 v56, v55;
	[tilespmem:s12+$0x95C0] =	vst v5;
	v5 =	vsel vm1, v15, v59  }
0x200: {  	[tilespmem:s12+$0x6640] =	vst v5;
	v5 =	vsel vm0, v6, v59  }
0x201: {  	[tilespmem:s12+$0x9640] =	vst v5;
	v5 =	vsel vm1, v55, v62;
	v6 =	vmul.f32 v7, v58  }
0x202: {  	p2 =	por p1, p1;
	[tilespmem:s12+$0x66C0] =	vst v5;
	v5 =	vsel vm0, v56, v62  }
.Ltmp14:
0x203: {  	v63 =	vmul.f32 v61, v60;
	[tilespmem:s12+$0x96C0] =	vst v5;
	v5 =	vsel vm1, v58, v6;
	(pc) =	sbr.rel @p2 .LBB2_27-.Ltmp14, $4  }
0x204: {  	[tilespmem:s12+$0x6740] =	vst v5;
	v5 =	vsel vm0, v7, v6  }
0x205: {  	[tilespmem:s12+$0x9740] =	vst v5;
	v5 =	vsel vm1, v60, v63  }
0x206: {  	[tilespmem:s12+$0x67C0] =	vst v5;
	v5 =	vsel vm0, v61, v63  }
0x207: {  	p1 =	por $0x0, $0x0;
	[tilespmem:s12+$0x97C0] =	vst v5;
	s12 =	simm.s32 $0xC00  }
0x208: {  	v5 =	vld [tilespmem:$0xC3D0]  }
0x209: {  	v6 =	vld [tilespmem:$0xC550];
	_ =	sdelay $0x4  }
0x20a: {  	s12 =	simm.s32 $0x0;
	p1 =	por $0x1, $0x1;
	vm0 =	vgt.f32 v6, $0.0e+00;
	vm1 =	vgt.f32 v5, $0.0e+00  }
.LBB2_29:
0x20b: {  	v5 =	vld [tilespmem:s12+$0x450]  }
0x20c: {  	v6 =	vld [tilespmem:s12+$0x3450]  }
0x20d: {  	v7 =	vld [tilespmem:s12+$0x4D0]  }
0x20e: {  	v8 =	vld [tilespmem:s12+$0x34D0]  }
0x20f: {  	v9 =	vld [tilespmem:s12+$0x550]  }
0x210: {  	v10 =	vld [tilespmem:s12+$0x3550]  }
0x211: {  	v12 =	vld [tilespmem:s12+$0x5D0];
	v11 =	vmul.f32 v6, v5  }
0x212: {  	v13 =	vld [tilespmem:s12+$0x35D0]  }
0x213: {  	v15 =	vld [tilespmem:s12+$0x650];
	v14 =	vmul.f32 v8, v7;
	v5 =	vsel vm1, v5, v11  }
0x214: {  	[tilespmem:s12+$0x6450] =	vst v5;
	v5 =	vsel vm0, v6, v11;
	v6 =	vld [tilespmem:s12+$0x3650]  }
0x215: {  	v55 =	vld [tilespmem:s12+$0x6D0];
	[tilespmem:s12+$0x9450] =	vst v5;
	v5 =	vsel vm1, v7, v14;
	v7 =	vmul.f32 v10, v9  }
0x216: {  	v56 =	vld [tilespmem:s12+$0x36D0];
	[tilespmem:s12+$0x64D0] =	vst v5;
	v5 =	vsel vm0, v8, v14  }
0x217: {  	v58 =	vld [tilespmem:s12+$0x750];
	v57 =	vmul.f32 v13, v12;
	[tilespmem:s12+$0x94D0] =	vst v5;
	v5 =	vsel vm1, v9, v7  }
0x218: {  	[tilespmem:s12+$0x6550] =	vst v5;
	v5 =	vsel vm0, v10, v7;
	v7 =	vld [tilespmem:s12+$0x3750]  }
0x219: {  	v60 =	vld [tilespmem:s12+$0x7D0];
	[tilespmem:s12+$0x9550] =	vst v5;
	v5 =	vsel vm1, v12, v57;
	v59 =	vmul.f32 v6, v15  }
0x21a: {  	v61 =	vld [tilespmem:s12+$0x37D0];
	[tilespmem:s12+$0x65D0] =	vst v5;
	v5 =	vsel vm0, v13, v57  }
0x21b: {  	v62 =	vmul.f32 v56, v55;
	[tilespmem:s12+$0x95D0] =	vst v5;
	v5 =	vsel vm1, v15, v59  }
0x21c: {  	[tilespmem:s12+$0x6650] =	vst v5;
	v5 =	vsel vm0, v6, v59  }
0x21d: {  	[tilespmem:s12+$0x9650] =	vst v5;
	v5 =	vsel vm1, v55, v62;
	v6 =	vmul.f32 v7, v58  }
0x21e: {  	p2 =	por p1, p1;
	[tilespmem:s12+$0x66D0] =	vst v5;
	v5 =	vsel vm0, v56, v62  }
.Ltmp15:
0x21f: {  	v63 =	vmul.f32 v61, v60;
	[tilespmem:s12+$0x96D0] =	vst v5;
	v5 =	vsel vm1, v58, v6;
	(pc) =	sbr.rel @p2 .LBB2_29-.Ltmp15, $4  }
0x220: {  	[tilespmem:s12+$0x6750] =	vst v5;
	v5 =	vsel vm0, v7, v6  }
0x221: {  	[tilespmem:s12+$0x9750] =	vst v5;
	v5 =	vsel vm1, v60, v63  }
0x222: {  	[tilespmem:s12+$0x67D0] =	vst v5;
	v5 =	vsel vm0, v61, v63  }
0x223: {  	p1 =	por $0x0, $0x0;
	[tilespmem:s12+$0x97D0] =	vst v5;
	s12 =	simm.s32 $0xC00  }
0x224: {  	v5 =	vld [tilespmem:$0xC3E0]  }
0x225: {  	v6 =	vld [tilespmem:$0xC560];
	_ =	sdelay $0x4  }
0x226: {  	s12 =	simm.s32 $0x0;
	p1 =	por $0x1, $0x1;
	vm0 =	vgt.f32 v6, $0.0e+00;
	vm1 =	vgt.f32 v5, $0.0e+00  }
.LBB2_31:
0x227: {  	v5 =	vld [tilespmem:s12+$0x460]  }
0x228: {  	v6 =	vld [tilespmem:s12+$0x3460]  }
0x229: {  	v7 =	vld [tilespmem:s12+$0x4E0]  }
0x22a: {  	v8 =	vld [tilespmem:s12+$0x34E0]  }
0x22b: {  	v9 =	vld [tilespmem:s12+$0x560]  }
0x22c: {  	v10 =	vld [tilespmem:s12+$0x3560]  }
0x22d: {  	v12 =	vld [tilespmem:s12+$0x5E0];
	v11 =	vmul.f32 v6, v5  }
0x22e: {  	v13 =	vld [tilespmem:s12+$0x35E0]  }
0x22f: {  	v15 =	vld [tilespmem:s12+$0x660];
	v14 =	vmul.f32 v8, v7;
	v5 =	vsel vm1, v5, v11  }
0x230: {  	[tilespmem:s12+$0x6460] =	vst v5;
	v5 =	vsel vm0, v6, v11;
	v6 =	vld [tilespmem:s12+$0x3660]  }
0x231: {  	v55 =	vld [tilespmem:s12+$0x6E0];
	[tilespmem:s12+$0x9460] =	vst v5;
	v5 =	vsel vm1, v7, v14;
	v7 =	vmul.f32 v10, v9  }
0x232: {  	v56 =	vld [tilespmem:s12+$0x36E0];
	[tilespmem:s12+$0x64E0] =	vst v5;
	v5 =	vsel vm0, v8, v14  }
0x233: {  	v58 =	vld [tilespmem:s12+$0x760];
	v57 =	vmul.f32 v13, v12;
	[tilespmem:s12+$0x94E0] =	vst v5;
	v5 =	vsel vm1, v9, v7  }
0x234: {  	[tilespmem:s12+$0x6560] =	vst v5;
	v5 =	vsel vm0, v10, v7;
	v7 =	vld [tilespmem:s12+$0x3760]  }
0x235: {  	v60 =	vld [tilespmem:s12+$0x7E0];
	[tilespmem:s12+$0x9560] =	vst v5;
	v5 =	vsel vm1, v12, v57;
	v59 =	vmul.f32 v6, v15  }
0x236: {  	v61 =	vld [tilespmem:s12+$0x37E0];
	[tilespmem:s12+$0x65E0] =	vst v5;
	v5 =	vsel vm0, v13, v57  }
0x237: {  	v62 =	vmul.f32 v56, v55;
	[tilespmem:s12+$0x95E0] =	vst v5;
	v5 =	vsel vm1, v15, v59  }
0x238: {  	[tilespmem:s12+$0x6660] =	vst v5;
	v5 =	vsel vm0, v6, v59  }
0x239: {  	[tilespmem:s12+$0x9660] =	vst v5;
	v5 =	vsel vm1, v55, v62;
	v6 =	vmul.f32 v7, v58  }
0x23a: {  	p2 =	por p1, p1;
	[tilespmem:s12+$0x66E0] =	vst v5;
	v5 =	vsel vm0, v56, v62  }
.Ltmp16:
0x23b: {  	v63 =	vmul.f32 v61, v60;
	[tilespmem:s12+$0x96E0] =	vst v5;
	v5 =	vsel vm1, v58, v6;
	(pc) =	sbr.rel @p2 .LBB2_31-.Ltmp16, $4  }
0x23c: {  	[tilespmem:s12+$0x6760] =	vst v5;
	v5 =	vsel vm0, v7, v6  }
0x23d: {  	[tilespmem:s12+$0x9760] =	vst v5;
	v5 =	vsel vm1, v60, v63  }
0x23e: {  	[tilespmem:s12+$0x67E0] =	vst v5;
	v5 =	vsel vm0, v61, v63  }
0x23f: {  	p1 =	por $0x0, $0x0;
	[tilespmem:s12+$0x97E0] =	vst v5;
	s12 =	simm.s32 $0xC00  }
0x240: {  	v5 =	vld [tilespmem:$0xC3F0]  }
0x241: {  	v6 =	vld [tilespmem:$0xC570];
	_ =	sdelay $0x4  }
0x242: {  	s12 =	simm.s32 $0x0;
	p1 =	por $0x1, $0x1;
	vm0 =	vgt.f32 v6, $0.0e+00;
	vm1 =	vgt.f32 v5, $0.0e+00  }
.LBB2_33:
0x243: {  	v5 =	vld [tilespmem:s12+$0x470]  }
0x244: {  	v6 =	vld [tilespmem:s12+$0x3470]  }
0x245: {  	v7 =	vld [tilespmem:s12+$0x4F0]  }
0x246: {  	v8 =	vld [tilespmem:s12+$0x34F0]  }
0x247: {  	v9 =	vld [tilespmem:s12+$0x570]  }
0x248: {  	v10 =	vld [tilespmem:s12+$0x3570]  }
0x249: {  	v12 =	vld [tilespmem:s12+$0x5F0];
	v11 =	vmul.f32 v6, v5  }
0x24a: {  	v13 =	vld [tilespmem:s12+$0x35F0]  }
0x24b: {  	v15 =	vld [tilespmem:s12+$0x670];
	v14 =	vmul.f32 v8, v7;
	v5 =	vsel vm1, v5, v11  }
0x24c: {  	[tilespmem:s12+$0x6470] =	vst v5;
	v5 =	vsel vm0, v6, v11;
	v6 =	vld [tilespmem:s12+$0x3670]  }
0x24d: {  	v55 =	vld [tilespmem:s12+$0x6F0];
	[tilespmem:s12+$0x9470] =	vst v5;
	v5 =	vsel vm1, v7, v14;
	v7 =	vmul.f32 v10, v9  }
0x24e: {  	v56 =	vld [tilespmem:s12+$0x36F0];
	[tilespmem:s12+$0x64F0] =	vst v5;
	v5 =	vsel vm0, v8, v14  }
0x24f: {  	v58 =	vld [tilespmem:s12+$0x770];
	v57 =	vmul.f32 v13, v12;
	[tilespmem:s12+$0x94F0] =	vst v5;
	v5 =	vsel vm1, v9, v7  }
0x250: {  	[tilespmem:s12+$0x6570] =	vst v5;
	v5 =	vsel vm0, v10, v7;
	v7 =	vld [tilespmem:s12+$0x3770]  }
0x251: {  	v60 =	vld [tilespmem:s12+$0x7F0];
	[tilespmem:s12+$0x9570] =	vst v5;
	v5 =	vsel vm1, v12, v57;
	v59 =	vmul.f32 v6, v15  }
0x252: {  	v61 =	vld [tilespmem:s12+$0x37F0];
	[tilespmem:s12+$0x65F0] =	vst v5;
	v5 =	vsel vm0, v13, v57  }
0x253: {  	v62 =	vmul.f32 v56, v55;
	[tilespmem:s12+$0x95F0] =	vst v5;
	v5 =	vsel vm1, v15, v59  }
0x254: {  	[tilespmem:s12+$0x6670] =	vst v5;
	v5 =	vsel vm0, v6, v59  }
0x255: {  	[tilespmem:s12+$0x9670] =	vst v5;
	v5 =	vsel vm1, v55, v62;
	v6 =	vmul.f32 v7, v58  }
0x256: {  	p2 =	por p1, p1;
	[tilespmem:s12+$0x66F0] =	vst v5;
	v5 =	vsel vm0, v56, v62  }
.Ltmp17:
0x257: {  	v63 =	vmul.f32 v61, v60;
	[tilespmem:s12+$0x96F0] =	vst v5;
	v5 =	vsel vm1, v58, v6;
	(pc) =	sbr.rel @p2 .LBB2_33-.Ltmp17, $4  }
0x258: {  	[tilespmem:s12+$0x6770] =	vst v5;
	v5 =	vsel vm0, v7, v6  }
0x259: {  	[tilespmem:s12+$0x9770] =	vst v5;
	v5 =	vsel vm1, v60, v63  }
0x25a: {  	[tilespmem:s12+$0x67F0] =	vst v5;
	v5 =	vsel vm0, v61, v63  }
0x25b: {  	p1 =	por $0x0, $0x0;
	[tilespmem:s12+$0x97F0] =	vst v5;
	s12 =	simm.s32 $0xC00  }
0x25c: {  	v5 =	vld [tilespmem:$0xC400]  }
0x25d: {  	s12 =	simm.s32 $0x0;
	p1 =	por $0x1, $0x1;
	v6 =	vld [tilespmem:$0xC580]  }
.LBB2_35:
0x25e: {  	v7 =	vld [tilespmem:s12+$0x800]  }
0x25f: {  	v8 =	vld [tilespmem:s12+$0x3800]  }
0x260: {  	v9 =	vld [tilespmem:s12+$0x880]  }
0x261: {  	v10 =	vld [tilespmem:s12+$0x3880]  }
0x262: {  	v11 =	vld [tilespmem:s12+$0x900]  }
0x263: {  	v12 =	vld [tilespmem:s12+$0x3900]  }
0x264: {  	v14 =	vld [tilespmem:s12+$0x980];
	v13 =	vmul.f32 v8, v7  }
0x265: {  	vm1 =	vgt.f32 v5, $0.0e+00;
	v15 =	vld [tilespmem:s12+$0x3980]  }
0x266: {  	vm0 =	vgt.f32 v6, $0.0e+00;
	v17 =	vld [tilespmem:s12+$0xA00];
	v16 =	vmul.f32 v10, v9;
	v7 =	vsel vm1, v7, v13  }
0x267: {  	[tilespmem:s12+$0x6800] =	vst v7;
	v7 =	vsel vm0, v8, v13;
	v8 =	vld [tilespmem:s12+$0x3A00]  }
0x268: {  	v54 =	vld [tilespmem:s12+$0xA80];
	v53 =	vmul.f32 v12, v11;
	[tilespmem:s12+$0x9800] =	vst v7;
	v7 =	vsel vm1, v9, v16  }
0x269: {  	v55 =	vld [tilespmem:s12+$0x3A80];
	[tilespmem:s12+$0x6880] =	vst v7;
	v7 =	vsel vm0, v10, v16  }
0x26a: {  	v57 =	vld [tilespmem:s12+$0xB00];
	v56 =	vmul.f32 v15, v14;
	[tilespmem:s12+$0x9880] =	vst v7;
	v7 =	vsel vm1, v11, v53  }
0x26b: {  	v58 =	vld [tilespmem:s12+$0x3B00];
	[tilespmem:s12+$0x6900] =	vst v7;
	v7 =	vsel vm0, v12, v53  }
0x26c: {  	v60 =	vld [tilespmem:s12+$0xB80];
	[tilespmem:s12+$0x9900] =	vst v7;
	v7 =	vsel vm1, v14, v56;
	v59 =	vmul.f32 v8, v17  }
0x26d: {  	v61 =	vld [tilespmem:s12+$0x3B80];
	[tilespmem:s12+$0x6980] =	vst v7;
	v7 =	vsel vm0, v15, v56  }
0x26e: {  	v62 =	vmul.f32 v55, v54;
	[tilespmem:s12+$0x9980] =	vst v7;
	v7 =	vsel vm1, v17, v59  }
0x26f: {  	[tilespmem:s12+$0x6A00] =	vst v7;
	v7 =	vsel vm0, v8, v59  }
0x270: {  	v8 =	vmul.f32 v58, v57;
	[tilespmem:s12+$0x9A00] =	vst v7;
	v7 =	vsel vm1, v54, v62  }
0x271: {  	p2 =	por p1, p1;
	[tilespmem:s12+$0x6A80] =	vst v7;
	v7 =	vsel vm0, v55, v62  }
.Ltmp18:
0x272: {  	v63 =	vmul.f32 v61, v60;
	[tilespmem:s12+$0x9A80] =	vst v7;
	v7 =	vsel vm1, v57, v8;
	(pc) =	sbr.rel @p2 .LBB2_35-.Ltmp18, $4  }
0x273: {  	[tilespmem:s12+$0x6B00] =	vst v7;
	v7 =	vsel vm0, v58, v8  }
0x274: {  	[tilespmem:s12+$0x9B00] =	vst v7;
	v7 =	vsel vm1, v60, v63  }
0x275: {  	[tilespmem:s12+$0x6B80] =	vst v7;
	v7 =	vsel vm0, v61, v63  }
0x276: {  	p1 =	por $0x0, $0x0;
	[tilespmem:s12+$0x9B80] =	vst v7;
	s12 =	simm.s32 $0xC00  }
0x277: {  	v5 =	vld [tilespmem:$0xC410]  }
0x278: {  	s12 =	simm.s32 $0x0;
	p1 =	por $0x1, $0x1;
	v6 =	vld [tilespmem:$0xC590]  }
.LBB2_37:
0x279: {  	v7 =	vld [tilespmem:s12+$0x810]  }
0x27a: {  	v8 =	vld [tilespmem:s12+$0x3810]  }
0x27b: {  	v9 =	vld [tilespmem:s12+$0x890]  }
0x27c: {  	v10 =	vld [tilespmem:s12+$0x3890]  }
0x27d: {  	v11 =	vld [tilespmem:s12+$0x910]  }
0x27e: {  	v12 =	vld [tilespmem:s12+$0x3910]  }
0x27f: {  	v14 =	vld [tilespmem:s12+$0x990];
	v13 =	vmul.f32 v8, v7  }
0x280: {  	vm1 =	vgt.f32 v5, $0.0e+00;
	v15 =	vld [tilespmem:s12+$0x3990]  }
0x281: {  	vm0 =	vgt.f32 v6, $0.0e+00;
	v17 =	vld [tilespmem:s12+$0xA10];
	v16 =	vmul.f32 v10, v9;
	v7 =	vsel vm1, v7, v13  }
0x282: {  	[tilespmem:s12+$0x6810] =	vst v7;
	v7 =	vsel vm0, v8, v13;
	v8 =	vld [tilespmem:s12+$0x3A10]  }
0x283: {  	v54 =	vld [tilespmem:s12+$0xA90];
	v53 =	vmul.f32 v12, v11;
	[tilespmem:s12+$0x9810] =	vst v7;
	v7 =	vsel vm1, v9, v16  }
0x284: {  	v55 =	vld [tilespmem:s12+$0x3A90];
	[tilespmem:s12+$0x6890] =	vst v7;
	v7 =	vsel vm0, v10, v16  }
0x285: {  	v57 =	vld [tilespmem:s12+$0xB10];
	v56 =	vmul.f32 v15, v14;
	[tilespmem:s12+$0x9890] =	vst v7;
	v7 =	vsel vm1, v11, v53  }
0x286: {  	v58 =	vld [tilespmem:s12+$0x3B10];
	[tilespmem:s12+$0x6910] =	vst v7;
	v7 =	vsel vm0, v12, v53  }
0x287: {  	v60 =	vld [tilespmem:s12+$0xB90];
	[tilespmem:s12+$0x9910] =	vst v7;
	v7 =	vsel vm1, v14, v56;
	v59 =	vmul.f32 v8, v17  }
0x288: {  	v61 =	vld [tilespmem:s12+$0x3B90];
	[tilespmem:s12+$0x6990] =	vst v7;
	v7 =	vsel vm0, v15, v56  }
0x289: {  	v62 =	vmul.f32 v55, v54;
	[tilespmem:s12+$0x9990] =	vst v7;
	v7 =	vsel vm1, v17, v59  }
0x28a: {  	[tilespmem:s12+$0x6A10] =	vst v7;
	v7 =	vsel vm0, v8, v59  }
0x28b: {  	v8 =	vmul.f32 v58, v57;
	[tilespmem:s12+$0x9A10] =	vst v7;
	v7 =	vsel vm1, v54, v62  }
0x28c: {  	p2 =	por p1, p1;
	[tilespmem:s12+$0x6A90] =	vst v7;
	v7 =	vsel vm0, v55, v62  }
.Ltmp19:
0x28d: {  	v63 =	vmul.f32 v61, v60;
	[tilespmem:s12+$0x9A90] =	vst v7;
	v7 =	vsel vm1, v57, v8;
	(pc) =	sbr.rel @p2 .LBB2_37-.Ltmp19, $4  }
0x28e: {  	[tilespmem:s12+$0x6B10] =	vst v7;
	v7 =	vsel vm0, v58, v8  }
0x28f: {  	[tilespmem:s12+$0x9B10] =	vst v7;
	v7 =	vsel vm1, v60, v63  }
0x290: {  	[tilespmem:s12+$0x6B90] =	vst v7;
	v7 =	vsel vm0, v61, v63  }
0x291: {  	p1 =	por $0x0, $0x0;
	[tilespmem:s12+$0x9B90] =	vst v7;
	s12 =	simm.s32 $0xC00  }
0x292: {  	v5 =	vld [tilespmem:$0xC420]  }
0x293: {  	s12 =	simm.s32 $0x0;
	p1 =	por $0x1, $0x1;
	v6 =	vld [tilespmem:$0xC5A0]  }
.LBB2_39:
0x294: {  	v7 =	vld [tilespmem:s12+$0x820]  }
0x295: {  	v8 =	vld [tilespmem:s12+$0x3820]  }
0x296: {  	v9 =	vld [tilespmem:s12+$0x8A0]  }
0x297: {  	v10 =	vld [tilespmem:s12+$0x38A0]  }
0x298: {  	v11 =	vld [tilespmem:s12+$0x920]  }
0x299: {  	v12 =	vld [tilespmem:s12+$0x3920]  }
0x29a: {  	v14 =	vld [tilespmem:s12+$0x9A0];
	v13 =	vmul.f32 v8, v7  }
0x29b: {  	vm1 =	vgt.f32 v5, $0.0e+00;
	v15 =	vld [tilespmem:s12+$0x39A0]  }
0x29c: {  	vm0 =	vgt.f32 v6, $0.0e+00;
	v17 =	vld [tilespmem:s12+$0xA20];
	v16 =	vmul.f32 v10, v9;
	v7 =	vsel vm1, v7, v13  }
0x29d: {  	[tilespmem:s12+$0x6820] =	vst v7;
	v7 =	vsel vm0, v8, v13;
	v8 =	vld [tilespmem:s12+$0x3A20]  }
0x29e: {  	v54 =	vld [tilespmem:s12+$0xAA0];
	v53 =	vmul.f32 v12, v11;
	[tilespmem:s12+$0x9820] =	vst v7;
	v7 =	vsel vm1, v9, v16  }
0x29f: {  	v55 =	vld [tilespmem:s12+$0x3AA0];
	[tilespmem:s12+$0x68A0] =	vst v7;
	v7 =	vsel vm0, v10, v16  }
0x2a0: {  	v57 =	vld [tilespmem:s12+$0xB20];
	v56 =	vmul.f32 v15, v14;
	[tilespmem:s12+$0x98A0] =	vst v7;
	v7 =	vsel vm1, v11, v53  }
0x2a1: {  	v58 =	vld [tilespmem:s12+$0x3B20];
	[tilespmem:s12+$0x6920] =	vst v7;
	v7 =	vsel vm0, v12, v53  }
0x2a2: {  	v60 =	vld [tilespmem:s12+$0xBA0];
	[tilespmem:s12+$0x9920] =	vst v7;
	v7 =	vsel vm1, v14, v56;
	v59 =	vmul.f32 v8, v17  }
0x2a3: {  	v61 =	vld [tilespmem:s12+$0x3BA0];
	[tilespmem:s12+$0x69A0] =	vst v7;
	v7 =	vsel vm0, v15, v56  }
0x2a4: {  	v62 =	vmul.f32 v55, v54;
	[tilespmem:s12+$0x99A0] =	vst v7;
	v7 =	vsel vm1, v17, v59  }
0x2a5: {  	[tilespmem:s12+$0x6A20] =	vst v7;
	v7 =	vsel vm0, v8, v59  }
0x2a6: {  	v8 =	vmul.f32 v58, v57;
	[tilespmem:s12+$0x9A20] =	vst v7;
	v7 =	vsel vm1, v54, v62  }
0x2a7: {  	p2 =	por p1, p1;
	[tilespmem:s12+$0x6AA0] =	vst v7;
	v7 =	vsel vm0, v55, v62  }
.Ltmp20:
0x2a8: {  	v63 =	vmul.f32 v61, v60;
	[tilespmem:s12+$0x9AA0] =	vst v7;
	v7 =	vsel vm1, v57, v8;
	(pc) =	sbr.rel @p2 .LBB2_39-.Ltmp20, $4  }
0x2a9: {  	[tilespmem:s12+$0x6B20] =	vst v7;
	v7 =	vsel vm0, v58, v8  }
0x2aa: {  	[tilespmem:s12+$0x9B20] =	vst v7;
	v7 =	vsel vm1, v60, v63  }
0x2ab: {  	[tilespmem:s12+$0x6BA0] =	vst v7;
	v7 =	vsel vm0, v61, v63  }
0x2ac: {  	p1 =	por $0x0, $0x0;
	[tilespmem:s12+$0x9BA0] =	vst v7;
	s12 =	simm.s32 $0xC00  }
0x2ad: {  	v5 =	vld [tilespmem:$0xC430]  }
0x2ae: {  	s12 =	simm.s32 $0x0;
	p1 =	por $0x1, $0x1;
	v6 =	vld [tilespmem:$0xC5B0]  }
.LBB2_41:
0x2af: {  	v7 =	vld [tilespmem:s12+$0x830]  }
0x2b0: {  	v8 =	vld [tilespmem:s12+$0x3830]  }
0x2b1: {  	v9 =	vld [tilespmem:s12+$0x8B0]  }
0x2b2: {  	v10 =	vld [tilespmem:s12+$0x38B0]  }
0x2b3: {  	v11 =	vld [tilespmem:s12+$0x930]  }
0x2b4: {  	v12 =	vld [tilespmem:s12+$0x3930]  }
0x2b5: {  	v14 =	vld [tilespmem:s12+$0x9B0];
	v13 =	vmul.f32 v8, v7  }
0x2b6: {  	vm1 =	vgt.f32 v5, $0.0e+00;
	v15 =	vld [tilespmem:s12+$0x39B0]  }
0x2b7: {  	vm0 =	vgt.f32 v6, $0.0e+00;
	v17 =	vld [tilespmem:s12+$0xA30];
	v16 =	vmul.f32 v10, v9;
	v7 =	vsel vm1, v7, v13  }
0x2b8: {  	[tilespmem:s12+$0x6830] =	vst v7;
	v7 =	vsel vm0, v8, v13;
	v8 =	vld [tilespmem:s12+$0x3A30]  }
0x2b9: {  	v54 =	vld [tilespmem:s12+$0xAB0];
	v53 =	vmul.f32 v12, v11;
	[tilespmem:s12+$0x9830] =	vst v7;
	v7 =	vsel vm1, v9, v16  }
0x2ba: {  	v55 =	vld [tilespmem:s12+$0x3AB0];
	[tilespmem:s12+$0x68B0] =	vst v7;
	v7 =	vsel vm0, v10, v16  }
0x2bb: {  	v57 =	vld [tilespmem:s12+$0xB30];
	v56 =	vmul.f32 v15, v14;
	[tilespmem:s12+$0x98B0] =	vst v7;
	v7 =	vsel vm1, v11, v53  }
0x2bc: {  	v58 =	vld [tilespmem:s12+$0x3B30];
	[tilespmem:s12+$0x6930] =	vst v7;
	v7 =	vsel vm0, v12, v53  }
0x2bd: {  	v60 =	vld [tilespmem:s12+$0xBB0];
	[tilespmem:s12+$0x9930] =	vst v7;
	v7 =	vsel vm1, v14, v56;
	v59 =	vmul.f32 v8, v17  }
0x2be: {  	v61 =	vld [tilespmem:s12+$0x3BB0];
	[tilespmem:s12+$0x69B0] =	vst v7;
	v7 =	vsel vm0, v15, v56  }
0x2bf: {  	v62 =	vmul.f32 v55, v54;
	[tilespmem:s12+$0x99B0] =	vst v7;
	v7 =	vsel vm1, v17, v59  }
0x2c0: {  	[tilespmem:s12+$0x6A30] =	vst v7;
	v7 =	vsel vm0, v8, v59  }
0x2c1: {  	v8 =	vmul.f32 v58, v57;
	[tilespmem:s12+$0x9A30] =	vst v7;
	v7 =	vsel vm1, v54, v62  }
0x2c2: {  	p2 =	por p1, p1;
	[tilespmem:s12+$0x6AB0] =	vst v7;
	v7 =	vsel vm0, v55, v62  }
.Ltmp21:
0x2c3: {  	v63 =	vmul.f32 v61, v60;
	[tilespmem:s12+$0x9AB0] =	vst v7;
	v7 =	vsel vm1, v57, v8;
	(pc) =	sbr.rel @p2 .LBB2_41-.Ltmp21, $4  }
0x2c4: {  	[tilespmem:s12+$0x6B30] =	vst v7;
	v7 =	vsel vm0, v58, v8  }
0x2c5: {  	[tilespmem:s12+$0x9B30] =	vst v7;
	v7 =	vsel vm1, v60, v63  }
0x2c6: {  	[tilespmem:s12+$0x6BB0] =	vst v7;
	v7 =	vsel vm0, v61, v63  }
0x2c7: {  	p1 =	por $0x0, $0x0;
	[tilespmem:s12+$0x9BB0] =	vst v7;
	s12 =	simm.s32 $0xC00  }
0x2c8: {  	v5 =	vld [tilespmem:$0xC440]  }
0x2c9: {  	s12 =	simm.s32 $0x0;
	p1 =	por $0x1, $0x1;
	v6 =	vld [tilespmem:$0xC5C0]  }
.LBB2_43:
0x2ca: {  	v7 =	vld [tilespmem:s12+$0x840]  }
0x2cb: {  	v8 =	vld [tilespmem:s12+$0x3840]  }
0x2cc: {  	v9 =	vld [tilespmem:s12+$0x8C0]  }
0x2cd: {  	v10 =	vld [tilespmem:s12+$0x38C0]  }
0x2ce: {  	v11 =	vld [tilespmem:s12+$0x940]  }
0x2cf: {  	v12 =	vld [tilespmem:s12+$0x3940]  }
0x2d0: {  	v14 =	vld [tilespmem:s12+$0x9C0];
	v13 =	vmul.f32 v8, v7  }
0x2d1: {  	vm1 =	vgt.f32 v5, $0.0e+00;
	v15 =	vld [tilespmem:s12+$0x39C0]  }
0x2d2: {  	vm0 =	vgt.f32 v6, $0.0e+00;
	v17 =	vld [tilespmem:s12+$0xA40];
	v16 =	vmul.f32 v10, v9;
	v7 =	vsel vm1, v7, v13  }
0x2d3: {  	[tilespmem:s12+$0x6840] =	vst v7;
	v7 =	vsel vm0, v8, v13;
	v8 =	vld [tilespmem:s12+$0x3A40]  }
0x2d4: {  	v54 =	vld [tilespmem:s12+$0xAC0];
	v53 =	vmul.f32 v12, v11;
	[tilespmem:s12+$0x9840] =	vst v7;
	v7 =	vsel vm1, v9, v16  }
0x2d5: {  	v55 =	vld [tilespmem:s12+$0x3AC0];
	[tilespmem:s12+$0x68C0] =	vst v7;
	v7 =	vsel vm0, v10, v16  }
0x2d6: {  	v57 =	vld [tilespmem:s12+$0xB40];
	v56 =	vmul.f32 v15, v14;
	[tilespmem:s12+$0x98C0] =	vst v7;
	v7 =	vsel vm1, v11, v53  }
0x2d7: {  	v58 =	vld [tilespmem:s12+$0x3B40];
	[tilespmem:s12+$0x6940] =	vst v7;
	v7 =	vsel vm0, v12, v53  }
0x2d8: {  	v60 =	vld [tilespmem:s12+$0xBC0];
	[tilespmem:s12+$0x9940] =	vst v7;
	v7 =	vsel vm1, v14, v56;
	v59 =	vmul.f32 v8, v17  }
0x2d9: {  	v61 =	vld [tilespmem:s12+$0x3BC0];
	[tilespmem:s12+$0x69C0] =	vst v7;
	v7 =	vsel vm0, v15, v56  }
0x2da: {  	v62 =	vmul.f32 v55, v54;
	[tilespmem:s12+$0x99C0] =	vst v7;
	v7 =	vsel vm1, v17, v59  }
0x2db: {  	[tilespmem:s12+$0x6A40] =	vst v7;
	v7 =	vsel vm0, v8, v59  }
0x2dc: {  	v8 =	vmul.f32 v58, v57;
	[tilespmem:s12+$0x9A40] =	vst v7;
	v7 =	vsel vm1, v54, v62  }
0x2dd: {  	p2 =	por p1, p1;
	[tilespmem:s12+$0x6AC0] =	vst v7;
	v7 =	vsel vm0, v55, v62  }
.Ltmp22:
0x2de: {  	v63 =	vmul.f32 v61, v60;
	[tilespmem:s12+$0x9AC0] =	vst v7;
	v7 =	vsel vm1, v57, v8;
	(pc) =	sbr.rel @p2 .LBB2_43-.Ltmp22, $4  }
0x2df: {  	[tilespmem:s12+$0x6B40] =	vst v7;
	v7 =	vsel vm0, v58, v8  }
0x2e0: {  	[tilespmem:s12+$0x9B40] =	vst v7;
	v7 =	vsel vm1, v60, v63  }
0x2e1: {  	[tilespmem:s12+$0x6BC0] =	vst v7;
	v7 =	vsel vm0, v61, v63  }
0x2e2: {  	p1 =	por $0x0, $0x0;
	[tilespmem:s12+$0x9BC0] =	vst v7;
	s12 =	simm.s32 $0xC00  }
0x2e3: {  	v5 =	vld [tilespmem:$0xC450]  }
0x2e4: {  	s12 =	simm.s32 $0x0;
	p1 =	por $0x1, $0x1;
	v6 =	vld [tilespmem:$0xC5D0]  }
.LBB2_45:
0x2e5: {  	v7 =	vld [tilespmem:s12+$0x850]  }
0x2e6: {  	v8 =	vld [tilespmem:s12+$0x3850]  }
0x2e7: {  	v9 =	vld [tilespmem:s12+$0x8D0]  }
0x2e8: {  	v10 =	vld [tilespmem:s12+$0x38D0]  }
0x2e9: {  	v11 =	vld [tilespmem:s12+$0x950]  }
0x2ea: {  	v12 =	vld [tilespmem:s12+$0x3950]  }
0x2eb: {  	v14 =	vld [tilespmem:s12+$0x9D0];
	v13 =	vmul.f32 v8, v7  }
0x2ec: {  	vm1 =	vgt.f32 v5, $0.0e+00;
	v15 =	vld [tilespmem:s12+$0x39D0]  }
0x2ed: {  	vm0 =	vgt.f32 v6, $0.0e+00;
	v17 =	vld [tilespmem:s12+$0xA50];
	v16 =	vmul.f32 v10, v9;
	v7 =	vsel vm1, v7, v13  }
0x2ee: {  	[tilespmem:s12+$0x6850] =	vst v7;
	v7 =	vsel vm0, v8, v13;
	v8 =	vld [tilespmem:s12+$0x3A50]  }
0x2ef: {  	v54 =	vld [tilespmem:s12+$0xAD0];
	v53 =	vmul.f32 v12, v11;
	[tilespmem:s12+$0x9850] =	vst v7;
	v7 =	vsel vm1, v9, v16  }
0x2f0: {  	v55 =	vld [tilespmem:s12+$0x3AD0];
	[tilespmem:s12+$0x68D0] =	vst v7;
	v7 =	vsel vm0, v10, v16  }
0x2f1: {  	v57 =	vld [tilespmem:s12+$0xB50];
	v56 =	vmul.f32 v15, v14;
	[tilespmem:s12+$0x98D0] =	vst v7;
	v7 =	vsel vm1, v11, v53  }
0x2f2: {  	v58 =	vld [tilespmem:s12+$0x3B50];
	[tilespmem:s12+$0x6950] =	vst v7;
	v7 =	vsel vm0, v12, v53  }
0x2f3: {  	v60 =	vld [tilespmem:s12+$0xBD0];
	[tilespmem:s12+$0x9950] =	vst v7;
	v7 =	vsel vm1, v14, v56;
	v59 =	vmul.f32 v8, v17  }
0x2f4: {  	v61 =	vld [tilespmem:s12+$0x3BD0];
	[tilespmem:s12+$0x69D0] =	vst v7;
	v7 =	vsel vm0, v15, v56  }
0x2f5: {  	v62 =	vmul.f32 v55, v54;
	[tilespmem:s12+$0x99D0] =	vst v7;
	v7 =	vsel vm1, v17, v59  }
0x2f6: {  	[tilespmem:s12+$0x6A50] =	vst v7;
	v7 =	vsel vm0, v8, v59  }
0x2f7: {  	v8 =	vmul.f32 v58, v57;
	[tilespmem:s12+$0x9A50] =	vst v7;
	v7 =	vsel vm1, v54, v62  }
0x2f8: {  	p2 =	por p1, p1;
	[tilespmem:s12+$0x6AD0] =	vst v7;
	v7 =	vsel vm0, v55, v62  }
.Ltmp23:
0x2f9: {  	v63 =	vmul.f32 v61, v60;
	[tilespmem:s12+$0x9AD0] =	vst v7;
	v7 =	vsel vm1, v57, v8;
	(pc) =	sbr.rel @p2 .LBB2_45-.Ltmp23, $4  }
0x2fa: {  	[tilespmem:s12+$0x6B50] =	vst v7;
	v7 =	vsel vm0, v58, v8  }
0x2fb: {  	[tilespmem:s12+$0x9B50] =	vst v7;
	v7 =	vsel vm1, v60, v63  }
0x2fc: {  	[tilespmem:s12+$0x6BD0] =	vst v7;
	v7 =	vsel vm0, v61, v63  }
0x2fd: {  	p1 =	por $0x0, $0x0;
	[tilespmem:s12+$0x9BD0] =	vst v7;
	s12 =	simm.s32 $0xC00  }
0x2fe: {  	v5 =	vld [tilespmem:$0xC460]  }
0x2ff: {  	s12 =	simm.s32 $0x0;
	p1 =	por $0x1, $0x1;
	v6 =	vld [tilespmem:$0xC5E0]  }
.LBB2_47:
0x300: {  	v7 =	vld [tilespmem:s12+$0x860]  }
0x301: {  	v8 =	vld [tilespmem:s12+$0x3860]  }
0x302: {  	v9 =	vld [tilespmem:s12+$0x8E0]  }
0x303: {  	v10 =	vld [tilespmem:s12+$0x38E0]  }
0x304: {  	v11 =	vld [tilespmem:s12+$0x960]  }
0x305: {  	v12 =	vld [tilespmem:s12+$0x3960]  }
0x306: {  	v14 =	vld [tilespmem:s12+$0x9E0];
	v13 =	vmul.f32 v8, v7  }
0x307: {  	vm1 =	vgt.f32 v5, $0.0e+00;
	v15 =	vld [tilespmem:s12+$0x39E0]  }
0x308: {  	vm0 =	vgt.f32 v6, $0.0e+00;
	v17 =	vld [tilespmem:s12+$0xA60];
	v16 =	vmul.f32 v10, v9;
	v7 =	vsel vm1, v7, v13  }
0x309: {  	[tilespmem:s12+$0x6860] =	vst v7;
	v7 =	vsel vm0, v8, v13;
	v8 =	vld [tilespmem:s12+$0x3A60]  }
0x30a: {  	v54 =	vld [tilespmem:s12+$0xAE0];
	v53 =	vmul.f32 v12, v11;
	[tilespmem:s12+$0x9860] =	vst v7;
	v7 =	vsel vm1, v9, v16  }
0x30b: {  	v55 =	vld [tilespmem:s12+$0x3AE0];
	[tilespmem:s12+$0x68E0] =	vst v7;
	v7 =	vsel vm0, v10, v16  }
0x30c: {  	v57 =	vld [tilespmem:s12+$0xB60];
	v56 =	vmul.f32 v15, v14;
	[tilespmem:s12+$0x98E0] =	vst v7;
	v7 =	vsel vm1, v11, v53  }
0x30d: {  	v58 =	vld [tilespmem:s12+$0x3B60];
	[tilespmem:s12+$0x6960] =	vst v7;
	v7 =	vsel vm0, v12, v53  }
0x30e: {  	v60 =	vld [tilespmem:s12+$0xBE0];
	[tilespmem:s12+$0x9960] =	vst v7;
	v7 =	vsel vm1, v14, v56;
	v59 =	vmul.f32 v8, v17  }
0x30f: {  	v61 =	vld [tilespmem:s12+$0x3BE0];
	[tilespmem:s12+$0x69E0] =	vst v7;
	v7 =	vsel vm0, v15, v56  }
0x310: {  	v62 =	vmul.f32 v55, v54;
	[tilespmem:s12+$0x99E0] =	vst v7;
	v7 =	vsel vm1, v17, v59  }
0x311: {  	[tilespmem:s12+$0x6A60] =	vst v7;
	v7 =	vsel vm0, v8, v59  }
0x312: {  	v8 =	vmul.f32 v58, v57;
	[tilespmem:s12+$0x9A60] =	vst v7;
	v7 =	vsel vm1, v54, v62  }
0x313: {  	p2 =	por p1, p1;
	[tilespmem:s12+$0x6AE0] =	vst v7;
	v7 =	vsel vm0, v55, v62  }
.Ltmp24:
0x314: {  	v63 =	vmul.f32 v61, v60;
	[tilespmem:s12+$0x9AE0] =	vst v7;
	v7 =	vsel vm1, v57, v8;
	(pc) =	sbr.rel @p2 .LBB2_47-.Ltmp24, $4  }
0x315: {  	[tilespmem:s12+$0x6B60] =	vst v7;
	v7 =	vsel vm0, v58, v8  }
0x316: {  	[tilespmem:s12+$0x9B60] =	vst v7;
	v7 =	vsel vm1, v60, v63  }
0x317: {  	[tilespmem:s12+$0x6BE0] =	vst v7;
	v7 =	vsel vm0, v61, v63  }
0x318: {  	p1 =	por $0x0, $0x0;
	[tilespmem:s12+$0x9BE0] =	vst v7;
	s12 =	simm.s32 $0xC00  }
0x319: {  	v5 =	vld [tilespmem:$0xC470]  }
0x31a: {  	s12 =	simm.s32 $0x0;
	p1 =	por $0x1, $0x1;
	v6 =	vld [tilespmem:$0xC5F0]  }
.LBB2_49:
0x31b: {  	v7 =	vld [tilespmem:s12+$0x870]  }
0x31c: {  	v8 =	vld [tilespmem:s12+$0x3870]  }
0x31d: {  	v9 =	vld [tilespmem:s12+$0x8F0]  }
0x31e: {  	v10 =	vld [tilespmem:s12+$0x38F0]  }
0x31f: {  	v11 =	vld [tilespmem:s12+$0x970]  }
0x320: {  	v12 =	vld [tilespmem:s12+$0x3970]  }
0x321: {  	v14 =	vld [tilespmem:s12+$0x9F0];
	v13 =	vmul.f32 v8, v7  }
0x322: {  	vm1 =	vgt.f32 v5, $0.0e+00;
	v15 =	vld [tilespmem:s12+$0x39F0]  }
0x323: {  	vm0 =	vgt.f32 v6, $0.0e+00;
	v17 =	vld [tilespmem:s12+$0xA70];
	v16 =	vmul.f32 v10, v9;
	v7 =	vsel vm1, v7, v13  }
0x324: {  	[tilespmem:s12+$0x6870] =	vst v7;
	v7 =	vsel vm0, v8, v13;
	v8 =	vld [tilespmem:s12+$0x3A70]  }
0x325: {  	v54 =	vld [tilespmem:s12+$0xAF0];
	v53 =	vmul.f32 v12, v11;
	[tilespmem:s12+$0x9870] =	vst v7;
	v7 =	vsel vm1, v9, v16  }
0x326: {  	v55 =	vld [tilespmem:s12+$0x3AF0];
	[tilespmem:s12+$0x68F0] =	vst v7;
	v7 =	vsel vm0, v10, v16  }
0x327: {  	v57 =	vld [tilespmem:s12+$0xB70];
	v56 =	vmul.f32 v15, v14;
	[tilespmem:s12+$0x98F0] =	vst v7;
	v7 =	vsel vm1, v11, v53  }
0x328: {  	v58 =	vld [tilespmem:s12+$0x3B70];
	[tilespmem:s12+$0x6970] =	vst v7;
	v7 =	vsel vm0, v12, v53  }
0x329: {  	v60 =	vld [tilespmem:s12+$0xBF0];
	[tilespmem:s12+$0x9970] =	vst v7;
	v7 =	vsel vm1, v14, v56;
	v59 =	vmul.f32 v8, v17  }
0x32a: {  	v61 =	vld [tilespmem:s12+$0x3BF0];
	[tilespmem:s12+$0x69F0] =	vst v7;
	v7 =	vsel vm0, v15, v56  }
0x32b: {  	v62 =	vmul.f32 v55, v54;
	[tilespmem:s12+$0x99F0] =	vst v7;
	v7 =	vsel vm1, v17, v59  }
0x32c: {  	[tilespmem:s12+$0x6A70] =	vst v7;
	v7 =	vsel vm0, v8, v59  }
0x32d: {  	v8 =	vmul.f32 v58, v57;
	[tilespmem:s12+$0x9A70] =	vst v7;
	v7 =	vsel vm1, v54, v62  }
0x32e: {  	p2 =	por p1, p1;
	[tilespmem:s12+$0x6AF0] =	vst v7;
	v7 =	vsel vm0, v55, v62  }
.Ltmp25:
0x32f: {  	v63 =	vmul.f32 v61, v60;
	[tilespmem:s12+$0x9AF0] =	vst v7;
	v7 =	vsel vm1, v57, v8;
	(pc) =	sbr.rel @p2 .LBB2_49-.Ltmp25, $4  }
0x330: {  	[tilespmem:s12+$0x6B70] =	vst v7;
	v7 =	vsel vm0, v58, v8  }
0x331: {  	[tilespmem:s12+$0x9B70] =	vst v7;
	v7 =	vsel vm1, v60, v63  }
0x332: {  	[tilespmem:s12+$0x6BF0] =	vst v7;
	v7 =	vsel vm0, v61, v63  }
0x333: {  	p1 =	por $0x0, $0x0;
	[tilespmem:s12+$0x9BF0] =	vst v7;
	s12 =	simm.s32 $0xC00  }
0x334: {  	s11 =	sshrl.u32 s11, $0x3  }
0x335: {  	s11 =	smul.u32 $0x180, s11;
	_ =	sdelay $0x1  }
0x336: {  	p1 =	seq.s32 s23, $0x30;
	s12 =	sadd.s32 s7, s11  }
0x337: {  	[hbm4b:s12+s9] =	stream.linear.scatter [tilespmem:s26], [sflag:$0x5], $0x1800, $0x38;
	[tilespmem:$0xC600] =	vst v63  }
0x338: {  	s12 =	sadd.s32 @!p1 s10, s14  }
0x339: {  	s12 =	sshrl.u32 @!p1 s12, $0x3  }
0x33a: {  	s11 =	sadd.s32 s8, s11;
	s12 =	smul.u32 @!p1 $0x180, s12  }
0x33b: {  	[hbm4b:s11+s9] =	stream.linear.scatter [tilespmem:s28], [sflag:$0x7], $0x1800, $0x38;
	[tilespmem:$0xC600] =	vst v63  }
0x33c: {  	s13 =	simm.s32 @!p1 $0x0;
	s11 =	sadd.s32 @!p1 s1, s12  }
0x33d: {  	[tilespmem:s13], [sflag:$0x1] =	stream.linear.gather @!p1 [hbm4b:s11+s13], $0x1800, $0x38;
	[tilespmem:$0xC600] =	vst v63  }
0x33e: {  	s11 =	sadd.s32 @!p1 s2, s12;
	s12 =	simm.s32 @!p1 $0x3000  }
0x33f: {  	[tilespmem:s12], [sflag:$0x3] =	stream.linear.gather @!p1 [hbm4b:s11+s13], $0x1800, $0x38;
	[tilespmem:$0xC600] =	vst v63  }
0x340: {  	_ =	swait.ge [sflag:s29], $0x1800  }
0x341: {  	[sflag:s29] =	ssyncset.done $0x0  }
0x342: {  	[sflag:s29] =	ssyncadd.s32 $0xFFFFE800  }
0x343: {  	_ =	swait.ge [sflag:s30], $0x1800  }
0x344: {  	[sflag:s30] =	ssyncset.done $0x0  }
0x345: {  	s11 =	simm.s32 @!p0 $0x6;
	[sflag:s30] =	ssyncadd.s32 $0xFFFFE800  }
0x346: {  	_ =	swait.ge @!p0 [sflag:s11], $0x1800  }
0x347: {  	[sflag:s11] =	ssyncset.done @!p0 $0x0  }
0x348: {  	[sflag:s11] =	ssyncadd.s32 @!p0 $0xFFFFE800;
	s11 =	simm.s32 @!p0 $0x8  }
0x349: {  	_ =	swait.ge @!p0 [sflag:s11], $0x1800  }
0x34a: {  	[sflag:s11] =	ssyncset.done @!p0 $0x0  }
0x34b: {  	[sflag:s11] =	ssyncadd.s32 @!p0 $0xFFFFE800  }
0x34c: {  	v5 =	vld [tilespmem:$0xC300]  }
0x34d: {  	s12 =	simm.s32 $0x0;
	s11 =	sadd.s32 s10, s15;
	p0 =	por $0x1, $0x1;
	v6 =	vld [tilespmem:$0xC480]  }
.LBB2_51:
0x34e: {  	v7 =	vld [tilespmem:s12+$0x1800]  }
0x34f: {  	v8 =	vld [tilespmem:s12+$0x4800]  }
0x350: {  	v9 =	vld [tilespmem:s12+$0x1880]  }
0x351: {  	v10 =	vld [tilespmem:s12+$0x4880]  }
0x352: {  	v11 =	vld [tilespmem:s12+$0x1900]  }
0x353: {  	v12 =	vld [tilespmem:s12+$0x4900]  }
0x354: {  	v14 =	vld [tilespmem:s12+$0x1980];
	v13 =	vmul.f32 v8, v7  }
0x355: {  	vm1 =	vgt.f32 v5, $0.0e+00;
	v15 =	vld [tilespmem:s12+$0x4980]  }
0x356: {  	vm0 =	vgt.f32 v6, $0.0e+00;
	v17 =	vld [tilespmem:s12+$0x1A00];
	v16 =	vmul.f32 v10, v9;
	v7 =	vsel vm1, v7, v13  }
0x357: {  	[tilespmem:s12+$0x7800] =	vst v7;
	v7 =	vsel vm0, v8, v13;
	v8 =	vld [tilespmem:s12+$0x4A00]  }
0x358: {  	v54 =	vld [tilespmem:s12+$0x1A80];
	v53 =	vmul.f32 v12, v11;
	[tilespmem:s12+$0xA800] =	vst v7;
	v7 =	vsel vm1, v9, v16  }
0x359: {  	v55 =	vld [tilespmem:s12+$0x4A80];
	[tilespmem:s12+$0x7880] =	vst v7;
	v7 =	vsel vm0, v10, v16  }
0x35a: {  	v57 =	vld [tilespmem:s12+$0x1B00];
	v56 =	vmul.f32 v15, v14;
	[tilespmem:s12+$0xA880] =	vst v7;
	v7 =	vsel vm1, v11, v53  }
0x35b: {  	v58 =	vld [tilespmem:s12+$0x4B00];
	[tilespmem:s12+$0x7900] =	vst v7;
	v7 =	vsel vm0, v12, v53  }
0x35c: {  	v60 =	vld [tilespmem:s12+$0x1B80];
	[tilespmem:s12+$0xA900] =	vst v7;
	v7 =	vsel vm1, v14, v56;
	v59 =	vmul.f32 v8, v17  }
0x35d: {  	v61 =	vld [tilespmem:s12+$0x4B80];
	[tilespmem:s12+$0x7980] =	vst v7;
	v7 =	vsel vm0, v15, v56  }
0x35e: {  	v62 =	vmul.f32 v55, v54;
	[tilespmem:s12+$0xA980] =	vst v7;
	v7 =	vsel vm1, v17, v59  }
0x35f: {  	[tilespmem:s12+$0x7A00] =	vst v7;
	v7 =	vsel vm0, v8, v59  }
0x360: {  	v8 =	vmul.f32 v58, v57;
	[tilespmem:s12+$0xAA00] =	vst v7;
	v7 =	vsel vm1, v54, v62  }
0x361: {  	p2 =	por p0, p0;
	[tilespmem:s12+$0x7A80] =	vst v7;
	v7 =	vsel vm0, v55, v62  }
.Ltmp26:
0x362: {  	v63 =	vmul.f32 v61, v60;
	[tilespmem:s12+$0xAA80] =	vst v7;
	v7 =	vsel vm1, v57, v8;
	(pc) =	sbr.rel @p2 .LBB2_51-.Ltmp26, $4  }
0x363: {  	[tilespmem:s12+$0x7B00] =	vst v7;
	v7 =	vsel vm0, v58, v8  }
0x364: {  	[tilespmem:s12+$0xAB00] =	vst v7;
	v7 =	vsel vm1, v60, v63  }
0x365: {  	[tilespmem:s12+$0x7B80] =	vst v7;
	v7 =	vsel vm0, v61, v63  }
0x366: {  	p0 =	por $0x0, $0x0;
	[tilespmem:s12+$0xAB80] =	vst v7;
	s12 =	simm.s32 $0xC00  }
0x367: {  	v5 =	vld [tilespmem:$0xC310]  }
0x368: {  	s12 =	simm.s32 $0x0;
	p0 =	por $0x1, $0x1;
	v6 =	vld [tilespmem:$0xC490]  }
.LBB2_53:
0x369: {  	v7 =	vld [tilespmem:s12+$0x1810]  }
0x36a: {  	v8 =	vld [tilespmem:s12+$0x4810]  }
0x36b: {  	v9 =	vld [tilespmem:s12+$0x1890]  }
0x36c: {  	v10 =	vld [tilespmem:s12+$0x4890]  }
0x36d: {  	v11 =	vld [tilespmem:s12+$0x1910]  }
0x36e: {  	v12 =	vld [tilespmem:s12+$0x4910]  }
0x36f: {  	v14 =	vld [tilespmem:s12+$0x1990];
	v13 =	vmul.f32 v8, v7  }
0x370: {  	vm1 =	vgt.f32 v5, $0.0e+00;
	v15 =	vld [tilespmem:s12+$0x4990]  }
0x371: {  	vm0 =	vgt.f32 v6, $0.0e+00;
	v17 =	vld [tilespmem:s12+$0x1A10];
	v16 =	vmul.f32 v10, v9;
	v7 =	vsel vm1, v7, v13  }
0x372: {  	[tilespmem:s12+$0x7810] =	vst v7;
	v7 =	vsel vm0, v8, v13;
	v8 =	vld [tilespmem:s12+$0x4A10]  }
0x373: {  	v54 =	vld [tilespmem:s12+$0x1A90];
	v53 =	vmul.f32 v12, v11;
	[tilespmem:s12+$0xA810] =	vst v7;
	v7 =	vsel vm1, v9, v16  }
0x374: {  	v55 =	vld [tilespmem:s12+$0x4A90];
	[tilespmem:s12+$0x7890] =	vst v7;
	v7 =	vsel vm0, v10, v16  }
0x375: {  	v57 =	vld [tilespmem:s12+$0x1B10];
	v56 =	vmul.f32 v15, v14;
	[tilespmem:s12+$0xA890] =	vst v7;
	v7 =	vsel vm1, v11, v53  }
0x376: {  	v58 =	vld [tilespmem:s12+$0x4B10];
	[tilespmem:s12+$0x7910] =	vst v7;
	v7 =	vsel vm0, v12, v53  }
0x377: {  	v60 =	vld [tilespmem:s12+$0x1B90];
	[tilespmem:s12+$0xA910] =	vst v7;
	v7 =	vsel vm1, v14, v56;
	v59 =	vmul.f32 v8, v17  }
0x378: {  	v61 =	vld [tilespmem:s12+$0x4B90];
	[tilespmem:s12+$0x7990] =	vst v7;
	v7 =	vsel vm0, v15, v56  }
0x379: {  	v62 =	vmul.f32 v55, v54;
	[tilespmem:s12+$0xA990] =	vst v7;
	v7 =	vsel vm1, v17, v59  }
0x37a: {  	[tilespmem:s12+$0x7A10] =	vst v7;
	v7 =	vsel vm0, v8, v59  }
0x37b: {  	v8 =	vmul.f32 v58, v57;
	[tilespmem:s12+$0xAA10] =	vst v7;
	v7 =	vsel vm1, v54, v62  }
0x37c: {  	p2 =	por p0, p0;
	[tilespmem:s12+$0x7A90] =	vst v7;
	v7 =	vsel vm0, v55, v62  }
.Ltmp27:
0x37d: {  	v63 =	vmul.f32 v61, v60;
	[tilespmem:s12+$0xAA90] =	vst v7;
	v7 =	vsel vm1, v57, v8;
	(pc) =	sbr.rel @p2 .LBB2_53-.Ltmp27, $4  }
0x37e: {  	[tilespmem:s12+$0x7B10] =	vst v7;
	v7 =	vsel vm0, v58, v8  }
0x37f: {  	[tilespmem:s12+$0xAB10] =	vst v7;
	v7 =	vsel vm1, v60, v63  }
0x380: {  	[tilespmem:s12+$0x7B90] =	vst v7;
	v7 =	vsel vm0, v61, v63  }
0x381: {  	p0 =	por $0x0, $0x0;
	[tilespmem:s12+$0xAB90] =	vst v7;
	s12 =	simm.s32 $0xC00  }
0x382: {  	v5 =	vld [tilespmem:$0xC320]  }
0x383: {  	s12 =	simm.s32 $0x0;
	p0 =	por $0x1, $0x1;
	v6 =	vld [tilespmem:$0xC4A0]  }
.LBB2_55:
0x384: {  	v7 =	vld [tilespmem:s12+$0x1820]  }
0x385: {  	v8 =	vld [tilespmem:s12+$0x4820]  }
0x386: {  	v9 =	vld [tilespmem:s12+$0x18A0]  }
0x387: {  	v10 =	vld [tilespmem:s12+$0x48A0]  }
0x388: {  	v11 =	vld [tilespmem:s12+$0x1920]  }
0x389: {  	v12 =	vld [tilespmem:s12+$0x4920]  }
0x38a: {  	v14 =	vld [tilespmem:s12+$0x19A0];
	v13 =	vmul.f32 v8, v7  }
0x38b: {  	vm1 =	vgt.f32 v5, $0.0e+00;
	v15 =	vld [tilespmem:s12+$0x49A0]  }
0x38c: {  	vm0 =	vgt.f32 v6, $0.0e+00;
	v17 =	vld [tilespmem:s12+$0x1A20];
	v16 =	vmul.f32 v10, v9;
	v7 =	vsel vm1, v7, v13  }
0x38d: {  	[tilespmem:s12+$0x7820] =	vst v7;
	v7 =	vsel vm0, v8, v13;
	v8 =	vld [tilespmem:s12+$0x4A20]  }
0x38e: {  	v54 =	vld [tilespmem:s12+$0x1AA0];
	v53 =	vmul.f32 v12, v11;
	[tilespmem:s12+$0xA820] =	vst v7;
	v7 =	vsel vm1, v9, v16  }
0x38f: {  	v55 =	vld [tilespmem:s12+$0x4AA0];
	[tilespmem:s12+$0x78A0] =	vst v7;
	v7 =	vsel vm0, v10, v16  }
0x390: {  	v57 =	vld [tilespmem:s12+$0x1B20];
	v56 =	vmul.f32 v15, v14;
	[tilespmem:s12+$0xA8A0] =	vst v7;
	v7 =	vsel vm1, v11, v53  }
0x391: {  	v58 =	vld [tilespmem:s12+$0x4B20];
	[tilespmem:s12+$0x7920] =	vst v7;
	v7 =	vsel vm0, v12, v53  }
0x392: {  	v60 =	vld [tilespmem:s12+$0x1BA0];
	[tilespmem:s12+$0xA920] =	vst v7;
	v7 =	vsel vm1, v14, v56;
	v59 =	vmul.f32 v8, v17  }
0x393: {  	v61 =	vld [tilespmem:s12+$0x4BA0];
	[tilespmem:s12+$0x79A0] =	vst v7;
	v7 =	vsel vm0, v15, v56  }
0x394: {  	v62 =	vmul.f32 v55, v54;
	[tilespmem:s12+$0xA9A0] =	vst v7;
	v7 =	vsel vm1, v17, v59  }
0x395: {  	[tilespmem:s12+$0x7A20] =	vst v7;
	v7 =	vsel vm0, v8, v59  }
0x396: {  	v8 =	vmul.f32 v58, v57;
	[tilespmem:s12+$0xAA20] =	vst v7;
	v7 =	vsel vm1, v54, v62  }
0x397: {  	p2 =	por p0, p0;
	[tilespmem:s12+$0x7AA0] =	vst v7;
	v7 =	vsel vm0, v55, v62  }
.Ltmp28:
0x398: {  	v63 =	vmul.f32 v61, v60;
	[tilespmem:s12+$0xAAA0] =	vst v7;
	v7 =	vsel vm1, v57, v8;
	(pc) =	sbr.rel @p2 .LBB2_55-.Ltmp28, $4  }
0x399: {  	[tilespmem:s12+$0x7B20] =	vst v7;
	v7 =	vsel vm0, v58, v8  }
0x39a: {  	[tilespmem:s12+$0xAB20] =	vst v7;
	v7 =	vsel vm1, v60, v63  }
0x39b: {  	[tilespmem:s12+$0x7BA0] =	vst v7;
	v7 =	vsel vm0, v61, v63  }
0x39c: {  	p0 =	por $0x0, $0x0;
	[tilespmem:s12+$0xABA0] =	vst v7;
	s12 =	simm.s32 $0xC00  }
0x39d: {  	v5 =	vld [tilespmem:$0xC330]  }
0x39e: {  	s12 =	simm.s32 $0x0;
	p0 =	por $0x1, $0x1;
	v6 =	vld [tilespmem:$0xC4B0]  }
.LBB2_57:
0x39f: {  	v7 =	vld [tilespmem:s12+$0x1830]  }
0x3a0: {  	v8 =	vld [tilespmem:s12+$0x4830]  }
0x3a1: {  	v9 =	vld [tilespmem:s12+$0x18B0]  }
0x3a2: {  	v10 =	vld [tilespmem:s12+$0x48B0]  }
0x3a3: {  	v11 =	vld [tilespmem:s12+$0x1930]  }
0x3a4: {  	v12 =	vld [tilespmem:s12+$0x4930]  }
0x3a5: {  	v14 =	vld [tilespmem:s12+$0x19B0];
	v13 =	vmul.f32 v8, v7  }
0x3a6: {  	vm1 =	vgt.f32 v5, $0.0e+00;
	v15 =	vld [tilespmem:s12+$0x49B0]  }
0x3a7: {  	vm0 =	vgt.f32 v6, $0.0e+00;
	v17 =	vld [tilespmem:s12+$0x1A30];
	v16 =	vmul.f32 v10, v9;
	v7 =	vsel vm1, v7, v13  }
0x3a8: {  	[tilespmem:s12+$0x7830] =	vst v7;
	v7 =	vsel vm0, v8, v13;
	v8 =	vld [tilespmem:s12+$0x4A30]  }
0x3a9: {  	v54 =	vld [tilespmem:s12+$0x1AB0];
	v53 =	vmul.f32 v12, v11;
	[tilespmem:s12+$0xA830] =	vst v7;
	v7 =	vsel vm1, v9, v16  }
0x3aa: {  	v55 =	vld [tilespmem:s12+$0x4AB0];
	[tilespmem:s12+$0x78B0] =	vst v7;
	v7 =	vsel vm0, v10, v16  }
0x3ab: {  	v57 =	vld [tilespmem:s12+$0x1B30];
	v56 =	vmul.f32 v15, v14;
	[tilespmem:s12+$0xA8B0] =	vst v7;
	v7 =	vsel vm1, v11, v53  }
0x3ac: {  	v58 =	vld [tilespmem:s12+$0x4B30];
	[tilespmem:s12+$0x7930] =	vst v7;
	v7 =	vsel vm0, v12, v53  }
0x3ad: {  	v60 =	vld [tilespmem:s12+$0x1BB0];
	[tilespmem:s12+$0xA930] =	vst v7;
	v7 =	vsel vm1, v14, v56;
	v59 =	vmul.f32 v8, v17  }
0x3ae: {  	v61 =	vld [tilespmem:s12+$0x4BB0];
	[tilespmem:s12+$0x79B0] =	vst v7;
	v7 =	vsel vm0, v15, v56  }
0x3af: {  	v62 =	vmul.f32 v55, v54;
	[tilespmem:s12+$0xA9B0] =	vst v7;
	v7 =	vsel vm1, v17, v59  }
0x3b0: {  	[tilespmem:s12+$0x7A30] =	vst v7;
	v7 =	vsel vm0, v8, v59  }
0x3b1: {  	v8 =	vmul.f32 v58, v57;
	[tilespmem:s12+$0xAA30] =	vst v7;
	v7 =	vsel vm1, v54, v62  }
0x3b2: {  	p2 =	por p0, p0;
	[tilespmem:s12+$0x7AB0] =	vst v7;
	v7 =	vsel vm0, v55, v62  }
.Ltmp29:
0x3b3: {  	v63 =	vmul.f32 v61, v60;
	[tilespmem:s12+$0xAAB0] =	vst v7;
	v7 =	vsel vm1, v57, v8;
	(pc) =	sbr.rel @p2 .LBB2_57-.Ltmp29, $4  }
0x3b4: {  	[tilespmem:s12+$0x7B30] =	vst v7;
	v7 =	vsel vm0, v58, v8  }
0x3b5: {  	[tilespmem:s12+$0xAB30] =	vst v7;
	v7 =	vsel vm1, v60, v63  }
0x3b6: {  	[tilespmem:s12+$0x7BB0] =	vst v7;
	v7 =	vsel vm0, v61, v63  }
0x3b7: {  	p0 =	por $0x0, $0x0;
	[tilespmem:s12+$0xABB0] =	vst v7;
	s12 =	simm.s32 $0xC00  }
0x3b8: {  	v5 =	vld [tilespmem:$0xC340]  }
0x3b9: {  	s12 =	simm.s32 $0x0;
	p0 =	por $0x1, $0x1;
	v6 =	vld [tilespmem:$0xC4C0]  }
.LBB2_59:
0x3ba: {  	v7 =	vld [tilespmem:s12+$0x1840]  }
0x3bb: {  	v8 =	vld [tilespmem:s12+$0x4840]  }
0x3bc: {  	v9 =	vld [tilespmem:s12+$0x18C0]  }
0x3bd: {  	v10 =	vld [tilespmem:s12+$0x48C0]  }
0x3be: {  	v11 =	vld [tilespmem:s12+$0x1940]  }
0x3bf: {  	v12 =	vld [tilespmem:s12+$0x4940]  }
0x3c0: {  	v14 =	vld [tilespmem:s12+$0x19C0];
	v13 =	vmul.f32 v8, v7  }
0x3c1: {  	vm1 =	vgt.f32 v5, $0.0e+00;
	v15 =	vld [tilespmem:s12+$0x49C0]  }
0x3c2: {  	vm0 =	vgt.f32 v6, $0.0e+00;
	v17 =	vld [tilespmem:s12+$0x1A40];
	v16 =	vmul.f32 v10, v9;
	v7 =	vsel vm1, v7, v13  }
0x3c3: {  	[tilespmem:s12+$0x7840] =	vst v7;
	v7 =	vsel vm0, v8, v13;
	v8 =	vld [tilespmem:s12+$0x4A40]  }
0x3c4: {  	v54 =	vld [tilespmem:s12+$0x1AC0];
	v53 =	vmul.f32 v12, v11;
	[tilespmem:s12+$0xA840] =	vst v7;
	v7 =	vsel vm1, v9, v16  }
0x3c5: {  	v55 =	vld [tilespmem:s12+$0x4AC0];
	[tilespmem:s12+$0x78C0] =	vst v7;
	v7 =	vsel vm0, v10, v16  }
0x3c6: {  	v57 =	vld [tilespmem:s12+$0x1B40];
	v56 =	vmul.f32 v15, v14;
	[tilespmem:s12+$0xA8C0] =	vst v7;
	v7 =	vsel vm1, v11, v53  }
0x3c7: {  	v58 =	vld [tilespmem:s12+$0x4B40];
	[tilespmem:s12+$0x7940] =	vst v7;
	v7 =	vsel vm0, v12, v53  }
0x3c8: {  	v60 =	vld [tilespmem:s12+$0x1BC0];
	[tilespmem:s12+$0xA940] =	vst v7;
	v7 =	vsel vm1, v14, v56;
	v59 =	vmul.f32 v8, v17  }
0x3c9: {  	v61 =	vld [tilespmem:s12+$0x4BC0];
	[tilespmem:s12+$0x79C0] =	vst v7;
	v7 =	vsel vm0, v15, v56  }
0x3ca: {  	v62 =	vmul.f32 v55, v54;
	[tilespmem:s12+$0xA9C0] =	vst v7;
	v7 =	vsel vm1, v17, v59  }
0x3cb: {  	[tilespmem:s12+$0x7A40] =	vst v7;
	v7 =	vsel vm0, v8, v59  }
0x3cc: {  	v8 =	vmul.f32 v58, v57;
	[tilespmem:s12+$0xAA40] =	vst v7;
	v7 =	vsel vm1, v54, v62  }
0x3cd: {  	p2 =	por p0, p0;
	[tilespmem:s12+$0x7AC0] =	vst v7;
	v7 =	vsel vm0, v55, v62  }
.Ltmp30:
0x3ce: {  	v63 =	vmul.f32 v61, v60;
	[tilespmem:s12+$0xAAC0] =	vst v7;
	v7 =	vsel vm1, v57, v8;
	(pc) =	sbr.rel @p2 .LBB2_59-.Ltmp30, $4  }
0x3cf: {  	[tilespmem:s12+$0x7B40] =	vst v7;
	v7 =	vsel vm0, v58, v8  }
0x3d0: {  	[tilespmem:s12+$0xAB40] =	vst v7;
	v7 =	vsel vm1, v60, v63  }
0x3d1: {  	[tilespmem:s12+$0x7BC0] =	vst v7;
	v7 =	vsel vm0, v61, v63  }
0x3d2: {  	p0 =	por $0x0, $0x0;
	[tilespmem:s12+$0xABC0] =	vst v7;
	s12 =	simm.s32 $0xC00  }
0x3d3: {  	v5 =	vld [tilespmem:$0xC350]  }
0x3d4: {  	s12 =	simm.s32 $0x0;
	p0 =	por $0x1, $0x1;
	v6 =	vld [tilespmem:$0xC4D0]  }
.LBB2_61:
0x3d5: {  	v7 =	vld [tilespmem:s12+$0x1850]  }
0x3d6: {  	v8 =	vld [tilespmem:s12+$0x4850]  }
0x3d7: {  	v9 =	vld [tilespmem:s12+$0x18D0]  }
0x3d8: {  	v10 =	vld [tilespmem:s12+$0x48D0]  }
0x3d9: {  	v11 =	vld [tilespmem:s12+$0x1950]  }
0x3da: {  	v12 =	vld [tilespmem:s12+$0x4950]  }
0x3db: {  	v14 =	vld [tilespmem:s12+$0x19D0];
	v13 =	vmul.f32 v8, v7  }
0x3dc: {  	vm1 =	vgt.f32 v5, $0.0e+00;
	v15 =	vld [tilespmem:s12+$0x49D0]  }
0x3dd: {  	vm0 =	vgt.f32 v6, $0.0e+00;
	v17 =	vld [tilespmem:s12+$0x1A50];
	v16 =	vmul.f32 v10, v9;
	v7 =	vsel vm1, v7, v13  }
0x3de: {  	[tilespmem:s12+$0x7850] =	vst v7;
	v7 =	vsel vm0, v8, v13;
	v8 =	vld [tilespmem:s12+$0x4A50]  }
0x3df: {  	v54 =	vld [tilespmem:s12+$0x1AD0];
	v53 =	vmul.f32 v12, v11;
	[tilespmem:s12+$0xA850] =	vst v7;
	v7 =	vsel vm1, v9, v16  }
0x3e0: {  	v55 =	vld [tilespmem:s12+$0x4AD0];
	[tilespmem:s12+$0x78D0] =	vst v7;
	v7 =	vsel vm0, v10, v16  }
0x3e1: {  	v57 =	vld [tilespmem:s12+$0x1B50];
	v56 =	vmul.f32 v15, v14;
	[tilespmem:s12+$0xA8D0] =	vst v7;
	v7 =	vsel vm1, v11, v53  }
0x3e2: {  	v58 =	vld [tilespmem:s12+$0x4B50];
	[tilespmem:s12+$0x7950] =	vst v7;
	v7 =	vsel vm0, v12, v53  }
0x3e3: {  	v60 =	vld [tilespmem:s12+$0x1BD0];
	[tilespmem:s12+$0xA950] =	vst v7;
	v7 =	vsel vm1, v14, v56;
	v59 =	vmul.f32 v8, v17  }
0x3e4: {  	v61 =	vld [tilespmem:s12+$0x4BD0];
	[tilespmem:s12+$0x79D0] =	vst v7;
	v7 =	vsel vm0, v15, v56  }
0x3e5: {  	v62 =	vmul.f32 v55, v54;
	[tilespmem:s12+$0xA9D0] =	vst v7;
	v7 =	vsel vm1, v17, v59  }
0x3e6: {  	[tilespmem:s12+$0x7A50] =	vst v7;
	v7 =	vsel vm0, v8, v59  }
0x3e7: {  	v8 =	vmul.f32 v58, v57;
	[tilespmem:s12+$0xAA50] =	vst v7;
	v7 =	vsel vm1, v54, v62  }
0x3e8: {  	p2 =	por p0, p0;
	[tilespmem:s12+$0x7AD0] =	vst v7;
	v7 =	vsel vm0, v55, v62  }
.Ltmp31:
0x3e9: {  	v63 =	vmul.f32 v61, v60;
	[tilespmem:s12+$0xAAD0] =	vst v7;
	v7 =	vsel vm1, v57, v8;
	(pc) =	sbr.rel @p2 .LBB2_61-.Ltmp31, $4  }
0x3ea: {  	[tilespmem:s12+$0x7B50] =	vst v7;
	v7 =	vsel vm0, v58, v8  }
0x3eb: {  	[tilespmem:s12+$0xAB50] =	vst v7;
	v7 =	vsel vm1, v60, v63  }
0x3ec: {  	[tilespmem:s12+$0x7BD0] =	vst v7;
	v7 =	vsel vm0, v61, v63  }
0x3ed: {  	p0 =	por $0x0, $0x0;
	[tilespmem:s12+$0xABD0] =	vst v7;
	s12 =	simm.s32 $0xC00  }
0x3ee: {  	v5 =	vld [tilespmem:$0xC360]  }
0x3ef: {  	s12 =	simm.s32 $0x0;
	p0 =	por $0x1, $0x1;
	v6 =	vld [tilespmem:$0xC4E0]  }
.LBB2_63:
0x3f0: {  	v7 =	vld [tilespmem:s12+$0x1860]  }
0x3f1: {  	v8 =	vld [tilespmem:s12+$0x4860]  }
0x3f2: {  	v9 =	vld [tilespmem:s12+$0x18E0]  }
0x3f3: {  	v10 =	vld [tilespmem:s12+$0x48E0]  }
0x3f4: {  	v11 =	vld [tilespmem:s12+$0x1960]  }
0x3f5: {  	v12 =	vld [tilespmem:s12+$0x4960]  }
0x3f6: {  	v14 =	vld [tilespmem:s12+$0x19E0];
	v13 =	vmul.f32 v8, v7  }
0x3f7: {  	vm1 =	vgt.f32 v5, $0.0e+00;
	v15 =	vld [tilespmem:s12+$0x49E0]  }
0x3f8: {  	vm0 =	vgt.f32 v6, $0.0e+00;
	v17 =	vld [tilespmem:s12+$0x1A60];
	v16 =	vmul.f32 v10, v9;
	v7 =	vsel vm1, v7, v13  }
0x3f9: {  	[tilespmem:s12+$0x7860] =	vst v7;
	v7 =	vsel vm0, v8, v13;
	v8 =	vld [tilespmem:s12+$0x4A60]  }
0x3fa: {  	v54 =	vld [tilespmem:s12+$0x1AE0];
	v53 =	vmul.f32 v12, v11;
	[tilespmem:s12+$0xA860] =	vst v7;
	v7 =	vsel vm1, v9, v16  }
0x3fb: {  	v55 =	vld [tilespmem:s12+$0x4AE0];
	[tilespmem:s12+$0x78E0] =	vst v7;
	v7 =	vsel vm0, v10, v16  }
0x3fc: {  	v57 =	vld [tilespmem:s12+$0x1B60];
	v56 =	vmul.f32 v15, v14;
	[tilespmem:s12+$0xA8E0] =	vst v7;
	v7 =	vsel vm1, v11, v53  }
0x3fd: {  	v58 =	vld [tilespmem:s12+$0x4B60];
	[tilespmem:s12+$0x7960] =	vst v7;
	v7 =	vsel vm0, v12, v53  }
0x3fe: {  	v60 =	vld [tilespmem:s12+$0x1BE0];
	[tilespmem:s12+$0xA960] =	vst v7;
	v7 =	vsel vm1, v14, v56;
	v59 =	vmul.f32 v8, v17  }
0x3ff: {  	v61 =	vld [tilespmem:s12+$0x4BE0];
	[tilespmem:s12+$0x79E0] =	vst v7;
	v7 =	vsel vm0, v15, v56  }
0x400: {  	v62 =	vmul.f32 v55, v54;
	[tilespmem:s12+$0xA9E0] =	vst v7;
	v7 =	vsel vm1, v17, v59  }
0x401: {  	[tilespmem:s12+$0x7A60] =	vst v7;
	v7 =	vsel vm0, v8, v59  }
0x402: {  	v8 =	vmul.f32 v58, v57;
	[tilespmem:s12+$0xAA60] =	vst v7;
	v7 =	vsel vm1, v54, v62  }
0x403: {  	p2 =	por p0, p0;
	[tilespmem:s12+$0x7AE0] =	vst v7;
	v7 =	vsel vm0, v55, v62  }
.Ltmp32:
0x404: {  	v63 =	vmul.f32 v61, v60;
	[tilespmem:s12+$0xAAE0] =	vst v7;
	v7 =	vsel vm1, v57, v8;
	(pc) =	sbr.rel @p2 .LBB2_63-.Ltmp32, $4  }
0x405: {  	[tilespmem:s12+$0x7B60] =	vst v7;
	v7 =	vsel vm0, v58, v8  }
0x406: {  	[tilespmem:s12+$0xAB60] =	vst v7;
	v7 =	vsel vm1, v60, v63  }
0x407: {  	[tilespmem:s12+$0x7BE0] =	vst v7;
	v7 =	vsel vm0, v61, v63  }
0x408: {  	p0 =	por $0x0, $0x0;
	[tilespmem:s12+$0xABE0] =	vst v7;
	s12 =	simm.s32 $0xC00  }
0x409: {  	v5 =	vld [tilespmem:$0xC370]  }
0x40a: {  	s12 =	simm.s32 $0x0;
	p0 =	por $0x1, $0x1;
	v6 =	vld [tilespmem:$0xC4F0]  }
.LBB2_65:
0x40b: {  	v7 =	vld [tilespmem:s12+$0x1870]  }
0x40c: {  	v8 =	vld [tilespmem:s12+$0x4870]  }
0x40d: {  	v9 =	vld [tilespmem:s12+$0x18F0]  }
0x40e: {  	v10 =	vld [tilespmem:s12+$0x48F0]  }
0x40f: {  	v11 =	vld [tilespmem:s12+$0x1970]  }
0x410: {  	v12 =	vld [tilespmem:s12+$0x4970]  }
0x411: {  	v14 =	vld [tilespmem:s12+$0x19F0];
	v13 =	vmul.f32 v8, v7  }
0x412: {  	vm1 =	vgt.f32 v5, $0.0e+00;
	v15 =	vld [tilespmem:s12+$0x49F0]  }
0x413: {  	vm0 =	vgt.f32 v6, $0.0e+00;
	v17 =	vld [tilespmem:s12+$0x1A70];
	v16 =	vmul.f32 v10, v9;
	v7 =	vsel vm1, v7, v13  }
0x414: {  	[tilespmem:s12+$0x7870] =	vst v7;
	v7 =	vsel vm0, v8, v13;
	v8 =	vld [tilespmem:s12+$0x4A70]  }
0x415: {  	v54 =	vld [tilespmem:s12+$0x1AF0];
	v53 =	vmul.f32 v12, v11;
	[tilespmem:s12+$0xA870] =	vst v7;
	v7 =	vsel vm1, v9, v16  }
0x416: {  	v55 =	vld [tilespmem:s12+$0x4AF0];
	[tilespmem:s12+$0x78F0] =	vst v7;
	v7 =	vsel vm0, v10, v16  }
0x417: {  	v57 =	vld [tilespmem:s12+$0x1B70];
	v56 =	vmul.f32 v15, v14;
	[tilespmem:s12+$0xA8F0] =	vst v7;
	v7 =	vsel vm1, v11, v53  }
0x418: {  	v58 =	vld [tilespmem:s12+$0x4B70];
	[tilespmem:s12+$0x7970] =	vst v7;
	v7 =	vsel vm0, v12, v53  }
0x419: {  	v60 =	vld [tilespmem:s12+$0x1BF0];
	[tilespmem:s12+$0xA970] =	vst v7;
	v7 =	vsel vm1, v14, v56;
	v59 =	vmul.f32 v8, v17  }
0x41a: {  	v61 =	vld [tilespmem:s12+$0x4BF0];
	[tilespmem:s12+$0x79F0] =	vst v7;
	v7 =	vsel vm0, v15, v56  }
0x41b: {  	v62 =	vmul.f32 v55, v54;
	[tilespmem:s12+$0xA9F0] =	vst v7;
	v7 =	vsel vm1, v17, v59  }
0x41c: {  	[tilespmem:s12+$0x7A70] =	vst v7;
	v7 =	vsel vm0, v8, v59  }
0x41d: {  	v8 =	vmul.f32 v58, v57;
	[tilespmem:s12+$0xAA70] =	vst v7;
	v7 =	vsel vm1, v54, v62  }
0x41e: {  	p2 =	por p0, p0;
	[tilespmem:s12+$0x7AF0] =	vst v7;
	v7 =	vsel vm0, v55, v62  }
.Ltmp33:
0x41f: {  	v63 =	vmul.f32 v61, v60;
	[tilespmem:s12+$0xAAF0] =	vst v7;
	v7 =	vsel vm1, v57, v8;
	(pc) =	sbr.rel @p2 .LBB2_65-.Ltmp33, $4  }
0x420: {  	[tilespmem:s12+$0x7B70] =	vst v7;
	v7 =	vsel vm0, v58, v8  }
0x421: {  	[tilespmem:s12+$0xAB70] =	vst v7;
	v7 =	vsel vm1, v60, v63  }
0x422: {  	[tilespmem:s12+$0x7BF0] =	vst v7;
	v7 =	vsel vm0, v61, v63  }
0x423: {  	p0 =	por $0x0, $0x0;
	[tilespmem:s12+$0xABF0] =	vst v7;
	s12 =	simm.s32 $0xC00  }
0x424: {  	v5 =	vld [tilespmem:$0xC380]  }
0x425: {  	s12 =	simm.s32 $0x0;
	p0 =	por $0x1, $0x1;
	v6 =	vld [tilespmem:$0xC500]  }
.LBB2_67:
0x426: {  	v7 =	vld [tilespmem:s12+$0x1C00]  }
0x427: {  	v8 =	vld [tilespmem:s12+$0x4C00]  }
0x428: {  	v9 =	vld [tilespmem:s12+$0x1C80]  }
0x429: {  	v10 =	vld [tilespmem:s12+$0x4C80]  }
0x42a: {  	v11 =	vld [tilespmem:s12+$0x1D00]  }
0x42b: {  	v12 =	vld [tilespmem:s12+$0x4D00]  }
0x42c: {  	v14 =	vld [tilespmem:s12+$0x1D80];
	v13 =	vmul.f32 v8, v7  }
0x42d: {  	vm1 =	vgt.f32 v5, $0.0e+00;
	v15 =	vld [tilespmem:s12+$0x4D80]  }
0x42e: {  	vm0 =	vgt.f32 v6, $0.0e+00;
	v17 =	vld [tilespmem:s12+$0x1E00];
	v16 =	vmul.f32 v10, v9;
	v7 =	vsel vm1, v7, v13  }
0x42f: {  	[tilespmem:s12+$0x7C00] =	vst v7;
	v7 =	vsel vm0, v8, v13;
	v8 =	vld [tilespmem:s12+$0x4E00]  }
0x430: {  	v54 =	vld [tilespmem:s12+$0x1E80];
	v53 =	vmul.f32 v12, v11;
	[tilespmem:s12+$0xAC00] =	vst v7;
	v7 =	vsel vm1, v9, v16  }
0x431: {  	v55 =	vld [tilespmem:s12+$0x4E80];
	[tilespmem:s12+$0x7C80] =	vst v7;
	v7 =	vsel vm0, v10, v16  }
0x432: {  	v57 =	vld [tilespmem:s12+$0x1F00];
	v56 =	vmul.f32 v15, v14;
	[tilespmem:s12+$0xAC80] =	vst v7;
	v7 =	vsel vm1, v11, v53  }
0x433: {  	v58 =	vld [tilespmem:s12+$0x4F00];
	[tilespmem:s12+$0x7D00] =	vst v7;
	v7 =	vsel vm0, v12, v53  }
0x434: {  	v60 =	vld [tilespmem:s12+$0x1F80];
	[tilespmem:s12+$0xAD00] =	vst v7;
	v7 =	vsel vm1, v14, v56;
	v59 =	vmul.f32 v8, v17  }
0x435: {  	v61 =	vld [tilespmem:s12+$0x4F80];
	[tilespmem:s12+$0x7D80] =	vst v7;
	v7 =	vsel vm0, v15, v56  }
0x436: {  	v62 =	vmul.f32 v55, v54;
	[tilespmem:s12+$0xAD80] =	vst v7;
	v7 =	vsel vm1, v17, v59  }
0x437: {  	[tilespmem:s12+$0x7E00] =	vst v7;
	v7 =	vsel vm0, v8, v59  }
0x438: {  	v8 =	vmul.f32 v58, v57;
	[tilespmem:s12+$0xAE00] =	vst v7;
	v7 =	vsel vm1, v54, v62  }
0x439: {  	p2 =	por p0, p0;
	[tilespmem:s12+$0x7E80] =	vst v7;
	v7 =	vsel vm0, v55, v62  }
.Ltmp34:
0x43a: {  	v63 =	vmul.f32 v61, v60;
	[tilespmem:s12+$0xAE80] =	vst v7;
	v7 =	vsel vm1, v57, v8;
	(pc) =	sbr.rel @p2 .LBB2_67-.Ltmp34, $4  }
0x43b: {  	[tilespmem:s12+$0x7F00] =	vst v7;
	v7 =	vsel vm0, v58, v8  }
0x43c: {  	[tilespmem:s12+$0xAF00] =	vst v7;
	v7 =	vsel vm1, v60, v63  }
0x43d: {  	[tilespmem:s12+$0x7F80] =	vst v7;
	v7 =	vsel vm0, v61, v63  }
0x43e: {  	p0 =	por $0x0, $0x0;
	[tilespmem:s12+$0xAF80] =	vst v7;
	s12 =	simm.s32 $0xC00  }
0x43f: {  	v5 =	vld [tilespmem:$0xC390]  }
0x440: {  	s12 =	simm.s32 $0x0;
	p0 =	por $0x1, $0x1;
	v6 =	vld [tilespmem:$0xC510]  }
.LBB2_69:
0x441: {  	v7 =	vld [tilespmem:s12+$0x1C10]  }
0x442: {  	v8 =	vld [tilespmem:s12+$0x4C10]  }
0x443: {  	v9 =	vld [tilespmem:s12+$0x1C90]  }
0x444: {  	v10 =	vld [tilespmem:s12+$0x4C90]  }
0x445: {  	v11 =	vld [tilespmem:s12+$0x1D10]  }
0x446: {  	v12 =	vld [tilespmem:s12+$0x4D10]  }
0x447: {  	v14 =	vld [tilespmem:s12+$0x1D90];
	v13 =	vmul.f32 v8, v7  }
0x448: {  	vm1 =	vgt.f32 v5, $0.0e+00;
	v15 =	vld [tilespmem:s12+$0x4D90]  }
0x449: {  	vm0 =	vgt.f32 v6, $0.0e+00;
	v17 =	vld [tilespmem:s12+$0x1E10];
	v16 =	vmul.f32 v10, v9;
	v7 =	vsel vm1, v7, v13  }
0x44a: {  	[tilespmem:s12+$0x7C10] =	vst v7;
	v7 =	vsel vm0, v8, v13;
	v8 =	vld [tilespmem:s12+$0x4E10]  }
0x44b: {  	v54 =	vld [tilespmem:s12+$0x1E90];
	v53 =	vmul.f32 v12, v11;
	[tilespmem:s12+$0xAC10] =	vst v7;
	v7 =	vsel vm1, v9, v16  }
0x44c: {  	v55 =	vld [tilespmem:s12+$0x4E90];
	[tilespmem:s12+$0x7C90] =	vst v7;
	v7 =	vsel vm0, v10, v16  }
0x44d: {  	v57 =	vld [tilespmem:s12+$0x1F10];
	v56 =	vmul.f32 v15, v14;
	[tilespmem:s12+$0xAC90] =	vst v7;
	v7 =	vsel vm1, v11, v53  }
0x44e: {  	v58 =	vld [tilespmem:s12+$0x4F10];
	[tilespmem:s12+$0x7D10] =	vst v7;
	v7 =	vsel vm0, v12, v53  }
0x44f: {  	v60 =	vld [tilespmem:s12+$0x1F90];
	[tilespmem:s12+$0xAD10] =	vst v7;
	v7 =	vsel vm1, v14, v56;
	v59 =	vmul.f32 v8, v17  }
0x450: {  	v61 =	vld [tilespmem:s12+$0x4F90];
	[tilespmem:s12+$0x7D90] =	vst v7;
	v7 =	vsel vm0, v15, v56  }
0x451: {  	v62 =	vmul.f32 v55, v54;
	[tilespmem:s12+$0xAD90] =	vst v7;
	v7 =	vsel vm1, v17, v59  }
0x452: {  	[tilespmem:s12+$0x7E10] =	vst v7;
	v7 =	vsel vm0, v8, v59  }
0x453: {  	v8 =	vmul.f32 v58, v57;
	[tilespmem:s12+$0xAE10] =	vst v7;
	v7 =	vsel vm1, v54, v62  }
0x454: {  	p2 =	por p0, p0;
	[tilespmem:s12+$0x7E90] =	vst v7;
	v7 =	vsel vm0, v55, v62  }
.Ltmp35:
0x455: {  	v63 =	vmul.f32 v61, v60;
	[tilespmem:s12+$0xAE90] =	vst v7;
	v7 =	vsel vm1, v57, v8;
	(pc) =	sbr.rel @p2 .LBB2_69-.Ltmp35, $4  }
0x456: {  	[tilespmem:s12+$0x7F10] =	vst v7;
	v7 =	vsel vm0, v58, v8  }
0x457: {  	[tilespmem:s12+$0xAF10] =	vst v7;
	v7 =	vsel vm1, v60, v63  }
0x458: {  	[tilespmem:s12+$0x7F90] =	vst v7;
	v7 =	vsel vm0, v61, v63  }
0x459: {  	p0 =	por $0x0, $0x0;
	[tilespmem:s12+$0xAF90] =	vst v7;
	s12 =	simm.s32 $0xC00  }
0x45a: {  	v5 =	vld [tilespmem:$0xC3A0]  }
0x45b: {  	s12 =	simm.s32 $0x0;
	p0 =	por $0x1, $0x1;
	v6 =	vld [tilespmem:$0xC520]  }
.LBB2_71:
0x45c: {  	v7 =	vld [tilespmem:s12+$0x1C20]  }
0x45d: {  	v8 =	vld [tilespmem:s12+$0x4C20]  }
0x45e: {  	v9 =	vld [tilespmem:s12+$0x1CA0]  }
0x45f: {  	v10 =	vld [tilespmem:s12+$0x4CA0]  }
0x460: {  	v11 =	vld [tilespmem:s12+$0x1D20]  }
0x461: {  	v12 =	vld [tilespmem:s12+$0x4D20]  }
0x462: {  	v14 =	vld [tilespmem:s12+$0x1DA0];
	v13 =	vmul.f32 v8, v7  }
0x463: {  	vm1 =	vgt.f32 v5, $0.0e+00;
	v15 =	vld [tilespmem:s12+$0x4DA0]  }
0x464: {  	vm0 =	vgt.f32 v6, $0.0e+00;
	v17 =	vld [tilespmem:s12+$0x1E20];
	v16 =	vmul.f32 v10, v9;
	v7 =	vsel vm1, v7, v13  }
0x465: {  	[tilespmem:s12+$0x7C20] =	vst v7;
	v7 =	vsel vm0, v8, v13;
	v8 =	vld [tilespmem:s12+$0x4E20]  }
0x466: {  	v54 =	vld [tilespmem:s12+$0x1EA0];
	v53 =	vmul.f32 v12, v11;
	[tilespmem:s12+$0xAC20] =	vst v7;
	v7 =	vsel vm1, v9, v16  }
0x467: {  	v55 =	vld [tilespmem:s12+$0x4EA0];
	[tilespmem:s12+$0x7CA0] =	vst v7;
	v7 =	vsel vm0, v10, v16  }
0x468: {  	v57 =	vld [tilespmem:s12+$0x1F20];
	v56 =	vmul.f32 v15, v14;
	[tilespmem:s12+$0xACA0] =	vst v7;
	v7 =	vsel vm1, v11, v53  }
0x469: {  	v58 =	vld [tilespmem:s12+$0x4F20];
	[tilespmem:s12+$0x7D20] =	vst v7;
	v7 =	vsel vm0, v12, v53  }
0x46a: {  	v60 =	vld [tilespmem:s12+$0x1FA0];
	[tilespmem:s12+$0xAD20] =	vst v7;
	v7 =	vsel vm1, v14, v56;
	v59 =	vmul.f32 v8, v17  }
0x46b: {  	v61 =	vld [tilespmem:s12+$0x4FA0];
	[tilespmem:s12+$0x7DA0] =	vst v7;
	v7 =	vsel vm0, v15, v56  }
0x46c: {  	v62 =	vmul.f32 v55, v54;
	[tilespmem:s12+$0xADA0] =	vst v7;
	v7 =	vsel vm1, v17, v59  }
0x46d: {  	[tilespmem:s12+$0x7E20] =	vst v7;
	v7 =	vsel vm0, v8, v59  }
0x46e: {  	v8 =	vmul.f32 v58, v57;
	[tilespmem:s12+$0xAE20] =	vst v7;
	v7 =	vsel vm1, v54, v62  }
0x46f: {  	p2 =	por p0, p0;
	[tilespmem:s12+$0x7EA0] =	vst v7;
	v7 =	vsel vm0, v55, v62  }
.Ltmp36:
0x470: {  	v63 =	vmul.f32 v61, v60;
	[tilespmem:s12+$0xAEA0] =	vst v7;
	v7 =	vsel vm1, v57, v8;
	(pc) =	sbr.rel @p2 .LBB2_71-.Ltmp36, $4  }
0x471: {  	[tilespmem:s12+$0x7F20] =	vst v7;
	v7 =	vsel vm0, v58, v8  }
0x472: {  	[tilespmem:s12+$0xAF20] =	vst v7;
	v7 =	vsel vm1, v60, v63  }
0x473: {  	[tilespmem:s12+$0x7FA0] =	vst v7;
	v7 =	vsel vm0, v61, v63  }
0x474: {  	p0 =	por $0x0, $0x0;
	[tilespmem:s12+$0xAFA0] =	vst v7;
	s12 =	simm.s32 $0xC00  }
0x475: {  	v5 =	vld [tilespmem:$0xC3B0]  }
0x476: {  	s12 =	simm.s32 $0x0;
	p0 =	por $0x1, $0x1;
	v6 =	vld [tilespmem:$0xC530]  }
.LBB2_73:
0x477: {  	v7 =	vld [tilespmem:s12+$0x1C30]  }
0x478: {  	v8 =	vld [tilespmem:s12+$0x4C30]  }
0x479: {  	v9 =	vld [tilespmem:s12+$0x1CB0]  }
0x47a: {  	v10 =	vld [tilespmem:s12+$0x4CB0]  }
0x47b: {  	v11 =	vld [tilespmem:s12+$0x1D30]  }
0x47c: {  	v12 =	vld [tilespmem:s12+$0x4D30]  }
0x47d: {  	v14 =	vld [tilespmem:s12+$0x1DB0];
	v13 =	vmul.f32 v8, v7  }
0x47e: {  	vm1 =	vgt.f32 v5, $0.0e+00;
	v15 =	vld [tilespmem:s12+$0x4DB0]  }
0x47f: {  	vm0 =	vgt.f32 v6, $0.0e+00;
	v17 =	vld [tilespmem:s12+$0x1E30];
	v16 =	vmul.f32 v10, v9;
	v7 =	vsel vm1, v7, v13  }
0x480: {  	[tilespmem:s12+$0x7C30] =	vst v7;
	v7 =	vsel vm0, v8, v13;
	v8 =	vld [tilespmem:s12+$0x4E30]  }
0x481: {  	v54 =	vld [tilespmem:s12+$0x1EB0];
	v53 =	vmul.f32 v12, v11;
	[tilespmem:s12+$0xAC30] =	vst v7;
	v7 =	vsel vm1, v9, v16  }
0x482: {  	v55 =	vld [tilespmem:s12+$0x4EB0];
	[tilespmem:s12+$0x7CB0] =	vst v7;
	v7 =	vsel vm0, v10, v16  }
0x483: {  	v57 =	vld [tilespmem:s12+$0x1F30];
	v56 =	vmul.f32 v15, v14;
	[tilespmem:s12+$0xACB0] =	vst v7;
	v7 =	vsel vm1, v11, v53  }
0x484: {  	v58 =	vld [tilespmem:s12+$0x4F30];
	[tilespmem:s12+$0x7D30] =	vst v7;
	v7 =	vsel vm0, v12, v53  }
0x485: {  	v60 =	vld [tilespmem:s12+$0x1FB0];
	[tilespmem:s12+$0xAD30] =	vst v7;
	v7 =	vsel vm1, v14, v56;
	v59 =	vmul.f32 v8, v17  }
0x486: {  	v61 =	vld [tilespmem:s12+$0x4FB0];
	[tilespmem:s12+$0x7DB0] =	vst v7;
	v7 =	vsel vm0, v15, v56  }
0x487: {  	v62 =	vmul.f32 v55, v54;
	[tilespmem:s12+$0xADB0] =	vst v7;
	v7 =	vsel vm1, v17, v59  }
0x488: {  	[tilespmem:s12+$0x7E30] =	vst v7;
	v7 =	vsel vm0, v8, v59  }
0x489: {  	v8 =	vmul.f32 v58, v57;
	[tilespmem:s12+$0xAE30] =	vst v7;
	v7 =	vsel vm1, v54, v62  }
0x48a: {  	p2 =	por p0, p0;
	[tilespmem:s12+$0x7EB0] =	vst v7;
	v7 =	vsel vm0, v55, v62  }
.Ltmp37:
0x48b: {  	v63 =	vmul.f32 v61, v60;
	[tilespmem:s12+$0xAEB0] =	vst v7;
	v7 =	vsel vm1, v57, v8;
	(pc) =	sbr.rel @p2 .LBB2_73-.Ltmp37, $4  }
0x48c: {  	[tilespmem:s12+$0x7F30] =	vst v7;
	v7 =	vsel vm0, v58, v8  }
0x48d: {  	[tilespmem:s12+$0xAF30] =	vst v7;
	v7 =	vsel vm1, v60, v63  }
0x48e: {  	[tilespmem:s12+$0x7FB0] =	vst v7;
	v7 =	vsel vm0, v61, v63  }
0x48f: {  	p0 =	por $0x0, $0x0;
	[tilespmem:s12+$0xAFB0] =	vst v7;
	s12 =	simm.s32 $0xC00  }
0x490: {  	v5 =	vld [tilespmem:$0xC3C0]  }
0x491: {  	s12 =	simm.s32 $0x0;
	p0 =	por $0x1, $0x1;
	v6 =	vld [tilespmem:$0xC540]  }
.LBB2_75:
0x492: {  	v7 =	vld [tilespmem:s12+$0x1C40]  }
0x493: {  	v8 =	vld [tilespmem:s12+$0x4C40]  }
0x494: {  	v9 =	vld [tilespmem:s12+$0x1CC0]  }
0x495: {  	v10 =	vld [tilespmem:s12+$0x4CC0]  }
0x496: {  	v11 =	vld [tilespmem:s12+$0x1D40]  }
0x497: {  	v12 =	vld [tilespmem:s12+$0x4D40]  }
0x498: {  	v14 =	vld [tilespmem:s12+$0x1DC0];
	v13 =	vmul.f32 v8, v7  }
0x499: {  	vm1 =	vgt.f32 v5, $0.0e+00;
	v15 =	vld [tilespmem:s12+$0x4DC0]  }
0x49a: {  	vm0 =	vgt.f32 v6, $0.0e+00;
	v17 =	vld [tilespmem:s12+$0x1E40];
	v16 =	vmul.f32 v10, v9;
	v7 =	vsel vm1, v7, v13  }
0x49b: {  	[tilespmem:s12+$0x7C40] =	vst v7;
	v7 =	vsel vm0, v8, v13;
	v8 =	vld [tilespmem:s12+$0x4E40]  }
0x49c: {  	v54 =	vld [tilespmem:s12+$0x1EC0];
	v53 =	vmul.f32 v12, v11;
	[tilespmem:s12+$0xAC40] =	vst v7;
	v7 =	vsel vm1, v9, v16  }
0x49d: {  	v55 =	vld [tilespmem:s12+$0x4EC0];
	[tilespmem:s12+$0x7CC0] =	vst v7;
	v7 =	vsel vm0, v10, v16  }
0x49e: {  	v57 =	vld [tilespmem:s12+$0x1F40];
	v56 =	vmul.f32 v15, v14;
	[tilespmem:s12+$0xACC0] =	vst v7;
	v7 =	vsel vm1, v11, v53  }
0x49f: {  	v58 =	vld [tilespmem:s12+$0x4F40];
	[tilespmem:s12+$0x7D40] =	vst v7;
	v7 =	vsel vm0, v12, v53  }
0x4a0: {  	v60 =	vld [tilespmem:s12+$0x1FC0];
	[tilespmem:s12+$0xAD40] =	vst v7;
	v7 =	vsel vm1, v14, v56;
	v59 =	vmul.f32 v8, v17  }
0x4a1: {  	v61 =	vld [tilespmem:s12+$0x4FC0];
	[tilespmem:s12+$0x7DC0] =	vst v7;
	v7 =	vsel vm0, v15, v56  }
0x4a2: {  	v62 =	vmul.f32 v55, v54;
	[tilespmem:s12+$0xADC0] =	vst v7;
	v7 =	vsel vm1, v17, v59  }
0x4a3: {  	[tilespmem:s12+$0x7E40] =	vst v7;
	v7 =	vsel vm0, v8, v59  }
0x4a4: {  	v8 =	vmul.f32 v58, v57;
	[tilespmem:s12+$0xAE40] =	vst v7;
	v7 =	vsel vm1, v54, v62  }
0x4a5: {  	p2 =	por p0, p0;
	[tilespmem:s12+$0x7EC0] =	vst v7;
	v7 =	vsel vm0, v55, v62  }
.Ltmp38:
0x4a6: {  	v63 =	vmul.f32 v61, v60;
	[tilespmem:s12+$0xAEC0] =	vst v7;
	v7 =	vsel vm1, v57, v8;
	(pc) =	sbr.rel @p2 .LBB2_75-.Ltmp38, $4  }
0x4a7: {  	[tilespmem:s12+$0x7F40] =	vst v7;
	v7 =	vsel vm0, v58, v8  }
0x4a8: {  	[tilespmem:s12+$0xAF40] =	vst v7;
	v7 =	vsel vm1, v60, v63  }
0x4a9: {  	[tilespmem:s12+$0x7FC0] =	vst v7;
	v7 =	vsel vm0, v61, v63  }
0x4aa: {  	p0 =	por $0x0, $0x0;
	[tilespmem:s12+$0xAFC0] =	vst v7;
	s12 =	simm.s32 $0xC00  }
0x4ab: {  	v5 =	vld [tilespmem:$0xC3D0]  }
0x4ac: {  	s12 =	simm.s32 $0x0;
	p0 =	por $0x1, $0x1;
	v6 =	vld [tilespmem:$0xC550]  }
.LBB2_77:
0x4ad: {  	v7 =	vld [tilespmem:s12+$0x1C50]  }
0x4ae: {  	v8 =	vld [tilespmem:s12+$0x4C50]  }
0x4af: {  	v9 =	vld [tilespmem:s12+$0x1CD0]  }
0x4b0: {  	v10 =	vld [tilespmem:s12+$0x4CD0]  }
0x4b1: {  	v11 =	vld [tilespmem:s12+$0x1D50]  }
0x4b2: {  	v12 =	vld [tilespmem:s12+$0x4D50]  }
0x4b3: {  	v14 =	vld [tilespmem:s12+$0x1DD0];
	v13 =	vmul.f32 v8, v7  }
0x4b4: {  	vm1 =	vgt.f32 v5, $0.0e+00;
	v15 =	vld [tilespmem:s12+$0x4DD0]  }
0x4b5: {  	vm0 =	vgt.f32 v6, $0.0e+00;
	v17 =	vld [tilespmem:s12+$0x1E50];
	v16 =	vmul.f32 v10, v9;
	v7 =	vsel vm1, v7, v13  }
0x4b6: {  	[tilespmem:s12+$0x7C50] =	vst v7;
	v7 =	vsel vm0, v8, v13;
	v8 =	vld [tilespmem:s12+$0x4E50]  }
0x4b7: {  	v54 =	vld [tilespmem:s12+$0x1ED0];
	v53 =	vmul.f32 v12, v11;
	[tilespmem:s12+$0xAC50] =	vst v7;
	v7 =	vsel vm1, v9, v16  }
0x4b8: {  	v55 =	vld [tilespmem:s12+$0x4ED0];
	[tilespmem:s12+$0x7CD0] =	vst v7;
	v7 =	vsel vm0, v10, v16  }
0x4b9: {  	v57 =	vld [tilespmem:s12+$0x1F50];
	v56 =	vmul.f32 v15, v14;
	[tilespmem:s12+$0xACD0] =	vst v7;
	v7 =	vsel vm1, v11, v53  }
0x4ba: {  	v58 =	vld [tilespmem:s12+$0x4F50];
	[tilespmem:s12+$0x7D50] =	vst v7;
	v7 =	vsel vm0, v12, v53  }
0x4bb: {  	v60 =	vld [tilespmem:s12+$0x1FD0];
	[tilespmem:s12+$0xAD50] =	vst v7;
	v7 =	vsel vm1, v14, v56;
	v59 =	vmul.f32 v8, v17  }
0x4bc: {  	v61 =	vld [tilespmem:s12+$0x4FD0];
	[tilespmem:s12+$0x7DD0] =	vst v7;
	v7 =	vsel vm0, v15, v56  }
0x4bd: {  	v62 =	vmul.f32 v55, v54;
	[tilespmem:s12+$0xADD0] =	vst v7;
	v7 =	vsel vm1, v17, v59  }
0x4be: {  	[tilespmem:s12+$0x7E50] =	vst v7;
	v7 =	vsel vm0, v8, v59  }
0x4bf: {  	v8 =	vmul.f32 v58, v57;
	[tilespmem:s12+$0xAE50] =	vst v7;
	v7 =	vsel vm1, v54, v62  }
0x4c0: {  	p2 =	por p0, p0;
	[tilespmem:s12+$0x7ED0] =	vst v7;
	v7 =	vsel vm0, v55, v62  }
.Ltmp39:
0x4c1: {  	v63 =	vmul.f32 v61, v60;
	[tilespmem:s12+$0xAED0] =	vst v7;
	v7 =	vsel vm1, v57, v8;
	(pc) =	sbr.rel @p2 .LBB2_77-.Ltmp39, $4  }
0x4c2: {  	[tilespmem:s12+$0x7F50] =	vst v7;
	v7 =	vsel vm0, v58, v8  }
0x4c3: {  	[tilespmem:s12+$0xAF50] =	vst v7;
	v7 =	vsel vm1, v60, v63  }
0x4c4: {  	[tilespmem:s12+$0x7FD0] =	vst v7;
	v7 =	vsel vm0, v61, v63  }
0x4c5: {  	p0 =	por $0x0, $0x0;
	[tilespmem:s12+$0xAFD0] =	vst v7;
	s12 =	simm.s32 $0xC00  }
0x4c6: {  	v5 =	vld [tilespmem:$0xC3E0]  }
0x4c7: {  	s12 =	simm.s32 $0x0;
	p0 =	por $0x1, $0x1;
	v6 =	vld [tilespmem:$0xC560]  }
.LBB2_79:
0x4c8: {  	v7 =	vld [tilespmem:s12+$0x1C60]  }
0x4c9: {  	v8 =	vld [tilespmem:s12+$0x4C60]  }
0x4ca: {  	v9 =	vld [tilespmem:s12+$0x1CE0]  }
0x4cb: {  	v10 =	vld [tilespmem:s12+$0x4CE0]  }
0x4cc: {  	v11 =	vld [tilespmem:s12+$0x1D60]  }
0x4cd: {  	v12 =	vld [tilespmem:s12+$0x4D60]  }
0x4ce: {  	v14 =	vld [tilespmem:s12+$0x1DE0];
	v13 =	vmul.f32 v8, v7  }
0x4cf: {  	vm1 =	vgt.f32 v5, $0.0e+00;
	v15 =	vld [tilespmem:s12+$0x4DE0]  }
0x4d0: {  	vm0 =	vgt.f32 v6, $0.0e+00;
	v17 =	vld [tilespmem:s12+$0x1E60];
	v16 =	vmul.f32 v10, v9;
	v7 =	vsel vm1, v7, v13  }
0x4d1: {  	[tilespmem:s12+$0x7C60] =	vst v7;
	v7 =	vsel vm0, v8, v13;
	v8 =	vld [tilespmem:s12+$0x4E60]  }
0x4d2: {  	v54 =	vld [tilespmem:s12+$0x1EE0];
	v53 =	vmul.f32 v12, v11;
	[tilespmem:s12+$0xAC60] =	vst v7;
	v7 =	vsel vm1, v9, v16  }
0x4d3: {  	v55 =	vld [tilespmem:s12+$0x4EE0];
	[tilespmem:s12+$0x7CE0] =	vst v7;
	v7 =	vsel vm0, v10, v16  }
0x4d4: {  	v57 =	vld [tilespmem:s12+$0x1F60];
	v56 =	vmul.f32 v15, v14;
	[tilespmem:s12+$0xACE0] =	vst v7;
	v7 =	vsel vm1, v11, v53  }
0x4d5: {  	v58 =	vld [tilespmem:s12+$0x4F60];
	[tilespmem:s12+$0x7D60] =	vst v7;
	v7 =	vsel vm0, v12, v53  }
0x4d6: {  	v60 =	vld [tilespmem:s12+$0x1FE0];
	[tilespmem:s12+$0xAD60] =	vst v7;
	v7 =	vsel vm1, v14, v56;
	v59 =	vmul.f32 v8, v17  }
0x4d7: {  	v61 =	vld [tilespmem:s12+$0x4FE0];
	[tilespmem:s12+$0x7DE0] =	vst v7;
	v7 =	vsel vm0, v15, v56  }
0x4d8: {  	v62 =	vmul.f32 v55, v54;
	[tilespmem:s12+$0xADE0] =	vst v7;
	v7 =	vsel vm1, v17, v59  }
0x4d9: {  	[tilespmem:s12+$0x7E60] =	vst v7;
	v7 =	vsel vm0, v8, v59  }
0x4da: {  	v8 =	vmul.f32 v58, v57;
	[tilespmem:s12+$0xAE60] =	vst v7;
	v7 =	vsel vm1, v54, v62  }
0x4db: {  	p2 =	por p0, p0;
	[tilespmem:s12+$0x7EE0] =	vst v7;
	v7 =	vsel vm0, v55, v62  }
.Ltmp40:
0x4dc: {  	v63 =	vmul.f32 v61, v60;
	[tilespmem:s12+$0xAEE0] =	vst v7;
	v7 =	vsel vm1, v57, v8;
	(pc) =	sbr.rel @p2 .LBB2_79-.Ltmp40, $4  }
0x4dd: {  	[tilespmem:s12+$0x7F60] =	vst v7;
	v7 =	vsel vm0, v58, v8  }
0x4de: {  	[tilespmem:s12+$0xAF60] =	vst v7;
	v7 =	vsel vm1, v60, v63  }
0x4df: {  	[tilespmem:s12+$0x7FE0] =	vst v7;
	v7 =	vsel vm0, v61, v63  }
0x4e0: {  	p0 =	por $0x0, $0x0;
	[tilespmem:s12+$0xAFE0] =	vst v7;
	s12 =	simm.s32 $0xC00  }
0x4e1: {  	v5 =	vld [tilespmem:$0xC3F0]  }
0x4e2: {  	s12 =	simm.s32 $0x0;
	p0 =	por $0x1, $0x1;
	v6 =	vld [tilespmem:$0xC570]  }
.LBB2_81:
0x4e3: {  	v7 =	vld [tilespmem:s12+$0x1C70]  }
0x4e4: {  	v8 =	vld [tilespmem:s12+$0x4C70]  }
0x4e5: {  	v9 =	vld [tilespmem:s12+$0x1CF0]  }
0x4e6: {  	v10 =	vld [tilespmem:s12+$0x4CF0]  }
0x4e7: {  	v11 =	vld [tilespmem:s12+$0x1D70]  }
0x4e8: {  	v12 =	vld [tilespmem:s12+$0x4D70]  }
0x4e9: {  	v14 =	vld [tilespmem:s12+$0x1DF0];
	v13 =	vmul.f32 v8, v7  }
0x4ea: {  	vm1 =	vgt.f32 v5, $0.0e+00;
	v15 =	vld [tilespmem:s12+$0x4DF0]  }
0x4eb: {  	vm0 =	vgt.f32 v6, $0.0e+00;
	v17 =	vld [tilespmem:s12+$0x1E70];
	v16 =	vmul.f32 v10, v9;
	v7 =	vsel vm1, v7, v13  }
0x4ec: {  	[tilespmem:s12+$0x7C70] =	vst v7;
	v7 =	vsel vm0, v8, v13;
	v8 =	vld [tilespmem:s12+$0x4E70]  }
0x4ed: {  	v54 =	vld [tilespmem:s12+$0x1EF0];
	v53 =	vmul.f32 v12, v11;
	[tilespmem:s12+$0xAC70] =	vst v7;
	v7 =	vsel vm1, v9, v16  }
0x4ee: {  	v55 =	vld [tilespmem:s12+$0x4EF0];
	[tilespmem:s12+$0x7CF0] =	vst v7;
	v7 =	vsel vm0, v10, v16  }
0x4ef: {  	v57 =	vld [tilespmem:s12+$0x1F70];
	v56 =	vmul.f32 v15, v14;
	[tilespmem:s12+$0xACF0] =	vst v7;
	v7 =	vsel vm1, v11, v53  }
0x4f0: {  	v58 =	vld [tilespmem:s12+$0x4F70];
	[tilespmem:s12+$0x7D70] =	vst v7;
	v7 =	vsel vm0, v12, v53  }
0x4f1: {  	v60 =	vld [tilespmem:s12+$0x1FF0];
	[tilespmem:s12+$0xAD70] =	vst v7;
	v7 =	vsel vm1, v14, v56;
	v59 =	vmul.f32 v8, v17  }
0x4f2: {  	v61 =	vld [tilespmem:s12+$0x4FF0];
	[tilespmem:s12+$0x7DF0] =	vst v7;
	v7 =	vsel vm0, v15, v56  }
0x4f3: {  	v62 =	vmul.f32 v55, v54;
	[tilespmem:s12+$0xADF0] =	vst v7;
	v7 =	vsel vm1, v17, v59  }
0x4f4: {  	[tilespmem:s12+$0x7E70] =	vst v7;
	v7 =	vsel vm0, v8, v59  }
0x4f5: {  	v8 =	vmul.f32 v58, v57;
	[tilespmem:s12+$0xAE70] =	vst v7;
	v7 =	vsel vm1, v54, v62  }
0x4f6: {  	p2 =	por p0, p0;
	[tilespmem:s12+$0x7EF0] =	vst v7;
	v7 =	vsel vm0, v55, v62  }
.Ltmp41:
0x4f7: {  	v63 =	vmul.f32 v61, v60;
	[tilespmem:s12+$0xAEF0] =	vst v7;
	v7 =	vsel vm1, v57, v8;
	(pc) =	sbr.rel @p2 .LBB2_81-.Ltmp41, $4  }
0x4f8: {  	[tilespmem:s12+$0x7F70] =	vst v7;
	v7 =	vsel vm0, v58, v8  }
0x4f9: {  	[tilespmem:s12+$0xAF70] =	vst v7;
	v7 =	vsel vm1, v60, v63  }
0x4fa: {  	[tilespmem:s12+$0x7FF0] =	vst v7;
	v7 =	vsel vm0, v61, v63  }
0x4fb: {  	p0 =	por $0x0, $0x0;
	[tilespmem:s12+$0xAFF0] =	vst v7;
	s12 =	simm.s32 $0xC00  }
0x4fc: {  	v5 =	vld [tilespmem:$0xC400]  }
0x4fd: {  	s12 =	simm.s32 $0x0;
	p0 =	por $0x1, $0x1;
	v6 =	vld [tilespmem:$0xC580]  }
.LBB2_83:
0x4fe: {  	v7 =	vld [tilespmem:s12+$0x2000]  }
0x4ff: {  	v8 =	vld [tilespmem:s12+$0x5000]  }
0x500: {  	v9 =	vld [tilespmem:s12+$0x2080]  }
0x501: {  	v10 =	vld [tilespmem:s12+$0x5080]  }
0x502: {  	v11 =	vld [tilespmem:s12+$0x2100]  }
0x503: {  	v12 =	vld [tilespmem:s12+$0x5100]  }
0x504: {  	v14 =	vld [tilespmem:s12+$0x2180];
	v13 =	vmul.f32 v8, v7  }
0x505: {  	vm1 =	vgt.f32 v5, $0.0e+00;
	v15 =	vld [tilespmem:s12+$0x5180]  }
0x506: {  	vm0 =	vgt.f32 v6, $0.0e+00;
	v17 =	vld [tilespmem:s12+$0x2200];
	v16 =	vmul.f32 v10, v9;
	v7 =	vsel vm1, v7, v13  }
0x507: {  	[tilespmem:s12+$0x8000] =	vst v7;
	v7 =	vsel vm0, v8, v13;
	v8 =	vld [tilespmem:s12+$0x5200]  }
0x508: {  	v54 =	vld [tilespmem:s12+$0x2280];
	v53 =	vmul.f32 v12, v11;
	[tilespmem:s12+$0xB000] =	vst v7;
	v7 =	vsel vm1, v9, v16  }
0x509: {  	v55 =	vld [tilespmem:s12+$0x5280];
	[tilespmem:s12+$0x8080] =	vst v7;
	v7 =	vsel vm0, v10, v16  }
0x50a: {  	v57 =	vld [tilespmem:s12+$0x2300];
	v56 =	vmul.f32 v15, v14;
	[tilespmem:s12+$0xB080] =	vst v7;
	v7 =	vsel vm1, v11, v53  }
0x50b: {  	v58 =	vld [tilespmem:s12+$0x5300];
	[tilespmem:s12+$0x8100] =	vst v7;
	v7 =	vsel vm0, v12, v53  }
0x50c: {  	v60 =	vld [tilespmem:s12+$0x2380];
	[tilespmem:s12+$0xB100] =	vst v7;
	v7 =	vsel vm1, v14, v56;
	v59 =	vmul.f32 v8, v17  }
0x50d: {  	v61 =	vld [tilespmem:s12+$0x5380];
	[tilespmem:s12+$0x8180] =	vst v7;
	v7 =	vsel vm0, v15, v56  }
0x50e: {  	v62 =	vmul.f32 v55, v54;
	[tilespmem:s12+$0xB180] =	vst v7;
	v7 =	vsel vm1, v17, v59  }
0x50f: {  	[tilespmem:s12+$0x8200] =	vst v7;
	v7 =	vsel vm0, v8, v59  }
0x510: {  	v8 =	vmul.f32 v58, v57;
	[tilespmem:s12+$0xB200] =	vst v7;
	v7 =	vsel vm1, v54, v62  }
0x511: {  	p2 =	por p0, p0;
	[tilespmem:s12+$0x8280] =	vst v7;
	v7 =	vsel vm0, v55, v62  }
.Ltmp42:
0x512: {  	v63 =	vmul.f32 v61, v60;
	[tilespmem:s12+$0xB280] =	vst v7;
	v7 =	vsel vm1, v57, v8;
	(pc) =	sbr.rel @p2 .LBB2_83-.Ltmp42, $4  }
0x513: {  	[tilespmem:s12+$0x8300] =	vst v7;
	v7 =	vsel vm0, v58, v8  }
0x514: {  	[tilespmem:s12+$0xB300] =	vst v7;
	v7 =	vsel vm1, v60, v63  }
0x515: {  	[tilespmem:s12+$0x8380] =	vst v7;
	v7 =	vsel vm0, v61, v63  }
0x516: {  	p0 =	por $0x0, $0x0;
	[tilespmem:s12+$0xB380] =	vst v7;
	s12 =	simm.s32 $0xC00  }
0x517: {  	v5 =	vld [tilespmem:$0xC410]  }
0x518: {  	s12 =	simm.s32 $0x0;
	p0 =	por $0x1, $0x1;
	v6 =	vld [tilespmem:$0xC590]  }
.LBB2_85:
0x519: {  	v7 =	vld [tilespmem:s12+$0x2010]  }
0x51a: {  	v8 =	vld [tilespmem:s12+$0x5010]  }
0x51b: {  	v9 =	vld [tilespmem:s12+$0x2090]  }
0x51c: {  	v10 =	vld [tilespmem:s12+$0x5090]  }
0x51d: {  	v11 =	vld [tilespmem:s12+$0x2110]  }
0x51e: {  	v12 =	vld [tilespmem:s12+$0x5110]  }
0x51f: {  	v14 =	vld [tilespmem:s12+$0x2190];
	v13 =	vmul.f32 v8, v7  }
0x520: {  	vm1 =	vgt.f32 v5, $0.0e+00;
	v15 =	vld [tilespmem:s12+$0x5190]  }
0x521: {  	vm0 =	vgt.f32 v6, $0.0e+00;
	v17 =	vld [tilespmem:s12+$0x2210];
	v16 =	vmul.f32 v10, v9;
	v7 =	vsel vm1, v7, v13  }
0x522: {  	[tilespmem:s12+$0x8010] =	vst v7;
	v7 =	vsel vm0, v8, v13;
	v8 =	vld [tilespmem:s12+$0x5210]  }
0x523: {  	v54 =	vld [tilespmem:s12+$0x2290];
	v53 =	vmul.f32 v12, v11;
	[tilespmem:s12+$0xB010] =	vst v7;
	v7 =	vsel vm1, v9, v16  }
0x524: {  	v55 =	vld [tilespmem:s12+$0x5290];
	[tilespmem:s12+$0x8090] =	vst v7;
	v7 =	vsel vm0, v10, v16  }
0x525: {  	v57 =	vld [tilespmem:s12+$0x2310];
	v56 =	vmul.f32 v15, v14;
	[tilespmem:s12+$0xB090] =	vst v7;
	v7 =	vsel vm1, v11, v53  }
0x526: {  	v58 =	vld [tilespmem:s12+$0x5310];
	[tilespmem:s12+$0x8110] =	vst v7;
	v7 =	vsel vm0, v12, v53  }
0x527: {  	v60 =	vld [tilespmem:s12+$0x2390];
	[tilespmem:s12+$0xB110] =	vst v7;
	v7 =	vsel vm1, v14, v56;
	v59 =	vmul.f32 v8, v17  }
0x528: {  	v61 =	vld [tilespmem:s12+$0x5390];
	[tilespmem:s12+$0x8190] =	vst v7;
	v7 =	vsel vm0, v15, v56  }
0x529: {  	v62 =	vmul.f32 v55, v54;
	[tilespmem:s12+$0xB190] =	vst v7;
	v7 =	vsel vm1, v17, v59  }
0x52a: {  	[tilespmem:s12+$0x8210] =	vst v7;
	v7 =	vsel vm0, v8, v59  }
0x52b: {  	v8 =	vmul.f32 v58, v57;
	[tilespmem:s12+$0xB210] =	vst v7;
	v7 =	vsel vm1, v54, v62  }
0x52c: {  	p2 =	por p0, p0;
	[tilespmem:s12+$0x8290] =	vst v7;
	v7 =	vsel vm0, v55, v62  }
.Ltmp43:
0x52d: {  	v63 =	vmul.f32 v61, v60;
	[tilespmem:s12+$0xB290] =	vst v7;
	v7 =	vsel vm1, v57, v8;
	(pc) =	sbr.rel @p2 .LBB2_85-.Ltmp43, $4  }
0x52e: {  	[tilespmem:s12+$0x8310] =	vst v7;
	v7 =	vsel vm0, v58, v8  }
0x52f: {  	[tilespmem:s12+$0xB310] =	vst v7;
	v7 =	vsel vm1, v60, v63  }
0x530: {  	[tilespmem:s12+$0x8390] =	vst v7;
	v7 =	vsel vm0, v61, v63  }
0x531: {  	p0 =	por $0x0, $0x0;
	[tilespmem:s12+$0xB390] =	vst v7;
	s12 =	simm.s32 $0xC00  }
0x532: {  	v5 =	vld [tilespmem:$0xC420]  }
0x533: {  	s12 =	simm.s32 $0x0;
	p0 =	por $0x1, $0x1;
	v6 =	vld [tilespmem:$0xC5A0]  }
.LBB2_87:
0x534: {  	v7 =	vld [tilespmem:s12+$0x2020]  }
0x535: {  	v8 =	vld [tilespmem:s12+$0x5020]  }
0x536: {  	v9 =	vld [tilespmem:s12+$0x20A0]  }
0x537: {  	v10 =	vld [tilespmem:s12+$0x50A0]  }
0x538: {  	v11 =	vld [tilespmem:s12+$0x2120]  }
0x539: {  	v12 =	vld [tilespmem:s12+$0x5120]  }
0x53a: {  	v14 =	vld [tilespmem:s12+$0x21A0];
	v13 =	vmul.f32 v8, v7  }
0x53b: {  	vm1 =	vgt.f32 v5, $0.0e+00;
	v15 =	vld [tilespmem:s12+$0x51A0]  }
0x53c: {  	vm0 =	vgt.f32 v6, $0.0e+00;
	v17 =	vld [tilespmem:s12+$0x2220];
	v16 =	vmul.f32 v10, v9;
	v7 =	vsel vm1, v7, v13  }
0x53d: {  	[tilespmem:s12+$0x8020] =	vst v7;
	v7 =	vsel vm0, v8, v13;
	v8 =	vld [tilespmem:s12+$0x5220]  }
0x53e: {  	v54 =	vld [tilespmem:s12+$0x22A0];
	v53 =	vmul.f32 v12, v11;
	[tilespmem:s12+$0xB020] =	vst v7;
	v7 =	vsel vm1, v9, v16  }
0x53f: {  	v55 =	vld [tilespmem:s12+$0x52A0];
	[tilespmem:s12+$0x80A0] =	vst v7;
	v7 =	vsel vm0, v10, v16  }
0x540: {  	v57 =	vld [tilespmem:s12+$0x2320];
	v56 =	vmul.f32 v15, v14;
	[tilespmem:s12+$0xB0A0] =	vst v7;
	v7 =	vsel vm1, v11, v53  }
0x541: {  	v58 =	vld [tilespmem:s12+$0x5320];
	[tilespmem:s12+$0x8120] =	vst v7;
	v7 =	vsel vm0, v12, v53  }
0x542: {  	v60 =	vld [tilespmem:s12+$0x23A0];
	[tilespmem:s12+$0xB120] =	vst v7;
	v7 =	vsel vm1, v14, v56;
	v59 =	vmul.f32 v8, v17  }
0x543: {  	v61 =	vld [tilespmem:s12+$0x53A0];
	[tilespmem:s12+$0x81A0] =	vst v7;
	v7 =	vsel vm0, v15, v56  }
0x544: {  	v62 =	vmul.f32 v55, v54;
	[tilespmem:s12+$0xB1A0] =	vst v7;
	v7 =	vsel vm1, v17, v59  }
0x545: {  	[tilespmem:s12+$0x8220] =	vst v7;
	v7 =	vsel vm0, v8, v59  }
0x546: {  	v8 =	vmul.f32 v58, v57;
	[tilespmem:s12+$0xB220] =	vst v7;
	v7 =	vsel vm1, v54, v62  }
0x547: {  	p2 =	por p0, p0;
	[tilespmem:s12+$0x82A0] =	vst v7;
	v7 =	vsel vm0, v55, v62  }
.Ltmp44:
0x548: {  	v63 =	vmul.f32 v61, v60;
	[tilespmem:s12+$0xB2A0] =	vst v7;
	v7 =	vsel vm1, v57, v8;
	(pc) =	sbr.rel @p2 .LBB2_87-.Ltmp44, $4  }
0x549: {  	[tilespmem:s12+$0x8320] =	vst v7;
	v7 =	vsel vm0, v58, v8  }
0x54a: {  	[tilespmem:s12+$0xB320] =	vst v7;
	v7 =	vsel vm1, v60, v63  }
0x54b: {  	[tilespmem:s12+$0x83A0] =	vst v7;
	v7 =	vsel vm0, v61, v63  }
0x54c: {  	p0 =	por $0x0, $0x0;
	[tilespmem:s12+$0xB3A0] =	vst v7;
	s12 =	simm.s32 $0xC00  }
0x54d: {  	v5 =	vld [tilespmem:$0xC430]  }
0x54e: {  	s12 =	simm.s32 $0x0;
	p0 =	por $0x1, $0x1;
	v6 =	vld [tilespmem:$0xC5B0]  }
.LBB2_89:
0x54f: {  	v7 =	vld [tilespmem:s12+$0x2030]  }
0x550: {  	v8 =	vld [tilespmem:s12+$0x5030]  }
0x551: {  	v9 =	vld [tilespmem:s12+$0x20B0]  }
0x552: {  	v10 =	vld [tilespmem:s12+$0x50B0]  }
0x553: {  	v11 =	vld [tilespmem:s12+$0x2130]  }
0x554: {  	v12 =	vld [tilespmem:s12+$0x5130]  }
0x555: {  	v14 =	vld [tilespmem:s12+$0x21B0];
	v13 =	vmul.f32 v8, v7  }
0x556: {  	vm1 =	vgt.f32 v5, $0.0e+00;
	v15 =	vld [tilespmem:s12+$0x51B0]  }
0x557: {  	vm0 =	vgt.f32 v6, $0.0e+00;
	v17 =	vld [tilespmem:s12+$0x2230];
	v16 =	vmul.f32 v10, v9;
	v7 =	vsel vm1, v7, v13  }
0x558: {  	[tilespmem:s12+$0x8030] =	vst v7;
	v7 =	vsel vm0, v8, v13;
	v8 =	vld [tilespmem:s12+$0x5230]  }
0x559: {  	v54 =	vld [tilespmem:s12+$0x22B0];
	v53 =	vmul.f32 v12, v11;
	[tilespmem:s12+$0xB030] =	vst v7;
	v7 =	vsel vm1, v9, v16  }
0x55a: {  	v55 =	vld [tilespmem:s12+$0x52B0];
	[tilespmem:s12+$0x80B0] =	vst v7;
	v7 =	vsel vm0, v10, v16  }
0x55b: {  	v57 =	vld [tilespmem:s12+$0x2330];
	v56 =	vmul.f32 v15, v14;
	[tilespmem:s12+$0xB0B0] =	vst v7;
	v7 =	vsel vm1, v11, v53  }
0x55c: {  	v58 =	vld [tilespmem:s12+$0x5330];
	[tilespmem:s12+$0x8130] =	vst v7;
	v7 =	vsel vm0, v12, v53  }
0x55d: {  	v60 =	vld [tilespmem:s12+$0x23B0];
	[tilespmem:s12+$0xB130] =	vst v7;
	v7 =	vsel vm1, v14, v56;
	v59 =	vmul.f32 v8, v17  }
0x55e: {  	v61 =	vld [tilespmem:s12+$0x53B0];
	[tilespmem:s12+$0x81B0] =	vst v7;
	v7 =	vsel vm0, v15, v56  }
0x55f: {  	v62 =	vmul.f32 v55, v54;
	[tilespmem:s12+$0xB1B0] =	vst v7;
	v7 =	vsel vm1, v17, v59  }
0x560: {  	[tilespmem:s12+$0x8230] =	vst v7;
	v7 =	vsel vm0, v8, v59  }
0x561: {  	v8 =	vmul.f32 v58, v57;
	[tilespmem:s12+$0xB230] =	vst v7;
	v7 =	vsel vm1, v54, v62  }
0x562: {  	p2 =	por p0, p0;
	[tilespmem:s12+$0x82B0] =	vst v7;
	v7 =	vsel vm0, v55, v62  }
.Ltmp45:
0x563: {  	v63 =	vmul.f32 v61, v60;
	[tilespmem:s12+$0xB2B0] =	vst v7;
	v7 =	vsel vm1, v57, v8;
	(pc) =	sbr.rel @p2 .LBB2_89-.Ltmp45, $4  }
0x564: {  	[tilespmem:s12+$0x8330] =	vst v7;
	v7 =	vsel vm0, v58, v8  }
0x565: {  	[tilespmem:s12+$0xB330] =	vst v7;
	v7 =	vsel vm1, v60, v63  }
0x566: {  	[tilespmem:s12+$0x83B0] =	vst v7;
	v7 =	vsel vm0, v61, v63  }
0x567: {  	p0 =	por $0x0, $0x0;
	[tilespmem:s12+$0xB3B0] =	vst v7;
	s12 =	simm.s32 $0xC00  }
0x568: {  	v5 =	vld [tilespmem:$0xC440]  }
0x569: {  	s12 =	simm.s32 $0x0;
	p0 =	por $0x1, $0x1;
	v6 =	vld [tilespmem:$0xC5C0]  }
.LBB2_91:
0x56a: {  	v7 =	vld [tilespmem:s12+$0x2040]  }
0x56b: {  	v8 =	vld [tilespmem:s12+$0x5040]  }
0x56c: {  	v9 =	vld [tilespmem:s12+$0x20C0]  }
0x56d: {  	v10 =	vld [tilespmem:s12+$0x50C0]  }
0x56e: {  	v11 =	vld [tilespmem:s12+$0x2140]  }
0x56f: {  	v12 =	vld [tilespmem:s12+$0x5140]  }
0x570: {  	v14 =	vld [tilespmem:s12+$0x21C0];
	v13 =	vmul.f32 v8, v7  }
0x571: {  	vm1 =	vgt.f32 v5, $0.0e+00;
	v15 =	vld [tilespmem:s12+$0x51C0]  }
0x572: {  	vm0 =	vgt.f32 v6, $0.0e+00;
	v17 =	vld [tilespmem:s12+$0x2240];
	v16 =	vmul.f32 v10, v9;
	v7 =	vsel vm1, v7, v13  }
0x573: {  	[tilespmem:s12+$0x8040] =	vst v7;
	v7 =	vsel vm0, v8, v13;
	v8 =	vld [tilespmem:s12+$0x5240]  }
0x574: {  	v54 =	vld [tilespmem:s12+$0x22C0];
	v53 =	vmul.f32 v12, v11;
	[tilespmem:s12+$0xB040] =	vst v7;
	v7 =	vsel vm1, v9, v16  }
0x575: {  	v55 =	vld [tilespmem:s12+$0x52C0];
	[tilespmem:s12+$0x80C0] =	vst v7;
	v7 =	vsel vm0, v10, v16  }
0x576: {  	v57 =	vld [tilespmem:s12+$0x2340];
	v56 =	vmul.f32 v15, v14;
	[tilespmem:s12+$0xB0C0] =	vst v7;
	v7 =	vsel vm1, v11, v53  }
0x577: {  	v58 =	vld [tilespmem:s12+$0x5340];
	[tilespmem:s12+$0x8140] =	vst v7;
	v7 =	vsel vm0, v12, v53  }
0x578: {  	v60 =	vld [tilespmem:s12+$0x23C0];
	[tilespmem:s12+$0xB140] =	vst v7;
	v7 =	vsel vm1, v14, v56;
	v59 =	vmul.f32 v8, v17  }
0x579: {  	v61 =	vld [tilespmem:s12+$0x53C0];
	[tilespmem:s12+$0x81C0] =	vst v7;
	v7 =	vsel vm0, v15, v56  }
0x57a: {  	v62 =	vmul.f32 v55, v54;
	[tilespmem:s12+$0xB1C0] =	vst v7;
	v7 =	vsel vm1, v17, v59  }
0x57b: {  	[tilespmem:s12+$0x8240] =	vst v7;
	v7 =	vsel vm0, v8, v59  }
0x57c: {  	v8 =	vmul.f32 v58, v57;
	[tilespmem:s12+$0xB240] =	vst v7;
	v7 =	vsel vm1, v54, v62  }
0x57d: {  	p2 =	por p0, p0;
	[tilespmem:s12+$0x82C0] =	vst v7;
	v7 =	vsel vm0, v55, v62  }
.Ltmp46:
0x57e: {  	v63 =	vmul.f32 v61, v60;
	[tilespmem:s12+$0xB2C0] =	vst v7;
	v7 =	vsel vm1, v57, v8;
	(pc) =	sbr.rel @p2 .LBB2_91-.Ltmp46, $4  }
0x57f: {  	[tilespmem:s12+$0x8340] =	vst v7;
	v7 =	vsel vm0, v58, v8  }
0x580: {  	[tilespmem:s12+$0xB340] =	vst v7;
	v7 =	vsel vm1, v60, v63  }
0x581: {  	[tilespmem:s12+$0x83C0] =	vst v7;
	v7 =	vsel vm0, v61, v63  }
0x582: {  	p0 =	por $0x0, $0x0;
	[tilespmem:s12+$0xB3C0] =	vst v7;
	s12 =	simm.s32 $0xC00  }
0x583: {  	v5 =	vld [tilespmem:$0xC450]  }
0x584: {  	s12 =	simm.s32 $0x0;
	p0 =	por $0x1, $0x1;
	v6 =	vld [tilespmem:$0xC5D0]  }
.LBB2_93:
0x585: {  	v7 =	vld [tilespmem:s12+$0x2050]  }
0x586: {  	v8 =	vld [tilespmem:s12+$0x5050]  }
0x587: {  	v9 =	vld [tilespmem:s12+$0x20D0]  }
0x588: {  	v10 =	vld [tilespmem:s12+$0x50D0]  }
0x589: {  	v11 =	vld [tilespmem:s12+$0x2150]  }
0x58a: {  	v12 =	vld [tilespmem:s12+$0x5150]  }
0x58b: {  	v14 =	vld [tilespmem:s12+$0x21D0];
	v13 =	vmul.f32 v8, v7  }
0x58c: {  	vm1 =	vgt.f32 v5, $0.0e+00;
	v15 =	vld [tilespmem:s12+$0x51D0]  }
0x58d: {  	vm0 =	vgt.f32 v6, $0.0e+00;
	v17 =	vld [tilespmem:s12+$0x2250];
	v16 =	vmul.f32 v10, v9;
	v7 =	vsel vm1, v7, v13  }
0x58e: {  	[tilespmem:s12+$0x8050] =	vst v7;
	v7 =	vsel vm0, v8, v13;
	v8 =	vld [tilespmem:s12+$0x5250]  }
0x58f: {  	v54 =	vld [tilespmem:s12+$0x22D0];
	v53 =	vmul.f32 v12, v11;
	[tilespmem:s12+$0xB050] =	vst v7;
	v7 =	vsel vm1, v9, v16  }
0x590: {  	v55 =	vld [tilespmem:s12+$0x52D0];
	[tilespmem:s12+$0x80D0] =	vst v7;
	v7 =	vsel vm0, v10, v16  }
0x591: {  	v57 =	vld [tilespmem:s12+$0x2350];
	v56 =	vmul.f32 v15, v14;
	[tilespmem:s12+$0xB0D0] =	vst v7;
	v7 =	vsel vm1, v11, v53  }
0x592: {  	v58 =	vld [tilespmem:s12+$0x5350];
	[tilespmem:s12+$0x8150] =	vst v7;
	v7 =	vsel vm0, v12, v53  }
0x593: {  	v60 =	vld [tilespmem:s12+$0x23D0];
	[tilespmem:s12+$0xB150] =	vst v7;
	v7 =	vsel vm1, v14, v56;
	v59 =	vmul.f32 v8, v17  }
0x594: {  	v61 =	vld [tilespmem:s12+$0x53D0];
	[tilespmem:s12+$0x81D0] =	vst v7;
	v7 =	vsel vm0, v15, v56  }
0x595: {  	v62 =	vmul.f32 v55, v54;
	[tilespmem:s12+$0xB1D0] =	vst v7;
	v7 =	vsel vm1, v17, v59  }
0x596: {  	[tilespmem:s12+$0x8250] =	vst v7;
	v7 =	vsel vm0, v8, v59  }
0x597: {  	v8 =	vmul.f32 v58, v57;
	[tilespmem:s12+$0xB250] =	vst v7;
	v7 =	vsel vm1, v54, v62  }
0x598: {  	p2 =	por p0, p0;
	[tilespmem:s12+$0x82D0] =	vst v7;
	v7 =	vsel vm0, v55, v62  }
.Ltmp47:
0x599: {  	v63 =	vmul.f32 v61, v60;
	[tilespmem:s12+$0xB2D0] =	vst v7;
	v7 =	vsel vm1, v57, v8;
	(pc) =	sbr.rel @p2 .LBB2_93-.Ltmp47, $4  }
0x59a: {  	[tilespmem:s12+$0x8350] =	vst v7;
	v7 =	vsel vm0, v58, v8  }
0x59b: {  	[tilespmem:s12+$0xB350] =	vst v7;
	v7 =	vsel vm1, v60, v63  }
0x59c: {  	[tilespmem:s12+$0x83D0] =	vst v7;
	v7 =	vsel vm0, v61, v63  }
0x59d: {  	p0 =	por $0x0, $0x0;
	[tilespmem:s12+$0xB3D0] =	vst v7;
	s12 =	simm.s32 $0xC00  }
0x59e: {  	v5 =	vld [tilespmem:$0xC460]  }
0x59f: {  	s12 =	simm.s32 $0x0;
	p0 =	por $0x1, $0x1;
	v6 =	vld [tilespmem:$0xC5E0]  }
.LBB2_95:
0x5a0: {  	v7 =	vld [tilespmem:s12+$0x2060]  }
0x5a1: {  	v8 =	vld [tilespmem:s12+$0x5060]  }
0x5a2: {  	v9 =	vld [tilespmem:s12+$0x20E0]  }
0x5a3: {  	v10 =	vld [tilespmem:s12+$0x50E0]  }
0x5a4: {  	v11 =	vld [tilespmem:s12+$0x2160]  }
0x5a5: {  	v12 =	vld [tilespmem:s12+$0x5160]  }
0x5a6: {  	v14 =	vld [tilespmem:s12+$0x21E0];
	v13 =	vmul.f32 v8, v7  }
0x5a7: {  	vm1 =	vgt.f32 v5, $0.0e+00;
	v15 =	vld [tilespmem:s12+$0x51E0]  }
0x5a8: {  	vm0 =	vgt.f32 v6, $0.0e+00;
	v17 =	vld [tilespmem:s12+$0x2260];
	v16 =	vmul.f32 v10, v9;
	v7 =	vsel vm1, v7, v13  }
0x5a9: {  	[tilespmem:s12+$0x8060] =	vst v7;
	v7 =	vsel vm0, v8, v13;
	v8 =	vld [tilespmem:s12+$0x5260]  }
0x5aa: {  	v54 =	vld [tilespmem:s12+$0x22E0];
	v53 =	vmul.f32 v12, v11;
	[tilespmem:s12+$0xB060] =	vst v7;
	v7 =	vsel vm1, v9, v16  }
0x5ab: {  	v55 =	vld [tilespmem:s12+$0x52E0];
	[tilespmem:s12+$0x80E0] =	vst v7;
	v7 =	vsel vm0, v10, v16  }
0x5ac: {  	v57 =	vld [tilespmem:s12+$0x2360];
	v56 =	vmul.f32 v15, v14;
	[tilespmem:s12+$0xB0E0] =	vst v7;
	v7 =	vsel vm1, v11, v53  }
0x5ad: {  	v58 =	vld [tilespmem:s12+$0x5360];
	[tilespmem:s12+$0x8160] =	vst v7;
	v7 =	vsel vm0, v12, v53  }
0x5ae: {  	v60 =	vld [tilespmem:s12+$0x23E0];
	[tilespmem:s12+$0xB160] =	vst v7;
	v7 =	vsel vm1, v14, v56;
	v59 =	vmul.f32 v8, v17  }
0x5af: {  	v61 =	vld [tilespmem:s12+$0x53E0];
	[tilespmem:s12+$0x81E0] =	vst v7;
	v7 =	vsel vm0, v15, v56  }
0x5b0: {  	v62 =	vmul.f32 v55, v54;
	[tilespmem:s12+$0xB1E0] =	vst v7;
	v7 =	vsel vm1, v17, v59  }
0x5b1: {  	[tilespmem:s12+$0x8260] =	vst v7;
	v7 =	vsel vm0, v8, v59  }
0x5b2: {  	v8 =	vmul.f32 v58, v57;
	[tilespmem:s12+$0xB260] =	vst v7;
	v7 =	vsel vm1, v54, v62  }
0x5b3: {  	p2 =	por p0, p0;
	[tilespmem:s12+$0x82E0] =	vst v7;
	v7 =	vsel vm0, v55, v62  }
.Ltmp48:
0x5b4: {  	v63 =	vmul.f32 v61, v60;
	[tilespmem:s12+$0xB2E0] =	vst v7;
	v7 =	vsel vm1, v57, v8;
	(pc) =	sbr.rel @p2 .LBB2_95-.Ltmp48, $4  }
0x5b5: {  	[tilespmem:s12+$0x8360] =	vst v7;
	v7 =	vsel vm0, v58, v8  }
0x5b6: {  	[tilespmem:s12+$0xB360] =	vst v7;
	v7 =	vsel vm1, v60, v63  }
0x5b7: {  	[tilespmem:s12+$0x83E0] =	vst v7;
	v7 =	vsel vm0, v61, v63  }
0x5b8: {  	p0 =	por $0x0, $0x0;
	[tilespmem:s12+$0xB3E0] =	vst v7;
	s12 =	simm.s32 $0xC00  }
0x5b9: {  	v5 =	vld [tilespmem:$0xC470]  }
0x5ba: {  	s12 =	simm.s32 $0x0;
	p0 =	por $0x1, $0x1;
	v6 =	vld [tilespmem:$0xC5F0]  }
.LBB2_97:
0x5bb: {  	v7 =	vld [tilespmem:s12+$0x2070]  }
0x5bc: {  	v8 =	vld [tilespmem:s12+$0x5070]  }
0x5bd: {  	v9 =	vld [tilespmem:s12+$0x20F0]  }
0x5be: {  	v10 =	vld [tilespmem:s12+$0x50F0]  }
0x5bf: {  	v11 =	vld [tilespmem:s12+$0x2170]  }
0x5c0: {  	v12 =	vld [tilespmem:s12+$0x5170]  }
0x5c1: {  	v14 =	vld [tilespmem:s12+$0x21F0];
	v13 =	vmul.f32 v8, v7  }
0x5c2: {  	vm1 =	vgt.f32 v5, $0.0e+00;
	v15 =	vld [tilespmem:s12+$0x51F0]  }
0x5c3: {  	vm0 =	vgt.f32 v6, $0.0e+00;
	v17 =	vld [tilespmem:s12+$0x2270];
	v16 =	vmul.f32 v10, v9;
	v7 =	vsel vm1, v7, v13  }
0x5c4: {  	[tilespmem:s12+$0x8070] =	vst v7;
	v7 =	vsel vm0, v8, v13;
	v8 =	vld [tilespmem:s12+$0x5270]  }
0x5c5: {  	v54 =	vld [tilespmem:s12+$0x22F0];
	v53 =	vmul.f32 v12, v11;
	[tilespmem:s12+$0xB070] =	vst v7;
	v7 =	vsel vm1, v9, v16  }
0x5c6: {  	v55 =	vld [tilespmem:s12+$0x52F0];
	[tilespmem:s12+$0x80F0] =	vst v7;
	v7 =	vsel vm0, v10, v16  }
0x5c7: {  	v57 =	vld [tilespmem:s12+$0x2370];
	v56 =	vmul.f32 v15, v14;
	[tilespmem:s12+$0xB0F0] =	vst v7;
	v7 =	vsel vm1, v11, v53  }
0x5c8: {  	v58 =	vld [tilespmem:s12+$0x5370];
	[tilespmem:s12+$0x8170] =	vst v7;
	v7 =	vsel vm0, v12, v53  }
0x5c9: {  	v60 =	vld [tilespmem:s12+$0x23F0];
	[tilespmem:s12+$0xB170] =	vst v7;
	v7 =	vsel vm1, v14, v56;
	v59 =	vmul.f32 v8, v17  }
0x5ca: {  	v61 =	vld [tilespmem:s12+$0x53F0];
	[tilespmem:s12+$0x81F0] =	vst v7;
	v7 =	vsel vm0, v15, v56  }
0x5cb: {  	v62 =	vmul.f32 v55, v54;
	[tilespmem:s12+$0xB1F0] =	vst v7;
	v7 =	vsel vm1, v17, v59  }
0x5cc: {  	[tilespmem:s12+$0x8270] =	vst v7;
	v7 =	vsel vm0, v8, v59  }
0x5cd: {  	v8 =	vmul.f32 v58, v57;
	[tilespmem:s12+$0xB270] =	vst v7;
	v7 =	vsel vm1, v54, v62  }
0x5ce: {  	p2 =	por p0, p0;
	[tilespmem:s12+$0x82F0] =	vst v7;
	v7 =	vsel vm0, v55, v62  }
.Ltmp49:
0x5cf: {  	v63 =	vmul.f32 v61, v60;
	[tilespmem:s12+$0xB2F0] =	vst v7;
	v7 =	vsel vm1, v57, v8;
	(pc) =	sbr.rel @p2 .LBB2_97-.Ltmp49, $4  }
0x5d0: {  	[tilespmem:s12+$0x8370] =	vst v7;
	v7 =	vsel vm0, v58, v8  }
0x5d1: {  	[tilespmem:s12+$0xB370] =	vst v7;
	v7 =	vsel vm1, v60, v63  }
0x5d2: {  	[tilespmem:s12+$0x83F0] =	vst v7;
	v7 =	vsel vm0, v61, v63  }
0x5d3: {  	p0 =	por $0x0, $0x0;
	[tilespmem:s12+$0xB3F0] =	vst v7;
	s12 =	simm.s32 $0xC00  }
0x5d4: {  	s11 =	sshrl.u32 s11, $0x3  }
0x5d5: {  	s11 =	smul.u32 $0x180, s11  }
.Ltmp50:
0x5d6: {  	_ = 	snop;
	(pc) =	sbr.rel @p1 .LBB2_100-.Ltmp50, $4  }
0x5d7: {  	s12 =	sadd.s32 s7, s11  }
0x5d8: {  	[hbm4b:s12+s9] =	stream.linear.scatter [tilespmem:s31], [sflag:$0x6], $0x1800, $0x38;
	[tilespmem:$0xC600] =	vst v63  }
0x5d9: {  	s11 =	sadd.s32 s8, s11  }
0x5da: {  	[hbm4b:s11+s9] =	stream.linear.scatter [tilespmem:s4], [sflag:$0x8], $0x1800, $0x38;
	[tilespmem:$0xC600] =	vst v63  }
0x5db: {  	s10 =	sadd.s32 s10, s16  }
0x5dc: {  	s10 =	sshrl.u32 s10, $0x3  }
0x5dd: {  	s10 =	smul.u32 $0x180, s10  }
.Ltmp51:
0x5de: {  	_ = 	snop;
	(pc) =	sbr.rel .LBB2_2-.Ltmp51, $4  }
0x5df: {  	s11 =	sadd.s32 s1, s10  }
0x5e0: {  	[tilespmem:s19], [sflag:$0x2] =	stream.linear.gather [hbm4b:s11+s9], $0x1800, $0x38;
	[tilespmem:$0xC600] =	vst v63  }
0x5e1: {  	s23 =	sadd.s32 $0x1, s23;
	s10 =	sadd.s32 s2, s10  }
0x5e2: {  	[tilespmem:s20], [sflag:$0x4] =	stream.linear.gather [hbm4b:s10+s9], $0x1800, $0x38;
	[tilespmem:$0xC600] =	vst v63  }
.LBB2_101:
0x5e3: {  	_ =	sfence.sel $0x180000  }
0x5e4: {  	[bflag:$0x0] =	sbarrier.arrive $0xFFFF  }
0x5e5: {  	_ =	strace $0x90000047  }
0x5e6: {  	s0 =	stileid.u32;
	[bflag:$0x2] =	sbarrier.arrive $0xFFFF  }
0x5e7: {  	p0 =	sne.s32 s0, $0x0;
	s0 =	rddreg [dreg:$0x6]  }
0x5e8: {  	s0 =	sadd.s32 @!p0 $0x100000, s0  }
0x5e9: {  	[sflag:s0] =	ssyncadd.tile.s32 @!p0 $0x1;
	_ =	shalt  }
.Lfunc_end2:
_tile_overlayer_lowered:
.L_overlay_start_2:
0x5ea: {  	(tag) =	ssettag $0x2  }
0x5eb: {  	s0 =	rddreg [dreg:$0x0];
	s2 =	stileid.u32  }
0x5ec: {  	s1 =	rddreg [dreg:$0x1];
	p0 =	sne.s32 s2, $0x0  }
0x5ed: {  	s3 =	rddreg [dreg:$0x2];
	[bflag:$0x3] =	sbarrier.arrive $0xFFFF;
	s2 =	simm.s32 @!p0 $0x1C09  }
0x5ee: {  	[timem:s3], [sflag:s2] =	dma.local @!p0 [hbm:s0], s1  }
0x5ef: {  	s0 =	simm.s32 @!p0 $0x9  }
0x5f0: {  	_ =	swait.ge @!p0 [sflag:s0], s1  }
0x5f1: {  	s1 =	ssub.s32 @!p0 $0x0, s1;
	[sflag:s0] =	ssyncset.done @!p0 $0x0  }
0x5f2: {  	[sflag:s0] =	ssyncadd.s32 @!p0 s1  }
0x5f3: {  	[bflag:$0x3] =	sbarrier.arrive $0xFFFF  }
0x5f4: {  	_ =	shalt  }

</sc_bundles>
